<compile_context>
chip_gen: v7x
topology: tpu7x:2x2x1
jax: 0.10.2.dev20260603
libtpu: 0.0.44.dev20260713+nightly
codegen_flags: <defaults>
</compile_context>

<pallas_src>
import jax
import jax.numpy as jnp
from jax import lax
from jax.experimental import pallas as pl
from jax.experimental.pallas import tpu as pltpu
from jax.experimental.pallas import tpu_sc as plsc

_NCODES = 1024
_LDIM = 32
_LANES = 16
_SUB = 8


def _argmin_body(z_ref, cb_ref, idx4_ref, idxf_ref, zc_ref, z_s):
    d, h, w = z_ref.shape[1:]
    t = h * w
    for j in range(h):
        z_s[:, pl.ds(j * w, w)] = z_ref[0, :, j, :]
    z = z_s[...]
    cb = cb_ref[...]
    e2 = jnp.sum(cb * cb, axis=1)
    scores = lax.dot_general(
        cb, z, (((1,), (0,)), ((), ())),
        preferred_element_type=jnp.float32,
    )
    dist = e2[:, None] - 2.0 * scores
    idx = jnp.argmin(dist, axis=0).astype(jnp.int32)
    for j in range(h):
        idx4_ref[0, j, :] = idx[j * w:(j + 1) * w]
    idxf_ref[...] = idx
    for r in range(d // _SUB):
        for c in range(t // 128):
            zc_ref[r, c] = z[r * _SUB:(r + 1) * _SUB, c * 128:(c + 1) * 128]


def _gather_body(cbt_hbm, idx_hbm, zc_hbm, ste_hbm, delta_hbm,
                 cbt_v, idx_v, ek_v, z_v, dv_v, sem):
    wid = lax.axis_index("s") * 2 + lax.axis_index("c")
    t = _NCODES
    c1 = pltpu.async_copy(cbt_hbm, cbt_v, sem)
    c2 = pltpu.async_copy(idx_hbm.at[pl.ds(wid * t, t)], idx_v, sem)
    c3 = pltpu.async_copy(zc_hbm.at[:, pl.ds(wid * _SUB, _SUB)], z_v, sem)
    c1.wait()
    c2.wait()
    c3.wait()
    rows = [jnp.full((_LANES,), d, jnp.int32) for d in range(_LDIM)]

    th = t // 2

    def make_pass(p):
        def group(g, _):
            base = g * _LANES
            cq = g // _SUB
            lo = (g % _SUB) * _LANES
            idx16 = idx_v[pl.ds(base, _LANES)]
            for d in range(_LDIM):
                val = plsc.load_gather(cbt_v, [rows[d], idx16])
                ek_v[d, pl.ds(base, _LANES)] = val
                zvec = z_v[d // _SUB, cq, d % _SUB, pl.ds(lo, _LANES)]
                dv_v[d, pl.ds(base - p * th, _LANES)] = zvec - val
            return ()

        lax.fori_loop(p * (th // _LANES), (p + 1) * (th // _LANES),
                      group, (), unroll=2)

    make_pass(0)
    d1 = pltpu.async_copy(dv_v, delta_hbm.at[wid, :, pl.ds(0, th)], sem)
    e1 = pltpu.async_copy(ek_v.at[:, pl.ds(0, th)],
                          ste_hbm.at[wid, :, pl.ds(0, th)], sem)
    d1.wait()
    make_pass(1)
    d2 = pltpu.async_copy(dv_v, delta_hbm.at[wid, :, pl.ds(th, th)], sem)
    e2 = pltpu.async_copy(ek_v.at[:, pl.ds(th, th)],
                          ste_hbm.at[wid, :, pl.ds(th, th)], sem)
    e1.wait()
    d2.wait()
    e2.wait()


def kernel(z_e, codebook):
    b, d, h, w = z_e.shape
    t = h * w
    rt, ct = d // _SUB, (b * t) // 128

    idx4, idxf, zc = pl.pallas_call(
        _argmin_body,
        grid=(b,),
        in_specs=[
            pl.BlockSpec((1, d, h, w), lambda i: (i, 0, 0, 0)),
            pl.BlockSpec((_NCODES, _LDIM), lambda i: (0, 0)),
        ],
        out_specs=[
            pl.BlockSpec((1, h, w), lambda i: (i, 0, 0)),
            pl.BlockSpec((t,), lambda i: (i,)),
            pl.BlockSpec((rt, _SUB, _SUB, 128), lambda i: (0, i, 0, 0)),
        ],
        out_shape=[
            jax.ShapeDtypeStruct((b, h, w), jnp.int32),
            jax.ShapeDtypeStruct((b * t,), jnp.int32),
            jax.ShapeDtypeStruct((rt, ct, _SUB, 128), jnp.float32),
        ],
        scratch_shapes=[pltpu.VMEM((d, t), jnp.float32)],
    )(z_e, codebook)

    cbt = codebook.T
    sc_gather = pl.kernel(
        _gather_body,
        mesh=plsc.VectorSubcoreMesh(core_axis_name="c", subcore_axis_name="s"),
        compiler_params=pltpu.CompilerParams(
            use_tc_tiling_on_sc=False, needs_layout_passes=False
        ),
        out_type=[
            jax.ShapeDtypeStruct((b, d, t), jnp.float32),
            jax.ShapeDtypeStruct((b, d, t), jnp.float32),
        ],
        scratch_types=[
            pltpu.VMEM((d, _NCODES), jnp.float32),
            pltpu.VMEM((t,), jnp.int32),
            pltpu.VMEM((d, t), jnp.float32),
            pltpu.VMEM((rt, _SUB, _SUB, 128), jnp.float32),
            pltpu.VMEM((d, t // 2), jnp.float32),
            pltpu.SemaphoreType.DMA,
        ],
    )
    ste_l, delta_l = sc_gather(cbt, idxf, zc)

    return (
        ste_l.reshape(b, d, h, w),
        idx4,
        delta_l.reshape(b, d, h, w),
    )

# --- scband reference (transcript-rebuilt; emitter-appended) ---
"""Pipeline reference for scband-self-governing-vacancy-81312320848235 (READ-ONLY COPY).

The authoritative reference and input builder live on the scoring server;
editing this copy changes nothing except your own understanding.
"""

import jax, jax.numpy as jnp
import numpy as np

K = 1024
LATENT_DIM = 32
B, D, H, W = 32, 32, 32, 32


def setup_inputs(seed: int = 0) -> dict:
    key = jax.random.key(seed)
    k1, k2 = jax.random.split(key)
    z_e = jax.random.normal(k1, (B, D, H, W), dtype=jnp.float32)
    codebook = jax.random.normal(k2, (K, LATENT_DIM), dtype=jnp.float32)
    return {"z_e": z_e, "codebook": codebook}


def reference(z_e, codebook):
    Bs, d, h, w = z_e.shape
    z_flat = jnp.transpose(z_e, (0, 2, 3, 1)).reshape(-1, d)
    # squared L2 distances: ||z||^2 - 2 z.e^T + ||e||^2
    distances = (
        jnp.sum(z_flat ** 2, axis=1, keepdims=True)
        - 2.0 * (z_flat @ codebook.T)
        + jnp.sum(codebook ** 2, axis=1)[None, :]
    )
    indices_flat = jnp.argmin(distances, axis=1)
    e_k_flat = jnp.take(codebook, indices_flat, axis=0)
    e_k = jnp.transpose(e_k_flat.reshape(Bs, h, w, d), (0, 3, 1, 2))
    indices = indices_flat.reshape(Bs, h, w)
    e_k_ste = z_e + jax.lax.stop_gradient(e_k - z_e)
    delta = z_e - jax.lax.stop_gradient(e_k)
    return (e_k_ste, indices, delta)

if __name__ == "__main__":
    import jax
    _d = setup_inputs()
    print(jax.jit(kernel)(*tuple(_d.values())))

</pallas_src>

<mosaic_0001>
#map = affine_map<(d0, d1) -> (0, 0)>
#map1 = affine_map<(d0, d1) -> (0)>
#map2 = affine_map<(d0, d1) -> (0, 0, 0, 0)>
#map3 = affine_map<(d0, d1) -> (0, 0, 0)>
module attributes {stable_mosaic.version = 14 : i64} {
  func.func @_gather_body(%arg0: i32, %arg1: i32, %arg2: memref<32x1024xf32, #tpu.memory_space<hbm>>, %arg3: memref<32768xi32, #tpu.memory_space<hbm>>, %arg4: memref<4x256x8x128xf32, #tpu.memory_space<hbm>>, %arg5: memref<32x32x1024xf32, #tpu.memory_space<hbm>>, %arg6: memref<32x32x1024xf32, #tpu.memory_space<hbm>>, %arg7: memref<32x1024xf32, #tpu.memory_space<vmem>>, %arg8: memref<1024xi32, #tpu.memory_space<vmem>>, %arg9: memref<32x1024xf32, #tpu.memory_space<vmem>>, %arg10: memref<4x8x8x128xf32, #tpu.memory_space<vmem>>, %arg11: memref<32x512xf32, #tpu.memory_space<vmem>>, %arg12: memref<!tpu.dma_semaphore, #tpu.memory_space<semaphore_mem>>) attributes {dimension_semantics = [#tpu.dimension_semantics<core_parallel>, #tpu.dimension_semantics<subcore_parallel>], iteration_bounds = array<i64: 2, 16>, scalar_prefetch = 0 : i64, scratch_operands = 6 : i64, tpu.core_type = #tpu.core_type<sc_vector_subcore>, window_params = [{transform_indices = #map}, {transform_indices = #map1}, {transform_indices = #map2}, {transform_indices = #map3}, {transform_indices = #map3}]} {
    %mul3A = arith.constant 2 : i32
    %mul3A_0 = arith.muli %arg1, %mul3A : i32
    %add3A = arith.addi %mul3A_0, %arg0 : i32
    tpu.enqueue_dma source(%arg2 : memref<32x1024xf32, #tpu.memory_space<hbm>>) target(%arg7 : memref<32x1024xf32, #tpu.memory_space<vmem>>) target_semaphore(%arg12 : memref<!tpu.dma_semaphore, #tpu.memory_space<semaphore_mem>>)
    %mul3A_1 = arith.constant 1024 : i32
    %mul3A_2 = arith.muli %add3A, %mul3A_1 : i32
    %dma_start3A = tpu.memref_slice %arg3[%mul3A_2] : memref<32768xi32, #tpu.memory_space<hbm>> -> memref<1024xi32, #tpu.memory_space<hbm>>
    %dma_start3A_3 = tpu.memref_slice %arg3[%mul3A_2] : memref<32768xi32, #tpu.memory_space<hbm>> -> memref<1024xi32, #tpu.memory_space<hbm>>
    tpu.enqueue_dma source(%dma_start3A_3 : memref<1024xi32, #tpu.memory_space<hbm>>) target(%arg8 : memref<1024xi32, #tpu.memory_space<vmem>>) target_semaphore(%arg12 : memref<!tpu.dma_semaphore, #tpu.memory_space<semaphore_mem>>)
    %mul3A_4 = arith.constant 8 : i32
    %mul3A_5 = arith.muli %add3A, %mul3A_4 : i32
    %dma_start3A_6 = arith.constant 0 : i32
    %dma_start3A_7 = arith.constant 0 : i32
    %dma_start3A_8 = arith.constant 0 : i32
    %dma_start3A_9 = tpu.memref_slice %arg4[%dma_start3A_6, %mul3A_5, %dma_start3A_7, %dma_start3A_8] : memref<4x256x8x128xf32, #tpu.memory_space<hbm>> -> memref<4x8x8x128xf32, #tpu.memory_space<hbm>>
    %dma_start3A_10 = arith.constant 0 : i32
    %dma_start3A_11 = arith.constant 0 : i32
    %dma_start3A_12 = arith.constant 0 : i32
    %dma_start3A_13 = tpu.memref_slice %arg4[%dma_start3A_10, %mul3A_5, %dma_start3A_11, %dma_start3A_12] : memref<4x256x8x128xf32, #tpu.memory_space<hbm>> -> memref<4x8x8x128xf32, #tpu.memory_space<hbm>>
    tpu.enqueue_dma source(%dma_start3A_13 : memref<4x8x8x128xf32, #tpu.memory_space<hbm>>) target(%arg10 : memref<4x8x8x128xf32, #tpu.memory_space<vmem>>) target_semaphore(%arg12 : memref<!tpu.dma_semaphore, #tpu.memory_space<semaphore_mem>>)
    tpu.wait_dma2 semaphore(%arg12 : memref<!tpu.dma_semaphore, #tpu.memory_space<semaphore_mem>>) src(%arg2 : memref<32x1024xf32, #tpu.memory_space<hbm>>) dst(%arg7 : memref<32x1024xf32, #tpu.memory_space<vmem>>)
    %dma_wait3A = tpu.memref_slice %arg3[%mul3A_2] : memref<32768xi32, #tpu.memory_space<hbm>> -> memref<1024xi32, #tpu.memory_space<hbm>>
    %dma_wait3A_14 = tpu.memref_slice %arg3[%mul3A_2] : memref<32768xi32, #tpu.memory_space<hbm>> -> memref<1024xi32, #tpu.memory_space<hbm>>
    tpu.wait_dma2 semaphore(%arg12 : memref<!tpu.dma_semaphore, #tpu.memory_space<semaphore_mem>>) src(%dma_wait3A_14 : memref<1024xi32, #tpu.memory_space<hbm>>) dst(%arg8 : memref<1024xi32, #tpu.memory_space<vmem>>)
    %dma_wait3A_15 = arith.constant 0 : i32
    %dma_wait3A_16 = arith.constant 0 : i32
    %dma_wait3A_17 = arith.constant 0 : i32
    %dma_wait3A_18 = tpu.memref_slice %arg4[%dma_wait3A_15, %mul3A_5, %dma_wait3A_16, %dma_wait3A_17] : memref<4x256x8x128xf32, #tpu.memory_space<hbm>> -> memref<4x8x8x128xf32, #tpu.memory_space<hbm>>
    %dma_wait3A_19 = arith.constant 0 : i32
    %dma_wait3A_20 = arith.constant 0 : i32
    %dma_wait3A_21 = arith.constant 0 : i32
    %dma_wait3A_22 = tpu.memref_slice %arg4[%dma_wait3A_19, %mul3A_5, %dma_wait3A_20, %dma_wait3A_21] : memref<4x256x8x128xf32, #tpu.memory_space<hbm>> -> memref<4x8x8x128xf32, #tpu.memory_space<hbm>>
    tpu.wait_dma2 semaphore(%arg12 : memref<!tpu.dma_semaphore, #tpu.memory_space<semaphore_mem>>) src(%dma_wait3A_22 : memref<4x8x8x128xf32, #tpu.memory_space<hbm>>) dst(%arg10 : memref<4x8x8x128xf32, #tpu.memory_space<vmem>>)
    %broadcast_in_dim3A = arith.constant 0 : i32
    %broadcast_in_dim3A_23 = vector.broadcast %broadcast_in_dim3A : i32 to vector<16xi32>
    %broadcast_in_dim3A_24 = arith.constant 1 : i32
    %broadcast_in_dim3A_25 = vector.broadcast %broadcast_in_dim3A_24 : i32 to vector<16xi32>
    %broadcast_in_dim3A_26 = arith.constant 2 : i32
    %broadcast_in_dim3A_27 = vector.broadcast %broadcast_in_dim3A_26 : i32 to vector<16xi32>
    %broadcast_in_dim3A_28 = arith.constant 3 : i32
    %broadcast_in_dim3A_29 = vector.broadcast %broadcast_in_dim3A_28 : i32 to vector<16xi32>
    %broadcast_in_dim3A_30 = arith.constant 4 : i32
    %broadcast_in_dim3A_31 = vector.broadcast %broadcast_in_dim3A_30 : i32 to vector<16xi32>
    %broadcast_in_dim3A_32 = arith.constant 5 : i32
    %broadcast_in_dim3A_33 = vector.broadcast %broadcast_in_dim3A_32 : i32 to vector<16xi32>
    %broadcast_in_dim3A_34 = arith.constant 6 : i32
    %broadcast_in_dim3A_35 = vector.broadcast %broadcast_in_dim3A_34 : i32 to vector<16xi32>
    %broadcast_in_dim3A_36 = arith.constant 7 : i32
    %broadcast_in_dim3A_37 = vector.broadcast %broadcast_in_dim3A_36 : i32 to vector<16xi32>
    %broadcast_in_dim3A_38 = arith.constant 8 : i32
    %broadcast_in_dim3A_39 = vector.broadcast %broadcast_in_dim3A_38 : i32 to vector<16xi32>
    %broadcast_in_dim3A_40 = arith.constant 9 : i32
    %broadcast_in_dim3A_41 = vector.broadcast %broadcast_in_dim3A_40 : i32 to vector<16xi32>
    %broadcast_in_dim3A_42 = arith.constant 10 : i32
    %broadcast_in_dim3A_43 = vector.broadcast %broadcast_in_dim3A_42 : i32 to vector<16xi32>
    %broadcast_in_dim3A_44 = arith.constant 11 : i32
    %broadcast_in_dim3A_45 = vector.broadcast %broadcast_in_dim3A_44 : i32 to vector<16xi32>
    %broadcast_in_dim3A_46 = arith.constant 12 : i32
    %broadcast_in_dim3A_47 = vector.broadcast %broadcast_in_dim3A_46 : i32 to vector<16xi32>
    %broadcast_in_dim3A_48 = arith.constant 13 : i32
    %broadcast_in_dim3A_49 = vector.broadcast %broadcast_in_dim3A_48 : i32 to vector<16xi32>
    %broadcast_in_dim3A_50 = arith.constant 14 : i32
    %broadcast_in_dim3A_51 = vector.broadcast %broadcast_in_dim3A_50 : i32 to vector<16xi32>
    %broadcast_in_dim3A_52 = arith.constant 15 : i32
    %broadcast_in_dim3A_53 = vector.broadcast %broadcast_in_dim3A_52 : i32 to vector<16xi32>
    %broadcast_in_dim3A_54 = arith.constant 16 : i32
    %broadcast_in_dim3A_55 = vector.broadcast %broadcast_in_dim3A_54 : i32 to vector<16xi32>
    %broadcast_in_dim3A_56 = arith.constant 17 : i32
    %broadcast_in_dim3A_57 = vector.broadcast %broadcast_in_dim3A_56 : i32 to vector<16xi32>
    %broadcast_in_dim3A_58 = arith.constant 18 : i32
    %broadcast_in_dim3A_59 = vector.broadcast %broadcast_in_dim3A_58 : i32 to vector<16xi32>
    %broadcast_in_dim3A_60 = arith.constant 19 : i32
    %broadcast_in_dim3A_61 = vector.broadcast %broadcast_in_dim3A_60 : i32 to vector<16xi32>
    %broadcast_in_dim3A_62 = arith.constant 20 : i32
    %broadcast_in_dim3A_63 = vector.broadcast %broadcast_in_dim3A_62 : i32 to vector<16xi32>
    %broadcast_in_dim3A_64 = arith.constant 21 : i32
    %broadcast_in_dim3A_65 = vector.broadcast %broadcast_in_dim3A_64 : i32 to vector<16xi32>
    %broadcast_in_dim3A_66 = arith.constant 22 : i32
    %broadcast_in_dim3A_67 = vector.broadcast %broadcast_in_dim3A_66 : i32 to vector<16xi32>
    %broadcast_in_dim3A_68 = arith.constant 23 : i32
    %broadcast_in_dim3A_69 = vector.broadcast %broadcast_in_dim3A_68 : i32 to vector<16xi32>
    %broadcast_in_dim3A_70 = arith.constant 24 : i32
    %broadcast_in_dim3A_71 = vector.broadcast %broadcast_in_dim3A_70 : i32 to vector<16xi32>
    %broadcast_in_dim3A_72 = arith.constant 25 : i32
    %broadcast_in_dim3A_73 = vector.broadcast %broadcast_in_dim3A_72 : i32 to vector<16xi32>
    %broadcast_in_dim3A_74 = arith.constant 26 : i32
    %broadcast_in_dim3A_75 = vector.broadcast %broadcast_in_dim3A_74 : i32 to vector<16xi32>
    %broadcast_in_dim3A_76 = arith.constant 27 : i32
    %broadcast_in_dim3A_77 = vector.broadcast %broadcast_in_dim3A_76 : i32 to vector<16xi32>
    %broadcast_in_dim3A_78 = arith.constant 28 : i32
    %broadcast_in_dim3A_79 = vector.broadcast %broadcast_in_dim3A_78 : i32 to vector<16xi32>
    %broadcast_in_dim3A_80 = arith.constant 29 : i32
    %broadcast_in_dim3A_81 = vector.broadcast %broadcast_in_dim3A_80 : i32 to vector<16xi32>
    %broadcast_in_dim3A_82 = arith.constant 30 : i32
    %broadcast_in_dim3A_83 = vector.broadcast %broadcast_in_dim3A_82 : i32 to vector<16xi32>
    %broadcast_in_dim3A_84 = arith.constant 31 : i32
    %broadcast_in_dim3A_85 = vector.broadcast %broadcast_in_dim3A_84 : i32 to vector<16xi32>
    %scan3A = arith.constant 0 : i32
    %scan3A_86 = arith.constant 32 : i32
    %scan3A_87 = arith.addi %scan3A, %scan3A_86 : i32
    %scan3A_88 = arith.constant 2 : i32
    scf.for %scan3A_183 = %scan3A to %scan3A_87 step %scan3A_88  : i32 {
      %mul3A_184 = arith.constant 16 : i32
      %mul3A_185 = arith.muli %scan3A_183, %mul3A_184 : i32
      %jit3A = arith.constant 8 : i32
      %div3A = arith.divsi %scan3A_183, %jit3A : i32
      %sign3A = arith.constant 0 : i32
      %sign3A_186 = arith.cmpi sgt, %scan3A_183, %sign3A : i32
      %sign3A_187 = arith.extui %sign3A_186 : i1 to i32
      %sign3A_188 = arith.constant 0 : i32
      %sign3A_189 = arith.cmpi slt, %scan3A_183, %sign3A_188 : i32
      %sign3A_190 = arith.extui %sign3A_189 : i1 to i32
      %sign3A_191 = arith.subi %sign3A_187, %sign3A_190 : i32
      %sign3A_192 = arith.constant 0 : i32
      %sign3A_193 = arith.cmpi sgt, %jit3A, %sign3A_192 : i32
      %sign3A_194 = arith.extui %sign3A_193 : i1 to i32
      %sign3A_195 = arith.constant 0 : i32
      %sign3A_196 = arith.cmpi slt, %jit3A, %sign3A_195 : i32
      %sign3A_197 = arith.extui %sign3A_196 : i1 to i32
      %sign3A_198 = arith.subi %sign3A_194, %sign3A_197 : i32
      %ne3A = arith.cmpi ne, %sign3A_191, %sign3A_198 : i32
      %rem3A = arith.remsi %scan3A_183, %jit3A : i32
      %ne3A_199 = arith.constant 0 : i32
      %ne3A_200 = arith.cmpi ne, %rem3A, %ne3A_199 : i32
      %and3A = arith.andi %ne3A, %ne3A_200 : i1
      %sub3A = arith.constant 1 : i32
      %sub3A_201 = arith.subi %div3A, %sub3A : i32
      %select_n3A = arith.select %and3A, %sub3A_201, %div3A : i32
      %jit3A_202 = arith.constant 8 : i32
      %eq3A = arith.constant 0 : i32
      %eq3A_203 = arith.cmpi eq, %jit3A_202, %eq3A : i32
      %jit3A_204 = arith.constant 1 : i32
      %select_n3A_205 = arith.select %eq3A_203, %jit3A_204, %jit3A_202 : i32
      %rem3A_206 = arith.remsi %scan3A_183, %select_n3A_205 : i32
      %ne3A_207 = arith.constant 0 : i32
      %ne3A_208 = arith.cmpi ne, %rem3A_206, %ne3A_207 : i32
      %lt3A = arith.constant 0 : i32
      %lt3A_209 = arith.cmpi slt, %rem3A_206, %lt3A : i32
      %lt3A_210 = arith.constant 0 : i32
      %lt3A_211 = arith.cmpi slt, %select_n3A_205, %lt3A_210 : i32
      %ne3A_212 = arith.xori %lt3A_209, %lt3A_211 : i1
      %and3A_213 = arith.andi %ne3A_212, %ne3A_208 : i1
      %add3A_214 = arith.addi %rem3A_206, %select_n3A_205 : i32
      %select_n3A_215 = arith.select %and3A_213, %add3A_214, %rem3A_206 : i32
      %mul3A_216 = arith.constant 16 : i32
      %mul3A_217 = arith.muli %select_n3A_215, %mul3A_216 : i32
      %get3A = arith.index_cast %mul3A_185 : i32 to index
      %get3A_218 = tpu.vector_load %arg8[%get3A] {strides = array<i32>} : memref<1024xi32, #tpu.memory_space<vmem>>, vector<16xi32>,
      %gather3A = tpu.vector_load_idx %arg7[%broadcast_in_dim3A_23, %get3A_218] : memref<32x1024xf32, #tpu.memory_space<vmem>>[vector<16xi32>, vector<16xi32>], vector<16xf32>,
      %swap3A = arith.constant 0 : i32
      %swap3A_219 = arith.index_cast %swap3A : i32 to index
      %swap3A_220 = arith.index_cast %mul3A_185 : i32 to index
      %swap3A_221 = tpu.vector_load %arg9[%swap3A_219, %swap3A_220] {strides = array<i32>} : memref<32x1024xf32, #tpu.memory_space<vmem>>, vector<16xf32>,
      tpu.vector_store %arg9[%swap3A_219, %swap3A_220], %gather3A {strides = array<i32>} : memref<32x1024xf32, #tpu.memory_space<vmem>>, vector<16xf32>,
      %get3A_222 = arith.constant 0 : i32
      %get3A_223 = arith.constant 0 : i32
      %get3A_224 = arith.index_cast %get3A_222 : i32 to index
      %get3A_225 = arith.index_cast %select_n3A : i32 to index
      %get3A_226 = arith.index_cast %get3A_223 : i32 to index
      %get3A_227 = arith.index_cast %mul3A_217 : i32 to index
      %get3A_228 = tpu.vector_load %arg10[%get3A_224, %get3A_225, %get3A_226, %get3A_227] {strides = array<i32>} : memref<4x8x8x128xf32, #tpu.memory_space<vmem>>, vector<16xf32>,
      %sub3A_229 = arith.subf %get3A_228, %gather3A : vector<16xf32>
      %sub3A_230 = arith.constant 0 : i32
      %sub3A_231 = arith.subi %mul3A_185, %sub3A_230 : i32
      %swap3A_232 = arith.constant 0 : i32
      %swap3A_233 = arith.index_cast %swap3A_232 : i32 to index
      %swap3A_234 = arith.index_cast %sub3A_231 : i32 to index
      %swap3A_235 = tpu.vector_load %arg11[%swap3A_233, %swap3A_234] {strides = array<i32>} : memref<32x512xf32, #tpu.memory_space<vmem>>, vector<16xf32>,
      tpu.vector_store %arg11[%swap3A_233, %swap3A_234], %sub3A_229 {strides = array<i32>} : memref<32x512xf32, #tpu.memory_space<vmem>>, vector<16xf32>,
      %gather3A_236 = tpu.vector_load_idx %arg7[%broadcast_in_dim3A_25, %get3A_218] : memref<32x1024xf32, #tpu.memory_space<vmem>>[vector<16xi32>, vector<16xi32>], vector<16xf32>,
      %swap3A_237 = arith.constant 1 : i32
      %swap3A_238 = arith.index_cast %swap3A_237 : i32 to index
      %swap3A_239 = arith.index_cast %mul3A_185 : i32 to index
      %swap3A_240 = tpu.vector_load %arg9[%swap3A_238, %swap3A_239] {strides = array<i32>} : memref<32x1024xf32, #tpu.memory_space<vmem>>, vector<16xf32>,
      tpu.vector_store %arg9[%swap3A_238, %swap3A_239], %gather3A_236 {strides = array<i32>} : memref<32x1024xf32, #tpu.memory_space<vmem>>, vector<16xf32>,
      %get3A_241 = arith.constant 0 : i32
      %get3A_242 = arith.constant 1 : i32
      %get3A_243 = arith.index_cast %get3A_241 : i32 to index
      %get3A_244 = arith.index_cast %select_n3A : i32 to index
      %get3A_245 = arith.index_cast %get3A_242 : i32 to index
      %get3A_246 = arith.index_cast %mul3A_217 : i32 to index
      %get3A_247 = tpu.vector_load %arg10[%get3A_243, %get3A_244, %get3A_245, %get3A_246] {strides = array<i32>} : memref<4x8x8x128xf32, #tpu.memory_space<vmem>>, vector<16xf32>,
      %sub3A_248 = arith.subf %get3A_247, %gather3A_236 : vector<16xf32>
      %sub3A_249 = arith.constant 0 : i32
      %sub3A_250 = arith.subi %mul3A_185, %sub3A_249 : i32
      %swap3A_251 = arith.constant 1 : i32
      %swap3A_252 = arith.index_cast %swap3A_251 : i32 to index
      %swap3A_253 = arith.index_cast %sub3A_250 : i32 to index
      %swap3A_254 = tpu.vector_load %arg11[%swap3A_252, %swap3A_253] {strides = array<i32>} : memref<32x512xf32, #tpu.memory_space<vmem>>, vector<16xf32>,
      tpu.vector_store %arg11[%swap3A_252, %swap3A_253], %sub3A_248 {strides = array<i32>} : memref<32x512xf32, #tpu.memory_space<vmem>>, vector<16xf32>,
      %gather3A_255 = tpu.vector_load_idx %arg7[%broadcast_in_dim3A_27, %get3A_218] : memref<32x1024xf32, #tpu.memory_space<vmem>>[vector<16xi32>, vector<16xi32>], vector<16xf32>,
      %swap3A_256 = arith.constant 2 : i32
      %swap3A_257 = arith.index_cast %swap3A_256 : i32 to index
      %swap3A_258 = arith.index_cast %mul3A_185 : i32 to index
      %swap3A_259 = tpu.vector_load %arg9[%swap3A_257, %swap3A_258] {strides = array<i32>} : memref<32x1024xf32, #tpu.memory_space<vmem>>, vector<16xf32>,
      tpu.vector_store %arg9[%swap3A_257, %swap3A_258], %gather3A_255 {strides = array<i32>} : memref<32x1024xf32, #tpu.memory_space<vmem>>, vector<16xf32>,
      %get3A_260 = arith.constant 0 : i32
      %get3A_261 = arith.constant 2 : i32
      %get3A_262 = arith.index_cast %get3A_260 : i32 to index
      %get3A_263 = arith.index_cast %select_n3A : i32 to index
      %get3A_264 = arith.index_cast %get3A_261 : i32 to index
      %get3A_265 = arith.index_cast %mul3A_217 : i32 to index
      %get3A_266 = tpu.vector_load %arg10[%get3A_262, %get3A_263, %get3A_264, %get3A_265] {strides = array<i32>} : memref<4x8x8x128xf32, #tpu.memory_space<vmem>>, vector<16xf32>,
      %sub3A_267 = arith.subf %get3A_266, %gather3A_255 : vector<16xf32>
      %sub3A_268 = arith.constant 0 : i32
      %sub3A_269 = arith.subi %mul3A_185, %sub3A_268 : i32
      %swap3A_270 = arith.constant 2 : i32
      %swap3A_271 = arith.index_cast %swap3A_270 : i32 to index
      %swap3A_272 = arith.index_cast %sub3A_269 : i32 to index
      %swap3A_273 = tpu.vector_load %arg11[%swap3A_271, %swap3A_272] {strides = array<i32>} : memref<32x512xf32, #tpu.memory_space<vmem>>, vector<16xf32>,
      tpu.vector_store %arg11[%swap3A_271, %swap3A_272], %sub3A_267 {strides = array<i32>} : memref<32x512xf32, #tpu.memory_space<vmem>>, vector<16xf32>,
      %gather3A_274 = tpu.vector_load_idx %arg7[%broadcast_in_dim3A_29, %get3A_218] : memref<32x1024xf32, #tpu.memory_space<vmem>>[vector<16xi32>, vector<16xi32>], vector<16xf32>,
      %swap3A_275 = arith.constant 3 : i32
      %swap3A_276 = arith.index_cast %swap3A_275 : i32 to index
      %swap3A_277 = arith.index_cast %mul3A_185 : i32 to index
      %swap3A_278 = tpu.vector_load %arg9[%swap3A_276, %swap3A_277] {strides = array<i32>} : memref<32x1024xf32, #tpu.memory_space<vmem>>, vector<16xf32>,
      tpu.vector_store %arg9[%swap3A_276, %swap3A_277], %gather3A_274 {strides = array<i32>} : memref<32x1024xf32, #tpu.memory_space<vmem>>, vector<16xf32>,
      %get3A_279 = arith.constant 0 : i32
      %get3A_280 = arith.constant 3 : i32
      %get3A_281 = arith.index_cast %get3A_279 : i32 to index
      %get3A_282 = arith.index_cast %select_n3A : i32 to index
      %get3A_283 = arith.index_cast %get3A_280 : i32 to index
      %get3A_284 = arith.index_cast %mul3A_217 : i32 to index
      %get3A_285 = tpu.vector_load %arg10[%get3A_281, %get3A_282, %get3A_283, %get3A_284] {strides = array<i32>} : memref<4x8x8x128xf32, #tpu.memory_space<vmem>>, vector<16xf32>,
      %sub3A_286 = arith.subf %get3A_285, %gather3A_274 : vector<16xf32>
      %sub3A_287 = arith.constant 0 : i32
      %sub3A_288 = arith.subi %mul3A_185, %sub3A_287 : i32
      %swap3A_289 = arith.constant 3 : i32
      %swap3A_290 = arith.index_cast %swap3A_289 : i32 to index
      %swap3A_291 = arith.index_cast %sub3A_288 : i32 to index
      %swap3A_292 = tpu.vector_load %arg11[%swap3A_290, %swap3A_291] {strides = array<i32>} : memref<32x512xf32, #tpu.memory_space<vmem>>, vector<16xf32>,
      tpu.vector_store %arg11[%swap3A_290, %swap3A_291], %sub3A_286 {strides = array<i32>} : memref<32x512xf32, #tpu.memory_space<vmem>>, vector<16xf32>,
      %gather3A_293 = tpu.vector_load_idx %arg7[%broadcast_in_dim3A_31, %get3A_218] : memref<32x1024xf32, #tpu.memory_space<vmem>>[vector<16xi32>, vector<16xi32>], vector<16xf32>,
      %swap3A_294 = arith.constant 4 : i32
      %swap3A_295 = arith.index_cast %swap3A_294 : i32 to index
      %swap3A_296 = arith.index_cast %mul3A_185 : i32 to index
      %swap3A_297 = tpu.vector_load %arg9[%swap3A_295, %swap3A_296] {strides = array<i32>} : memref<32x1024xf32, #tpu.memory_space<vmem>>, vector<16xf32>,
      tpu.vector_store %arg9[%swap3A_295, %swap3A_296], %gather3A_293 {strides = array<i32>} : memref<32x1024xf32, #tpu.memory_space<vmem>>, vector<16xf32>,
      %get3A_298 = arith.constant 0 : i32
      %get3A_299 = arith.constant 4 : i32
      %get3A_300 = arith.index_cast %get3A_298 : i32 to index
      %get3A_301 = arith.index_cast %select_n3A : i32 to index
      %get3A_302 = arith.index_cast %get3A_299 : i32 to index
      %get3A_303 = arith.index_cast %mul3A_217 : i32 to index
      %get3A_304 = tpu.vector_load %arg10[%get3A_300, %get3A_301, %get3A_302, %get3A_303] {strides = array<i32>} : memref<4x8x8x128xf32, #tpu.memory_space<vmem>>, vector<16xf32>,
      %sub3A_305 = arith.subf %get3A_304, %gather3A_293 : vector<16xf32>
      %sub3A_306 = arith.constant 0 : i32
      %sub3A_307 = arith.subi %mul3A_185, %sub3A_306 : i32
      %swap3A_308 = arith.constant 4 : i32
      %swap3A_309 = arith.index_cast %swap3A_308 : i32 to index
      %swap3A_310 = arith.index_cast %sub3A_307 : i32 to index
      %swap3A_311 = tpu.vector_load %arg11[%swap3A_309, %swap3A_310] {strides = array<i32>} : memref<32x512xf32, #tpu.memory_space<vmem>>, vector<16xf32>,
      tpu.vector_store %arg11[%swap3A_309, %swap3A_310], %sub3A_305 {strides = array<i32>} : memref<32x512xf32, #tpu.memory_space<vmem>>, vector<16xf32>,
      %gather3A_312 = tpu.vector_load_idx %arg7[%broadcast_in_dim3A_33, %get3A_218] : memref<32x1024xf32, #tpu.memory_space<vmem>>[vector<16xi32>, vector<16xi32>], vector<16xf32>,
      %swap3A_313 = arith.constant 5 : i32
      %swap3A_314 = arith.index_cast %swap3A_313 : i32 to index
      %swap3A_315 = arith.index_cast %mul3A_185 : i32 to index
      %swap3A_316 = tpu.vector_load %arg9[%swap3A_314, %swap3A_315] {strides = array<i32>} : memref<32x1024xf32, #tpu.memory_space<vmem>>, vector<16xf32>,
      tpu.vector_store %arg9[%swap3A_314, %swap3A_315], %gather3A_312 {strides = array<i32>} : memref<32x1024xf32, #tpu.memory_space<vmem>>, vector<16xf32>,
      %get3A_317 = arith.constant 0 : i32
      %get3A_318 = arith.constant 5 : i32
      %get3A_319 = arith.index_cast %get3A_317 : i32 to index
      %get3A_320 = arith.index_cast %select_n3A : i32 to index
      %get3A_321 = arith.index_cast %get3A_318 : i32 to index
      %get3A_322 = arith.index_cast %mul3A_217 : i32 to index
      %get3A_323 = tpu.vector_load %arg10[%get3A_319, %get3A_320, %get3A_321, %get3A_322] {strides = array<i32>} : memref<4x8x8x128xf32, #tpu.memory_space<vmem>>, vector<16xf32>,
      %sub3A_324 = arith.subf %get3A_323, %gather3A_312 : vector<16xf32>
      %sub3A_325 = arith.constant 0 : i32
      %sub3A_326 = arith.subi %mul3A_185, %sub3A_325 : i32
      %swap3A_327 = arith.constant 5 : i32
      %swap3A_328 = arith.index_cast %swap3A_327 : i32 to index
      %swap3A_329 = arith.index_cast %sub3A_326 : i32 to index
      %swap3A_330 = tpu.vector_load %arg11[%swap3A_328, %swap3A_329] {strides = array<i32>} : memref<32x512xf32, #tpu.memory_space<vmem>>, vector<16xf32>,
      tpu.vector_store %arg11[%swap3A_328, %swap3A_329], %sub3A_324 {strides = array<i32>} : memref<32x512xf32, #tpu.memory_space<vmem>>, vector<16xf32>,
      %gather3A_331 = tpu.vector_load_idx %arg7[%broadcast_in_dim3A_35, %get3A_218] : memref<32x1024xf32, #tpu.memory_space<vmem>>[vector<16xi32>, vector<16xi32>], vector<16xf32>,
      %swap3A_332 = arith.constant 6 : i32
      %swap3A_333 = arith.index_cast %swap3A_332 : i32 to index
      %swap3A_334 = arith.index_cast %mul3A_185 : i32 to index
      %swap3A_335 = tpu.vector_load %arg9[%swap3A_333, %swap3A_334] {strides = array<i32>} : memref<32x1024xf32, #tpu.memory_space<vmem>>, vector<16xf32>,
      tpu.vector_store %arg9[%swap3A_333, %swap3A_334], %gather3A_331 {strides = array<i32>} : memref<32x1024xf32, #tpu.memory_space<vmem>>, vector<16xf32>,
      %get3A_336 = arith.constant 0 : i32
      %get3A_337 = arith.constant 6 : i32
      %get3A_338 = arith.index_cast %get3A_336 : i32 to index
      %get3A_339 = arith.index_cast %select_n3A : i32 to index
      %get3A_340 = arith.index_cast %get3A_337 : i32 to index
      %get3A_341 = arith.index_cast %mul3A_217 : i32 to index
      %get3A_342 = tpu.vector_load %arg10[%get3A_338, %get3A_339, %get3A_340, %get3A_341] {strides = array<i32>} : memref<4x8x8x128xf32, #tpu.memory_space<vmem>>, vector<16xf32>,
      %sub3A_343 = arith.subf %get3A_342, %gather3A_331 : vector<16xf32>
      %sub3A_344 = arith.constant 0 : i32
      %sub3A_345 = arith.subi %mul3A_185, %sub3A_344 : i32
      %swap3A_346 = arith.constant 6 : i32
      %swap3A_347 = arith.index_cast %swap3A_346 : i32 to index
      %swap3A_348 = arith.index_cast %sub3A_345 : i32 to index
      %swap3A_349 = tpu.vector_load %arg11[%swap3A_347, %swap3A_348] {strides = array<i32>} : memref<32x512xf32, #tpu.memory_space<vmem>>, vector<16xf32>,
      tpu.vector_store %arg11[%swap3A_347, %swap3A_348], %sub3A_343 {strides = array<i32>} : memref<32x512xf32, #tpu.memory_space<vmem>>, vector<16xf32>,
      %gather3A_350 = tpu.vector_load_idx %arg7[%broadcast_in_dim3A_37, %get3A_218] : memref<32x1024xf32, #tpu.memory_space<vmem>>[vector<16xi32>, vector<16xi32>], vector<16xf32>,
      %swap3A_351 = arith.constant 7 : i32
      %swap3A_352 = arith.index_cast %swap3A_351 : i32 to index
      %swap3A_353 = arith.index_cast %mul3A_185 : i32 to index
      %swap3A_354 = tpu.vector_load %arg9[%swap3A_352, %swap3A_353] {strides = array<i32>} : memref<32x1024xf32, #tpu.memory_space<vmem>>, vector<16xf32>,
      tpu.vector_store %arg9[%swap3A_352, %swap3A_353], %gather3A_350 {strides = array<i32>} : memref<32x1024xf32, #tpu.memory_space<vmem>>, vector<16xf32>,
      %get3A_355 = arith.constant 0 : i32
      %get3A_356 = arith.constant 7 : i32
      %get3A_357 = arith.index_cast %get3A_355 : i32 to index
      %get3A_358 = arith.index_cast %select_n3A : i32 to index
      %get3A_359 = arith.index_cast %get3A_356 : i32 to index
      %get3A_360 = arith.index_cast %mul3A_217 : i32 to index
      %get3A_361 = tpu.vector_load %arg10[%get3A_357, %get3A_358, %get3A_359, %get3A_360] {strides = array<i32>} : memref<4x8x8x128xf32, #tpu.memory_space<vmem>>, vector<16xf32>,
      %sub3A_362 = arith.subf %get3A_361, %gather3A_350 : vector<16xf32>
      %sub3A_363 = arith.constant 0 : i32
      %sub3A_364 = arith.subi %mul3A_185, %sub3A_363 : i32
      %swap3A_365 = arith.constant 7 : i32
      %swap3A_366 = arith.index_cast %swap3A_365 : i32 to index
      %swap3A_367 = arith.index_cast %sub3A_364 : i32 to index
      %swap3A_368 = tpu.vector_load %arg11[%swap3A_366, %swap3A_367] {strides = array<i32>} : memref<32x512xf32, #tpu.memory_space<vmem>>, vector<16xf32>,
      tpu.vector_store %arg11[%swap3A_366, %swap3A_367], %sub3A_362 {strides = array<i32>} : memref<32x512xf32, #tpu.memory_space<vmem>>, vector<16xf32>,
      %gather3A_369 = tpu.vector_load_idx %arg7[%broadcast_in_dim3A_39, %get3A_218] : memref<32x1024xf32, #tpu.memory_space<vmem>>[vector<16xi32>, vector<16xi32>], vector<16xf32>,
      %swap3A_370 = arith.constant 8 : i32
      %swap3A_371 = arith.index_cast %swap3A_370 : i32 to index
      %swap3A_372 = arith.index_cast %mul3A_185 : i32 to index
      %swap3A_373 = tpu.vector_load %arg9[%swap3A_371, %swap3A_372] {strides = array<i32>} : memref<32x1024xf32, #tpu.memory_space<vmem>>, vector<16xf32>,
      tpu.vector_store %arg9[%swap3A_371, %swap3A_372], %gather3A_369 {strides = array<i32>} : memref<32x1024xf32, #tpu.memory_space<vmem>>, vector<16xf32>,
      %get3A_374 = arith.constant 1 : i32
      %get3A_375 = arith.constant 0 : i32
      %get3A_376 = arith.index_cast %get3A_374 : i32 to index
      %get3A_377 = arith.index_cast %select_n3A : i32 to index
      %get3A_378 = arith.index_cast %get3A_375 : i32 to index
      %get3A_379 = arith.index_cast %mul3A_217 : i32 to index
      %get3A_380 = tpu.vector_load %arg10[%get3A_376, %get3A_377, %get3A_378, %get3A_379] {strides = array<i32>} : memref<4x8x8x128xf32, #tpu.memory_space<vmem>>, vector<16xf32>,
      %sub3A_381 = arith.subf %get3A_380, %gather3A_369 : vector<16xf32>
      %sub3A_382 = arith.constant 0 : i32
      %sub3A_383 = arith.subi %mul3A_185, %sub3A_382 : i32
      %swap3A_384 = arith.constant 8 : i32
      %swap3A_385 = arith.index_cast %swap3A_384 : i32 to index
      %swap3A_386 = arith.index_cast %sub3A_383 : i32 to index
      %swap3A_387 = tpu.vector_load %arg11[%swap3A_385, %swap3A_386] {strides = array<i32>} : memref<32x512xf32, #tpu.memory_space<vmem>>, vector<16xf32>,
      tpu.vector_store %arg11[%swap3A_385, %swap3A_386], %sub3A_381 {strides = array<i32>} : memref<32x512xf32, #tpu.memory_space<vmem>>, vector<16xf32>,
      %gather3A_388 = tpu.vector_load_idx %arg7[%broadcast_in_dim3A_41, %get3A_218] : memref<32x1024xf32, #tpu.memory_space<vmem>>[vector<16xi32>, vector<16xi32>], vector<16xf32>,
      %swap3A_389 = arith.constant 9 : i32
      %swap3A_390 = arith.index_cast %swap3A_389 : i32 to index
      %swap3A_391 = arith.index_cast %mul3A_185 : i32 to index
      %swap3A_392 = tpu.vector_load %arg9[%swap3A_390, %swap3A_391] {strides = array<i32>} : memref<32x1024xf32, #tpu.memory_space<vmem>>, vector<16xf32>,
      tpu.vector_store %arg9[%swap3A_390, %swap3A_391], %gather3A_388 {strides = array<i32>} : memref<32x1024xf32, #tpu.memory_space<vmem>>, vector<16xf32>,
      %get3A_393 = arith.constant 1 : i32
      %get3A_394 = arith.constant 1 : i32
      %get3A_395 = arith.index_cast %get3A_393 : i32 to index
      %get3A_396 = arith.index_cast %select_n3A : i32 to index
      %get3A_397 = arith.index_cast %get3A_394 : i32 to index
      %get3A_398 = arith.index_cast %mul3A_217 : i32 to index
      %get3A_399 = tpu.vector_load %arg10[%get3A_395, %get3A_396, %get3A_397, %get3A_398] {strides = array<i32>} : memref<4x8x8x128xf32, #tpu.memory_space<vmem>>, vector<16xf32>,
      %sub3A_400 = arith.subf %get3A_399, %gather3A_388 : vector<16xf32>
      %sub3A_401 = arith.constant 0 : i32
      %sub3A_402 = arith.subi %mul3A_185, %sub3A_401 : i32
      %swap3A_403 = arith.constant 9 : i32
      %swap3A_404 = arith.index_cast %swap3A_403 : i32 to index
      %swap3A_405 = arith.index_cast %sub3A_402 : i32 to index
      %swap3A_406 = tpu.vector_load %arg11[%swap3A_404, %swap3A_405] {strides = array<i32>} : memref<32x512xf32, #tpu.memory_space<vmem>>, vector<16xf32>,
      tpu.vector_store %arg11[%swap3A_404, %swap3A_405], %sub3A_400 {strides = array<i32>} : memref<32x512xf32, #tpu.memory_space<vmem>>, vector<16xf32>,
      %gather3A_407 = tpu.vector_load_idx %arg7[%broadcast_in_dim3A_43, %get3A_218] : memref<32x1024xf32, #tpu.memory_space<vmem>>[vector<16xi32>, vector<16xi32>], vector<16xf32>,
      %swap3A_408 = arith.constant 10 : i32
      %swap3A_409 = arith.index_cast %swap3A_408 : i32 to index
      %swap3A_410 = arith.index_cast %mul3A_185 : i32 to index
      %swap3A_411 = tpu.vector_load %arg9[%swap3A_409, %swap3A_410] {strides = array<i32>} : memref<32x1024xf32, #tpu.memory_space<vmem>>, vector<16xf32>,
      tpu.vector_store %arg9[%swap3A_409, %swap3A_410], %gather3A_407 {strides = array<i32>} : memref<32x1024xf32, #tpu.memory_space<vmem>>, vector<16xf32>,
      %get3A_412 = arith.constant 1 : i32
      %get3A_413 = arith.constant 2 : i32
      %get3A_414 = arith.index_cast %get3A_412 : i32 to index
      %get3A_415 = arith.index_cast %select_n3A : i32 to index
      %get3A_416 = arith.index_cast %get3A_413 : i32 to index
      %get3A_417 = arith.index_cast %mul3A_217 : i32 to index
      %get3A_418 = tpu.vector_load %arg10[%get3A_414, %get3A_415, %get3A_416, %get3A_417] {strides = array<i32>} : memref<4x8x8x128xf32, #tpu.memory_space<vmem>>, vector<16xf32>,
      %sub3A_419 = arith.subf %get3A_418, %gather3A_407 : vector<16xf32>
      %sub3A_420 = arith.constant 0 : i32
      %sub3A_421 = arith.subi %mul3A_185, %sub3A_420 : i32
      %swap3A_422 = arith.constant 10 : i32
      %swap3A_423 = arith.index_cast %swap3A_422 : i32 to index
      %swap3A_424 = arith.index_cast %sub3A_421 : i32 to index
      %swap3A_425 = tpu.vector_load %arg11[%swap3A_423, %swap3A_424] {strides = array<i32>} : memref<32x512xf32, #tpu.memory_space<vmem>>, vector<16xf32>,
      tpu.vector_store %arg11[%swap3A_423, %swap3A_424], %sub3A_419 {strides = array<i32>} : memref<32x512xf32, #tpu.memory_space<vmem>>, vector<16xf32>,
      %gather3A_426 = tpu.vector_load_idx %arg7[%broadcast_in_dim3A_45, %get3A_218] : memref<32x1024xf32, #tpu.memory_space<vmem>>[vector<16xi32>, vector<16xi32>], vector<16xf32>,
      %swap3A_427 = arith.constant 11 : i32
      %swap3A_428 = arith.index_cast %swap3A_427 : i32 to index
      %swap3A_429 = arith.index_cast %mul3A_185 : i32 to index
      %swap3A_430 = tpu.vector_load %arg9[%swap3A_428, %swap3A_429] {strides = array<i32>} : memref<32x1024xf32, #tpu.memory_space<vmem>>, vector<16xf32>,
      tpu.vector_store %arg9[%swap3A_428, %swap3A_429], %gather3A_426 {strides = array<i32>} : memref<32x1024xf32, #tpu.memory_space<vmem>>, vector<16xf32>,
      %get3A_431 = arith.constant 1 : i32
      %get3A_432 = arith.constant 3 : i32
      %get3A_433 = arith.index_cast %get3A_431 : i32 to index
      %get3A_434 = arith.index_cast %select_n3A : i32 to index
      %get3A_435 = arith.index_cast %get3A_432 : i32 to index
      %get3A_436 = arith.index_cast %mul3A_217 : i32 to index
      %get3A_437 = tpu.vector_load %arg10[%get3A_433, %get3A_434, %get3A_435, %get3A_436] {strides = array<i32>} : memref<4x8x8x128xf32, #tpu.memory_space<vmem>>, vector<16xf32>,
      %sub3A_438 = arith.subf %get3A_437, %gather3A_426 : vector<16xf32>
      %sub3A_439 = arith.constant 0 : i32
      %sub3A_440 = arith.subi %mul3A_185, %sub3A_439 : i32
      %swap3A_441 = arith.constant 11 : i32
      %swap3A_442 = arith.index_cast %swap3A_441 : i32 to index
      %swap3A_443 = arith.index_cast %sub3A_440 : i32 to index
      %swap3A_444 = tpu.vector_load %arg11[%swap3A_442, %swap3A_443] {strides = array<i32>} : memref<32x512xf32, #tpu.memory_space<vmem>>, vector<16xf32>,
      tpu.vector_store %arg11[%swap3A_442, %swap3A_443], %sub3A_438 {strides = array<i32>} : memref<32x512xf32, #tpu.memory_space<vmem>>, vector<16xf32>,
      %gather3A_445 = tpu.vector_load_idx %arg7[%broadcast_in_dim3A_47, %get3A_218] : memref<32x1024xf32, #tpu.memory_space<vmem>>[vector<16xi32>, vector<16xi32>], vector<16xf32>,
      %swap3A_446 = arith.constant 12 : i32
      %swap3A_447 = arith.index_cast %swap3A_446 : i32 to index
      %swap3A_448 = arith.index_cast %mul3A_185 : i32 to index
      %swap3A_449 = tpu.vector_load %arg9[%swap3A_447, %swap3A_448] {strides = array<i32>} : memref<32x1024xf32, #tpu.memory_space<vmem>>, vector<16xf32>,
      tpu.vector_store %arg9[%swap3A_447, %swap3A_448], %gather3A_445 {strides = array<i32>} : memref<32x1024xf32, #tpu.memory_space<vmem>>, vector<16xf32>,
      %get3A_450 = arith.constant 1 : i32
      %get3A_451 = arith.constant 4 : i32
      %get3A_452 = arith.index_cast %get3A_450 : i32 to index
      %get3A_453 = arith.index_cast %select_n3A : i32 to index
      %get3A_454 = arith.index_cast %get3A_451 : i32 to index
      %get3A_455 = arith.index_cast %mul3A_217 : i32 to index
      %get3A_456 = tpu.vector_load %arg10[%get3A_452, %get3A_453, %get3A_454, %get3A_455] {strides = array<i32>} : memref<4x8x8x128xf32, #tpu.memory_space<vmem>>, vector<16xf32>,
      %sub3A_457 = arith.subf %get3A_456, %gather3A_445 : vector<16xf32>
      %sub3A_458 = arith.constant 0 : i32
      %sub3A_459 = arith.subi %mul3A_185, %sub3A_458 : i32
      %swap3A_460 = arith.constant 12 : i32
      %swap3A_461 = arith.index_cast %swap3A_460 : i32 to index
      %swap3A_462 = arith.index_cast %sub3A_459 : i32 to index
      %swap3A_463 = tpu.vector_load %arg11[%swap3A_461, %swap3A_462] {strides = array<i32>} : memref<32x512xf32, #tpu.memory_space<vmem>>, vector<16xf32>,
      tpu.vector_store %arg11[%swap3A_461, %swap3A_462], %sub3A_457 {strides = array<i32>} : memref<32x512xf32, #tpu.memory_space<vmem>>, vector<16xf32>,
      %gather3A_464 = tpu.vector_load_idx %arg7[%broadcast_in_dim3A_49, %get3A_218] : memref<32x1024xf32, #tpu.memory_space<vmem>>[vector<16xi32>, vector<16xi32>], vector<16xf32>,
      %swap3A_465 = arith.constant 13 : i32
      %swap3A_466 = arith.index_cast %swap3A_465 : i32 to index
      %swap3A_467 = arith.index_cast %mul3A_185 : i32 to index
      %swap3A_468 = tpu.vector_load %arg9[%swap3A_466, %swap3A_467] {strides = array<i32>} : memref<32x1024xf32, #tpu.memory_space<vmem>>, vector<16xf32>,
      tpu.vector_store %arg9[%swap3A_466, %swap3A_467], %gather3A_464 {strides = array<i32>} : memref<32x1024xf32, #tpu.memory_space<vmem>>, vector<16xf32>,
      %get3A_469 = arith.constant 1 : i32
      %get3A_470 = arith.constant 5 : i32
      %get3A_471 = arith.index_cast %get3A_469 : i32 to index
      %get3A_472 = arith.index_cast %select_n3A : i32 to index
      %get3A_473 = arith.index_cast %get3A_470 : i32 to index
      %get3A_474 = arith.index_cast %mul3A_217 : i32 to index
      %get3A_475 = tpu.vector_load %arg10[%get3A_471, %get3A_472, %get3A_473, %get3A_474] {strides = array<i32>} : memref<4x8x8x128xf32, #tpu.memory_space<vmem>>, vector<16xf32>,
      %sub3A_476 = arith.subf %get3A_475, %gather3A_464 : vector<16xf32>
      %sub3A_477 = arith.constant 0 : i32
      %sub3A_478 = arith.subi %mul3A_185, %sub3A_477 : i32
      %swap3A_479 = arith.constant 13 : i32
      %swap3A_480 = arith.index_cast %swap3A_479 : i32 to index
      %swap3A_481 = arith.index_cast %sub3A_478 : i32 to index
      %swap3A_482 = tpu.vector_load %arg11[%swap3A_480, %swap3A_481] {strides = array<i32>} : memref<32x512xf32, #tpu.memory_space<vmem>>, vector<16xf32>,
      tpu.vector_store %arg11[%swap3A_480, %swap3A_481], %sub3A_476 {strides = array<i32>} : memref<32x512xf32, #tpu.memory_space<vmem>>, vector<16xf32>,
      %gather3A_483 = tpu.vector_load_idx %arg7[%broadcast_in_dim3A_51, %get3A_218] : memref<32x1024xf32, #tpu.memory_space<vmem>>[vector<16xi32>, vector<16xi32>], vector<16xf32>,
      %swap3A_484 = arith.constant 14 : i32
      %swap3A_485 = arith.index_cast %swap3A_484 : i32 to index
      %swap3A_486 = arith.index_cast %mul3A_185 : i32 to index
      %swap3A_487 = tpu.vector_load %arg9[%swap3A_485, %swap3A_486] {strides = array<i32>} : memref<32x1024xf32, #tpu.memory_space<vmem>>, vector<16xf32>,
      tpu.vector_store %arg9[%swap3A_485, %swap3A_486], %gather3A_483 {strides = array<i32>} : memref<32x1024xf32, #tpu.memory_space<vmem>>, vector<16xf32>,
      %get3A_488 = arith.constant 1 : i32
      %get3A_489 = arith.constant 6 : i32
      %get3A_490 = arith.index_cast %get3A_488 : i32 to index
      %get3A_491 = arith.index_cast %select_n3A : i32 to index
      %get3A_492 = arith.index_cast %get3A_489 : i32 to index
      %get3A_493 = arith.index_cast %mul3A_217 : i32 to index
      %get3A_494 = tpu.vector_load %arg10[%get3A_490, %get3A_491, %get3A_492, %get3A_493] {strides = array<i32>} : memref<4x8x8x128xf32, #tpu.memory_space<vmem>>, vector<16xf32>,
      %sub3A_495 = arith.subf %get3A_494, %gather3A_483 : vector<16xf32>
      %sub3A_496 = arith.constant 0 : i32
      %sub3A_497 = arith.subi %mul3A_185, %sub3A_496 : i32
      %swap3A_498 = arith.constant 14 : i32
      %swap3A_499 = arith.index_cast %swap3A_498 : i32 to index
      %swap3A_500 = arith.index_cast %sub3A_497 : i32 to index
      %swap3A_501 = tpu.vector_load %arg11[%swap3A_499, %swap3A_500] {strides = array<i32>} : memref<32x512xf32, #tpu.memory_space<vmem>>, vector<16xf32>,
      tpu.vector_store %arg11[%swap3A_499, %swap3A_500], %sub3A_495 {strides = array<i32>} : memref<32x512xf32, #tpu.memory_space<vmem>>, vector<16xf32>,
      %gather3A_502 = tpu.vector_load_idx %arg7[%broadcast_in_dim3A_53, %get3A_218] : memref<32x1024xf32, #tpu.memory_space<vmem>>[vector<16xi32>, vector<16xi32>], vector<16xf32>,
      %swap3A_503 = arith.constant 15 : i32
      %swap3A_504 = arith.index_cast %swap3A_503 : i32 to index
      %swap3A_505 = arith.index_cast %mul3A_185 : i32 to index
      %swap3A_506 = tpu.vector_load %arg9[%swap3A_504, %swap3A_505] {strides = array<i32>} : memref<32x1024xf32, #tpu.memory_space<vmem>>, vector<16xf32>,
      tpu.vector_store %arg9[%swap3A_504, %swap3A_505], %gather3A_502 {strides = array<i32>} : memref<32x1024xf32, #tpu.memory_space<vmem>>, vector<16xf32>,
      %get3A_507 = arith.constant 1 : i32
      %get3A_508 = arith.constant 7 : i32
      %get3A_509 = arith.index_cast %get3A_507 : i32 to index
      %get3A_510 = arith.index_cast %select_n3A : i32 to index
      %get3A_511 = arith.index_cast %get3A_508 : i32 to index
      %get3A_512 = arith.index_cast %mul3A_217 : i32 to index
      %get3A_513 = tpu.vector_load %arg10[%get3A_509, %get3A_510, %get3A_511, %get3A_512] {strides = array<i32>} : memref<4x8x8x128xf32, #tpu.memory_space<vmem>>, vector<16xf32>,
      %sub3A_514 = arith.subf %get3A_513, %gather3A_502 : vector<16xf32>
      %sub3A_515 = arith.constant 0 : i32
      %sub3A_516 = arith.subi %mul3A_185, %sub3A_515 : i32
      %swap3A_517 = arith.constant 15 : i32
      %swap3A_518 = arith.index_cast %swap3A_517 : i32 to index
      %swap3A_519 = arith.index_cast %sub3A_516 : i32 to index
      %swap3A_520 = tpu.vector_load %arg11[%swap3A_518, %swap3A_519] {strides = array<i32>} : memref<32x512xf32, #tpu.memory_space<vmem>>, vector<16xf32>,
      tpu.vector_store %arg11[%swap3A_518, %swap3A_519], %sub3A_514 {strides = array<i32>} : memref<32x512xf32, #tpu.memory_space<vmem>>, vector<16xf32>,
      %gather3A_521 = tpu.vector_load_idx %arg7[%broadcast_in_dim3A_55, %get3A_218] : memref<32x1024xf32, #tpu.memory_space<vmem>>[vector<16xi32>, vector<16xi32>], vector<16xf32>,
      %swap3A_522 = arith.constant 16 : i32
      %swap3A_523 = arith.index_cast %swap3A_522 : i32 to index
      %swap3A_524 = arith.index_cast %mul3A_185 : i32 to index
      %swap3A_525 = tpu.vector_load %arg9[%swap3A_523, %swap3A_524] {strides = array<i32>} : memref<32x1024xf32, #tpu.memory_space<vmem>>, vector<16xf32>,
      tpu.vector_store %arg9[%swap3A_523, %swap3A_524], %gather3A_521 {strides = array<i32>} : memref<32x1024xf32, #tpu.memory_space<vmem>>, vector<16xf32>,
      %get3A_526 = arith.constant 2 : i32
      %get3A_527 = arith.constant 0 : i32
      %get3A_528 = arith.index_cast %get3A_526 : i32 to index
      %get3A_529 = arith.index_cast %select_n3A : i32 to index
      %get3A_530 = arith.index_cast %get3A_527 : i32 to index
      %get3A_531 = arith.index_cast %mul3A_217 : i32 to index
      %get3A_532 = tpu.vector_load %arg10[%get3A_528, %get3A_529, %get3A_530, %get3A_531] {strides = array<i32>} : memref<4x8x8x128xf32, #tpu.memory_space<vmem>>, vector<16xf32>,
      %sub3A_533 = arith.subf %get3A_532, %gather3A_521 : vector<16xf32>
      %sub3A_534 = arith.constant 0 : i32
      %sub3A_535 = arith.subi %mul3A_185, %sub3A_534 : i32
      %swap3A_536 = arith.constant 16 : i32
      %swap3A_537 = arith.index_cast %swap3A_536 : i32 to index
      %swap3A_538 = arith.index_cast %sub3A_535 : i32 to index
      %swap3A_539 = tpu.vector_load %arg11[%swap3A_537, %swap3A_538] {strides = array<i32>} : memref<32x512xf32, #tpu.memory_space<vmem>>, vector<16xf32>,
      tpu.vector_store %arg11[%swap3A_537, %swap3A_538], %sub3A_533 {strides = array<i32>} : memref<32x512xf32, #tpu.memory_space<vmem>>, vector<16xf32>,
      %gather3A_540 = tpu.vector_load_idx %arg7[%broadcast_in_dim3A_57, %get3A_218] : memref<32x1024xf32, #tpu.memory_space<vmem>>[vector<16xi32>, vector<16xi32>], vector<16xf32>,
      %swap3A_541 = arith.constant 17 : i32
      %swap3A_542 = arith.index_cast %swap3A_541 : i32 to index
      %swap3A_543 = arith.index_cast %mul3A_185 : i32 to index
      %swap3A_544 = tpu.vector_load %arg9[%swap3A_542, %swap3A_543] {strides = array<i32>} : memref<32x1024xf32, #tpu.memory_space<vmem>>, vector<16xf32>,
      tpu.vector_store %arg9[%swap3A_542, %swap3A_543], %gather3A_540 {strides = array<i32>} : memref<32x1024xf32, #tpu.memory_space<vmem>>, vector<16xf32>,
      %get3A_545 = arith.constant 2 : i32
      %get3A_546 = arith.constant 1 : i32
      %get3A_547 = arith.index_cast %get3A_545 : i32 to index
      %get3A_548 = arith.index_cast %select_n3A : i32 to index
      %get3A_549 = arith.index_cast %get3A_546 : i32 to index
      %get3A_550 = arith.index_cast %mul3A_217 : i32 to index
      %get3A_551 = tpu.vector_load %arg10[%get3A_547, %get3A_548, %get3A_549, %get3A_550] {strides = array<i32>} : memref<4x8x8x128xf32, #tpu.memory_space<vmem>>, vector<16xf32>,
      %sub3A_552 = arith.subf %get3A_551, %gather3A_540 : vector<16xf32>
      %sub3A_553 = arith.constant 0 : i32
      %sub3A_554 = arith.subi %mul3A_185, %sub3A_553 : i32
      %swap3A_555 = arith.constant 17 : i32
      %swap3A_556 = arith.index_cast %swap3A_555 : i32 to index
      %swap3A_557 = arith.index_cast %sub3A_554 : i32 to index
      %swap3A_558 = tpu.vector_load %arg11[%swap3A_556, %swap3A_557] {strides = array<i32>} : memref<32x512xf32, #tpu.memory_space<vmem>>, vector<16xf32>,
      tpu.vector_store %arg11[%swap3A_556, %swap3A_557], %sub3A_552 {strides = array<i32>} : memref<32x512xf32, #tpu.memory_space<vmem>>, vector<16xf32>,
      %gather3A_559 = tpu.vector_load_idx %arg7[%broadcast_in_dim3A_59, %get3A_218] : memref<32x1024xf32, #tpu.memory_space<vmem>>[vector<16xi32>, vector<16xi32>], vector<16xf32>,
      %swap3A_560 = arith.constant 18 : i32
      %swap3A_561 = arith.index_cast %swap3A_560 : i32 to index
      %swap3A_562 = arith.index_cast %mul3A_185 : i32 to index
      %swap3A_563 = tpu.vector_load %arg9[%swap3A_561, %swap3A_562] {strides = array<i32>} : memref<32x1024xf32, #tpu.memory_space<vmem>>, vector<16xf32>,
      tpu.vector_store %arg9[%swap3A_561, %swap3A_562], %gather3A_559 {strides = array<i32>} : memref<32x1024xf32, #tpu.memory_space<vmem>>, vector<16xf32>,
      %get3A_564 = arith.constant 2 : i32
      %get3A_565 = arith.constant 2 : i32
      %get3A_566 = arith.index_cast %get3A_564 : i32 to index
      %get3A_567 = arith.index_cast %select_n3A : i32 to index
      %get3A_568 = arith.index_cast %get3A_565 : i32 to index
      %get3A_569 = arith.index_cast %mul3A_217 : i32 to index
      %get3A_570 = tpu.vector_load %arg10[%get3A_566, %get3A_567, %get3A_568, %get3A_569] {strides = array<i32>} : memref<4x8x8x128xf32, #tpu.memory_space<vmem>>, vector<16xf32>,
      %sub3A_571 = arith.subf %get3A_570, %gather3A_559 : vector<16xf32>
      %sub3A_572 = arith.constant 0 : i32
      %sub3A_573 = arith.subi %mul3A_185, %sub3A_572 : i32
      %swap3A_574 = arith.constant 18 : i32
      %swap3A_575 = arith.index_cast %swap3A_574 : i32 to index
      %swap3A_576 = arith.index_cast %sub3A_573 : i32 to index
      %swap3A_577 = tpu.vector_load %arg11[%swap3A_575, %swap3A_576] {strides = array<i32>} : memref<32x512xf32, #tpu.memory_space<vmem>>, vector<16xf32>,
      tpu.vector_store %arg11[%swap3A_575, %swap3A_576], %sub3A_571 {strides = array<i32>} : memref<32x512xf32, #tpu.memory_space<vmem>>, vector<16xf32>,
      %gather3A_578 = tpu.vector_load_idx %arg7[%broadcast_in_dim3A_61, %get3A_218] : memref<32x1024xf32, #tpu.memory_space<vmem>>[vector<16xi32>, vector<16xi32>], vector<16xf32>,
      %swap3A_579 = arith.constant 19 : i32
      %swap3A_580 = arith.index_cast %swap3A_579 : i32 to index
      %swap3A_581 = arith.index_cast %mul3A_185 : i32 to index
      %swap3A_582 = tpu.vector_load %arg9[%swap3A_580, %swap3A_581] {strides = array<i32>} : memref<32x1024xf32, #tpu.memory_space<vmem>>, vector<16xf32>,
      tpu.vector_store %arg9[%swap3A_580, %swap3A_581], %gather3A_578 {strides = array<i32>} : memref<32x1024xf32, #tpu.memory_space<vmem>>, vector<16xf32>,
      %get3A_583 = arith.constant 2 : i32
      %get3A_584 = arith.constant 3 : i32
      %get3A_585 = arith.index_cast %get3A_583 : i32 to index
      %get3A_586 = arith.index_cast %select_n3A : i32 to index
      %get3A_587 = arith.index_cast %get3A_584 : i32 to index
      %get3A_588 = arith.index_cast %mul3A_217 : i32 to index
      %get3A_589 = tpu.vector_load %arg10[%get3A_585, %get3A_586, %get3A_587, %get3A_588] {strides = array<i32>} : memref<4x8x8x128xf32, #tpu.memory_space<vmem>>, vector<16xf32>,
      %sub3A_590 = arith.subf %get3A_589, %gather3A_578 : vector<16xf32>
      %sub3A_591 = arith.constant 0 : i32
      %sub3A_592 = arith.subi %mul3A_185, %sub3A_591 : i32
      %swap3A_593 = arith.constant 19 : i32
      %swap3A_594 = arith.index_cast %swap3A_593 : i32 to index
      %swap3A_595 = arith.index_cast %sub3A_592 : i32 to index
      %swap3A_596 = tpu.vector_load %arg11[%swap3A_594, %swap3A_595] {strides = array<i32>} : memref<32x512xf32, #tpu.memory_space<vmem>>, vector<16xf32>,
      tpu.vector_store %arg11[%swap3A_594, %swap3A_595], %sub3A_590 {strides = array<i32>} : memref<32x512xf32, #tpu.memory_space<vmem>>, vector<16xf32>,
      %gather3A_597 = tpu.vector_load_idx %arg7[%broadcast_in_dim3A_63, %get3A_218] : memref<32x1024xf32, #tpu.memory_space<vmem>>[vector<16xi32>, vector<16xi32>], vector<16xf32>,
      %swap3A_598 = arith.constant 20 : i32
      %swap3A_599 = arith.index_cast %swap3A_598 : i32 to index
      %swap3A_600 = arith.index_cast %mul3A_185 : i32 to index
      %swap3A_601 = tpu.vector_load %arg9[%swap3A_599, %swap3A_600] {strides = array<i32>} : memref<32x1024xf32, #tpu.memory_space<vmem>>, vector<16xf32>,
      tpu.vector_store %arg9[%swap3A_599, %swap3A_600], %gather3A_597 {strides = array<i32>} : memref<32x1024xf32, #tpu.memory_space<vmem>>, vector<16xf32>,
      %get3A_602 = arith.constant 2 : i32
      %get3A_603 = arith.constant 4 : i32
      %get3A_604 = arith.index_cast %get3A_602 : i32 to index
      %get3A_605 = arith.index_cast %select_n3A : i32 to index
      %get3A_606 = arith.index_cast %get3A_603 : i32 to index
      %get3A_607 = arith.index_cast %mul3A_217 : i32 to index
      %get3A_608 = tpu.vector_load %arg10[%get3A_604, %get3A_605, %get3A_606, %get3A_607] {strides = array<i32>} : memref<4x8x8x128xf32, #tpu.memory_space<vmem>>, vector<16xf32>,
      %sub3A_609 = arith.subf %get3A_608, %gather3A_597 : vector<16xf32>
      %sub3A_610 = arith.constant 0 : i32
      %sub3A_611 = arith.subi %mul3A_185, %sub3A_610 : i32
      %swap3A_612 = arith.constant 20 : i32
      %swap3A_613 = arith.index_cast %swap3A_612 : i32 to index
      %swap3A_614 = arith.index_cast %sub3A_611 : i32 to index
      %swap3A_615 = tpu.vector_load %arg11[%swap3A_613, %swap3A_614] {strides = array<i32>} : memref<32x512xf32, #tpu.memory_space<vmem>>, vector<16xf32>,
      tpu.vector_store %arg11[%swap3A_613, %swap3A_614], %sub3A_609 {strides = array<i32>} : memref<32x512xf32, #tpu.memory_space<vmem>>, vector<16xf32>,
      %gather3A_616 = tpu.vector_load_idx %arg7[%broadcast_in_dim3A_65, %get3A_218] : memref<32x1024xf32, #tpu.memory_space<vmem>>[vector<16xi32>, vector<16xi32>], vector<16xf32>,
      %swap3A_617 = arith.constant 21 : i32
      %swap3A_618 = arith.index_cast %swap3A_617 : i32 to index
      %swap3A_619 = arith.index_cast %mul3A_185 : i32 to index
      %swap3A_620 = tpu.vector_load %arg9[%swap3A_618, %swap3A_619] {strides = array<i32>} : memref<32x1024xf32, #tpu.memory_space<vmem>>, vector<16xf32>,
      tpu.vector_store %arg9[%swap3A_618, %swap3A_619], %gather3A_616 {strides = array<i32>} : memref<32x1024xf32, #tpu.memory_space<vmem>>, vector<16xf32>,
      %get3A_621 = arith.constant 2 : i32
      %get3A_622 = arith.constant 5 : i32
      %get3A_623 = arith.index_cast %get3A_621 : i32 to index
      %get3A_624 = arith.index_cast %select_n3A : i32 to index
      %get3A_625 = arith.index_cast %get3A_622 : i32 to index
      %get3A_626 = arith.index_cast %mul3A_217 : i32 to index
      %get3A_627 = tpu.vector_load %arg10[%get3A_623, %get3A_624, %get3A_625, %get3A_626] {strides = array<i32>} : memref<4x8x8x128xf32, #tpu.memory_space<vmem>>, vector<16xf32>,
      %sub3A_628 = arith.subf %get3A_627, %gather3A_616 : vector<16xf32>
      %sub3A_629 = arith.constant 0 : i32
      %sub3A_630 = arith.subi %mul3A_185, %sub3A_629 : i32
      %swap3A_631 = arith.constant 21 : i32
      %swap3A_632 = arith.index_cast %swap3A_631 : i32 to index
      %swap3A_633 = arith.index_cast %sub3A_630 : i32 to index
      %swap3A_634 = tpu.vector_load %arg11[%swap3A_632, %swap3A_633] {strides = array<i32>} : memref<32x512xf32, #tpu.memory_space<vmem>>, vector<16xf32>,
      tpu.vector_store %arg11[%swap3A_632, %swap3A_633], %sub3A_628 {strides = array<i32>} : memref<32x512xf32, #tpu.memory_space<vmem>>, vector<16xf32>,
      %gather3A_635 = tpu.vector_load_idx %arg7[%broadcast_in_dim3A_67, %get3A_218] : memref<32x1024xf32, #tpu.memory_space<vmem>>[vector<16xi32>, vector<16xi32>], vector<16xf32>,
      %swap3A_636 = arith.constant 22 : i32
      %swap3A_637 = arith.index_cast %swap3A_636 : i32 to index
      %swap3A_638 = arith.index_cast %mul3A_185 : i32 to index
      %swap3A_639 = tpu.vector_load %arg9[%swap3A_637, %swap3A_638] {strides = array<i32>} : memref<32x1024xf32, #tpu.memory_space<vmem>>, vector<16xf32>,
      tpu.vector_store %arg9[%swap3A_637, %swap3A_638], %gather3A_635 {strides = array<i32>} : memref<32x1024xf32, #tpu.memory_space<vmem>>, vector<16xf32>,
      %get3A_640 = arith.constant 2 : i32
      %get3A_641 = arith.constant 6 : i32
      %get3A_642 = arith.index_cast %get3A_640 : i32 to index
      %get3A_643 = arith.index_cast %select_n3A : i32 to index
      %get3A_644 = arith.index_cast %get3A_641 : i32 to index
      %get3A_645 = arith.index_cast %mul3A_217 : i32 to index
      %get3A_646 = tpu.vector_load %arg10[%get3A_642, %get3A_643, %get3A_644, %get3A_645] {strides = array<i32>} : memref<4x8x8x128xf32, #tpu.memory_space<vmem>>, vector<16xf32>,
      %sub3A_647 = arith.subf %get3A_646, %gather3A_635 : vector<16xf32>
      %sub3A_648 = arith.constant 0 : i32
      %sub3A_649 = arith.subi %mul3A_185, %sub3A_648 : i32
      %swap3A_650 = arith.constant 22 : i32
      %swap3A_651 = arith.index_cast %swap3A_650 : i32 to index
      %swap3A_652 = arith.index_cast %sub3A_649 : i32 to index
      %swap3A_653 = tpu.vector_load %arg11[%swap3A_651, %swap3A_652] {strides = array<i32>} : memref<32x512xf32, #tpu.memory_space<vmem>>, vector<16xf32>,
      tpu.vector_store %arg11[%swap3A_651, %swap3A_652], %sub3A_647 {strides = array<i32>} : memref<32x512xf32, #tpu.memory_space<vmem>>, vector<16xf32>,
      %gather3A_654 = tpu.vector_load_idx %arg7[%broadcast_in_dim3A_69, %get3A_218] : memref<32x1024xf32, #tpu.memory_space<vmem>>[vector<16xi32>, vector<16xi32>], vector<16xf32>,
      %swap3A_655 = arith.constant 23 : i32
      %swap3A_656 = arith.index_cast %swap3A_655 : i32 to index
      %swap3A_657 = arith.index_cast %mul3A_185 : i32 to index
      %swap3A_658 = tpu.vector_load %arg9[%swap3A_656, %swap3A_657] {strides = array<i32>} : memref<32x1024xf32, #tpu.memory_space<vmem>>, vector<16xf32>,
      tpu.vector_store %arg9[%swap3A_656, %swap3A_657], %gather3A_654 {strides = array<i32>} : memref<32x1024xf32, #tpu.memory_space<vmem>>, vector<16xf32>,
      %get3A_659 = arith.constant 2 : i32
      %get3A_660 = arith.constant 7 : i32
      %get3A_661 = arith.index_cast %get3A_659 : i32 to index
      %get3A_662 = arith.index_cast %select_n3A : i32 to index
      %get3A_663 = arith.index_cast %get3A_660 : i32 to index
      %get3A_664 = arith.index_cast %mul3A_217 : i32 to index
      %get3A_665 = tpu.vector_load %arg10[%get3A_661, %get3A_662, %get3A_663, %get3A_664] {strides = array<i32>} : memref<4x8x8x128xf32, #tpu.memory_space<vmem>>, vector<16xf32>,
      %sub3A_666 = arith.subf %get3A_665, %gather3A_654 : vector<16xf32>
      %sub3A_667 = arith.constant 0 : i32
      %sub3A_668 = arith.subi %mul3A_185, %sub3A_667 : i32
      %swap3A_669 = arith.constant 23 : i32
      %swap3A_670 = arith.index_cast %swap3A_669 : i32 to index
      %swap3A_671 = arith.index_cast %sub3A_668 : i32 to index
      %swap3A_672 = tpu.vector_load %arg11[%swap3A_670, %swap3A_671] {strides = array<i32>} : memref<32x512xf32, #tpu.memory_space<vmem>>, vector<16xf32>,
      tpu.vector_store %arg11[%swap3A_670, %swap3A_671], %sub3A_666 {strides = array<i32>} : memref<32x512xf32, #tpu.memory_space<vmem>>, vector<16xf32>,
      %gather3A_673 = tpu.vector_load_idx %arg7[%broadcast_in_dim3A_71, %get3A_218] : memref<32x1024xf32, #tpu.memory_space<vmem>>[vector<16xi32>, vector<16xi32>], vector<16xf32>,
      %swap3A_674 = arith.constant 24 : i32
      %swap3A_675 = arith.index_cast %swap3A_674 : i32 to index
      %swap3A_676 = arith.index_cast %mul3A_185 : i32 to index
      %swap3A_677 = tpu.vector_load %arg9[%swap3A_675, %swap3A_676] {strides = array<i32>} : memref<32x1024xf32, #tpu.memory_space<vmem>>, vector<16xf32>,
      tpu.vector_store %arg9[%swap3A_675, %swap3A_676], %gather3A_673 {strides = array<i32>} : memref<32x1024xf32, #tpu.memory_space<vmem>>, vector<16xf32>,
      %get3A_678 = arith.constant 3 : i32
      %get3A_679 = arith.constant 0 : i32
      %get3A_680 = arith.index_cast %get3A_678 : i32 to index
      %get3A_681 = arith.index_cast %select_n3A : i32 to index
      %get3A_682 = arith.index_cast %get3A_679 : i32 to index
      %get3A_683 = arith.index_cast %mul3A_217 : i32 to index
      %get3A_684 = tpu.vector_load %arg10[%get3A_680, %get3A_681, %get3A_682, %get3A_683] {strides = array<i32>} : memref<4x8x8x128xf32, #tpu.memory_space<vmem>>, vector<16xf32>,
      %sub3A_685 = arith.subf %get3A_684, %gather3A_673 : vector<16xf32>
      %sub3A_686 = arith.constant 0 : i32
      %sub3A_687 = arith.subi %mul3A_185, %sub3A_686 : i32
      %swap3A_688 = arith.constant 24 : i32
      %swap3A_689 = arith.index_cast %swap3A_688 : i32 to index
      %swap3A_690 = arith.index_cast %sub3A_687 : i32 to index
      %swap3A_691 = tpu.vector_load %arg11[%swap3A_689, %swap3A_690] {strides = array<i32>} : memref<32x512xf32, #tpu.memory_space<vmem>>, vector<16xf32>,
      tpu.vector_store %arg11[%swap3A_689, %swap3A_690], %sub3A_685 {strides = array<i32>} : memref<32x512xf32, #tpu.memory_space<vmem>>, vector<16xf32>,
      %gather3A_692 = tpu.vector_load_idx %arg7[%broadcast_in_dim3A_73, %get3A_218] : memref<32x1024xf32, #tpu.memory_space<vmem>>[vector<16xi32>, vector<16xi32>], vector<16xf32>,
      %swap3A_693 = arith.constant 25 : i32
      %swap3A_694 = arith.index_cast %swap3A_693 : i32 to index
      %swap3A_695 = arith.index_cast %mul3A_185 : i32 to index
      %swap3A_696 = tpu.vector_load %arg9[%swap3A_694, %swap3A_695] {strides = array<i32>} : memref<32x1024xf32, #tpu.memory_space<vmem>>, vector<16xf32>,
      tpu.vector_store %arg9[%swap3A_694, %swap3A_695], %gather3A_692 {strides = array<i32>} : memref<32x1024xf32, #tpu.memory_space<vmem>>, vector<16xf32>,
      %get3A_697 = arith.constant 3 : i32
      %get3A_698 = arith.constant 1 : i32
      %get3A_699 = arith.index_cast %get3A_697 : i32 to index
      %get3A_700 = arith.index_cast %select_n3A : i32 to index
      %get3A_701 = arith.index_cast %get3A_698 : i32 to index
      %get3A_702 = arith.index_cast %mul3A_217 : i32 to index
      %get3A_703 = tpu.vector_load %arg10[%get3A_699, %get3A_700, %get3A_701, %get3A_702] {strides = array<i32>} : memref<4x8x8x128xf32, #tpu.memory_space<vmem>>, vector<16xf32>,
      %sub3A_704 = arith.subf %get3A_703, %gather3A_692 : vector<16xf32>
      %sub3A_705 = arith.constant 0 : i32
      %sub3A_706 = arith.subi %mul3A_185, %sub3A_705 : i32
      %swap3A_707 = arith.constant 25 : i32
      %swap3A_708 = arith.index_cast %swap3A_707 : i32 to index
      %swap3A_709 = arith.index_cast %sub3A_706 : i32 to index
      %swap3A_710 = tpu.vector_load %arg11[%swap3A_708, %swap3A_709] {strides = array<i32>} : memref<32x512xf32, #tpu.memory_space<vmem>>, vector<16xf32>,
      tpu.vector_store %arg11[%swap3A_708, %swap3A_709], %sub3A_704 {strides = array<i32>} : memref<32x512xf32, #tpu.memory_space<vmem>>, vector<16xf32>,
      %gather3A_711 = tpu.vector_load_idx %arg7[%broadcast_in_dim3A_75, %get3A_218] : memref<32x1024xf32, #tpu.memory_space<vmem>>[vector<16xi32>, vector<16xi32>], vector<16xf32>,
      %swap3A_712 = arith.constant 26 : i32
      %swap3A_713 = arith.index_cast %swap3A_712 : i32 to index
      %swap3A_714 = arith.index_cast %mul3A_185 : i32 to index
      %swap3A_715 = tpu.vector_load %arg9[%swap3A_713, %swap3A_714] {strides = array<i32>} : memref<32x1024xf32, #tpu.memory_space<vmem>>, vector<16xf32>,
      tpu.vector_store %arg9[%swap3A_713, %swap3A_714], %gather3A_711 {strides = array<i32>} : memref<32x1024xf32, #tpu.memory_space<vmem>>, vector<16xf32>,
      %get3A_716 = arith.constant 3 : i32
      %get3A_717 = arith.constant 2 : i32
      %get3A_718 = arith.index_cast %get3A_716 : i32 to index
      %get3A_719 = arith.index_cast %select_n3A : i32 to index
      %get3A_720 = arith.index_cast %get3A_717 : i32 to index
      %get3A_721 = arith.index_cast %mul3A_217 : i32 to index
      %get3A_722 = tpu.vector_load %arg10[%get3A_718, %get3A_719, %get3A_720, %get3A_721] {strides = array<i32>} : memref<4x8x8x128xf32, #tpu.memory_space<vmem>>, vector<16xf32>,
      %sub3A_723 = arith.subf %get3A_722, %gather3A_711 : vector<16xf32>
      %sub3A_724 = arith.constant 0 : i32
      %sub3A_725 = arith.subi %mul3A_185, %sub3A_724 : i32
      %swap3A_726 = arith.constant 26 : i32
      %swap3A_727 = arith.index_cast %swap3A_726 : i32 to index
      %swap3A_728 = arith.index_cast %sub3A_725 : i32 to index
      %swap3A_729 = tpu.vector_load %arg11[%swap3A_727, %swap3A_728] {strides = array<i32>} : memref<32x512xf32, #tpu.memory_space<vmem>>, vector<16xf32>,
      tpu.vector_store %arg11[%swap3A_727, %swap3A_728], %sub3A_723 {strides = array<i32>} : memref<32x512xf32, #tpu.memory_space<vmem>>, vector<16xf32>,
      %gather3A_730 = tpu.vector_load_idx %arg7[%broadcast_in_dim3A_77, %get3A_218] : memref<32x1024xf32, #tpu.memory_space<vmem>>[vector<16xi32>, vector<16xi32>], vector<16xf32>,
      %swap3A_731 = arith.constant 27 : i32
      %swap3A_732 = arith.index_cast %swap3A_731 : i32 to index
      %swap3A_733 = arith.index_cast %mul3A_185 : i32 to index
      %swap3A_734 = tpu.vector_load %arg9[%swap3A_732, %swap3A_733] {strides = array<i32>} : memref<32x1024xf32, #tpu.memory_space<vmem>>, vector<16xf32>,
      tpu.vector_store %arg9[%swap3A_732, %swap3A_733], %gather3A_730 {strides = array<i32>} : memref<32x1024xf32, #tpu.memory_space<vmem>>, vector<16xf32>,
      %get3A_735 = arith.constant 3 : i32
      %get3A_736 = arith.constant 3 : i32
      %get3A_737 = arith.index_cast %get3A_735 : i32 to index
      %get3A_738 = arith.index_cast %select_n3A : i32 to index
      %get3A_739 = arith.index_cast %get3A_736 : i32 to index
      %get3A_740 = arith.index_cast %mul3A_217 : i32 to index
      %get3A_741 = tpu.vector_load %arg10[%get3A_737, %get3A_738, %get3A_739, %get3A_740] {strides = array<i32>} : memref<4x8x8x128xf32, #tpu.memory_space<vmem>>, vector<16xf32>,
      %sub3A_742 = arith.subf %get3A_741, %gather3A_730 : vector<16xf32>
      %sub3A_743 = arith.constant 0 : i32
      %sub3A_744 = arith.subi %mul3A_185, %sub3A_743 : i32
      %swap3A_745 = arith.constant 27 : i32
      %swap3A_746 = arith.index_cast %swap3A_745 : i32 to index
      %swap3A_747 = arith.index_cast %sub3A_744 : i32 to index
      %swap3A_748 = tpu.vector_load %arg11[%swap3A_746, %swap3A_747] {strides = array<i32>} : memref<32x512xf32, #tpu.memory_space<vmem>>, vector<16xf32>,
      tpu.vector_store %arg11[%swap3A_746, %swap3A_747], %sub3A_742 {strides = array<i32>} : memref<32x512xf32, #tpu.memory_space<vmem>>, vector<16xf32>,
      %gather3A_749 = tpu.vector_load_idx %arg7[%broadcast_in_dim3A_79, %get3A_218] : memref<32x1024xf32, #tpu.memory_space<vmem>>[vector<16xi32>, vector<16xi32>], vector<16xf32>,
      %swap3A_750 = arith.constant 28 : i32
      %swap3A_751 = arith.index_cast %swap3A_750 : i32 to index
      %swap3A_752 = arith.index_cast %mul3A_185 : i32 to index
      %swap3A_753 = tpu.vector_load %arg9[%swap3A_751, %swap3A_752] {strides = array<i32>} : memref<32x1024xf32, #tpu.memory_space<vmem>>, vector<16xf32>,
      tpu.vector_store %arg9[%swap3A_751, %swap3A_752], %gather3A_749 {strides = array<i32>} : memref<32x1024xf32, #tpu.memory_space<vmem>>, vector<16xf32>,
      %get3A_754 = arith.constant 3 : i32
      %get3A_755 = arith.constant 4 : i32
      %get3A_756 = arith.index_cast %get3A_754 : i32 to index
      %get3A_757 = arith.index_cast %select_n3A : i32 to index
      %get3A_758 = arith.index_cast %get3A_755 : i32 to index
      %get3A_759 = arith.index_cast %mul3A_217 : i32 to index
      %get3A_760 = tpu.vector_load %arg10[%get3A_756, %get3A_757, %get3A_758, %get3A_759] {strides = array<i32>} : memref<4x8x8x128xf32, #tpu.memory_space<vmem>>, vector<16xf32>,
      %sub3A_761 = arith.subf %get3A_760, %gather3A_749 : vector<16xf32>
      %sub3A_762 = arith.constant 0 : i32
      %sub3A_763 = arith.subi %mul3A_185, %sub3A_762 : i32
      %swap3A_764 = arith.constant 28 : i32
      %swap3A_765 = arith.index_cast %swap3A_764 : i32 to index
      %swap3A_766 = arith.index_cast %sub3A_763 : i32 to index
      %swap3A_767 = tpu.vector_load %arg11[%swap3A_765, %swap3A_766] {strides = array<i32>} : memref<32x512xf32, #tpu.memory_space<vmem>>, vector<16xf32>,
      tpu.vector_store %arg11[%swap3A_765, %swap3A_766], %sub3A_761 {strides = array<i32>} : memref<32x512xf32, #tpu.memory_space<vmem>>, vector<16xf32>,
      %gather3A_768 = tpu.vector_load_idx %arg7[%broadcast_in_dim3A_81, %get3A_218] : memref<32x1024xf32, #tpu.memory_space<vmem>>[vector<16xi32>, vector<16xi32>], vector<16xf32>,
      %swap3A_769 = arith.constant 29 : i32
      %swap3A_770 = arith.index_cast %swap3A_769 : i32 to index
      %swap3A_771 = arith.index_cast %mul3A_185 : i32 to index
      %swap3A_772 = tpu.vector_load %arg9[%swap3A_770, %swap3A_771] {strides = array<i32>} : memref<32x1024xf32, #tpu.memory_space<vmem>>, vector<16xf32>,
      tpu.vector_store %arg9[%swap3A_770, %swap3A_771], %gather3A_768 {strides = array<i32>} : memref<32x1024xf32, #tpu.memory_space<vmem>>, vector<16xf32>,
      %get3A_773 = arith.constant 3 : i32
      %get3A_774 = arith.constant 5 : i32
      %get3A_775 = arith.index_cast %get3A_773 : i32 to index
      %get3A_776 = arith.index_cast %select_n3A : i32 to index
      %get3A_777 = arith.index_cast %get3A_774 : i32 to index
      %get3A_778 = arith.index_cast %mul3A_217 : i32 to index
      %get3A_779 = tpu.vector_load %arg10[%get3A_775, %get3A_776, %get3A_777, %get3A_778] {strides = array<i32>} : memref<4x8x8x128xf32, #tpu.memory_space<vmem>>, vector<16xf32>,
      %sub3A_780 = arith.subf %get3A_779, %gather3A_768 : vector<16xf32>
      %sub3A_781 = arith.constant 0 : i32
      %sub3A_782 = arith.subi %mul3A_185, %sub3A_781 : i32
      %swap3A_783 = arith.constant 29 : i32
      %swap3A_784 = arith.index_cast %swap3A_783 : i32 to index
      %swap3A_785 = arith.index_cast %sub3A_782 : i32 to index
      %swap3A_786 = tpu.vector_load %arg11[%swap3A_784, %swap3A_785] {strides = array<i32>} : memref<32x512xf32, #tpu.memory_space<vmem>>, vector<16xf32>,
      tpu.vector_store %arg11[%swap3A_784, %swap3A_785], %sub3A_780 {strides = array<i32>} : memref<32x512xf32, #tpu.memory_space<vmem>>, vector<16xf32>,
      %gather3A_787 = tpu.vector_load_idx %arg7[%broadcast_in_dim3A_83, %get3A_218] : memref<32x1024xf32, #tpu.memory_space<vmem>>[vector<16xi32>, vector<16xi32>], vector<16xf32>,
      %swap3A_788 = arith.constant 30 : i32
      %swap3A_789 = arith.index_cast %swap3A_788 : i32 to index
      %swap3A_790 = arith.index_cast %mul3A_185 : i32 to index
      %swap3A_791 = tpu.vector_load %arg9[%swap3A_789, %swap3A_790] {strides = array<i32>} : memref<32x1024xf32, #tpu.memory_space<vmem>>, vector<16xf32>,
      tpu.vector_store %arg9[%swap3A_789, %swap3A_790], %gather3A_787 {strides = array<i32>} : memref<32x1024xf32, #tpu.memory_space<vmem>>, vector<16xf32>,
      %get3A_792 = arith.constant 3 : i32
      %get3A_793 = arith.constant 6 : i32
      %get3A_794 = arith.index_cast %get3A_792 : i32 to index
      %get3A_795 = arith.index_cast %select_n3A : i32 to index
      %get3A_796 = arith.index_cast %get3A_793 : i32 to index
      %get3A_797 = arith.index_cast %mul3A_217 : i32 to index
      %get3A_798 = tpu.vector_load %arg10[%get3A_794, %get3A_795, %get3A_796, %get3A_797] {strides = array<i32>} : memref<4x8x8x128xf32, #tpu.memory_space<vmem>>, vector<16xf32>,
      %sub3A_799 = arith.subf %get3A_798, %gather3A_787 : vector<16xf32>
      %sub3A_800 = arith.constant 0 : i32
      %sub3A_801 = arith.subi %mul3A_185, %sub3A_800 : i32
      %swap3A_802 = arith.constant 30 : i32
      %swap3A_803 = arith.index_cast %swap3A_802 : i32 to index
      %swap3A_804 = arith.index_cast %sub3A_801 : i32 to index
      %swap3A_805 = tpu.vector_load %arg11[%swap3A_803, %swap3A_804] {strides = array<i32>} : memref<32x512xf32, #tpu.memory_space<vmem>>, vector<16xf32>,
      tpu.vector_store %arg11[%swap3A_803, %swap3A_804], %sub3A_799 {strides = array<i32>} : memref<32x512xf32, #tpu.memory_space<vmem>>, vector<16xf32>,
      %gather3A_806 = tpu.vector_load_idx %arg7[%broadcast_in_dim3A_85, %get3A_218] : memref<32x1024xf32, #tpu.memory_space<vmem>>[vector<16xi32>, vector<16xi32>], vector<16xf32>,
      %swap3A_807 = arith.constant 31 : i32
      %swap3A_808 = arith.index_cast %swap3A_807 : i32 to index
      %swap3A_809 = arith.index_cast %mul3A_185 : i32 to index
      %swap3A_810 = tpu.vector_load %arg9[%swap3A_808, %swap3A_809] {strides = array<i32>} : memref<32x1024xf32, #tpu.memory_space<vmem>>, vector<16xf32>,
      tpu.vector_store %arg9[%swap3A_808, %swap3A_809], %gather3A_806 {strides = array<i32>} : memref<32x1024xf32, #tpu.memory_space<vmem>>, vector<16xf32>,
      %get3A_811 = arith.constant 3 : i32
      %get3A_812 = arith.constant 7 : i32
      %get3A_813 = arith.index_cast %get3A_811 : i32 to index
      %get3A_814 = arith.index_cast %select_n3A : i32 to index
      %get3A_815 = arith.index_cast %get3A_812 : i32 to index
      %get3A_816 = arith.index_cast %mul3A_217 : i32 to index
      %get3A_817 = tpu.vector_load %arg10[%get3A_813, %get3A_814, %get3A_815, %get3A_816] {strides = array<i32>} : memref<4x8x8x128xf32, #tpu.memory_space<vmem>>, vector<16xf32>,
      %sub3A_818 = arith.subf %get3A_817, %gather3A_806 : vector<16xf32>
      %sub3A_819 = arith.constant 0 : i32
      %sub3A_820 = arith.subi %mul3A_185, %sub3A_819 : i32
      %swap3A_821 = arith.constant 31 : i32
      %swap3A_822 = arith.index_cast %swap3A_821 : i32 to index
      %swap3A_823 = arith.index_cast %sub3A_820 : i32 to index
      %swap3A_824 = tpu.vector_load %arg11[%swap3A_822, %swap3A_823] {strides = array<i32>} : memref<32x512xf32, #tpu.memory_space<vmem>>, vector<16xf32>,
      tpu.vector_store %arg11[%swap3A_822, %swap3A_823], %sub3A_818 {strides = array<i32>} : memref<32x512xf32, #tpu.memory_space<vmem>>, vector<16xf32>,
      %scan3A_825 = arith.constant 1 : i32
      %scan3A_826 = arith.addi %scan3A_183, %scan3A_825 : i32
      %mul3A_827 = arith.constant 16 : i32
      %mul3A_828 = arith.muli %scan3A_826, %mul3A_827 : i32
      %jit3A_829 = arith.constant 8 : i32
      %div3A_830 = arith.divsi %scan3A_826, %jit3A_829 : i32
      %sign3A_831 = arith.constant 0 : i32
      %sign3A_832 = arith.cmpi sgt, %scan3A_826, %sign3A_831 : i32
      %sign3A_833 = arith.extui %sign3A_832 : i1 to i32
      %sign3A_834 = arith.constant 0 : i32
      %sign3A_835 = arith.cmpi slt, %scan3A_826, %sign3A_834 : i32
      %sign3A_836 = arith.extui %sign3A_835 : i1 to i32
      %sign3A_837 = arith.subi %sign3A_833, %sign3A_836 : i32
      %sign3A_838 = arith.constant 0 : i32
      %sign3A_839 = arith.cmpi sgt, %jit3A_829, %sign3A_838 : i32
      %sign3A_840 = arith.extui %sign3A_839 : i1 to i32
      %sign3A_841 = arith.constant 0 : i32
      %sign3A_842 = arith.cmpi slt, %jit3A_829, %sign3A_841 : i32
      %sign3A_843 = arith.extui %sign3A_842 : i1 to i32
      %sign3A_844 = arith.subi %sign3A_840, %sign3A_843 : i32
      %ne3A_845 = arith.cmpi ne, %sign3A_837, %sign3A_844 : i32
      %rem3A_846 = arith.remsi %scan3A_826, %jit3A_829 : i32
      %ne3A_847 = arith.constant 0 : i32
      %ne3A_848 = arith.cmpi ne, %rem3A_846, %ne3A_847 : i32
      %and3A_849 = arith.andi %ne3A_845, %ne3A_848 : i1
      %sub3A_850 = arith.constant 1 : i32
      %sub3A_851 = arith.subi %div3A_830, %sub3A_850 : i32
      %select_n3A_852 = arith.select %and3A_849, %sub3A_851, %div3A_830 : i32
      %jit3A_853 = arith.constant 8 : i32
      %eq3A_854 = arith.constant 0 : i32
      %eq3A_855 = arith.cmpi eq, %jit3A_853, %eq3A_854 : i32
      %jit3A_856 = arith.constant 1 : i32
      %select_n3A_857 = arith.select %eq3A_855, %jit3A_856, %jit3A_853 : i32
      %rem3A_858 = arith.remsi %scan3A_826, %select_n3A_857 : i32
      %ne3A_859 = arith.constant 0 : i32
      %ne3A_860 = arith.cmpi ne, %rem3A_858, %ne3A_859 : i32
      %lt3A_861 = arith.constant 0 : i32
      %lt3A_862 = arith.cmpi slt, %rem3A_858, %lt3A_861 : i32
      %lt3A_863 = arith.constant 0 : i32
      %lt3A_864 = arith.cmpi slt, %select_n3A_857, %lt3A_863 : i32
      %ne3A_865 = arith.xori %lt3A_862, %lt3A_864 : i1
      %and3A_866 = arith.andi %ne3A_865, %ne3A_860 : i1
      %add3A_867 = arith.addi %rem3A_858, %select_n3A_857 : i32
      %select_n3A_868 = arith.select %and3A_866, %add3A_867, %rem3A_858 : i32
      %mul3A_869 = arith.constant 16 : i32
      %mul3A_870 = arith.muli %select_n3A_868, %mul3A_869 : i32
      %get3A_871 = arith.index_cast %mul3A_828 : i32 to index
      %get3A_872 = tpu.vector_load %arg8[%get3A_871] {strides = array<i32>} : memref<1024xi32, #tpu.memory_space<vmem>>, vector<16xi32>,
      %gather3A_873 = tpu.vector_load_idx %arg7[%broadcast_in_dim3A_23, %get3A_872] : memref<32x1024xf32, #tpu.memory_space<vmem>>[vector<16xi32>, vector<16xi32>], vector<16xf32>,
      %swap3A_874 = arith.constant 0 : i32
      %swap3A_875 = arith.index_cast %swap3A_874 : i32 to index
      %swap3A_876 = arith.index_cast %mul3A_828 : i32 to index
      %swap3A_877 = tpu.vector_load %arg9[%swap3A_875, %swap3A_876] {strides = array<i32>} : memref<32x1024xf32, #tpu.memory_space<vmem>>, vector<16xf32>,
      tpu.vector_store %arg9[%swap3A_875, %swap3A_876], %gather3A_873 {strides = array<i32>} : memref<32x1024xf32, #tpu.memory_space<vmem>>, vector<16xf32>,
      %get3A_878 = arith.constant 0 : i32
      %get3A_879 = arith.constant 0 : i32
      %get3A_880 = arith.index_cast %get3A_878 : i32 to index
      %get3A_881 = arith.index_cast %select_n3A_852 : i32 to index
      %get3A_882 = arith.index_cast %get3A_879 : i32 to index
      %get3A_883 = arith.index_cast %mul3A_870 : i32 to index
      %get3A_884 = tpu.vector_load %arg10[%get3A_880, %get3A_881, %get3A_882, %get3A_883] {strides = array<i32>} : memref<4x8x8x128xf32, #tpu.memory_space<vmem>>, vector<16xf32>,
      %sub3A_885 = arith.subf %get3A_884, %gather3A_873 : vector<16xf32>
      %sub3A_886 = arith.constant 0 : i32
      %sub3A_887 = arith.subi %mul3A_828, %sub3A_886 : i32
      %swap3A_888 = arith.constant 0 : i32
      %swap3A_889 = arith.index_cast %swap3A_888 : i32 to index
      %swap3A_890 = arith.index_cast %sub3A_887 : i32 to index
      %swap3A_891 = tpu.vector_load %arg11[%swap3A_889, %swap3A_890] {strides = array<i32>} : memref<32x512xf32, #tpu.memory_space<vmem>>, vector<16xf32>,
      tpu.vector_store %arg11[%swap3A_889, %swap3A_890], %sub3A_885 {strides = array<i32>} : memref<32x512xf32, #tpu.memory_space<vmem>>, vector<16xf32>,
      %gather3A_892 = tpu.vector_load_idx %arg7[%broadcast_in_dim3A_25, %get3A_872] : memref<32x1024xf32, #tpu.memory_space<vmem>>[vector<16xi32>, vector<16xi32>], vector<16xf32>,
      %swap3A_893 = arith.constant 1 : i32
      %swap3A_894 = arith.index_cast %swap3A_893 : i32 to index
      %swap3A_895 = arith.index_cast %mul3A_828 : i32 to index
      %swap3A_896 = tpu.vector_load %arg9[%swap3A_894, %swap3A_895] {strides = array<i32>} : memref<32x1024xf32, #tpu.memory_space<vmem>>, vector<16xf32>,
      tpu.vector_store %arg9[%swap3A_894, %swap3A_895], %gather3A_892 {strides = array<i32>} : memref<32x1024xf32, #tpu.memory_space<vmem>>, vector<16xf32>,
      %get3A_897 = arith.constant 0 : i32
      %get3A_898 = arith.constant 1 : i32
      %get3A_899 = arith.index_cast %get3A_897 : i32 to index
      %get3A_900 = arith.index_cast %select_n3A_852 : i32 to index
      %get3A_901 = arith.index_cast %get3A_898 : i32 to index
      %get3A_902 = arith.index_cast %mul3A_870 : i32 to index
      %get3A_903 = tpu.vector_load %arg10[%get3A_899, %get3A_900, %get3A_901, %get3A_902] {strides = array<i32>} : memref<4x8x8x128xf32, #tpu.memory_space<vmem>>, vector<16xf32>,
      %sub3A_904 = arith.subf %get3A_903, %gather3A_892 : vector<16xf32>
      %sub3A_905 = arith.constant 0 : i32
      %sub3A_906 = arith.subi %mul3A_828, %sub3A_905 : i32
      %swap3A_907 = arith.constant 1 : i32
      %swap3A_908 = arith.index_cast %swap3A_907 : i32 to index
      %swap3A_909 = arith.index_cast %sub3A_906 : i32 to index
      %swap3A_910 = tpu.vector_load %arg11[%swap3A_908, %swap3A_909] {strides = array<i32>} : memref<32x512xf32, #tpu.memory_space<vmem>>, vector<16xf32>,
      tpu.vector_store %arg11[%swap3A_908, %swap3A_909], %sub3A_904 {strides = array<i32>} : memref<32x512xf32, #tpu.memory_space<vmem>>, vector<16xf32>,
      %gather3A_911 = tpu.vector_load_idx %arg7[%broadcast_in_dim3A_27, %get3A_872] : memref<32x1024xf32, #tpu.memory_space<vmem>>[vector<16xi32>, vector<16xi32>], vector<16xf32>,
      %swap3A_912 = arith.constant 2 : i32
      %swap3A_913 = arith.index_cast %swap3A_912 : i32 to index
      %swap3A_914 = arith.index_cast %mul3A_828 : i32 to index
      %swap3A_915 = tpu.vector_load %arg9[%swap3A_913, %swap3A_914] {strides = array<i32>} : memref<32x1024xf32, #tpu.memory_space<vmem>>, vector<16xf32>,
      tpu.vector_store %arg9[%swap3A_913, %swap3A_914], %gather3A_911 {strides = array<i32>} : memref<32x1024xf32, #tpu.memory_space<vmem>>, vector<16xf32>,
      %get3A_916 = arith.constant 0 : i32
      %get3A_917 = arith.constant 2 : i32
      %get3A_918 = arith.index_cast %get3A_916 : i32 to index
      %get3A_919 = arith.index_cast %select_n3A_852 : i32 to index
      %get3A_920 = arith.index_cast %get3A_917 : i32 to index
      %get3A_921 = arith.index_cast %mul3A_870 : i32 to index
      %get3A_922 = tpu.vector_load %arg10[%get3A_918, %get3A_919, %get3A_920, %get3A_921] {strides = array<i32>} : memref<4x8x8x128xf32, #tpu.memory_space<vmem>>, vector<16xf32>,
      %sub3A_923 = arith.subf %get3A_922, %gather3A_911 : vector<16xf32>
      %sub3A_924 = arith.constant 0 : i32
      %sub3A_925 = arith.subi %mul3A_828, %sub3A_924 : i32
      %swap3A_926 = arith.constant 2 : i32
      %swap3A_927 = arith.index_cast %swap3A_926 : i32 to index
      %swap3A_928 = arith.index_cast %sub3A_925 : i32 to index
      %swap3A_929 = tpu.vector_load %arg11[%swap3A_927, %swap3A_928] {strides = array<i32>} : memref<32x512xf32, #tpu.memory_space<vmem>>, vector<16xf32>,
      tpu.vector_store %arg11[%swap3A_927, %swap3A_928], %sub3A_923 {strides = array<i32>} : memref<32x512xf32, #tpu.memory_space<vmem>>, vector<16xf32>,
      %gather3A_930 = tpu.vector_load_idx %arg7[%broadcast_in_dim3A_29, %get3A_872] : memref<32x1024xf32, #tpu.memory_space<vmem>>[vector<16xi32>, vector<16xi32>], vector<16xf32>,
      %swap3A_931 = arith.constant 3 : i32
      %swap3A_932 = arith.index_cast %swap3A_931 : i32 to index
      %swap3A_933 = arith.index_cast %mul3A_828 : i32 to index
      %swap3A_934 = tpu.vector_load %arg9[%swap3A_932, %swap3A_933] {strides = array<i32>} : memref<32x1024xf32, #tpu.memory_space<vmem>>, vector<16xf32>,
      tpu.vector_store %arg9[%swap3A_932, %swap3A_933], %gather3A_930 {strides = array<i32>} : memref<32x1024xf32, #tpu.memory_space<vmem>>, vector<16xf32>,
      %get3A_935 = arith.constant 0 : i32
      %get3A_936 = arith.constant 3 : i32
      %get3A_937 = arith.index_cast %get3A_935 : i32 to index
      %get3A_938 = arith.index_cast %select_n3A_852 : i32 to index
      %get3A_939 = arith.index_cast %get3A_936 : i32 to index
      %get3A_940 = arith.index_cast %mul3A_870 : i32 to index
      %get3A_941 = tpu.vector_load %arg10[%get3A_937, %get3A_938, %get3A_939, %get3A_940] {strides = array<i32>} : memref<4x8x8x128xf32, #tpu.memory_space<vmem>>, vector<16xf32>,
      %sub3A_942 = arith.subf %get3A_941, %gather3A_930 : vector<16xf32>
      %sub3A_943 = arith.constant 0 : i32
      %sub3A_944 = arith.subi %mul3A_828, %sub3A_943 : i32
      %swap3A_945 = arith.constant 3 : i32
      %swap3A_946 = arith.index_cast %swap3A_945 : i32 to index
      %swap3A_947 = arith.index_cast %sub3A_944 : i32 to index
      %swap3A_948 = tpu.vector_load %arg11[%swap3A_946, %swap3A_947] {strides = array<i32>} : memref<32x512xf32, #tpu.memory_space<vmem>>, vector<16xf32>,
      tpu.vector_store %arg11[%swap3A_946, %swap3A_947], %sub3A_942 {strides = array<i32>} : memref<32x512xf32, #tpu.memory_space<vmem>>, vector<16xf32>,
      %gather3A_949 = tpu.vector_load_idx %arg7[%broadcast_in_dim3A_31, %get3A_872] : memref<32x1024xf32, #tpu.memory_space<vmem>>[vector<16xi32>, vector<16xi32>], vector<16xf32>,
      %swap3A_950 = arith.constant 4 : i32
      %swap3A_951 = arith.index_cast %swap3A_950 : i32 to index
      %swap3A_952 = arith.index_cast %mul3A_828 : i32 to index
      %swap3A_953 = tpu.vector_load %arg9[%swap3A_951, %swap3A_952] {strides = array<i32>} : memref<32x1024xf32, #tpu.memory_space<vmem>>, vector<16xf32>,
      tpu.vector_store %arg9[%swap3A_951, %swap3A_952], %gather3A_949 {strides = array<i32>} : memref<32x1024xf32, #tpu.memory_space<vmem>>, vector<16xf32>,
      %get3A_954 = arith.constant 0 : i32
      %get3A_955 = arith.constant 4 : i32
      %get3A_956 = arith.index_cast %get3A_954 : i32 to index
      %get3A_957 = arith.index_cast %select_n3A_852 : i32 to index
      %get3A_958 = arith.index_cast %get3A_955 : i32 to index
      %get3A_959 = arith.index_cast %mul3A_870 : i32 to index
      %get3A_960 = tpu.vector_load %arg10[%get3A_956, %get3A_957, %get3A_958, %get3A_959] {strides = array<i32>} : memref<4x8x8x128xf32, #tpu.memory_space<vmem>>, vector<16xf32>,
      %sub3A_961 = arith.subf %get3A_960, %gather3A_949 : vector<16xf32>
      %sub3A_962 = arith.constant 0 : i32
      %sub3A_963 = arith.subi %mul3A_828, %sub3A_962 : i32
      %swap3A_964 = arith.constant 4 : i32
      %swap3A_965 = arith.index_cast %swap3A_964 : i32 to index
      %swap3A_966 = arith.index_cast %sub3A_963 : i32 to index
      %swap3A_967 = tpu.vector_load %arg11[%swap3A_965, %swap3A_966] {strides = array<i32>} : memref<32x512xf32, #tpu.memory_space<vmem>>, vector<16xf32>,
      tpu.vector_store %arg11[%swap3A_965, %swap3A_966], %sub3A_961 {strides = array<i32>} : memref<32x512xf32, #tpu.memory_space<vmem>>, vector<16xf32>,
      %gather3A_968 = tpu.vector_load_idx %arg7[%broadcast_in_dim3A_33, %get3A_872] : memref<32x1024xf32, #tpu.memory_space<vmem>>[vector<16xi32>, vector<16xi32>], vector<16xf32>,
      %swap3A_969 = arith.constant 5 : i32
      %swap3A_970 = arith.index_cast %swap3A_969 : i32 to index
      %swap3A_971 = arith.index_cast %mul3A_828 : i32 to index
      %swap3A_972 = tpu.vector_load %arg9[%swap3A_970, %swap3A_971] {strides = array<i32>} : memref<32x1024xf32, #tpu.memory_space<vmem>>, vector<16xf32>,
      tpu.vector_store %arg9[%swap3A_970, %swap3A_971], %gather3A_968 {strides = array<i32>} : memref<32x1024xf32, #tpu.memory_space<vmem>>, vector<16xf32>,
      %get3A_973 = arith.constant 0 : i32
      %get3A_974 = arith.constant 5 : i32
      %get3A_975 = arith.index_cast %get3A_973 : i32 to index
      %get3A_976 = arith.index_cast %select_n3A_852 : i32 to index
      %get3A_977 = arith.index_cast %get3A_974 : i32 to index
      %get3A_978 = arith.index_cast %mul3A_870 : i32 to index
      %get3A_979 = tpu.vector_load %arg10[%get3A_975, %get3A_976, %get3A_977, %get3A_978] {strides = array<i32>} : memref<4x8x8x128xf32, #tpu.memory_space<vmem>>, vector<16xf32>,
      %sub3A_980 = arith.subf %get3A_979, %gather3A_968 : vector<16xf32>
      %sub3A_981 = arith.constant 0 : i32
      %sub3A_982 = arith.subi %mul3A_828, %sub3A_981 : i32
      %swap3A_983 = arith.constant 5 : i32
      %swap3A_984 = arith.index_cast %swap3A_983 : i32 to index
      %swap3A_985 = arith.index_cast %sub3A_982 : i32 to index
      %swap3A_986 = tpu.vector_load %arg11[%swap3A_984, %swap3A_985] {strides = array<i32>} : memref<32x512xf32, #tpu.memory_space<vmem>>, vector<16xf32>,
      tpu.vector_store %arg11[%swap3A_984, %swap3A_985], %sub3A_980 {strides = array<i32>} : memref<32x512xf32, #tpu.memory_space<vmem>>, vector<16xf32>,
      %gather3A_987 = tpu.vector_load_idx %arg7[%broadcast_in_dim3A_35, %get3A_872] : memref<32x1024xf32, #tpu.memory_space<vmem>>[vector<16xi32>, vector<16xi32>], vector<16xf32>,
      %swap3A_988 = arith.constant 6 : i32
      %swap3A_989 = arith.index_cast %swap3A_988 : i32 to index
      %swap3A_990 = arith.index_cast %mul3A_828 : i32 to index
      %swap3A_991 = tpu.vector_load %arg9[%swap3A_989, %swap3A_990] {strides = array<i32>} : memref<32x1024xf32, #tpu.memory_space<vmem>>, vector<16xf32>,
      tpu.vector_store %arg9[%swap3A_989, %swap3A_990], %gather3A_987 {strides = array<i32>} : memref<32x1024xf32, #tpu.memory_space<vmem>>, vector<16xf32>,
      %get3A_992 = arith.constant 0 : i32
      %get3A_993 = arith.constant 6 : i32
      %get3A_994 = arith.index_cast %get3A_992 : i32 to index
      %get3A_995 = arith.index_cast %select_n3A_852 : i32 to index
      %get3A_996 = arith.index_cast %get3A_993 : i32 to index
      %get3A_997 = arith.index_cast %mul3A_870 : i32 to index
      %get3A_998 = tpu.vector_load %arg10[%get3A_994, %get3A_995, %get3A_996, %get3A_997] {strides = array<i32>} : memref<4x8x8x128xf32, #tpu.memory_space<vmem>>, vector<16xf32>,
      %sub3A_999 = arith.subf %get3A_998, %gather3A_987 : vector<16xf32>
      %sub3A_1000 = arith.constant 0 : i32
      %sub3A_1001 = arith.subi %mul3A_828, %sub3A_1000 : i32
      %swap3A_1002 = arith.constant 6 : i32
      %swap3A_1003 = arith.index_cast %swap3A_1002 : i32 to index
      %swap3A_1004 = arith.index_cast %sub3A_1001 : i32 to index
      %swap3A_1005 = tpu.vector_load %arg11[%swap3A_1003, %swap3A_1004] {strides = array<i32>} : memref<32x512xf32, #tpu.memory_space<vmem>>, vector<16xf32>,
      tpu.vector_store %arg11[%swap3A_1003, %swap3A_1004], %sub3A_999 {strides = array<i32>} : memref<32x512xf32, #tpu.memory_space<vmem>>, vector<16xf32>,
      %gather3A_1006 = tpu.vector_load_idx %arg7[%broadcast_in_dim3A_37, %get3A_872] : memref<32x1024xf32, #tpu.memory_space<vmem>>[vector<16xi32>, vector<16xi32>], vector<16xf32>,
      %swap3A_1007 = arith.constant 7 : i32
      %swap3A_1008 = arith.index_cast %swap3A_1007 : i32 to index
      %swap3A_1009 = arith.index_cast %mul3A_828 : i32 to index
      %swap3A_1010 = tpu.vector_load %arg9[%swap3A_1008, %swap3A_1009] {strides = array<i32>} : memref<32x1024xf32, #tpu.memory_space<vmem>>, vector<16xf32>,
      tpu.vector_store %arg9[%swap3A_1008, %swap3A_1009], %gather3A_1006 {strides = array<i32>} : memref<32x1024xf32, #tpu.memory_space<vmem>>, vector<16xf32>,
      %get3A_1011 = arith.constant 0 : i32
      %get3A_1012 = arith.constant 7 : i32
      %get3A_1013 = arith.index_cast %get3A_1011 : i32 to index
      %get3A_1014 = arith.index_cast %select_n3A_852 : i32 to index
      %get3A_1015 = arith.index_cast %get3A_1012 : i32 to index
      %get3A_1016 = arith.index_cast %mul3A_870 : i32 to index
      %get3A_1017 = tpu.vector_load %arg10[%get3A_1013, %get3A_1014, %get3A_1015, %get3A_1016] {strides = array<i32>} : memref<4x8x8x128xf32, #tpu.memory_space<vmem>>, vector<16xf32>,
      %sub3A_1018 = arith.subf %get3A_1017, %gather3A_1006 : vector<16xf32>
      %sub3A_1019 = arith.constant 0 : i32
      %sub3A_1020 = arith.subi %mul3A_828, %sub3A_1019 : i32
      %swap3A_1021 = arith.constant 7 : i32
      %swap3A_1022 = arith.index_cast %swap3A_1021 : i32 to index
      %swap3A_1023 = arith.index_cast %sub3A_1020 : i32 to index
      %swap3A_1024 = tpu.vector_load %arg11[%swap3A_1022, %swap3A_1023] {strides = array<i32>} : memref<32x512xf32, #tpu.memory_space<vmem>>, vector<16xf32>,
      tpu.vector_store %arg11[%swap3A_1022, %swap3A_1023], %sub3A_1018 {strides = array<i32>} : memref<32x512xf32, #tpu.memory_space<vmem>>, vector<16xf32>,
      %gather3A_1025 = tpu.vector_load_idx %arg7[%broadcast_in_dim3A_39, %get3A_872] : memref<32x1024xf32, #tpu.memory_space<vmem>>[vector<16xi32>, vector<16xi32>], vector<16xf32>,
      %swap3A_1026 = arith.constant 8 : i32
      %swap3A_1027 = arith.index_cast %swap3A_1026 : i32 to index
      %swap3A_1028 = arith.index_cast %mul3A_828 : i32 to index
      %swap3A_1029 = tpu.vector_load %arg9[%swap3A_1027, %swap3A_1028] {strides = array<i32>} : memref<32x1024xf32, #tpu.memory_space<vmem>>, vector<16xf32>,
      tpu.vector_store %arg9[%swap3A_1027, %swap3A_1028], %gather3A_1025 {strides = array<i32>} : memref<32x1024xf32, #tpu.memory_space<vmem>>, vector<16xf32>,
      %get3A_1030 = arith.constant 1 : i32
      %get3A_1031 = arith.constant 0 : i32
      %get3A_1032 = arith.index_cast %get3A_1030 : i32 to index
      %get3A_1033 = arith.index_cast %select_n3A_852 : i32 to index
      %get3A_1034 = arith.index_cast %get3A_1031 : i32 to index
      %get3A_1035 = arith.index_cast %mul3A_870 : i32 to index
      %get3A_1036 = tpu.vector_load %arg10[%get3A_1032, %get3A_1033, %get3A_1034, %get3A_1035] {strides = array<i32>} : memref<4x8x8x128xf32, #tpu.memory_space<vmem>>, vector<16xf32>,
      %sub3A_1037 = arith.subf %get3A_1036, %gather3A_1025 : vector<16xf32>
      %sub3A_1038 = arith.constant 0 : i32
      %sub3A_1039 = arith.subi %mul3A_828, %sub3A_1038 : i32
      %swap3A_1040 = arith.constant 8 : i32
      %swap3A_1041 = arith.index_cast %swap3A_1040 : i32 to index
      %swap3A_1042 = arith.index_cast %sub3A_1039 : i32 to index
      %swap3A_1043 = tpu.vector_load %arg11[%swap3A_1041, %swap3A_1042] {strides = array<i32>} : memref<32x512xf32, #tpu.memory_space<vmem>>, vector<16xf32>,
      tpu.vector_store %arg11[%swap3A_1041, %swap3A_1042], %sub3A_1037 {strides = array<i32>} : memref<32x512xf32, #tpu.memory_space<vmem>>, vector<16xf32>,
      %gather3A_1044 = tpu.vector_load_idx %arg7[%broadcast_in_dim3A_41, %get3A_872] : memref<32x1024xf32, #tpu.memory_space<vmem>>[vector<16xi32>, vector<16xi32>], vector<16xf32>,
      %swap3A_1045 = arith.constant 9 : i32
      %swap3A_1046 = arith.index_cast %swap3A_1045 : i32 to index
      %swap3A_1047 = arith.index_cast %mul3A_828 : i32 to index
      %swap3A_1048 = tpu.vector_load %arg9[%swap3A_1046, %swap3A_1047] {strides = array<i32>} : memref<32x1024xf32, #tpu.memory_space<vmem>>, vector<16xf32>,
      tpu.vector_store %arg9[%swap3A_1046, %swap3A_1047], %gather3A_1044 {strides = array<i32>} : memref<32x1024xf32, #tpu.memory_space<vmem>>, vector<16xf32>,
      %get3A_1049 = arith.constant 1 : i32
      %get3A_1050 = arith.constant 1 : i32
      %get3A_1051 = arith.index_cast %get3A_1049 : i32 to index
      %get3A_1052 = arith.index_cast %select_n3A_852 : i32 to index
      %get3A_1053 = arith.index_cast %get3A_1050 : i32 to index
      %get3A_1054 = arith.index_cast %mul3A_870 : i32 to index
      %get3A_1055 = tpu.vector_load %arg10[%get3A_1051, %get3A_1052, %get3A_1053, %get3A_1054] {strides = array<i32>} : memref<4x8x8x128xf32, #tpu.memory_space<vmem>>, vector<16xf32>,
      %sub3A_1056 = arith.subf %get3A_1055, %gather3A_1044 : vector<16xf32>
      %sub3A_1057 = arith.constant 0 : i32
      %sub3A_1058 = arith.subi %mul3A_828, %sub3A_1057 : i32
      %swap3A_1059 = arith.constant 9 : i32
      %swap3A_1060 = arith.index_cast %swap3A_1059 : i32 to index
      %swap3A_1061 = arith.index_cast %sub3A_1058 : i32 to index
      %swap3A_1062 = tpu.vector_load %arg11[%swap3A_1060, %swap3A_1061] {strides = array<i32>} : memref<32x512xf32, #tpu.memory_space<vmem>>, vector<16xf32>,
      tpu.vector_store %arg11[%swap3A_1060, %swap3A_1061], %sub3A_1056 {strides = array<i32>} : memref<32x512xf32, #tpu.memory_space<vmem>>, vector<16xf32>,
      %gather3A_1063 = tpu.vector_load_idx %arg7[%broadcast_in_dim3A_43, %get3A_872] : memref<32x1024xf32, #tpu.memory_space<vmem>>[vector<16xi32>, vector<16xi32>], vector<16xf32>,
      %swap3A_1064 = arith.constant 10 : i32
      %swap3A_1065 = arith.index_cast %swap3A_1064 : i32 to index
      %swap3A_1066 = arith.index_cast %mul3A_828 : i32 to index
      %swap3A_1067 = tpu.vector_load %arg9[%swap3A_1065, %swap3A_1066] {strides = array<i32>} : memref<32x1024xf32, #tpu.memory_space<vmem>>, vector<16xf32>,
      tpu.vector_store %arg9[%swap3A_1065, %swap3A_1066], %gather3A_1063 {strides = array<i32>} : memref<32x1024xf32, #tpu.memory_space<vmem>>, vector<16xf32>,
      %get3A_1068 = arith.constant 1 : i32
      %get3A_1069 = arith.constant 2 : i32
      %get3A_1070 = arith.index_cast %get3A_1068 : i32 to index
      %get3A_1071 = arith.index_cast %select_n3A_852 : i32 to index
      %get3A_1072 = arith.index_cast %get3A_1069 : i32 to index
      %get3A_1073 = arith.index_cast %mul3A_870 : i32 to index
      %get3A_1074 = tpu.vector_load %arg10[%get3A_1070, %get3A_1071, %get3A_1072, %get3A_1073] {strides = array<i32>} : memref<4x8x8x128xf32, #tpu.memory_space<vmem>>, vector<16xf32>,
      %sub3A_1075 = arith.subf %get3A_1074, %gather3A_1063 : vector<16xf32>
      %sub3A_1076 = arith.constant 0 : i32
      %sub3A_1077 = arith.subi %mul3A_828, %sub3A_1076 : i32
      %swap3A_1078 = arith.constant 10 : i32
      %swap3A_1079 = arith.index_cast %swap3A_1078 : i32 to index
      %swap3A_1080 = arith.index_cast %sub3A_1077 : i32 to index
      %swap3A_1081 = tpu.vector_load %arg11[%swap3A_1079, %swap3A_1080] {strides = array<i32>} : memref<32x512xf32, #tpu.memory_space<vmem>>, vector<16xf32>,
      tpu.vector_store %arg11[%swap3A_1079, %swap3A_1080], %sub3A_1075 {strides = array<i32>} : memref<32x512xf32, #tpu.memory_space<vmem>>, vector<16xf32>,
      %gather3A_1082 = tpu.vector_load_idx %arg7[%broadcast_in_dim3A_45, %get3A_872] : memref<32x1024xf32, #tpu.memory_space<vmem>>[vector<16xi32>, vector<16xi32>], vector<16xf32>,
      %swap3A_1083 = arith.constant 11 : i32
      %swap3A_1084 = arith.index_cast %swap3A_1083 : i32 to index
      %swap3A_1085 = arith.index_cast %mul3A_828 : i32 to index
      %swap3A_1086 = tpu.vector_load %arg9[%swap3A_1084, %swap3A_1085] {strides = array<i32>} : memref<32x1024xf32, #tpu.memory_space<vmem>>, vector<16xf32>,
      tpu.vector_store %arg9[%swap3A_1084, %swap3A_1085], %gather3A_1082 {strides = array<i32>} : memref<32x1024xf32, #tpu.memory_space<vmem>>, vector<16xf32>,
      %get3A_1087 = arith.constant 1 : i32
      %get3A_1088 = arith.constant 3 : i32
      %get3A_1089 = arith.index_cast %get3A_1087 : i32 to index
      %get3A_1090 = arith.index_cast %select_n3A_852 : i32 to index
      %get3A_1091 = arith.index_cast %get3A_1088 : i32 to index
      %get3A_1092 = arith.index_cast %mul3A_870 : i32 to index
      %get3A_1093 = tpu.vector_load %arg10[%get3A_1089, %get3A_1090, %get3A_1091, %get3A_1092] {strides = array<i32>} : memref<4x8x8x128xf32, #tpu.memory_space<vmem>>, vector<16xf32>,
      %sub3A_1094 = arith.subf %get3A_1093, %gather3A_1082 : vector<16xf32>
      %sub3A_1095 = arith.constant 0 : i32
      %sub3A_1096 = arith.subi %mul3A_828, %sub3A_1095 : i32
      %swap3A_1097 = arith.constant 11 : i32
      %swap3A_1098 = arith.index_cast %swap3A_1097 : i32 to index
      %swap3A_1099 = arith.index_cast %sub3A_1096 : i32 to index
      %swap3A_1100 = tpu.vector_load %arg11[%swap3A_1098, %swap3A_1099] {strides = array<i32>} : memref<32x512xf32, #tpu.memory_space<vmem>>, vector<16xf32>,
      tpu.vector_store %arg11[%swap3A_1098, %swap3A_1099], %sub3A_1094 {strides = array<i32>} : memref<32x512xf32, #tpu.memory_space<vmem>>, vector<16xf32>,
      %gather3A_1101 = tpu.vector_load_idx %arg7[%broadcast_in_dim3A_47, %get3A_872] : memref<32x1024xf32, #tpu.memory_space<vmem>>[vector<16xi32>, vector<16xi32>], vector<16xf32>,
      %swap3A_1102 = arith.constant 12 : i32
      %swap3A_1103 = arith.index_cast %swap3A_1102 : i32 to index
      %swap3A_1104 = arith.index_cast %mul3A_828 : i32 to index
      %swap3A_1105 = tpu.vector_load %arg9[%swap3A_1103, %swap3A_1104] {strides = array<i32>} : memref<32x1024xf32, #tpu.memory_space<vmem>>, vector<16xf32>,
      tpu.vector_store %arg9[%swap3A_1103, %swap3A_1104], %gather3A_1101 {strides = array<i32>} : memref<32x1024xf32, #tpu.memory_space<vmem>>, vector<16xf32>,
      %get3A_1106 = arith.constant 1 : i32
      %get3A_1107 = arith.constant 4 : i32
      %get3A_1108 = arith.index_cast %get3A_1106 : i32 to index
      %get3A_1109 = arith.index_cast %select_n3A_852 : i32 to index
      %get3A_1110 = arith.index_cast %get3A_1107 : i32 to index
      %get3A_1111 = arith.index_cast %mul3A_870 : i32 to index
      %get3A_1112 = tpu.vector_load %arg10[%get3A_1108, %get3A_1109, %get3A_1110, %get3A_1111] {strides = array<i32>} : memref<4x8x8x128xf32, #tpu.memory_space<vmem>>, vector<16xf32>,
      %sub3A_1113 = arith.subf %get3A_1112, %gather3A_1101 : vector<16xf32>
      %sub3A_1114 = arith.constant 0 : i32
      %sub3A_1115 = arith.subi %mul3A_828, %sub3A_1114 : i32
      %swap3A_1116 = arith.constant 12 : i32
      %swap3A_1117 = arith.index_cast %swap3A_1116 : i32 to index
      %swap3A_1118 = arith.index_cast %sub3A_1115 : i32 to index
      %swap3A_1119 = tpu.vector_load %arg11[%swap3A_1117, %swap3A_1118] {strides = array<i32>} : memref<32x512xf32, #tpu.memory_space<vmem>>, vector<16xf32>,
      tpu.vector_store %arg11[%swap3A_1117, %swap3A_1118], %sub3A_1113 {strides = array<i32>} : memref<32x512xf32, #tpu.memory_space<vmem>>, vector<16xf32>,
      %gather3A_1120 = tpu.vector_load_idx %arg7[%broadcast_in_dim3A_49, %get3A_872] : memref<32x1024xf32, #tpu.memory_space<vmem>>[vector<16xi32>, vector<16xi32>], vector<16xf32>,
      %swap3A_1121 = arith.constant 13 : i32
      %swap3A_1122 = arith.index_cast %swap3A_1121 : i32 to index
      %swap3A_1123 = arith.index_cast %mul3A_828 : i32 to index
      %swap3A_1124 = tpu.vector_load %arg9[%swap3A_1122, %swap3A_1123] {strides = array<i32>} : memref<32x1024xf32, #tpu.memory_space<vmem>>, vector<16xf32>,
      tpu.vector_store %arg9[%swap3A_1122, %swap3A_1123], %gather3A_1120 {strides = array<i32>} : memref<32x1024xf32, #tpu.memory_space<vmem>>, vector<16xf32>,
      %get3A_1125 = arith.constant 1 : i32
      %get3A_1126 = arith.constant 5 : i32
      %get3A_1127 = arith.index_cast %get3A_1125 : i32 to index
      %get3A_1128 = arith.index_cast %select_n3A_852 : i32 to index
      %get3A_1129 = arith.index_cast %get3A_1126 : i32 to index
      %get3A_1130 = arith.index_cast %mul3A_870 : i32 to index
      %get3A_1131 = tpu.vector_load %arg10[%get3A_1127, %get3A_1128, %get3A_1129, %get3A_1130] {strides = array<i32>} : memref<4x8x8x128xf32, #tpu.memory_space<vmem>>, vector<16xf32>,
      %sub3A_1132 = arith.subf %get3A_1131, %gather3A_1120 : vector<16xf32>
      %sub3A_1133 = arith.constant 0 : i32
      %sub3A_1134 = arith.subi %mul3A_828, %sub3A_1133 : i32
      %swap3A_1135 = arith.constant 13 : i32
      %swap3A_1136 = arith.index_cast %swap3A_1135 : i32 to index
      %swap3A_1137 = arith.index_cast %sub3A_1134 : i32 to index
      %swap3A_1138 = tpu.vector_load %arg11[%swap3A_1136, %swap3A_1137] {strides = array<i32>} : memref<32x512xf32, #tpu.memory_space<vmem>>, vector<16xf32>,
      tpu.vector_store %arg11[%swap3A_1136, %swap3A_1137], %sub3A_1132 {strides = array<i32>} : memref<32x512xf32, #tpu.memory_space<vmem>>, vector<16xf32>,
      %gather3A_1139 = tpu.vector_load_idx %arg7[%broadcast_in_dim3A_51, %get3A_872] : memref<32x1024xf32, #tpu.memory_space<vmem>>[vector<16xi32>, vector<16xi32>], vector<16xf32>,
      %swap3A_1140 = arith.constant 14 : i32
      %swap3A_1141 = arith.index_cast %swap3A_1140 : i32 to index
      %swap3A_1142 = arith.index_cast %mul3A_828 : i32 to index
      %swap3A_1143 = tpu.vector_load %arg9[%swap3A_1141, %swap3A_1142] {strides = array<i32>} : memref<32x1024xf32, #tpu.memory_space<vmem>>, vector<16xf32>,
      tpu.vector_store %arg9[%swap3A_1141, %swap3A_1142], %gather3A_1139 {strides = array<i32>} : memref<32x1024xf32, #tpu.memory_space<vmem>>, vector<16xf32>,
      %get3A_1144 = arith.constant 1 : i32
      %get3A_1145 = arith.constant 6 : i32
      %get3A_1146 = arith.index_cast %get3A_1144 : i32 to index
      %get3A_1147 = arith.index_cast %select_n3A_852 : i32 to index
      %get3A_1148 = arith.index_cast %get3A_1145 : i32 to index
      %get3A_1149 = arith.index_cast %mul3A_870 : i32 to index
      %get3A_1150 = tpu.vector_load %arg10[%get3A_1146, %get3A_1147, %get3A_1148, %get3A_1149] {strides = array<i32>} : memref<4x8x8x128xf32, #tpu.memory_space<vmem>>, vector<16xf32>,
      %sub3A_1151 = arith.subf %get3A_1150, %gather3A_1139 : vector<16xf32>
      %sub3A_1152 = arith.constant 0 : i32
      %sub3A_1153 = arith.subi %mul3A_828, %sub3A_1152 : i32
      %swap3A_1154 = arith.constant 14 : i32
      %swap3A_1155 = arith.index_cast %swap3A_1154 : i32 to index
      %swap3A_1156 = arith.index_cast %sub3A_1153 : i32 to index
      %swap3A_1157 = tpu.vector_load %arg11[%swap3A_1155, %swap3A_1156] {strides = array<i32>} : memref<32x512xf32, #tpu.memory_space<vmem>>, vector<16xf32>,
      tpu.vector_store %arg11[%swap3A_1155, %swap3A_1156], %sub3A_1151 {strides = array<i32>} : memref<32x512xf32, #tpu.memory_space<vmem>>, vector<16xf32>,
      %gather3A_1158 = tpu.vector_load_idx %arg7[%broadcast_in_dim3A_53, %get3A_872] : memref<32x1024xf32, #tpu.memory_space<vmem>>[vector<16xi32>, vector<16xi32>], vector<16xf32>,
      %swap3A_1159 = arith.constant 15 : i32
      %swap3A_1160 = arith.index_cast %swap3A_1159 : i32 to index
      %swap3A_1161 = arith.index_cast %mul3A_828 : i32 to index
      %swap3A_1162 = tpu.vector_load %arg9[%swap3A_1160, %swap3A_1161] {strides = array<i32>} : memref<32x1024xf32, #tpu.memory_space<vmem>>, vector<16xf32>,
      tpu.vector_store %arg9[%swap3A_1160, %swap3A_1161], %gather3A_1158 {strides = array<i32>} : memref<32x1024xf32, #tpu.memory_space<vmem>>, vector<16xf32>,
      %get3A_1163 = arith.constant 1 : i32
      %get3A_1164 = arith.constant 7 : i32
      %get3A_1165 = arith.index_cast %get3A_1163 : i32 to index
      %get3A_1166 = arith.index_cast %select_n3A_852 : i32 to index
      %get3A_1167 = arith.index_cast %get3A_1164 : i32 to index
      %get3A_1168 = arith.index_cast %mul3A_870 : i32 to index
      %get3A_1169 = tpu.vector_load %arg10[%get3A_1165, %get3A_1166, %get3A_1167, %get3A_1168] {strides = array<i32>} : memref<4x8x8x128xf32, #tpu.memory_space<vmem>>, vector<16xf32>,
      %sub3A_1170 = arith.subf %get3A_1169, %gather3A_1158 : vector<16xf32>
      %sub3A_1171 = arith.constant 0 : i32
      %sub3A_1172 = arith.subi %mul3A_828, %sub3A_1171 : i32
      %swap3A_1173 = arith.constant 15 : i32
      %swap3A_1174 = arith.index_cast %swap3A_1173 : i32 to index
      %swap3A_1175 = arith.index_cast %sub3A_1172 : i32 to index
      %swap3A_1176 = tpu.vector_load %arg11[%swap3A_1174, %swap3A_1175] {strides = array<i32>} : memref<32x512xf32, #tpu.memory_space<vmem>>, vector<16xf32>,
      tpu.vector_store %arg11[%swap3A_1174, %swap3A_1175], %sub3A_1170 {strides = array<i32>} : memref<32x512xf32, #tpu.memory_space<vmem>>, vector<16xf32>,
      %gather3A_1177 = tpu.vector_load_idx %arg7[%broadcast_in_dim3A_55, %get3A_872] : memref<32x1024xf32, #tpu.memory_space<vmem>>[vector<16xi32>, vector<16xi32>], vector<16xf32>,
      %swap3A_1178 = arith.constant 16 : i32
      %swap3A_1179 = arith.index_cast %swap3A_1178 : i32 to index
      %swap3A_1180 = arith.index_cast %mul3A_828 : i32 to index
      %swap3A_1181 = tpu.vector_load %arg9[%swap3A_1179, %swap3A_1180] {strides = array<i32>} : memref<32x1024xf32, #tpu.memory_space<vmem>>, vector<16xf32>,
      tpu.vector_store %arg9[%swap3A_1179, %swap3A_1180], %gather3A_1177 {strides = array<i32>} : memref<32x1024xf32, #tpu.memory_space<vmem>>, vector<16xf32>,
      %get3A_1182 = arith.constant 2 : i32
      %get3A_1183 = arith.constant 0 : i32
      %get3A_1184 = arith.index_cast %get3A_1182 : i32 to index
      %get3A_1185 = arith.index_cast %select_n3A_852 : i32 to index
      %get3A_1186 = arith.index_cast %get3A_1183 : i32 to index
      %get3A_1187 = arith.index_cast %mul3A_870 : i32 to index
      %get3A_1188 = tpu.vector_load %arg10[%get3A_1184, %get3A_1185, %get3A_1186, %get3A_1187] {strides = array<i32>} : memref<4x8x8x128xf32, #tpu.memory_space<vmem>>, vector<16xf32>,
      %sub3A_1189 = arith.subf %get3A_1188, %gather3A_1177 : vector<16xf32>
      %sub3A_1190 = arith.constant 0 : i32
      %sub3A_1191 = arith.subi %mul3A_828, %sub3A_1190 : i32
      %swap3A_1192 = arith.constant 16 : i32
      %swap3A_1193 = arith.index_cast %swap3A_1192 : i32 to index
      %swap3A_1194 = arith.index_cast %sub3A_1191 : i32 to index
      %swap3A_1195 = tpu.vector_load %arg11[%swap3A_1193, %swap3A_1194] {strides = array<i32>} : memref<32x512xf32, #tpu.memory_space<vmem>>, vector<16xf32>,
      tpu.vector_store %arg11[%swap3A_1193, %swap3A_1194], %sub3A_1189 {strides = array<i32>} : memref<32x512xf32, #tpu.memory_space<vmem>>, vector<16xf32>,
      %gather3A_1196 = tpu.vector_load_idx %arg7[%broadcast_in_dim3A_57, %get3A_872] : memref<32x1024xf32, #tpu.memory_space<vmem>>[vector<16xi32>, vector<16xi32>], vector<16xf32>,
      %swap3A_1197 = arith.constant 17 : i32
      %swap3A_1198 = arith.index_cast %swap3A_1197 : i32 to index
      %swap3A_1199 = arith.index_cast %mul3A_828 : i32 to index
      %swap3A_1200 = tpu.vector_load %arg9[%swap3A_1198, %swap3A_1199] {strides = array<i32>} : memref<32x1024xf32, #tpu.memory_space<vmem>>, vector<16xf32>,
      tpu.vector_store %arg9[%swap3A_1198, %swap3A_1199], %gather3A_1196 {strides = array<i32>} : memref<32x1024xf32, #tpu.memory_space<vmem>>, vector<16xf32>,
      %get3A_1201 = arith.constant 2 : i32
      %get3A_1202 = arith.constant 1 : i32
      %get3A_1203 = arith.index_cast %get3A_1201 : i32 to index
      %get3A_1204 = arith.index_cast %select_n3A_852 : i32 to index
      %get3A_1205 = arith.index_cast %get3A_1202 : i32 to index
      %get3A_1206 = arith.index_cast %mul3A_870 : i32 to index
      %get3A_1207 = tpu.vector_load %arg10[%get3A_1203, %get3A_1204, %get3A_1205, %get3A_1206] {strides = array<i32>} : memref<4x8x8x128xf32, #tpu.memory_space<vmem>>, vector<16xf32>,
      %sub3A_1208 = arith.subf %get3A_1207, %gather3A_1196 : vector<16xf32>
      %sub3A_1209 = arith.constant 0 : i32
      %sub3A_1210 = arith.subi %mul3A_828, %sub3A_1209 : i32
      %swap3A_1211 = arith.constant 17 : i32
      %swap3A_1212 = arith.index_cast %swap3A_1211 : i32 to index
      %swap3A_1213 = arith.index_cast %sub3A_1210 : i32 to index
      %swap3A_1214 = tpu.vector_load %arg11[%swap3A_1212, %swap3A_1213] {strides = array<i32>} : memref<32x512xf32, #tpu.memory_space<vmem>>, vector<16xf32>,
      tpu.vector_store %arg11[%swap3A_1212, %swap3A_1213], %sub3A_1208 {strides = array<i32>} : memref<32x512xf32, #tpu.memory_space<vmem>>, vector<16xf32>,
      %gather3A_1215 = tpu.vector_load_idx %arg7[%broadcast_in_dim3A_59, %get3A_872] : memref<32x1024xf32, #tpu.memory_space<vmem>>[vector<16xi32>, vector<16xi32>], vector<16xf32>,
      %swap3A_1216 = arith.constant 18 : i32
      %swap3A_1217 = arith.index_cast %swap3A_1216 : i32 to index
      %swap3A_1218 = arith.index_cast %mul3A_828 : i32 to index
      %swap3A_1219 = tpu.vector_load %arg9[%swap3A_1217, %swap3A_1218] {strides = array<i32>} : memref<32x1024xf32, #tpu.memory_space<vmem>>, vector<16xf32>,
      tpu.vector_store %arg9[%swap3A_1217, %swap3A_1218], %gather3A_1215 {strides = array<i32>} : memref<32x1024xf32, #tpu.memory_space<vmem>>, vector<16xf32>,
      %get3A_1220 = arith.constant 2 : i32
      %get3A_1221 = arith.constant 2 : i32
      %get3A_1222 = arith.index_cast %get3A_1220 : i32 to index
      %get3A_1223 = arith.index_cast %select_n3A_852 : i32 to index
      %get3A_1224 = arith.index_cast %get3A_1221 : i32 to index
      %get3A_1225 = arith.index_cast %mul3A_870 : i32 to index
      %get3A_1226 = tpu.vector_load %arg10[%get3A_1222, %get3A_1223, %get3A_1224, %get3A_1225] {strides = array<i32>} : memref<4x8x8x128xf32, #tpu.memory_space<vmem>>, vector<16xf32>,
      %sub3A_1227 = arith.subf %get3A_1226, %gather3A_1215 : vector<16xf32>
      %sub3A_1228 = arith.constant 0 : i32
      %sub3A_1229 = arith.subi %mul3A_828, %sub3A_1228 : i32
      %swap3A_1230 = arith.constant 18 : i32
      %swap3A_1231 = arith.index_cast %swap3A_1230 : i32 to index
      %swap3A_1232 = arith.index_cast %sub3A_1229 : i32 to index
      %swap3A_1233 = tpu.vector_load %arg11[%swap3A_1231, %swap3A_1232] {strides = array<i32>} : memref<32x512xf32, #tpu.memory_space<vmem>>, vector<16xf32>,
      tpu.vector_store %arg11[%swap3A_1231, %swap3A_1232], %sub3A_1227 {strides = array<i32>} : memref<32x512xf32, #tpu.memory_space<vmem>>, vector<16xf32>,
      %gather3A_1234 = tpu.vector_load_idx %arg7[%broadcast_in_dim3A_61, %get3A_872] : memref<32x1024xf32, #tpu.memory_space<vmem>>[vector<16xi32>, vector<16xi32>], vector<16xf32>,
      %swap3A_1235 = arith.constant 19 : i32
      %swap3A_1236 = arith.index_cast %swap3A_1235 : i32 to index
      %swap3A_1237 = arith.index_cast %mul3A_828 : i32 to index
      %swap3A_1238 = tpu.vector_load %arg9[%swap3A_1236, %swap3A_1237] {strides = array<i32>} : memref<32x1024xf32, #tpu.memory_space<vmem>>, vector<16xf32>,
      tpu.vector_store %arg9[%swap3A_1236, %swap3A_1237], %gather3A_1234 {strides = array<i32>} : memref<32x1024xf32, #tpu.memory_space<vmem>>, vector<16xf32>,
      %get3A_1239 = arith.constant 2 : i32
      %get3A_1240 = arith.constant 3 : i32
      %get3A_1241 = arith.index_cast %get3A_1239 : i32 to index
      %get3A_1242 = arith.index_cast %select_n3A_852 : i32 to index
      %get3A_1243 = arith.index_cast %get3A_1240 : i32 to index
      %get3A_1244 = arith.index_cast %mul3A_870 : i32 to index
      %get3A_1245 = tpu.vector_load %arg10[%get3A_1241, %get3A_1242, %get3A_1243, %get3A_1244] {strides = array<i32>} : memref<4x8x8x128xf32, #tpu.memory_space<vmem>>, vector<16xf32>,
      %sub3A_1246 = arith.subf %get3A_1245, %gather3A_1234 : vector<16xf32>
      %sub3A_1247 = arith.constant 0 : i32
      %sub3A_1248 = arith.subi %mul3A_828, %sub3A_1247 : i32
      %swap3A_1249 = arith.constant 19 : i32
      %swap3A_1250 = arith.index_cast %swap3A_1249 : i32 to index
      %swap3A_1251 = arith.index_cast %sub3A_1248 : i32 to index
      %swap3A_1252 = tpu.vector_load %arg11[%swap3A_1250, %swap3A_1251] {strides = array<i32>} : memref<32x512xf32, #tpu.memory_space<vmem>>, vector<16xf32>,
      tpu.vector_store %arg11[%swap3A_1250, %swap3A_1251], %sub3A_1246 {strides = array<i32>} : memref<32x512xf32, #tpu.memory_space<vmem>>, vector<16xf32>,
      %gather3A_1253 = tpu.vector_load_idx %arg7[%broadcast_in_dim3A_63, %get3A_872] : memref<32x1024xf32, #tpu.memory_space<vmem>>[vector<16xi32>, vector<16xi32>], vector<16xf32>,
      %swap3A_1254 = arith.constant 20 : i32
      %swap3A_1255 = arith.index_cast %swap3A_1254 : i32 to index
      %swap3A_1256 = arith.index_cast %mul3A_828 : i32 to index
      %swap3A_1257 = tpu.vector_load %arg9[%swap3A_1255, %swap3A_1256] {strides = array<i32>} : memref<32x1024xf32, #tpu.memory_space<vmem>>, vector<16xf32>,
      tpu.vector_store %arg9[%swap3A_1255, %swap3A_1256], %gather3A_1253 {strides = array<i32>} : memref<32x1024xf32, #tpu.memory_space<vmem>>, vector<16xf32>,
      %get3A_1258 = arith.constant 2 : i32
      %get3A_1259 = arith.constant 4 : i32
      %get3A_1260 = arith.index_cast %get3A_1258 : i32 to index
      %get3A_1261 = arith.index_cast %select_n3A_852 : i32 to index
      %get3A_1262 = arith.index_cast %get3A_1259 : i32 to index
      %get3A_1263 = arith.index_cast %mul3A_870 : i32 to index
      %get3A_1264 = tpu.vector_load %arg10[%get3A_1260, %get3A_1261, %get3A_1262, %get3A_1263] {strides = array<i32>} : memref<4x8x8x128xf32, #tpu.memory_space<vmem>>, vector<16xf32>,
      %sub3A_1265 = arith.subf %get3A_1264, %gather3A_1253 : vector<16xf32>
      %sub3A_1266 = arith.constant 0 : i32
      %sub3A_1267 = arith.subi %mul3A_828, %sub3A_1266 : i32
      %swap3A_1268 = arith.constant 20 : i32
      %swap3A_1269 = arith.index_cast %swap3A_1268 : i32 to index
      %swap3A_1270 = arith.index_cast %sub3A_1267 : i32 to index
      %swap3A_1271 = tpu.vector_load %arg11[%swap3A_1269, %swap3A_1270] {strides = array<i32>} : memref<32x512xf32, #tpu.memory_space<vmem>>, vector<16xf32>,
      tpu.vector_store %arg11[%swap3A_1269, %swap3A_1270], %sub3A_1265 {strides = array<i32>} : memref<32x512xf32, #tpu.memory_space<vmem>>, vector<16xf32>,
      %gather3A_1272 = tpu.vector_load_idx %arg7[%broadcast_in_dim3A_65, %get3A_872] : memref<32x1024xf32, #tpu.memory_space<vmem>>[vector<16xi32>, vector<16xi32>], vector<16xf32>,
      %swap3A_1273 = arith.constant 21 : i32
      %swap3A_1274 = arith.index_cast %swap3A_1273 : i32 to index
      %swap3A_1275 = arith.index_cast %mul3A_828 : i32 to index
      %swap3A_1276 = tpu.vector_load %arg9[%swap3A_1274, %swap3A_1275] {strides = array<i32>} : memref<32x1024xf32, #tpu.memory_space<vmem>>, vector<16xf32>,
      tpu.vector_store %arg9[%swap3A_1274, %swap3A_1275], %gather3A_1272 {strides = array<i32>} : memref<32x1024xf32, #tpu.memory_space<vmem>>, vector<16xf32>,
      %get3A_1277 = arith.constant 2 : i32
      %get3A_1278 = arith.constant 5 : i32
      %get3A_1279 = arith.index_cast %get3A_1277 : i32 to index
      %get3A_1280 = arith.index_cast %select_n3A_852 : i32 to index
      %get3A_1281 = arith.index_cast %get3A_1278 : i32 to index
      %get3A_1282 = arith.index_cast %mul3A_870 : i32 to index
      %get3A_1283 = tpu.vector_load %arg10[%get3A_1279, %get3A_1280, %get3A_1281, %get3A_1282] {strides = array<i32>} : memref<4x8x8x128xf32, #tpu.memory_space<vmem>>, vector<16xf32>,
      %sub3A_1284 = arith.subf %get3A_1283, %gather3A_1272 : vector<16xf32>
      %sub3A_1285 = arith.constant 0 : i32
      %sub3A_1286 = arith.subi %mul3A_828, %sub3A_1285 : i32
      %swap3A_1287 = arith.constant 21 : i32
      %swap3A_1288 = arith.index_cast %swap3A_1287 : i32 to index
      %swap3A_1289 = arith.index_cast %sub3A_1286 : i32 to index
      %swap3A_1290 = tpu.vector_load %arg11[%swap3A_1288, %swap3A_1289] {strides = array<i32>} : memref<32x512xf32, #tpu.memory_space<vmem>>, vector<16xf32>,
      tpu.vector_store %arg11[%swap3A_1288, %swap3A_1289], %sub3A_1284 {strides = array<i32>} : memref<32x512xf32, #tpu.memory_space<vmem>>, vector<16xf32>,
      %gather3A_1291 = tpu.vector_load_idx %arg7[%broadcast_in_dim3A_67, %get3A_872] : memref<32x1024xf32, #tpu.memory_space<vmem>>[vector<16xi32>, vector<16xi32>], vector<16xf32>,
      %swap3A_1292 = arith.constant 22 : i32
      %swap3A_1293 = arith.index_cast %swap3A_1292 : i32 to index
      %swap3A_1294 = arith.index_cast %mul3A_828 : i32 to index
      %swap3A_1295 = tpu.vector_load %arg9[%swap3A_1293, %swap3A_1294] {strides = array<i32>} : memref<32x1024xf32, #tpu.memory_space<vmem>>, vector<16xf32>,
      tpu.vector_store %arg9[%swap3A_1293, %swap3A_1294], %gather3A_1291 {strides = array<i32>} : memref<32x1024xf32, #tpu.memory_space<vmem>>, vector<16xf32>,
      %get3A_1296 = arith.constant 2 : i32
      %get3A_1297 = arith.constant 6 : i32
      %get3A_1298 = arith.index_cast %get3A_1296 : i32 to index
      %get3A_1299 = arith.index_cast %select_n3A_852 : i32 to index
      %get3A_1300 = arith.index_cast %get3A_1297 : i32 to index
      %get3A_1301 = arith.index_cast %mul3A_870 : i32 to index
      %get3A_1302 = tpu.vector_load %arg10[%get3A_1298, %get3A_1299, %get3A_1300, %get3A_1301] {strides = array<i32>} : memref<4x8x8x128xf32, #tpu.memory_space<vmem>>, vector<16xf32>,
      %sub3A_1303 = arith.subf %get3A_1302, %gather3A_1291 : vector<16xf32>
      %sub3A_1304 = arith.constant 0 : i32
      %sub3A_1305 = arith.subi %mul3A_828, %sub3A_1304 : i32
      %swap3A_1306 = arith.constant 22 : i32
      %swap3A_1307 = arith.index_cast %swap3A_1306 : i32 to index
      %swap3A_1308 = arith.index_cast %sub3A_1305 : i32 to index
      %swap3A_1309 = tpu.vector_load %arg11[%swap3A_1307, %swap3A_1308] {strides = array<i32>} : memref<32x512xf32, #tpu.memory_space<vmem>>, vector<16xf32>,
      tpu.vector_store %arg11[%swap3A_1307, %swap3A_1308], %sub3A_1303 {strides = array<i32>} : memref<32x512xf32, #tpu.memory_space<vmem>>, vector<16xf32>,
      %gather3A_1310 = tpu.vector_load_idx %arg7[%broadcast_in_dim3A_69, %get3A_872] : memref<32x1024xf32, #tpu.memory_space<vmem>>[vector<16xi32>, vector<16xi32>], vector<16xf32>,
      %swap3A_1311 = arith.constant 23 : i32
      %swap3A_1312 = arith.index_cast %swap3A_1311 : i32 to index
      %swap3A_1313 = arith.index_cast %mul3A_828 : i32 to index
      %swap3A_1314 = tpu.vector_load %arg9[%swap3A_1312, %swap3A_1313] {strides = array<i32>} : memref<32x1024xf32, #tpu.memory_space<vmem>>, vector<16xf32>,
      tpu.vector_store %arg9[%swap3A_1312, %swap3A_1313], %gather3A_1310 {strides = array<i32>} : memref<32x1024xf32, #tpu.memory_space<vmem>>, vector<16xf32>,
      %get3A_1315 = arith.constant 2 : i32
      %get3A_1316 = arith.constant 7 : i32
      %get3A_1317 = arith.index_cast %get3A_1315 : i32 to index
      %get3A_1318 = arith.index_cast %select_n3A_852 : i32 to index
      %get3A_1319 = arith.index_cast %get3A_1316 : i32 to index
      %get3A_1320 = arith.index_cast %mul3A_870 : i32 to index
      %get3A_1321 = tpu.vector_load %arg10[%get3A_1317, %get3A_1318, %get3A_1319, %get3A_1320] {strides = array<i32>} : memref<4x8x8x128xf32, #tpu.memory_space<vmem>>, vector<16xf32>,
      %sub3A_1322 = arith.subf %get3A_1321, %gather3A_1310 : vector<16xf32>
      %sub3A_1323 = arith.constant 0 : i32
      %sub3A_1324 = arith.subi %mul3A_828, %sub3A_1323 : i32
      %swap3A_1325 = arith.constant 23 : i32
      %swap3A_1326 = arith.index_cast %swap3A_1325 : i32 to index
      %swap3A_1327 = arith.index_cast %sub3A_1324 : i32 to index
      %swap3A_1328 = tpu.vector_load %arg11[%swap3A_1326, %swap3A_1327] {strides = array<i32>} : memref<32x512xf32, #tpu.memory_space<vmem>>, vector<16xf32>,
      tpu.vector_store %arg11[%swap3A_1326, %swap3A_1327], %sub3A_1322 {strides = array<i32>} : memref<32x512xf32, #tpu.memory_space<vmem>>, vector<16xf32>,
      %gather3A_1329 = tpu.vector_load_idx %arg7[%broadcast_in_dim3A_71, %get3A_872] : memref<32x1024xf32, #tpu.memory_space<vmem>>[vector<16xi32>, vector<16xi32>], vector<16xf32>,
      %swap3A_1330 = arith.constant 24 : i32
      %swap3A_1331 = arith.index_cast %swap3A_1330 : i32 to index
      %swap3A_1332 = arith.index_cast %mul3A_828 : i32 to index
      %swap3A_1333 = tpu.vector_load %arg9[%swap3A_1331, %swap3A_1332] {strides = array<i32>} : memref<32x1024xf32, #tpu.memory_space<vmem>>, vector<16xf32>,
      tpu.vector_store %arg9[%swap3A_1331, %swap3A_1332], %gather3A_1329 {strides = array<i32>} : memref<32x1024xf32, #tpu.memory_space<vmem>>, vector<16xf32>,
      %get3A_1334 = arith.constant 3 : i32
      %get3A_1335 = arith.constant 0 : i32
      %get3A_1336 = arith.index_cast %get3A_1334 : i32 to index
      %get3A_1337 = arith.index_cast %select_n3A_852 : i32 to index
      %get3A_1338 = arith.index_cast %get3A_1335 : i32 to index
      %get3A_1339 = arith.index_cast %mul3A_870 : i32 to index
      %get3A_1340 = tpu.vector_load %arg10[%get3A_1336, %get3A_1337, %get3A_1338, %get3A_1339] {strides = array<i32>} : memref<4x8x8x128xf32, #tpu.memory_space<vmem>>, vector<16xf32>,
      %sub3A_1341 = arith.subf %get3A_1340, %gather3A_1329 : vector<16xf32>
      %sub3A_1342 = arith.constant 0 : i32
      %sub3A_1343 = arith.subi %mul3A_828, %sub3A_1342 : i32
      %swap3A_1344 = arith.constant 24 : i32
      %swap3A_1345 = arith.index_cast %swap3A_1344 : i32 to index
      %swap3A_1346 = arith.index_cast %sub3A_1343 : i32 to index
      %swap3A_1347 = tpu.vector_load %arg11[%swap3A_1345, %swap3A_1346] {strides = array<i32>} : memref<32x512xf32, #tpu.memory_space<vmem>>, vector<16xf32>,
      tpu.vector_store %arg11[%swap3A_1345, %swap3A_1346], %sub3A_1341 {strides = array<i32>} : memref<32x512xf32, #tpu.memory_space<vmem>>, vector<16xf32>,
      %gather3A_1348 = tpu.vector_load_idx %arg7[%broadcast_in_dim3A_73, %get3A_872] : memref<32x1024xf32, #tpu.memory_space<vmem>>[vector<16xi32>, vector<16xi32>], vector<16xf32>,
      %swap3A_1349 = arith.constant 25 : i32
      %swap3A_1350 = arith.index_cast %swap3A_1349 : i32 to index
      %swap3A_1351 = arith.index_cast %mul3A_828 : i32 to index
      %swap3A_1352 = tpu.vector_load %arg9[%swap3A_1350, %swap3A_1351] {strides = array<i32>} : memref<32x1024xf32, #tpu.memory_space<vmem>>, vector<16xf32>,
      tpu.vector_store %arg9[%swap3A_1350, %swap3A_1351], %gather3A_1348 {strides = array<i32>} : memref<32x1024xf32, #tpu.memory_space<vmem>>, vector<16xf32>,
      %get3A_1353 = arith.constant 3 : i32
      %get3A_1354 = arith.constant 1 : i32
      %get3A_1355 = arith.index_cast %get3A_1353 : i32 to index
      %get3A_1356 = arith.index_cast %select_n3A_852 : i32 to index
      %get3A_1357 = arith.index_cast %get3A_1354 : i32 to index
      %get3A_1358 = arith.index_cast %mul3A_870 : i32 to index
      %get3A_1359 = tpu.vector_load %arg10[%get3A_1355, %get3A_1356, %get3A_1357, %get3A_1358] {strides = array<i32>} : memref<4x8x8x128xf32, #tpu.memory_space<vmem>>, vector<16xf32>,
      %sub3A_1360 = arith.subf %get3A_1359, %gather3A_1348 : vector<16xf32>
      %sub3A_1361 = arith.constant 0 : i32
      %sub3A_1362 = arith.subi %mul3A_828, %sub3A_1361 : i32
      %swap3A_1363 = arith.constant 25 : i32
      %swap3A_1364 = arith.index_cast %swap3A_1363 : i32 to index
      %swap3A_1365 = arith.index_cast %sub3A_1362 : i32 to index
      %swap3A_1366 = tpu.vector_load %arg11[%swap3A_1364, %swap3A_1365] {strides = array<i32>} : memref<32x512xf32, #tpu.memory_space<vmem>>, vector<16xf32>,
      tpu.vector_store %arg11[%swap3A_1364, %swap3A_1365], %sub3A_1360 {strides = array<i32>} : memref<32x512xf32, #tpu.memory_space<vmem>>, vector<16xf32>,
      %gather3A_1367 = tpu.vector_load_idx %arg7[%broadcast_in_dim3A_75, %get3A_872] : memref<32x1024xf32, #tpu.memory_space<vmem>>[vector<16xi32>, vector<16xi32>], vector<16xf32>,
      %swap3A_1368 = arith.constant 26 : i32
      %swap3A_1369 = arith.index_cast %swap3A_1368 : i32 to index
      %swap3A_1370 = arith.index_cast %mul3A_828 : i32 to index
      %swap3A_1371 = tpu.vector_load %arg9[%swap3A_1369, %swap3A_1370] {strides = array<i32>} : memref<32x1024xf32, #tpu.memory_space<vmem>>, vector<16xf32>,
      tpu.vector_store %arg9[%swap3A_1369, %swap3A_1370], %gather3A_1367 {strides = array<i32>} : memref<32x1024xf32, #tpu.memory_space<vmem>>, vector<16xf32>,
      %get3A_1372 = arith.constant 3 : i32
      %get3A_1373 = arith.constant 2 : i32
      %get3A_1374 = arith.index_cast %get3A_1372 : i32 to index
      %get3A_1375 = arith.index_cast %select_n3A_852 : i32 to index
      %get3A_1376 = arith.index_cast %get3A_1373 : i32 to index
      %get3A_1377 = arith.index_cast %mul3A_870 : i32 to index
      %get3A_1378 = tpu.vector_load %arg10[%get3A_1374, %get3A_1375, %get3A_1376, %get3A_1377] {strides = array<i32>} : memref<4x8x8x128xf32, #tpu.memory_space<vmem>>, vector<16xf32>,
      %sub3A_1379 = arith.subf %get3A_1378, %gather3A_1367 : vector<16xf32>
      %sub3A_1380 = arith.constant 0 : i32
      %sub3A_1381 = arith.subi %mul3A_828, %sub3A_1380 : i32
      %swap3A_1382 = arith.constant 26 : i32
      %swap3A_1383 = arith.index_cast %swap3A_1382 : i32 to index
      %swap3A_1384 = arith.index_cast %sub3A_1381 : i32 to index
      %swap3A_1385 = tpu.vector_load %arg11[%swap3A_1383, %swap3A_1384] {strides = array<i32>} : memref<32x512xf32, #tpu.memory_space<vmem>>, vector<16xf32>,
      tpu.vector_store %arg11[%swap3A_1383, %swap3A_1384], %sub3A_1379 {strides = array<i32>} : memref<32x512xf32, #tpu.memory_space<vmem>>, vector<16xf32>,
      %gather3A_1386 = tpu.vector_load_idx %arg7[%broadcast_in_dim3A_77, %get3A_872] : memref<32x1024xf32, #tpu.memory_space<vmem>>[vector<16xi32>, vector<16xi32>], vector<16xf32>,
      %swap3A_1387 = arith.constant 27 : i32
      %swap3A_1388 = arith.index_cast %swap3A_1387 : i32 to index
      %swap3A_1389 = arith.index_cast %mul3A_828 : i32 to index
      %swap3A_1390 = tpu.vector_load %arg9[%swap3A_1388, %swap3A_1389] {strides = array<i32>} : memref<32x1024xf32, #tpu.memory_space<vmem>>, vector<16xf32>,
      tpu.vector_store %arg9[%swap3A_1388, %swap3A_1389], %gather3A_1386 {strides = array<i32>} : memref<32x1024xf32, #tpu.memory_space<vmem>>, vector<16xf32>,
      %get3A_1391 = arith.constant 3 : i32
      %get3A_1392 = arith.constant 3 : i32
      %get3A_1393 = arith.index_cast %get3A_1391 : i32 to index
      %get3A_1394 = arith.index_cast %select_n3A_852 : i32 to index
      %get3A_1395 = arith.index_cast %get3A_1392 : i32 to index
      %get3A_1396 = arith.index_cast %mul3A_870 : i32 to index
      %get3A_1397 = tpu.vector_load %arg10[%get3A_1393, %get3A_1394, %get3A_1395, %get3A_1396] {strides = array<i32>} : memref<4x8x8x128xf32, #tpu.memory_space<vmem>>, vector<16xf32>,
      %sub3A_1398 = arith.subf %get3A_1397, %gather3A_1386 : vector<16xf32>
      %sub3A_1399 = arith.constant 0 : i32
      %sub3A_1400 = arith.subi %mul3A_828, %sub3A_1399 : i32
      %swap3A_1401 = arith.constant 27 : i32
      %swap3A_1402 = arith.index_cast %swap3A_1401 : i32 to index
      %swap3A_1403 = arith.index_cast %sub3A_1400 : i32 to index
      %swap3A_1404 = tpu.vector_load %arg11[%swap3A_1402, %swap3A_1403] {strides = array<i32>} : memref<32x512xf32, #tpu.memory_space<vmem>>, vector<16xf32>,
      tpu.vector_store %arg11[%swap3A_1402, %swap3A_1403], %sub3A_1398 {strides = array<i32>} : memref<32x512xf32, #tpu.memory_space<vmem>>, vector<16xf32>,
      %gather3A_1405 = tpu.vector_load_idx %arg7[%broadcast_in_dim3A_79, %get3A_872] : memref<32x1024xf32, #tpu.memory_space<vmem>>[vector<16xi32>, vector<16xi32>], vector<16xf32>,
      %swap3A_1406 = arith.constant 28 : i32
      %swap3A_1407 = arith.index_cast %swap3A_1406 : i32 to index
      %swap3A_1408 = arith.index_cast %mul3A_828 : i32 to index
      %swap3A_1409 = tpu.vector_load %arg9[%swap3A_1407, %swap3A_1408] {strides = array<i32>} : memref<32x1024xf32, #tpu.memory_space<vmem>>, vector<16xf32>,
      tpu.vector_store %arg9[%swap3A_1407, %swap3A_1408], %gather3A_1405 {strides = array<i32>} : memref<32x1024xf32, #tpu.memory_space<vmem>>, vector<16xf32>,
      %get3A_1410 = arith.constant 3 : i32
      %get3A_1411 = arith.constant 4 : i32
      %get3A_1412 = arith.index_cast %get3A_1410 : i32 to index
      %get3A_1413 = arith.index_cast %select_n3A_852 : i32 to index
      %get3A_1414 = arith.index_cast %get3A_1411 : i32 to index
      %get3A_1415 = arith.index_cast %mul3A_870 : i32 to index
      %get3A_1416 = tpu.vector_load %arg10[%get3A_1412, %get3A_1413, %get3A_1414, %get3A_1415] {strides = array<i32>} : memref<4x8x8x128xf32, #tpu.memory_space<vmem>>, vector<16xf32>,
      %sub3A_1417 = arith.subf %get3A_1416, %gather3A_1405 : vector<16xf32>
      %sub3A_1418 = arith.constant 0 : i32
      %sub3A_1419 = arith.subi %mul3A_828, %sub3A_1418 : i32
      %swap3A_1420 = arith.constant 28 : i32
      %swap3A_1421 = arith.index_cast %swap3A_1420 : i32 to index
      %swap3A_1422 = arith.index_cast %sub3A_1419 : i32 to index
      %swap3A_1423 = tpu.vector_load %arg11[%swap3A_1421, %swap3A_1422] {strides = array<i32>} : memref<32x512xf32, #tpu.memory_space<vmem>>, vector<16xf32>,
      tpu.vector_store %arg11[%swap3A_1421, %swap3A_1422], %sub3A_1417 {strides = array<i32>} : memref<32x512xf32, #tpu.memory_space<vmem>>, vector<16xf32>,
      %gather3A_1424 = tpu.vector_load_idx %arg7[%broadcast_in_dim3A_81, %get3A_872] : memref<32x1024xf32, #tpu.memory_space<vmem>>[vector<16xi32>, vector<16xi32>], vector<16xf32>,
      %swap3A_1425 = arith.constant 29 : i32
      %swap3A_1426 = arith.index_cast %swap3A_1425 : i32 to index
      %swap3A_1427 = arith.index_cast %mul3A_828 : i32 to index
      %swap3A_1428 = tpu.vector_load %arg9[%swap3A_1426, %swap3A_1427] {strides = array<i32>} : memref<32x1024xf32, #tpu.memory_space<vmem>>, vector<16xf32>,
      tpu.vector_store %arg9[%swap3A_1426, %swap3A_1427], %gather3A_1424 {strides = array<i32>} : memref<32x1024xf32, #tpu.memory_space<vmem>>, vector<16xf32>,
      %get3A_1429 = arith.constant 3 : i32
      %get3A_1430 = arith.constant 5 : i32
      %get3A_1431 = arith.index_cast %get3A_1429 : i32 to index
      %get3A_1432 = arith.index_cast %select_n3A_852 : i32 to index
      %get3A_1433 = arith.index_cast %get3A_1430 : i32 to index
      %get3A_1434 = arith.index_cast %mul3A_870 : i32 to index
      %get3A_1435 = tpu.vector_load %arg10[%get3A_1431, %get3A_1432, %get3A_1433, %get3A_1434] {strides = array<i32>} : memref<4x8x8x128xf32, #tpu.memory_space<vmem>>, vector<16xf32>,
      %sub3A_1436 = arith.subf %get3A_1435, %gather3A_1424 : vector<16xf32>
      %sub3A_1437 = arith.constant 0 : i32
      %sub3A_1438 = arith.subi %mul3A_828, %sub3A_1437 : i32
      %swap3A_1439 = arith.constant 29 : i32
      %swap3A_1440 = arith.index_cast %swap3A_1439 : i32 to index
      %swap3A_1441 = arith.index_cast %sub3A_1438 : i32 to index
      %swap3A_1442 = tpu.vector_load %arg11[%swap3A_1440, %swap3A_1441] {strides = array<i32>} : memref<32x512xf32, #tpu.memory_space<vmem>>, vector<16xf32>,
      tpu.vector_store %arg11[%swap3A_1440, %swap3A_1441], %sub3A_1436 {strides = array<i32>} : memref<32x512xf32, #tpu.memory_space<vmem>>, vector<16xf32>,
      %gather3A_1443 = tpu.vector_load_idx %arg7[%broadcast_in_dim3A_83, %get3A_872] : memref<32x1024xf32, #tpu.memory_space<vmem>>[vector<16xi32>, vector<16xi32>], vector<16xf32>,
      %swap3A_1444 = arith.constant 30 : i32
      %swap3A_1445 = arith.index_cast %swap3A_1444 : i32 to index
      %swap3A_1446 = arith.index_cast %mul3A_828 : i32 to index
      %swap3A_1447 = tpu.vector_load %arg9[%swap3A_1445, %swap3A_1446] {strides = array<i32>} : memref<32x1024xf32, #tpu.memory_space<vmem>>, vector<16xf32>,
      tpu.vector_store %arg9[%swap3A_1445, %swap3A_1446], %gather3A_1443 {strides = array<i32>} : memref<32x1024xf32, #tpu.memory_space<vmem>>, vector<16xf32>,
      %get3A_1448 = arith.constant 3 : i32
      %get3A_1449 = arith.constant 6 : i32
      %get3A_1450 = arith.index_cast %get3A_1448 : i32 to index
      %get3A_1451 = arith.index_cast %select_n3A_852 : i32 to index
      %get3A_1452 = arith.index_cast %get3A_1449 : i32 to index
      %get3A_1453 = arith.index_cast %mul3A_870 : i32 to index
      %get3A_1454 = tpu.vector_load %arg10[%get3A_1450, %get3A_1451, %get3A_1452, %get3A_1453] {strides = array<i32>} : memref<4x8x8x128xf32, #tpu.memory_space<vmem>>, vector<16xf32>,
      %sub3A_1455 = arith.subf %get3A_1454, %gather3A_1443 : vector<16xf32>
      %sub3A_1456 = arith.constant 0 : i32
      %sub3A_1457 = arith.subi %mul3A_828, %sub3A_1456 : i32
      %swap3A_1458 = arith.constant 30 : i32
      %swap3A_1459 = arith.index_cast %swap3A_1458 : i32 to index
      %swap3A_1460 = arith.index_cast %sub3A_1457 : i32 to index
      %swap3A_1461 = tpu.vector_load %arg11[%swap3A_1459, %swap3A_1460] {strides = array<i32>} : memref<32x512xf32, #tpu.memory_space<vmem>>, vector<16xf32>,
      tpu.vector_store %arg11[%swap3A_1459, %swap3A_1460], %sub3A_1455 {strides = array<i32>} : memref<32x512xf32, #tpu.memory_space<vmem>>, vector<16xf32>,
      %gather3A_1462 = tpu.vector_load_idx %arg7[%broadcast_in_dim3A_85, %get3A_872] : memref<32x1024xf32, #tpu.memory_space<vmem>>[vector<16xi32>, vector<16xi32>], vector<16xf32>,
      %swap3A_1463 = arith.constant 31 : i32
      %swap3A_1464 = arith.index_cast %swap3A_1463 : i32 to index
      %swap3A_1465 = arith.index_cast %mul3A_828 : i32 to index
      %swap3A_1466 = tpu.vector_load %arg9[%swap3A_1464, %swap3A_1465] {strides = array<i32>} : memref<32x1024xf32, #tpu.memory_space<vmem>>, vector<16xf32>,
      tpu.vector_store %arg9[%swap3A_1464, %swap3A_1465], %gather3A_1462 {strides = array<i32>} : memref<32x1024xf32, #tpu.memory_space<vmem>>, vector<16xf32>,
      %get3A_1467 = arith.constant 3 : i32
      %get3A_1468 = arith.constant 7 : i32
      %get3A_1469 = arith.index_cast %get3A_1467 : i32 to index
      %get3A_1470 = arith.index_cast %select_n3A_852 : i32 to index
      %get3A_1471 = arith.index_cast %get3A_1468 : i32 to index
      %get3A_1472 = arith.index_cast %mul3A_870 : i32 to index
      %get3A_1473 = tpu.vector_load %arg10[%get3A_1469, %get3A_1470, %get3A_1471, %get3A_1472] {strides = array<i32>} : memref<4x8x8x128xf32, #tpu.memory_space<vmem>>, vector<16xf32>,
      %sub3A_1474 = arith.subf %get3A_1473, %gather3A_1462 : vector<16xf32>
      %sub3A_1475 = arith.constant 0 : i32
      %sub3A_1476 = arith.subi %mul3A_828, %sub3A_1475 : i32
      %swap3A_1477 = arith.constant 31 : i32
      %swap3A_1478 = arith.index_cast %swap3A_1477 : i32 to index
      %swap3A_1479 = arith.index_cast %sub3A_1476 : i32 to index
      %swap3A_1480 = tpu.vector_load %arg11[%swap3A_1478, %swap3A_1479] {strides = array<i32>} : memref<32x512xf32, #tpu.memory_space<vmem>>, vector<16xf32>,
      tpu.vector_store %arg11[%swap3A_1478, %swap3A_1479], %sub3A_1474 {strides = array<i32>} : memref<32x512xf32, #tpu.memory_space<vmem>>, vector<16xf32>,
    }
    %scan3A_89 = arith.constant 32 : i32
    %dma_start3A_90 = arith.constant 0 : i32
    %dma_start3A_91 = arith.constant 0 : i32
    %dma_start3A_92 = tpu.memref_slice %arg6[%add3A, %dma_start3A_90, %dma_start3A_91] : memref<32x32x1024xf32, #tpu.memory_space<hbm>> -> memref<1x32x512xf32, #tpu.memory_space<hbm>>
    %dma_start3A_93 = tpu.memref_squeeze %dma_start3A_92 : memref<1x32x512xf32, #tpu.memory_space<hbm>> -> memref<32x512xf32, #tpu.memory_space<hbm>>
    %dma_start3A_94 = arith.constant 0 : i32
    %dma_start3A_95 = arith.constant 0 : i32
    %dma_start3A_96 = tpu.memref_slice %arg6[%add3A, %dma_start3A_94, %dma_start3A_95] : memref<32x32x1024xf32, #tpu.memory_space<hbm>> -> memref<1x32x512xf32, #tpu.memory_space<hbm>>
    %dma_start3A_97 = tpu.memref_squeeze %dma_start3A_96 : memref<1x32x512xf32, #tpu.memory_space<hbm>> -> memref<32x512xf32, #tpu.memory_space<hbm>>
    tpu.enqueue_dma source(%arg11 : memref<32x512xf32, #tpu.memory_space<vmem>>) target(%dma_start3A_97 : memref<32x512xf32, #tpu.memory_space<hbm>>) target_semaphore(%arg12 : memref<!tpu.dma_semaphore, #tpu.memory_space<semaphore_mem>>)
    %dma_start3A_98 = arith.constant 0 : i32
    %dma_start3A_99 = arith.constant 0 : i32
    %dma_start3A_100 = tpu.memref_slice %arg9[%dma_start3A_98, %dma_start3A_99] : memref<32x1024xf32, #tpu.memory_space<vmem>> -> memref<32x512xf32, #tpu.memory_space<vmem>>
    %dma_start3A_101 = arith.constant 0 : i32
    %dma_start3A_102 = arith.constant 0 : i32
    %dma_start3A_103 = tpu.memref_slice %arg5[%add3A, %dma_start3A_101, %dma_start3A_102] : memref<32x32x1024xf32, #tpu.memory_space<hbm>> -> memref<1x32x512xf32, #tpu.memory_space<hbm>>
    %dma_start3A_104 = tpu.memref_squeeze %dma_start3A_103 : memref<1x32x512xf32, #tpu.memory_space<hbm>> -> memref<32x512xf32, #tpu.memory_space<hbm>>
    %dma_start3A_105 = arith.constant 0 : i32
    %dma_start3A_106 = arith.constant 0 : i32
    %dma_start3A_107 = tpu.memref_slice %arg5[%add3A, %dma_start3A_105, %dma_start3A_106] : memref<32x32x1024xf32, #tpu.memory_space<hbm>> -> memref<1x32x512xf32, #tpu.memory_space<hbm>>
    %dma_start3A_108 = tpu.memref_squeeze %dma_start3A_107 : memref<1x32x512xf32, #tpu.memory_space<hbm>> -> memref<32x512xf32, #tpu.memory_space<hbm>>
    %dma_start3A_109 = arith.constant 0 : i32
    %dma_start3A_110 = arith.constant 0 : i32
    %dma_start3A_111 = tpu.memref_slice %arg9[%dma_start3A_109, %dma_start3A_110] : memref<32x1024xf32, #tpu.memory_space<vmem>> -> memref<32x512xf32, #tpu.memory_space<vmem>>
    tpu.enqueue_dma source(%dma_start3A_111 : memref<32x512xf32, #tpu.memory_space<vmem>>) target(%dma_start3A_108 : memref<32x512xf32, #tpu.memory_space<hbm>>) target_semaphore(%arg12 : memref<!tpu.dma_semaphore, #tpu.memory_space<semaphore_mem>>)
    %dma_wait3A_112 = arith.constant 0 : i32
    %dma_wait3A_113 = arith.constant 0 : i32
    %dma_wait3A_114 = tpu.memref_slice %arg6[%add3A, %dma_wait3A_112, %dma_wait3A_113] : memref<32x32x1024xf32, #tpu.memory_space<hbm>> -> memref<1x32x512xf32, #tpu.memory_space<hbm>>
    %dma_wait3A_115 = tpu.memref_squeeze %dma_wait3A_114 : memref<1x32x512xf32, #tpu.memory_space<hbm>> -> memref<32x512xf32, #tpu.memory_space<hbm>>
    %dma_wait3A_116 = arith.constant 0 : i32
    %dma_wait3A_117 = arith.constant 0 : i32
    %dma_wait3A_118 = tpu.memref_slice %arg6[%add3A, %dma_wait3A_116, %dma_wait3A_117] : memref<32x32x1024xf32, #tpu.memory_space<hbm>> -> memref<1x32x512xf32, #tpu.memory_space<hbm>>
    %dma_wait3A_119 = tpu.memref_squeeze %dma_wait3A_118 : memref<1x32x512xf32, #tpu.memory_space<hbm>> -> memref<32x512xf32, #tpu.memory_space<hbm>>
    tpu.wait_dma2 semaphore(%arg12 : memref<!tpu.dma_semaphore, #tpu.memory_space<semaphore_mem>>) src(%arg11 : memref<32x512xf32, #tpu.memory_space<vmem>>) dst(%dma_wait3A_119 : memref<32x512xf32, #tpu.memory_space<hbm>>)
    %scan3A_120 = arith.constant 32 : i32
    %scan3A_121 = arith.constant 32 : i32
    %scan3A_122 = arith.addi %scan3A_120, %scan3A_121 : i32
    %scan3A_123 = arith.constant 2 : i32
    scf.for %scan3A_183 = %scan3A_120 to %scan3A_122 step %scan3A_123  : i32 {
      %mul3A_184 = arith.constant 16 : i32
      %mul3A_185 = arith.muli %scan3A_183, %mul3A_184 : i32
      %jit3A = arith.constant 8 : i32
      %div3A = arith.divsi %scan3A_183, %jit3A : i32
      %sign3A = arith.constant 0 : i32
      %sign3A_186 = arith.cmpi sgt, %scan3A_183, %sign3A : i32
      %sign3A_187 = arith.extui %sign3A_186 : i1 to i32
      %sign3A_188 = arith.constant 0 : i32
      %sign3A_189 = arith.cmpi slt, %scan3A_183, %sign3A_188 : i32
      %sign3A_190 = arith.extui %sign3A_189 : i1 to i32
      %sign3A_191 = arith.subi %sign3A_187, %sign3A_190 : i32
      %sign3A_192 = arith.constant 0 : i32
      %sign3A_193 = arith.cmpi sgt, %jit3A, %sign3A_192 : i32
      %sign3A_194 = arith.extui %sign3A_193 : i1 to i32
      %sign3A_195 = arith.constant 0 : i32
      %sign3A_196 = arith.cmpi slt, %jit3A, %sign3A_195 : i32
      %sign3A_197 = arith.extui %sign3A_196 : i1 to i32
      %sign3A_198 = arith.subi %sign3A_194, %sign3A_197 : i32
      %ne3A = arith.cmpi ne, %sign3A_191, %sign3A_198 : i32
      %rem3A = arith.remsi %scan3A_183, %jit3A : i32
      %ne3A_199 = arith.constant 0 : i32
      %ne3A_200 = arith.cmpi ne, %rem3A, %ne3A_199 : i32
      %and3A = arith.andi %ne3A, %ne3A_200 : i1
      %sub3A = arith.constant 1 : i32
      %sub3A_201 = arith.subi %div3A, %sub3A : i32
      %select_n3A = arith.select %and3A, %sub3A_201, %div3A : i32
      %jit3A_202 = arith.constant 8 : i32
      %eq3A = arith.constant 0 : i32
      %eq3A_203 = arith.cmpi eq, %jit3A_202, %eq3A : i32
      %jit3A_204 = arith.constant 1 : i32
      %select_n3A_205 = arith.select %eq3A_203, %jit3A_204, %jit3A_202 : i32
      %rem3A_206 = arith.remsi %scan3A_183, %select_n3A_205 : i32
      %ne3A_207 = arith.constant 0 : i32
      %ne3A_208 = arith.cmpi ne, %rem3A_206, %ne3A_207 : i32
      %lt3A = arith.constant 0 : i32
      %lt3A_209 = arith.cmpi slt, %rem3A_206, %lt3A : i32
      %lt3A_210 = arith.constant 0 : i32
      %lt3A_211 = arith.cmpi slt, %select_n3A_205, %lt3A_210 : i32
      %ne3A_212 = arith.xori %lt3A_209, %lt3A_211 : i1
      %and3A_213 = arith.andi %ne3A_212, %ne3A_208 : i1
      %add3A_214 = arith.addi %rem3A_206, %select_n3A_205 : i32
      %select_n3A_215 = arith.select %and3A_213, %add3A_214, %rem3A_206 : i32
      %mul3A_216 = arith.constant 16 : i32
      %mul3A_217 = arith.muli %select_n3A_215, %mul3A_216 : i32
      %get3A = arith.index_cast %mul3A_185 : i32 to index
      %get3A_218 = tpu.vector_load %arg8[%get3A] {strides = array<i32>} : memref<1024xi32, #tpu.memory_space<vmem>>, vector<16xi32>,
      %gather3A = tpu.vector_load_idx %arg7[%broadcast_in_dim3A_23, %get3A_218] : memref<32x1024xf32, #tpu.memory_space<vmem>>[vector<16xi32>, vector<16xi32>], vector<16xf32>,
      %swap3A = arith.constant 0 : i32
      %swap3A_219 = arith.index_cast %swap3A : i32 to index
      %swap3A_220 = arith.index_cast %mul3A_185 : i32 to index
      %swap3A_221 = tpu.vector_load %arg9[%swap3A_219, %swap3A_220] {strides = array<i32>} : memref<32x1024xf32, #tpu.memory_space<vmem>>, vector<16xf32>,
      tpu.vector_store %arg9[%swap3A_219, %swap3A_220], %gather3A {strides = array<i32>} : memref<32x1024xf32, #tpu.memory_space<vmem>>, vector<16xf32>,
      %get3A_222 = arith.constant 0 : i32
      %get3A_223 = arith.constant 0 : i32
      %get3A_224 = arith.index_cast %get3A_222 : i32 to index
      %get3A_225 = arith.index_cast %select_n3A : i32 to index
      %get3A_226 = arith.index_cast %get3A_223 : i32 to index
      %get3A_227 = arith.index_cast %mul3A_217 : i32 to index
      %get3A_228 = tpu.vector_load %arg10[%get3A_224, %get3A_225, %get3A_226, %get3A_227] {strides = array<i32>} : memref<4x8x8x128xf32, #tpu.memory_space<vmem>>, vector<16xf32>,
      %sub3A_229 = arith.subf %get3A_228, %gather3A : vector<16xf32>
      %sub3A_230 = arith.constant 512 : i32
      %sub3A_231 = arith.subi %mul3A_185, %sub3A_230 : i32
      %swap3A_232 = arith.constant 0 : i32
      %swap3A_233 = arith.index_cast %swap3A_232 : i32 to index
      %swap3A_234 = arith.index_cast %sub3A_231 : i32 to index
      %swap3A_235 = tpu.vector_load %arg11[%swap3A_233, %swap3A_234] {strides = array<i32>} : memref<32x512xf32, #tpu.memory_space<vmem>>, vector<16xf32>,
      tpu.vector_store %arg11[%swap3A_233, %swap3A_234], %sub3A_229 {strides = array<i32>} : memref<32x512xf32, #tpu.memory_space<vmem>>, vector<16xf32>,
      %gather3A_236 = tpu.vector_load_idx %arg7[%broadcast_in_dim3A_25, %get3A_218] : memref<32x1024xf32, #tpu.memory_space<vmem>>[vector<16xi32>, vector<16xi32>], vector<16xf32>,
      %swap3A_237 = arith.constant 1 : i32
      %swap3A_238 = arith.index_cast %swap3A_237 : i32 to index
      %swap3A_239 = arith.index_cast %mul3A_185 : i32 to index
      %swap3A_240 = tpu.vector_load %arg9[%swap3A_238, %swap3A_239] {strides = array<i32>} : memref<32x1024xf32, #tpu.memory_space<vmem>>, vector<16xf32>,
      tpu.vector_store %arg9[%swap3A_238, %swap3A_239], %gather3A_236 {strides = array<i32>} : memref<32x1024xf32, #tpu.memory_space<vmem>>, vector<16xf32>,
      %get3A_241 = arith.constant 0 : i32
      %get3A_242 = arith.constant 1 : i32
      %get3A_243 = arith.index_cast %get3A_241 : i32 to index
      %get3A_244 = arith.index_cast %select_n3A : i32 to index
      %get3A_245 = arith.index_cast %get3A_242 : i32 to index
      %get3A_246 = arith.index_cast %mul3A_217 : i32 to index
      %get3A_247 = tpu.vector_load %arg10[%get3A_243, %get3A_244, %get3A_245, %get3A_246] {strides = array<i32>} : memref<4x8x8x128xf32, #tpu.memory_space<vmem>>, vector<16xf32>,
      %sub3A_248 = arith.subf %get3A_247, %gather3A_236 : vector<16xf32>
      %sub3A_249 = arith.constant 512 : i32
      %sub3A_250 = arith.subi %mul3A_185, %sub3A_249 : i32
      %swap3A_251 = arith.constant 1 : i32
      %swap3A_252 = arith.index_cast %swap3A_251 : i32 to index
      %swap3A_253 = arith.index_cast %sub3A_250 : i32 to index
      %swap3A_254 = tpu.vector_load %arg11[%swap3A_252, %swap3A_253] {strides = array<i32>} : memref<32x512xf32, #tpu.memory_space<vmem>>, vector<16xf32>,
      tpu.vector_store %arg11[%swap3A_252, %swap3A_253], %sub3A_248 {strides = array<i32>} : memref<32x512xf32, #tpu.memory_space<vmem>>, vector<16xf32>,
      %gather3A_255 = tpu.vector_load_idx %arg7[%broadcast_in_dim3A_27, %get3A_218] : memref<32x1024xf32, #tpu.memory_space<vmem>>[vector<16xi32>, vector<16xi32>], vector<16xf32>,
      %swap3A_256 = arith.constant 2 : i32
      %swap3A_257 = arith.index_cast %swap3A_256 : i32 to index
      %swap3A_258 = arith.index_cast %mul3A_185 : i32 to index
      %swap3A_259 = tpu.vector_load %arg9[%swap3A_257, %swap3A_258] {strides = array<i32>} : memref<32x1024xf32, #tpu.memory_space<vmem>>, vector<16xf32>,
      tpu.vector_store %arg9[%swap3A_257, %swap3A_258], %gather3A_255 {strides = array<i32>} : memref<32x1024xf32, #tpu.memory_space<vmem>>, vector<16xf32>,
      %get3A_260 = arith.constant 0 : i32
      %get3A_261 = arith.constant 2 : i32
      %get3A_262 = arith.index_cast %get3A_260 : i32 to index
      %get3A_263 = arith.index_cast %select_n3A : i32 to index
      %get3A_264 = arith.index_cast %get3A_261 : i32 to index
      %get3A_265 = arith.index_cast %mul3A_217 : i32 to index
      %get3A_266 = tpu.vector_load %arg10[%get3A_262, %get3A_263, %get3A_264, %get3A_265] {strides = array<i32>} : memref<4x8x8x128xf32, #tpu.memory_space<vmem>>, vector<16xf32>,
      %sub3A_267 = arith.subf %get3A_266, %gather3A_255 : vector<16xf32>
      %sub3A_268 = arith.constant 512 : i32
      %sub3A_269 = arith.subi %mul3A_185, %sub3A_268 : i32
      %swap3A_270 = arith.constant 2 : i32
      %swap3A_271 = arith.index_cast %swap3A_270 : i32 to index
      %swap3A_272 = arith.index_cast %sub3A_269 : i32 to index
      %swap3A_273 = tpu.vector_load %arg11[%swap3A_271, %swap3A_272] {strides = array<i32>} : memref<32x512xf32, #tpu.memory_space<vmem>>, vector<16xf32>,
      tpu.vector_store %arg11[%swap3A_271, %swap3A_272], %sub3A_267 {strides = array<i32>} : memref<32x512xf32, #tpu.memory_space<vmem>>, vector<16xf32>,
      %gather3A_274 = tpu.vector_load_idx %arg7[%broadcast_in_dim3A_29, %get3A_218] : memref<32x1024xf32, #tpu.memory_space<vmem>>[vector<16xi32>, vector<16xi32>], vector<16xf32>,
      %swap3A_275 = arith.constant 3 : i32
      %swap3A_276 = arith.index_cast %swap3A_275 : i32 to index
      %swap3A_277 = arith.index_cast %mul3A_185 : i32 to index
      %swap3A_278 = tpu.vector_load %arg9[%swap3A_276, %swap3A_277] {strides = array<i32>} : memref<32x1024xf32, #tpu.memory_space<vmem>>, vector<16xf32>,
      tpu.vector_store %arg9[%swap3A_276, %swap3A_277], %gather3A_274 {strides = array<i32>} : memref<32x1024xf32, #tpu.memory_space<vmem>>, vector<16xf32>,
      %get3A_279 = arith.constant 0 : i32
      %get3A_280 = arith.constant 3 : i32
      %get3A_281 = arith.index_cast %get3A_279 : i32 to index
      %get3A_282 = arith.index_cast %select_n3A : i32 to index
      %get3A_283 = arith.index_cast %get3A_280 : i32 to index
      %get3A_284 = arith.index_cast %mul3A_217 : i32 to index
      %get3A_285 = tpu.vector_load %arg10[%get3A_281, %get3A_282, %get3A_283, %get3A_284] {strides = array<i32>} : memref<4x8x8x128xf32, #tpu.memory_space<vmem>>, vector<16xf32>,
      %sub3A_286 = arith.subf %get3A_285, %gather3A_274 : vector<16xf32>
      %sub3A_287 = arith.constant 512 : i32
      %sub3A_288 = arith.subi %mul3A_185, %sub3A_287 : i32
      %swap3A_289 = arith.constant 3 : i32
      %swap3A_290 = arith.index_cast %swap3A_289 : i32 to index
      %swap3A_291 = arith.index_cast %sub3A_288 : i32 to index
      %swap3A_292 = tpu.vector_load %arg11[%swap3A_290, %swap3A_291] {strides = array<i32>} : memref<32x512xf32, #tpu.memory_space<vmem>>, vector<16xf32>,
      tpu.vector_store %arg11[%swap3A_290, %swap3A_291], %sub3A_286 {strides = array<i32>} : memref<32x512xf32, #tpu.memory_space<vmem>>, vector<16xf32>,
      %gather3A_293 = tpu.vector_load_idx %arg7[%broadcast_in_dim3A_31, %get3A_218] : memref<32x1024xf32, #tpu.memory_space<vmem>>[vector<16xi32>, vector<16xi32>], vector<16xf32>,
      %swap3A_294 = arith.constant 4 : i32
      %swap3A_295 = arith.index_cast %swap3A_294 : i32 to index
      %swap3A_296 = arith.index_cast %mul3A_185 : i32 to index
      %swap3A_297 = tpu.vector_load %arg9[%swap3A_295, %swap3A_296] {strides = array<i32>} : memref<32x1024xf32, #tpu.memory_space<vmem>>, vector<16xf32>,
      tpu.vector_store %arg9[%swap3A_295, %swap3A_296], %gather3A_293 {strides = array<i32>} : memref<32x1024xf32, #tpu.memory_space<vmem>>, vector<16xf32>,
      %get3A_298 = arith.constant 0 : i32
      %get3A_299 = arith.constant 4 : i32
      %get3A_300 = arith.index_cast %get3A_298 : i32 to index
      %get3A_301 = arith.index_cast %select_n3A : i32 to index
      %get3A_302 = arith.index_cast %get3A_299 : i32 to index
      %get3A_303 = arith.index_cast %mul3A_217 : i32 to index
      %get3A_304 = tpu.vector_load %arg10[%get3A_300, %get3A_301, %get3A_302, %get3A_303] {strides = array<i32>} : memref<4x8x8x128xf32, #tpu.memory_space<vmem>>, vector<16xf32>,
      %sub3A_305 = arith.subf %get3A_304, %gather3A_293 : vector<16xf32>
      %sub3A_306 = arith.constant 512 : i32
      %sub3A_307 = arith.subi %mul3A_185, %sub3A_306 : i32
      %swap3A_308 = arith.constant 4 : i32
      %swap3A_309 = arith.index_cast %swap3A_308 : i32 to index
      %swap3A_310 = arith.index_cast %sub3A_307 : i32 to index
      %swap3A_311 = tpu.vector_load %arg11[%swap3A_309, %swap3A_310] {strides = array<i32>} : memref<32x512xf32, #tpu.memory_space<vmem>>, vector<16xf32>,
      tpu.vector_store %arg11[%swap3A_309, %swap3A_310], %sub3A_305 {strides = array<i32>} : memref<32x512xf32, #tpu.memory_space<vmem>>, vector<16xf32>,
      %gather3A_312 = tpu.vector_load_idx %arg7[%broadcast_in_dim3A_33, %get3A_218] : memref<32x1024xf32, #tpu.memory_space<vmem>>[vector<16xi32>, vector<16xi32>], vector<16xf32>,
      %swap3A_313 = arith.constant 5 : i32
      %swap3A_314 = arith.index_cast %swap3A_313 : i32 to index
      %swap3A_315 = arith.index_cast %mul3A_185 : i32 to index
      %swap3A_316 = tpu.vector_load %arg9[%swap3A_314, %swap3A_315] {strides = array<i32>} : memref<32x1024xf32, #tpu.memory_space<vmem>>, vector<16xf32>,
      tpu.vector_store %arg9[%swap3A_314, %swap3A_315], %gather3A_312 {strides = array<i32>} : memref<32x1024xf32, #tpu.memory_space<vmem>>, vector<16xf32>,
      %get3A_317 = arith.constant 0 : i32
      %get3A_318 = arith.constant 5 : i32
      %get3A_319 = arith.index_cast %get3A_317 : i32 to index
      %get3A_320 = arith.index_cast %select_n3A : i32 to index
      %get3A_321 = arith.index_cast %get3A_318 : i32 to index
      %get3A_322 = arith.index_cast %mul3A_217 : i32 to index
      %get3A_323 = tpu.vector_load %arg10[%get3A_319, %get3A_320, %get3A_321, %get3A_322] {strides = array<i32>} : memref<4x8x8x128xf32, #tpu.memory_space<vmem>>, vector<16xf32>,
      %sub3A_324 = arith.subf %get3A_323, %gather3A_312 : vector<16xf32>
      %sub3A_325 = arith.constant 512 : i32
      %sub3A_326 = arith.subi %mul3A_185, %sub3A_325 : i32
      %swap3A_327 = arith.constant 5 : i32
      %swap3A_328 = arith.index_cast %swap3A_327 : i32 to index
      %swap3A_329 = arith.index_cast %sub3A_326 : i32 to index
      %swap3A_330 = tpu.vector_load %arg11[%swap3A_328, %swap3A_329] {strides = array<i32>} : memref<32x512xf32, #tpu.memory_space<vmem>>, vector<16xf32>,
      tpu.vector_store %arg11[%swap3A_328, %swap3A_329], %sub3A_324 {strides = array<i32>} : memref<32x512xf32, #tpu.memory_space<vmem>>, vector<16xf32>,
      %gather3A_331 = tpu.vector_load_idx %arg7[%broadcast_in_dim3A_35, %get3A_218] : memref<32x1024xf32, #tpu.memory_space<vmem>>[vector<16xi32>, vector<16xi32>], vector<16xf32>,
      %swap3A_332 = arith.constant 6 : i32
      %swap3A_333 = arith.index_cast %swap3A_332 : i32 to index
      %swap3A_334 = arith.index_cast %mul3A_185 : i32 to index
      %swap3A_335 = tpu.vector_load %arg9[%swap3A_333, %swap3A_334] {strides = array<i32>} : memref<32x1024xf32, #tpu.memory_space<vmem>>, vector<16xf32>,
      tpu.vector_store %arg9[%swap3A_333, %swap3A_334], %gather3A_331 {strides = array<i32>} : memref<32x1024xf32, #tpu.memory_space<vmem>>, vector<16xf32>,
      %get3A_336 = arith.constant 0 : i32
      %get3A_337 = arith.constant 6 : i32
      %get3A_338 = arith.index_cast %get3A_336 : i32 to index
      %get3A_339 = arith.index_cast %select_n3A : i32 to index
      %get3A_340 = arith.index_cast %get3A_337 : i32 to index
      %get3A_341 = arith.index_cast %mul3A_217 : i32 to index
      %get3A_342 = tpu.vector_load %arg10[%get3A_338, %get3A_339, %get3A_340, %get3A_341] {strides = array<i32>} : memref<4x8x8x128xf32, #tpu.memory_space<vmem>>, vector<16xf32>,
      %sub3A_343 = arith.subf %get3A_342, %gather3A_331 : vector<16xf32>
      %sub3A_344 = arith.constant 512 : i32
      %sub3A_345 = arith.subi %mul3A_185, %sub3A_344 : i32
      %swap3A_346 = arith.constant 6 : i32
      %swap3A_347 = arith.index_cast %swap3A_346 : i32 to index
      %swap3A_348 = arith.index_cast %sub3A_345 : i32 to index
      %swap3A_349 = tpu.vector_load %arg11[%swap3A_347, %swap3A_348] {strides = array<i32>} : memref<32x512xf32, #tpu.memory_space<vmem>>, vector<16xf32>,
      tpu.vector_store %arg11[%swap3A_347, %swap3A_348], %sub3A_343 {strides = array<i32>} : memref<32x512xf32, #tpu.memory_space<vmem>>, vector<16xf32>,
      %gather3A_350 = tpu.vector_load_idx %arg7[%broadcast_in_dim3A_37, %get3A_218] : memref<32x1024xf32, #tpu.memory_space<vmem>>[vector<16xi32>, vector<16xi32>], vector<16xf32>,
      %swap3A_351 = arith.constant 7 : i32
      %swap3A_352 = arith.index_cast %swap3A_351 : i32 to index
      %swap3A_353 = arith.index_cast %mul3A_185 : i32 to index
      %swap3A_354 = tpu.vector_load %arg9[%swap3A_352, %swap3A_353] {strides = array<i32>} : memref<32x1024xf32, #tpu.memory_space<vmem>>, vector<16xf32>,
      tpu.vector_store %arg9[%swap3A_352, %swap3A_353], %gather3A_350 {strides = array<i32>} : memref<32x1024xf32, #tpu.memory_space<vmem>>, vector<16xf32>,
      %get3A_355 = arith.constant 0 : i32
      %get3A_356 = arith.constant 7 : i32
      %get3A_357 = arith.index_cast %get3A_355 : i32 to index
      %get3A_358 = arith.index_cast %select_n3A : i32 to index
      %get3A_359 = arith.index_cast %get3A_356 : i32 to index
      %get3A_360 = arith.index_cast %mul3A_217 : i32 to index
      %get3A_361 = tpu.vector_load %arg10[%get3A_357, %get3A_358, %get3A_359, %get3A_360] {strides = array<i32>} : memref<4x8x8x128xf32, #tpu.memory_space<vmem>>, vector<16xf32>,
      %sub3A_362 = arith.subf %get3A_361, %gather3A_350 : vector<16xf32>
      %sub3A_363 = arith.constant 512 : i32
      %sub3A_364 = arith.subi %mul3A_185, %sub3A_363 : i32
      %swap3A_365 = arith.constant 7 : i32
      %swap3A_366 = arith.index_cast %swap3A_365 : i32 to index
      %swap3A_367 = arith.index_cast %sub3A_364 : i32 to index
      %swap3A_368 = tpu.vector_load %arg11[%swap3A_366, %swap3A_367] {strides = array<i32>} : memref<32x512xf32, #tpu.memory_space<vmem>>, vector<16xf32>,
      tpu.vector_store %arg11[%swap3A_366, %swap3A_367], %sub3A_362 {strides = array<i32>} : memref<32x512xf32, #tpu.memory_space<vmem>>, vector<16xf32>,
      %gather3A_369 = tpu.vector_load_idx %arg7[%broadcast_in_dim3A_39, %get3A_218] : memref<32x1024xf32, #tpu.memory_space<vmem>>[vector<16xi32>, vector<16xi32>], vector<16xf32>,
      %swap3A_370 = arith.constant 8 : i32
      %swap3A_371 = arith.index_cast %swap3A_370 : i32 to index
      %swap3A_372 = arith.index_cast %mul3A_185 : i32 to index
      %swap3A_373 = tpu.vector_load %arg9[%swap3A_371, %swap3A_372] {strides = array<i32>} : memref<32x1024xf32, #tpu.memory_space<vmem>>, vector<16xf32>,
      tpu.vector_store %arg9[%swap3A_371, %swap3A_372], %gather3A_369 {strides = array<i32>} : memref<32x1024xf32, #tpu.memory_space<vmem>>, vector<16xf32>,
      %get3A_374 = arith.constant 1 : i32
      %get3A_375 = arith.constant 0 : i32
      %get3A_376 = arith.index_cast %get3A_374 : i32 to index
      %get3A_377 = arith.index_cast %select_n3A : i32 to index
      %get3A_378 = arith.index_cast %get3A_375 : i32 to index
      %get3A_379 = arith.index_cast %mul3A_217 : i32 to index
      %get3A_380 = tpu.vector_load %arg10[%get3A_376, %get3A_377, %get3A_378, %get3A_379] {strides = array<i32>} : memref<4x8x8x128xf32, #tpu.memory_space<vmem>>, vector<16xf32>,
      %sub3A_381 = arith.subf %get3A_380, %gather3A_369 : vector<16xf32>
      %sub3A_382 = arith.constant 512 : i32
      %sub3A_383 = arith.subi %mul3A_185, %sub3A_382 : i32
      %swap3A_384 = arith.constant 8 : i32
      %swap3A_385 = arith.index_cast %swap3A_384 : i32 to index
      %swap3A_386 = arith.index_cast %sub3A_383 : i32 to index
      %swap3A_387 = tpu.vector_load %arg11[%swap3A_385, %swap3A_386] {strides = array<i32>} : memref<32x512xf32, #tpu.memory_space<vmem>>, vector<16xf32>,
      tpu.vector_store %arg11[%swap3A_385, %swap3A_386], %sub3A_381 {strides = array<i32>} : memref<32x512xf32, #tpu.memory_space<vmem>>, vector<16xf32>,
      %gather3A_388 = tpu.vector_load_idx %arg7[%broadcast_in_dim3A_41, %get3A_218] : memref<32x1024xf32, #tpu.memory_space<vmem>>[vector<16xi32>, vector<16xi32>], vector<16xf32>,
      %swap3A_389 = arith.constant 9 : i32
      %swap3A_390 = arith.index_cast %swap3A_389 : i32 to index
      %swap3A_391 = arith.index_cast %mul3A_185 : i32 to index
      %swap3A_392 = tpu.vector_load %arg9[%swap3A_390, %swap3A_391] {strides = array<i32>} : memref<32x1024xf32, #tpu.memory_space<vmem>>, vector<16xf32>,
      tpu.vector_store %arg9[%swap3A_390, %swap3A_391], %gather3A_388 {strides = array<i32>} : memref<32x1024xf32, #tpu.memory_space<vmem>>, vector<16xf32>,
      %get3A_393 = arith.constant 1 : i32
      %get3A_394 = arith.constant 1 : i32
      %get3A_395 = arith.index_cast %get3A_393 : i32 to index
      %get3A_396 = arith.index_cast %select_n3A : i32 to index
      %get3A_397 = arith.index_cast %get3A_394 : i32 to index
      %get3A_398 = arith.index_cast %mul3A_217 : i32 to index
      %get3A_399 = tpu.vector_load %arg10[%get3A_395, %get3A_396, %get3A_397, %get3A_398] {strides = array<i32>} : memref<4x8x8x128xf32, #tpu.memory_space<vmem>>, vector<16xf32>,
      %sub3A_400 = arith.subf %get3A_399, %gather3A_388 : vector<16xf32>
      %sub3A_401 = arith.constant 512 : i32
      %sub3A_402 = arith.subi %mul3A_185, %sub3A_401 : i32
      %swap3A_403 = arith.constant 9 : i32
      %swap3A_404 = arith.index_cast %swap3A_403 : i32 to index
      %swap3A_405 = arith.index_cast %sub3A_402 : i32 to index
      %swap3A_406 = tpu.vector_load %arg11[%swap3A_404, %swap3A_405] {strides = array<i32>} : memref<32x512xf32, #tpu.memory_space<vmem>>, vector<16xf32>,
      tpu.vector_store %arg11[%swap3A_404, %swap3A_405], %sub3A_400 {strides = array<i32>} : memref<32x512xf32, #tpu.memory_space<vmem>>, vector<16xf32>,
      %gather3A_407 = tpu.vector_load_idx %arg7[%broadcast_in_dim3A_43, %get3A_218] : memref<32x1024xf32, #tpu.memory_space<vmem>>[vector<16xi32>, vector<16xi32>], vector<16xf32>,
      %swap3A_408 = arith.constant 10 : i32
      %swap3A_409 = arith.index_cast %swap3A_408 : i32 to index
      %swap3A_410 = arith.index_cast %mul3A_185 : i32 to index
      %swap3A_411 = tpu.vector_load %arg9[%swap3A_409, %swap3A_410] {strides = array<i32>} : memref<32x1024xf32, #tpu.memory_space<vmem>>, vector<16xf32>,
      tpu.vector_store %arg9[%swap3A_409, %swap3A_410], %gather3A_407 {strides = array<i32>} : memref<32x1024xf32, #tpu.memory_space<vmem>>, vector<16xf32>,
      %get3A_412 = arith.constant 1 : i32
      %get3A_413 = arith.constant 2 : i32
      %get3A_414 = arith.index_cast %get3A_412 : i32 to index
      %get3A_415 = arith.index_cast %select_n3A : i32 to index
      %get3A_416 = arith.index_cast %get3A_413 : i32 to index
      %get3A_417 = arith.index_cast %mul3A_217 : i32 to index
      %get3A_418 = tpu.vector_load %arg10[%get3A_414, %get3A_415, %get3A_416, %get3A_417] {strides = array<i32>} : memref<4x8x8x128xf32, #tpu.memory_space<vmem>>, vector<16xf32>,
      %sub3A_419 = arith.subf %get3A_418, %gather3A_407 : vector<16xf32>
      %sub3A_420 = arith.constant 512 : i32
      %sub3A_421 = arith.subi %mul3A_185, %sub3A_420 : i32
      %swap3A_422 = arith.constant 10 : i32
      %swap3A_423 = arith.index_cast %swap3A_422 : i32 to index
      %swap3A_424 = arith.index_cast %sub3A_421 : i32 to index
      %swap3A_425 = tpu.vector_load %arg11[%swap3A_423, %swap3A_424] {strides = array<i32>} : memref<32x512xf32, #tpu.memory_space<vmem>>, vector<16xf32>,
      tpu.vector_store %arg11[%swap3A_423, %swap3A_424], %sub3A_419 {strides = array<i32>} : memref<32x512xf32, #tpu.memory_space<vmem>>, vector<16xf32>,
      %gather3A_426 = tpu.vector_load_idx %arg7[%broadcast_in_dim3A_45, %get3A_218] : memref<32x1024xf32, #tpu.memory_space<vmem>>[vector<16xi32>, vector<16xi32>], vector<16xf32>,
      %swap3A_427 = arith.constant 11 : i32
      %swap3A_428 = arith.index_cast %swap3A_427 : i32 to index
      %swap3A_429 = arith.index_cast %mul3A_185 : i32 to index
      %swap3A_430 = tpu.vector_load %arg9[%swap3A_428, %swap3A_429] {strides = array<i32>} : memref<32x1024xf32, #tpu.memory_space<vmem>>, vector<16xf32>,
      tpu.vector_store %arg9[%swap3A_428, %swap3A_429], %gather3A_426 {strides = array<i32>} : memref<32x1024xf32, #tpu.memory_space<vmem>>, vector<16xf32>,
      %get3A_431 = arith.constant 1 : i32
      %get3A_432 = arith.constant 3 : i32
      %get3A_433 = arith.index_cast %get3A_431 : i32 to index
      %get3A_434 = arith.index_cast %select_n3A : i32 to index
      %get3A_435 = arith.index_cast %get3A_432 : i32 to index
      %get3A_436 = arith.index_cast %mul3A_217 : i32 to index
      %get3A_437 = tpu.vector_load %arg10[%get3A_433, %get3A_434, %get3A_435, %get3A_436] {strides = array<i32>} : memref<4x8x8x128xf32, #tpu.memory_space<vmem>>, vector<16xf32>,
      %sub3A_438 = arith.subf %get3A_437, %gather3A_426 : vector<16xf32>
      %sub3A_439 = arith.constant 512 : i32
      %sub3A_440 = arith.subi %mul3A_185, %sub3A_439 : i32
      %swap3A_441 = arith.constant 11 : i32
      %swap3A_442 = arith.index_cast %swap3A_441 : i32 to index
      %swap3A_443 = arith.index_cast %sub3A_440 : i32 to index
      %swap3A_444 = tpu.vector_load %arg11[%swap3A_442, %swap3A_443] {strides = array<i32>} : memref<32x512xf32, #tpu.memory_space<vmem>>, vector<16xf32>,
      tpu.vector_store %arg11[%swap3A_442, %swap3A_443], %sub3A_438 {strides = array<i32>} : memref<32x512xf32, #tpu.memory_space<vmem>>, vector<16xf32>,
      %gather3A_445 = tpu.vector_load_idx %arg7[%broadcast_in_dim3A_47, %get3A_218] : memref<32x1024xf32, #tpu.memory_space<vmem>>[vector<16xi32>, vector<16xi32>], vector<16xf32>,
      %swap3A_446 = arith.constant 12 : i32
      %swap3A_447 = arith.index_cast %swap3A_446 : i32 to index
      %swap3A_448 = arith.index_cast %mul3A_185 : i32 to index
      %swap3A_449 = tpu.vector_load %arg9[%swap3A_447, %swap3A_448] {strides = array<i32>} : memref<32x1024xf32, #tpu.memory_space<vmem>>, vector<16xf32>,
      tpu.vector_store %arg9[%swap3A_447, %swap3A_448], %gather3A_445 {strides = array<i32>} : memref<32x1024xf32, #tpu.memory_space<vmem>>, vector<16xf32>,
      %get3A_450 = arith.constant 1 : i32
      %get3A_451 = arith.constant 4 : i32
      %get3A_452 = arith.index_cast %get3A_450 : i32 to index
      %get3A_453 = arith.index_cast %select_n3A : i32 to index
      %get3A_454 = arith.index_cast %get3A_451 : i32 to index
      %get3A_455 = arith.index_cast %mul3A_217 : i32 to index
      %get3A_456 = tpu.vector_load %arg10[%get3A_452, %get3A_453, %get3A_454, %get3A_455] {strides = array<i32>} : memref<4x8x8x128xf32, #tpu.memory_space<vmem>>, vector<16xf32>,
      %sub3A_457 = arith.subf %get3A_456, %gather3A_445 : vector<16xf32>
      %sub3A_458 = arith.constant 512 : i32
      %sub3A_459 = arith.subi %mul3A_185, %sub3A_458 : i32
      %swap3A_460 = arith.constant 12 : i32
      %swap3A_461 = arith.index_cast %swap3A_460 : i32 to index
      %swap3A_462 = arith.index_cast %sub3A_459 : i32 to index
      %swap3A_463 = tpu.vector_load %arg11[%swap3A_461, %swap3A_462] {strides = array<i32>} : memref<32x512xf32, #tpu.memory_space<vmem>>, vector<16xf32>,
      tpu.vector_store %arg11[%swap3A_461, %swap3A_462], %sub3A_457 {strides = array<i32>} : memref<32x512xf32, #tpu.memory_space<vmem>>, vector<16xf32>,
      %gather3A_464 = tpu.vector_load_idx %arg7[%broadcast_in_dim3A_49, %get3A_218] : memref<32x1024xf32, #tpu.memory_space<vmem>>[vector<16xi32>, vector<16xi32>], vector<16xf32>,
      %swap3A_465 = arith.constant 13 : i32
      %swap3A_466 = arith.index_cast %swap3A_465 : i32 to index
      %swap3A_467 = arith.index_cast %mul3A_185 : i32 to index
      %swap3A_468 = tpu.vector_load %arg9[%swap3A_466, %swap3A_467] {strides = array<i32>} : memref<32x1024xf32, #tpu.memory_space<vmem>>, vector<16xf32>,
      tpu.vector_store %arg9[%swap3A_466, %swap3A_467], %gather3A_464 {strides = array<i32>} : memref<32x1024xf32, #tpu.memory_space<vmem>>, vector<16xf32>,
      %get3A_469 = arith.constant 1 : i32
      %get3A_470 = arith.constant 5 : i32
      %get3A_471 = arith.index_cast %get3A_469 : i32 to index
      %get3A_472 = arith.index_cast %select_n3A : i32 to index
      %get3A_473 = arith.index_cast %get3A_470 : i32 to index
      %get3A_474 = arith.index_cast %mul3A_217 : i32 to index
      %get3A_475 = tpu.vector_load %arg10[%get3A_471, %get3A_472, %get3A_473, %get3A_474] {strides = array<i32>} : memref<4x8x8x128xf32, #tpu.memory_space<vmem>>, vector<16xf32>,
      %sub3A_476 = arith.subf %get3A_475, %gather3A_464 : vector<16xf32>
      %sub3A_477 = arith.constant 512 : i32
      %sub3A_478 = arith.subi %mul3A_185, %sub3A_477 : i32
      %swap3A_479 = arith.constant 13 : i32
      %swap3A_480 = arith.index_cast %swap3A_479 : i32 to index
      %swap3A_481 = arith.index_cast %sub3A_478 : i32 to index
      %swap3A_482 = tpu.vector_load %arg11[%swap3A_480, %swap3A_481] {strides = array<i32>} : memref<32x512xf32, #tpu.memory_space<vmem>>, vector<16xf32>,
      tpu.vector_store %arg11[%swap3A_480, %swap3A_481], %sub3A_476 {strides = array<i32>} : memref<32x512xf32, #tpu.memory_space<vmem>>, vector<16xf32>,
      %gather3A_483 = tpu.vector_load_idx %arg7[%broadcast_in_dim3A_51, %get3A_218] : memref<32x1024xf32, #tpu.memory_space<vmem>>[vector<16xi32>, vector<16xi32>], vector<16xf32>,
      %swap3A_484 = arith.constant 14 : i32
      %swap3A_485 = arith.index_cast %swap3A_484 : i32 to index
      %swap3A_486 = arith.index_cast %mul3A_185 : i32 to index
      %swap3A_487 = tpu.vector_load %arg9[%swap3A_485, %swap3A_486] {strides = array<i32>} : memref<32x1024xf32, #tpu.memory_space<vmem>>, vector<16xf32>,
      tpu.vector_store %arg9[%swap3A_485, %swap3A_486], %gather3A_483 {strides = array<i32>} : memref<32x1024xf32, #tpu.memory_space<vmem>>, vector<16xf32>,
      %get3A_488 = arith.constant 1 : i32
      %get3A_489 = arith.constant 6 : i32
      %get3A_490 = arith.index_cast %get3A_488 : i32 to index
      %get3A_491 = arith.index_cast %select_n3A : i32 to index
      %get3A_492 = arith.index_cast %get3A_489 : i32 to index
      %get3A_493 = arith.index_cast %mul3A_217 : i32 to index
      %get3A_494 = tpu.vector_load %arg10[%get3A_490, %get3A_491, %get3A_492, %get3A_493] {strides = array<i32>} : memref<4x8x8x128xf32, #tpu.memory_space<vmem>>, vector<16xf32>,
      %sub3A_495 = arith.subf %get3A_494, %gather3A_483 : vector<16xf32>
      %sub3A_496 = arith.constant 512 : i32
      %sub3A_497 = arith.subi %mul3A_185, %sub3A_496 : i32
      %swap3A_498 = arith.constant 14 : i32
      %swap3A_499 = arith.index_cast %swap3A_498 : i32 to index
      %swap3A_500 = arith.index_cast %sub3A_497 : i32 to index
      %swap3A_501 = tpu.vector_load %arg11[%swap3A_499, %swap3A_500] {strides = array<i32>} : memref<32x512xf32, #tpu.memory_space<vmem>>, vector<16xf32>,
      tpu.vector_store %arg11[%swap3A_499, %swap3A_500], %sub3A_495 {strides = array<i32>} : memref<32x512xf32, #tpu.memory_space<vmem>>, vector<16xf32>,
      %gather3A_502 = tpu.vector_load_idx %arg7[%broadcast_in_dim3A_53, %get3A_218] : memref<32x1024xf32, #tpu.memory_space<vmem>>[vector<16xi32>, vector<16xi32>], vector<16xf32>,
      %swap3A_503 = arith.constant 15 : i32
      %swap3A_504 = arith.index_cast %swap3A_503 : i32 to index
      %swap3A_505 = arith.index_cast %mul3A_185 : i32 to index
      %swap3A_506 = tpu.vector_load %arg9[%swap3A_504, %swap3A_505] {strides = array<i32>} : memref<32x1024xf32, #tpu.memory_space<vmem>>, vector<16xf32>,
      tpu.vector_store %arg9[%swap3A_504, %swap3A_505], %gather3A_502 {strides = array<i32>} : memref<32x1024xf32, #tpu.memory_space<vmem>>, vector<16xf32>,
      %get3A_507 = arith.constant 1 : i32
      %get3A_508 = arith.constant 7 : i32
      %get3A_509 = arith.index_cast %get3A_507 : i32 to index
      %get3A_510 = arith.index_cast %select_n3A : i32 to index
      %get3A_511 = arith.index_cast %get3A_508 : i32 to index
      %get3A_512 = arith.index_cast %mul3A_217 : i32 to index
      %get3A_513 = tpu.vector_load %arg10[%get3A_509, %get3A_510, %get3A_511, %get3A_512] {strides = array<i32>} : memref<4x8x8x128xf32, #tpu.memory_space<vmem>>, vector<16xf32>,
      %sub3A_514 = arith.subf %get3A_513, %gather3A_502 : vector<16xf32>
      %sub3A_515 = arith.constant 512 : i32
      %sub3A_516 = arith.subi %mul3A_185, %sub3A_515 : i32
      %swap3A_517 = arith.constant 15 : i32
      %swap3A_518 = arith.index_cast %swap3A_517 : i32 to index
      %swap3A_519 = arith.index_cast %sub3A_516 : i32 to index
      %swap3A_520 = tpu.vector_load %arg11[%swap3A_518, %swap3A_519] {strides = array<i32>} : memref<32x512xf32, #tpu.memory_space<vmem>>, vector<16xf32>,
      tpu.vector_store %arg11[%swap3A_518, %swap3A_519], %sub3A_514 {strides = array<i32>} : memref<32x512xf32, #tpu.memory_space<vmem>>, vector<16xf32>,
      %gather3A_521 = tpu.vector_load_idx %arg7[%broadcast_in_dim3A_55, %get3A_218] : memref<32x1024xf32, #tpu.memory_space<vmem>>[vector<16xi32>, vector<16xi32>], vector<16xf32>,
      %swap3A_522 = arith.constant 16 : i32
      %swap3A_523 = arith.index_cast %swap3A_522 : i32 to index
      %swap3A_524 = arith.index_cast %mul3A_185 : i32 to index
      %swap3A_525 = tpu.vector_load %arg9[%swap3A_523, %swap3A_524] {strides = array<i32>} : memref<32x1024xf32, #tpu.memory_space<vmem>>, vector<16xf32>,
      tpu.vector_store %arg9[%swap3A_523, %swap3A_524], %gather3A_521 {strides = array<i32>} : memref<32x1024xf32, #tpu.memory_space<vmem>>, vector<16xf32>,
      %get3A_526 = arith.constant 2 : i32
      %get3A_527 = arith.constant 0 : i32
      %get3A_528 = arith.index_cast %get3A_526 : i32 to index
      %get3A_529 = arith.index_cast %select_n3A : i32 to index
      %get3A_530 = arith.index_cast %get3A_527 : i32 to index
      %get3A_531 = arith.index_cast %mul3A_217 : i32 to index
      %get3A_532 = tpu.vector_load %arg10[%get3A_528, %get3A_529, %get3A_530, %get3A_531] {strides = array<i32>} : memref<4x8x8x128xf32, #tpu.memory_space<vmem>>, vector<16xf32>,
      %sub3A_533 = arith.subf %get3A_532, %gather3A_521 : vector<16xf32>
      %sub3A_534 = arith.constant 512 : i32
      %sub3A_535 = arith.subi %mul3A_185, %sub3A_534 : i32
      %swap3A_536 = arith.constant 16 : i32
      %swap3A_537 = arith.index_cast %swap3A_536 : i32 to index
      %swap3A_538 = arith.index_cast %sub3A_535 : i32 to index
      %swap3A_539 = tpu.vector_load %arg11[%swap3A_537, %swap3A_538] {strides = array<i32>} : memref<32x512xf32, #tpu.memory_space<vmem>>, vector<16xf32>,
      tpu.vector_store %arg11[%swap3A_537, %swap3A_538], %sub3A_533 {strides = array<i32>} : memref<32x512xf32, #tpu.memory_space<vmem>>, vector<16xf32>,
      %gather3A_540 = tpu.vector_load_idx %arg7[%broadcast_in_dim3A_57, %get3A_218] : memref<32x1024xf32, #tpu.memory_space<vmem>>[vector<16xi32>, vector<16xi32>], vector<16xf32>,
      %swap3A_541 = arith.constant 17 : i32
      %swap3A_542 = arith.index_cast %swap3A_541 : i32 to index
      %swap3A_543 = arith.index_cast %mul3A_185 : i32 to index
      %swap3A_544 = tpu.vector_load %arg9[%swap3A_542, %swap3A_543] {strides = array<i32>} : memref<32x1024xf32, #tpu.memory_space<vmem>>, vector<16xf32>,
      tpu.vector_store %arg9[%swap3A_542, %swap3A_543], %gather3A_540 {strides = array<i32>} : memref<32x1024xf32, #tpu.memory_space<vmem>>, vector<16xf32>,
      %get3A_545 = arith.constant 2 : i32
      %get3A_546 = arith.constant 1 : i32
      %get3A_547 = arith.index_cast %get3A_545 : i32 to index
      %get3A_548 = arith.index_cast %select_n3A : i32 to index
      %get3A_549 = arith.index_cast %get3A_546 : i32 to index
      %get3A_550 = arith.index_cast %mul3A_217 : i32 to index
      %get3A_551 = tpu.vector_load %arg10[%get3A_547, %get3A_548, %get3A_549, %get3A_550] {strides = array<i32>} : memref<4x8x8x128xf32, #tpu.memory_space<vmem>>, vector<16xf32>,
      %sub3A_552 = arith.subf %get3A_551, %gather3A_540 : vector<16xf32>
      %sub3A_553 = arith.constant 512 : i32
      %sub3A_554 = arith.subi %mul3A_185, %sub3A_553 : i32
      %swap3A_555 = arith.constant 17 : i32
      %swap3A_556 = arith.index_cast %swap3A_555 : i32 to index
      %swap3A_557 = arith.index_cast %sub3A_554 : i32 to index
      %swap3A_558 = tpu.vector_load %arg11[%swap3A_556, %swap3A_557] {strides = array<i32>} : memref<32x512xf32, #tpu.memory_space<vmem>>, vector<16xf32>,
      tpu.vector_store %arg11[%swap3A_556, %swap3A_557], %sub3A_552 {strides = array<i32>} : memref<32x512xf32, #tpu.memory_space<vmem>>, vector<16xf32>,
      %gather3A_559 = tpu.vector_load_idx %arg7[%broadcast_in_dim3A_59, %get3A_218] : memref<32x1024xf32, #tpu.memory_space<vmem>>[vector<16xi32>, vector<16xi32>], vector<16xf32>,
      %swap3A_560 = arith.constant 18 : i32
      %swap3A_561 = arith.index_cast %swap3A_560 : i32 to index
      %swap3A_562 = arith.index_cast %mul3A_185 : i32 to index
      %swap3A_563 = tpu.vector_load %arg9[%swap3A_561, %swap3A_562] {strides = array<i32>} : memref<32x1024xf32, #tpu.memory_space<vmem>>, vector<16xf32>,
      tpu.vector_store %arg9[%swap3A_561, %swap3A_562], %gather3A_559 {strides = array<i32>} : memref<32x1024xf32, #tpu.memory_space<vmem>>, vector<16xf32>,
      %get3A_564 = arith.constant 2 : i32
      %get3A_565 = arith.constant 2 : i32
      %get3A_566 = arith.index_cast %get3A_564 : i32 to index
      %get3A_567 = arith.index_cast %select_n3A : i32 to index
      %get3A_568 = arith.index_cast %get3A_565 : i32 to index
      %get3A_569 = arith.index_cast %mul3A_217 : i32 to index
      %get3A_570 = tpu.vector_load %arg10[%get3A_566, %get3A_567, %get3A_568, %get3A_569] {strides = array<i32>} : memref<4x8x8x128xf32, #tpu.memory_space<vmem>>, vector<16xf32>,
      %sub3A_571 = arith.subf %get3A_570, %gather3A_559 : vector<16xf32>
      %sub3A_572 = arith.constant 512 : i32
      %sub3A_573 = arith.subi %mul3A_185, %sub3A_572 : i32
      %swap3A_574 = arith.constant 18 : i32
      %swap3A_575 = arith.index_cast %swap3A_574 : i32 to index
      %swap3A_576 = arith.index_cast %sub3A_573 : i32 to index
      %swap3A_577 = tpu.vector_load %arg11[%swap3A_575, %swap3A_576] {strides = array<i32>} : memref<32x512xf32, #tpu.memory_space<vmem>>, vector<16xf32>,
      tpu.vector_store %arg11[%swap3A_575, %swap3A_576], %sub3A_571 {strides = array<i32>} : memref<32x512xf32, #tpu.memory_space<vmem>>, vector<16xf32>,
      %gather3A_578 = tpu.vector_load_idx %arg7[%broadcast_in_dim3A_61, %get3A_218] : memref<32x1024xf32, #tpu.memory_space<vmem>>[vector<16xi32>, vector<16xi32>], vector<16xf32>,
      %swap3A_579 = arith.constant 19 : i32
      %swap3A_580 = arith.index_cast %swap3A_579 : i32 to index
      %swap3A_581 = arith.index_cast %mul3A_185 : i32 to index
      %swap3A_582 = tpu.vector_load %arg9[%swap3A_580, %swap3A_581] {strides = array<i32>} : memref<32x1024xf32, #tpu.memory_space<vmem>>, vector<16xf32>,
      tpu.vector_store %arg9[%swap3A_580, %swap3A_581], %gather3A_578 {strides = array<i32>} : memref<32x1024xf32, #tpu.memory_space<vmem>>, vector<16xf32>,
      %get3A_583 = arith.constant 2 : i32
      %get3A_584 = arith.constant 3 : i32
      %get3A_585 = arith.index_cast %get3A_583 : i32 to index
      %get3A_586 = arith.index_cast %select_n3A : i32 to index
      %get3A_587 = arith.index_cast %get3A_584 : i32 to index
      %get3A_588 = arith.index_cast %mul3A_217 : i32 to index
      %get3A_589 = tpu.vector_load %arg10[%get3A_585, %get3A_586, %get3A_587, %get3A_588] {strides = array<i32>} : memref<4x8x8x128xf32, #tpu.memory_space<vmem>>, vector<16xf32>,
      %sub3A_590 = arith.subf %get3A_589, %gather3A_578 : vector<16xf32>
      %sub3A_591 = arith.constant 512 : i32
      %sub3A_592 = arith.subi %mul3A_185, %sub3A_591 : i32
      %swap3A_593 = arith.constant 19 : i32
      %swap3A_594 = arith.index_cast %swap3A_593 : i32 to index
      %swap3A_595 = arith.index_cast %sub3A_592 : i32 to index
      %swap3A_596 = tpu.vector_load %arg11[%swap3A_594, %swap3A_595] {strides = array<i32>} : memref<32x512xf32, #tpu.memory_space<vmem>>, vector<16xf32>,
      tpu.vector_store %arg11[%swap3A_594, %swap3A_595], %sub3A_590 {strides = array<i32>} : memref<32x512xf32, #tpu.memory_space<vmem>>, vector<16xf32>,
      %gather3A_597 = tpu.vector_load_idx %arg7[%broadcast_in_dim3A_63, %get3A_218] : memref<32x1024xf32, #tpu.memory_space<vmem>>[vector<16xi32>, vector<16xi32>], vector<16xf32>,
      %swap3A_598 = arith.constant 20 : i32
      %swap3A_599 = arith.index_cast %swap3A_598 : i32 to index
      %swap3A_600 = arith.index_cast %mul3A_185 : i32 to index
      %swap3A_601 = tpu.vector_load %arg9[%swap3A_599, %swap3A_600] {strides = array<i32>} : memref<32x1024xf32, #tpu.memory_space<vmem>>, vector<16xf32>,
      tpu.vector_store %arg9[%swap3A_599, %swap3A_600], %gather3A_597 {strides = array<i32>} : memref<32x1024xf32, #tpu.memory_space<vmem>>, vector<16xf32>,
      %get3A_602 = arith.constant 2 : i32
      %get3A_603 = arith.constant 4 : i32
      %get3A_604 = arith.index_cast %get3A_602 : i32 to index
      %get3A_605 = arith.index_cast %select_n3A : i32 to index
      %get3A_606 = arith.index_cast %get3A_603 : i32 to index
      %get3A_607 = arith.index_cast %mul3A_217 : i32 to index
      %get3A_608 = tpu.vector_load %arg10[%get3A_604, %get3A_605, %get3A_606, %get3A_607] {strides = array<i32>} : memref<4x8x8x128xf32, #tpu.memory_space<vmem>>, vector<16xf32>,
      %sub3A_609 = arith.subf %get3A_608, %gather3A_597 : vector<16xf32>
      %sub3A_610 = arith.constant 512 : i32
      %sub3A_611 = arith.subi %mul3A_185, %sub3A_610 : i32
      %swap3A_612 = arith.constant 20 : i32
      %swap3A_613 = arith.index_cast %swap3A_612 : i32 to index
      %swap3A_614 = arith.index_cast %sub3A_611 : i32 to index
      %swap3A_615 = tpu.vector_load %arg11[%swap3A_613, %swap3A_614] {strides = array<i32>} : memref<32x512xf32, #tpu.memory_space<vmem>>, vector<16xf32>,
      tpu.vector_store %arg11[%swap3A_613, %swap3A_614], %sub3A_609 {strides = array<i32>} : memref<32x512xf32, #tpu.memory_space<vmem>>, vector<16xf32>,
      %gather3A_616 = tpu.vector_load_idx %arg7[%broadcast_in_dim3A_65, %get3A_218] : memref<32x1024xf32, #tpu.memory_space<vmem>>[vector<16xi32>, vector<16xi32>], vector<16xf32>,
      %swap3A_617 = arith.constant 21 : i32
      %swap3A_618 = arith.index_cast %swap3A_617 : i32 to index
      %swap3A_619 = arith.index_cast %mul3A_185 : i32 to index
      %swap3A_620 = tpu.vector_load %arg9[%swap3A_618, %swap3A_619] {strides = array<i32>} : memref<32x1024xf32, #tpu.memory_space<vmem>>, vector<16xf32>,
      tpu.vector_store %arg9[%swap3A_618, %swap3A_619], %gather3A_616 {strides = array<i32>} : memref<32x1024xf32, #tpu.memory_space<vmem>>, vector<16xf32>,
      %get3A_621 = arith.constant 2 : i32
      %get3A_622 = arith.constant 5 : i32
      %get3A_623 = arith.index_cast %get3A_621 : i32 to index
      %get3A_624 = arith.index_cast %select_n3A : i32 to index
      %get3A_625 = arith.index_cast %get3A_622 : i32 to index
      %get3A_626 = arith.index_cast %mul3A_217 : i32 to index
      %get3A_627 = tpu.vector_load %arg10[%get3A_623, %get3A_624, %get3A_625, %get3A_626] {strides = array<i32>} : memref<4x8x8x128xf32, #tpu.memory_space<vmem>>, vector<16xf32>,
      %sub3A_628 = arith.subf %get3A_627, %gather3A_616 : vector<16xf32>
      %sub3A_629 = arith.constant 512 : i32
      %sub3A_630 = arith.subi %mul3A_185, %sub3A_629 : i32
      %swap3A_631 = arith.constant 21 : i32
      %swap3A_632 = arith.index_cast %swap3A_631 : i32 to index
      %swap3A_633 = arith.index_cast %sub3A_630 : i32 to index
      %swap3A_634 = tpu.vector_load %arg11[%swap3A_632, %swap3A_633] {strides = array<i32>} : memref<32x512xf32, #tpu.memory_space<vmem>>, vector<16xf32>,
      tpu.vector_store %arg11[%swap3A_632, %swap3A_633], %sub3A_628 {strides = array<i32>} : memref<32x512xf32, #tpu.memory_space<vmem>>, vector<16xf32>,
      %gather3A_635 = tpu.vector_load_idx %arg7[%broadcast_in_dim3A_67, %get3A_218] : memref<32x1024xf32, #tpu.memory_space<vmem>>[vector<16xi32>, vector<16xi32>], vector<16xf32>,
      %swap3A_636 = arith.constant 22 : i32
      %swap3A_637 = arith.index_cast %swap3A_636 : i32 to index
      %swap3A_638 = arith.index_cast %mul3A_185 : i32 to index
      %swap3A_639 = tpu.vector_load %arg9[%swap3A_637, %swap3A_638] {strides = array<i32>} : memref<32x1024xf32, #tpu.memory_space<vmem>>, vector<16xf32>,
      tpu.vector_store %arg9[%swap3A_637, %swap3A_638], %gather3A_635 {strides = array<i32>} : memref<32x1024xf32, #tpu.memory_space<vmem>>, vector<16xf32>,
      %get3A_640 = arith.constant 2 : i32
      %get3A_641 = arith.constant 6 : i32
      %get3A_642 = arith.index_cast %get3A_640 : i32 to index
      %get3A_643 = arith.index_cast %select_n3A : i32 to index
      %get3A_644 = arith.index_cast %get3A_641 : i32 to index
      %get3A_645 = arith.index_cast %mul3A_217 : i32 to index
      %get3A_646 = tpu.vector_load %arg10[%get3A_642, %get3A_643, %get3A_644, %get3A_645] {strides = array<i32>} : memref<4x8x8x128xf32, #tpu.memory_space<vmem>>, vector<16xf32>,
      %sub3A_647 = arith.subf %get3A_646, %gather3A_635 : vector<16xf32>
      %sub3A_648 = arith.constant 512 : i32
      %sub3A_649 = arith.subi %mul3A_185, %sub3A_648 : i32
      %swap3A_650 = arith.constant 22 : i32
      %swap3A_651 = arith.index_cast %swap3A_650 : i32 to index
      %swap3A_652 = arith.index_cast %sub3A_649 : i32 to index
      %swap3A_653 = tpu.vector_load %arg11[%swap3A_651, %swap3A_652] {strides = array<i32>} : memref<32x512xf32, #tpu.memory_space<vmem>>, vector<16xf32>,
      tpu.vector_store %arg11[%swap3A_651, %swap3A_652], %sub3A_647 {strides = array<i32>} : memref<32x512xf32, #tpu.memory_space<vmem>>, vector<16xf32>,
      %gather3A_654 = tpu.vector_load_idx %arg7[%broadcast_in_dim3A_69, %get3A_218] : memref<32x1024xf32, #tpu.memory_space<vmem>>[vector<16xi32>, vector<16xi32>], vector<16xf32>,
      %swap3A_655 = arith.constant 23 : i32
      %swap3A_656 = arith.index_cast %swap3A_655 : i32 to index
      %swap3A_657 = arith.index_cast %mul3A_185 : i32 to index
      %swap3A_658 = tpu.vector_load %arg9[%swap3A_656, %swap3A_657] {strides = array<i32>} : memref<32x1024xf32, #tpu.memory_space<vmem>>, vector<16xf32>,
      tpu.vector_store %arg9[%swap3A_656, %swap3A_657], %gather3A_654 {strides = array<i32>} : memref<32x1024xf32, #tpu.memory_space<vmem>>, vector<16xf32>,
      %get3A_659 = arith.constant 2 : i32
      %get3A_660 = arith.constant 7 : i32
      %get3A_661 = arith.index_cast %get3A_659 : i32 to index
      %get3A_662 = arith.index_cast %select_n3A : i32 to index
      %get3A_663 = arith.index_cast %get3A_660 : i32 to index
      %get3A_664 = arith.index_cast %mul3A_217 : i32 to index
      %get3A_665 = tpu.vector_load %arg10[%get3A_661, %get3A_662, %get3A_663, %get3A_664] {strides = array<i32>} : memref<4x8x8x128xf32, #tpu.memory_space<vmem>>, vector<16xf32>,
      %sub3A_666 = arith.subf %get3A_665, %gather3A_654 : vector<16xf32>
      %sub3A_667 = arith.constant 512 : i32
      %sub3A_668 = arith.subi %mul3A_185, %sub3A_667 : i32
      %swap3A_669 = arith.constant 23 : i32
      %swap3A_670 = arith.index_cast %swap3A_669 : i32 to index
      %swap3A_671 = arith.index_cast %sub3A_668 : i32 to index
      %swap3A_672 = tpu.vector_load %arg11[%swap3A_670, %swap3A_671] {strides = array<i32>} : memref<32x512xf32, #tpu.memory_space<vmem>>, vector<16xf32>,
      tpu.vector_store %arg11[%swap3A_670, %swap3A_671], %sub3A_666 {strides = array<i32>} : memref<32x512xf32, #tpu.memory_space<vmem>>, vector<16xf32>,
      %gather3A_673 = tpu.vector_load_idx %arg7[%broadcast_in_dim3A_71, %get3A_218] : memref<32x1024xf32, #tpu.memory_space<vmem>>[vector<16xi32>, vector<16xi32>], vector<16xf32>,
      %swap3A_674 = arith.constant 24 : i32
      %swap3A_675 = arith.index_cast %swap3A_674 : i32 to index
      %swap3A_676 = arith.index_cast %mul3A_185 : i32 to index
      %swap3A_677 = tpu.vector_load %arg9[%swap3A_675, %swap3A_676] {strides = array<i32>} : memref<32x1024xf32, #tpu.memory_space<vmem>>, vector<16xf32>,
      tpu.vector_store %arg9[%swap3A_675, %swap3A_676], %gather3A_673 {strides = array<i32>} : memref<32x1024xf32, #tpu.memory_space<vmem>>, vector<16xf32>,
      %get3A_678 = arith.constant 3 : i32
      %get3A_679 = arith.constant 0 : i32
      %get3A_680 = arith.index_cast %get3A_678 : i32 to index
      %get3A_681 = arith.index_cast %select_n3A : i32 to index
      %get3A_682 = arith.index_cast %get3A_679 : i32 to index
      %get3A_683 = arith.index_cast %mul3A_217 : i32 to index
      %get3A_684 = tpu.vector_load %arg10[%get3A_680, %get3A_681, %get3A_682, %get3A_683] {strides = array<i32>} : memref<4x8x8x128xf32, #tpu.memory_space<vmem>>, vector<16xf32>,
      %sub3A_685 = arith.subf %get3A_684, %gather3A_673 : vector<16xf32>
      %sub3A_686 = arith.constant 512 : i32
      %sub3A_687 = arith.subi %mul3A_185, %sub3A_686 : i32
      %swap3A_688 = arith.constant 24 : i32
      %swap3A_689 = arith.index_cast %swap3A_688 : i32 to index
      %swap3A_690 = arith.index_cast %sub3A_687 : i32 to index
      %swap3A_691 = tpu.vector_load %arg11[%swap3A_689, %swap3A_690] {strides = array<i32>} : memref<32x512xf32, #tpu.memory_space<vmem>>, vector<16xf32>,
      tpu.vector_store %arg11[%swap3A_689, %swap3A_690], %sub3A_685 {strides = array<i32>} : memref<32x512xf32, #tpu.memory_space<vmem>>, vector<16xf32>,
      %gather3A_692 = tpu.vector_load_idx %arg7[%broadcast_in_dim3A_73, %get3A_218] : memref<32x1024xf32, #tpu.memory_space<vmem>>[vector<16xi32>, vector<16xi32>], vector<16xf32>,
      %swap3A_693 = arith.constant 25 : i32
      %swap3A_694 = arith.index_cast %swap3A_693 : i32 to index
      %swap3A_695 = arith.index_cast %mul3A_185 : i32 to index
      %swap3A_696 = tpu.vector_load %arg9[%swap3A_694, %swap3A_695] {strides = array<i32>} : memref<32x1024xf32, #tpu.memory_space<vmem>>, vector<16xf32>,
      tpu.vector_store %arg9[%swap3A_694, %swap3A_695], %gather3A_692 {strides = array<i32>} : memref<32x1024xf32, #tpu.memory_space<vmem>>, vector<16xf32>,
      %get3A_697 = arith.constant 3 : i32
      %get3A_698 = arith.constant 1 : i32
      %get3A_699 = arith.index_cast %get3A_697 : i32 to index
      %get3A_700 = arith.index_cast %select_n3A : i32 to index
      %get3A_701 = arith.index_cast %get3A_698 : i32 to index
      %get3A_702 = arith.index_cast %mul3A_217 : i32 to index
      %get3A_703 = tpu.vector_load %arg10[%get3A_699, %get3A_700, %get3A_701, %get3A_702] {strides = array<i32>} : memref<4x8x8x128xf32, #tpu.memory_space<vmem>>, vector<16xf32>,
      %sub3A_704 = arith.subf %get3A_703, %gather3A_692 : vector<16xf32>
      %sub3A_705 = arith.constant 512 : i32
      %sub3A_706 = arith.subi %mul3A_185, %sub3A_705 : i32
      %swap3A_707 = arith.constant 25 : i32
      %swap3A_708 = arith.index_cast %swap3A_707 : i32 to index
      %swap3A_709 = arith.index_cast %sub3A_706 : i32 to index
      %swap3A_710 = tpu.vector_load %arg11[%swap3A_708, %swap3A_709] {strides = array<i32>} : memref<32x512xf32, #tpu.memory_space<vmem>>, vector<16xf32>,
      tpu.vector_store %arg11[%swap3A_708, %swap3A_709], %sub3A_704 {strides = array<i32>} : memref<32x512xf32, #tpu.memory_space<vmem>>, vector<16xf32>,
      %gather3A_711 = tpu.vector_load_idx %arg7[%broadcast_in_dim3A_75, %get3A_218] : memref<32x1024xf32, #tpu.memory_space<vmem>>[vector<16xi32>, vector<16xi32>], vector<16xf32>,
      %swap3A_712 = arith.constant 26 : i32
      %swap3A_713 = arith.index_cast %swap3A_712 : i32 to index
      %swap3A_714 = arith.index_cast %mul3A_185 : i32 to index
      %swap3A_715 = tpu.vector_load %arg9[%swap3A_713, %swap3A_714] {strides = array<i32>} : memref<32x1024xf32, #tpu.memory_space<vmem>>, vector<16xf32>,
      tpu.vector_store %arg9[%swap3A_713, %swap3A_714], %gather3A_711 {strides = array<i32>} : memref<32x1024xf32, #tpu.memory_space<vmem>>, vector<16xf32>,
      %get3A_716 = arith.constant 3 : i32
      %get3A_717 = arith.constant 2 : i32
      %get3A_718 = arith.index_cast %get3A_716 : i32 to index
      %get3A_719 = arith.index_cast %select_n3A : i32 to index
      %get3A_720 = arith.index_cast %get3A_717 : i32 to index
      %get3A_721 = arith.index_cast %mul3A_217 : i32 to index
      %get3A_722 = tpu.vector_load %arg10[%get3A_718, %get3A_719, %get3A_720, %get3A_721] {strides = array<i32>} : memref<4x8x8x128xf32, #tpu.memory_space<vmem>>, vector<16xf32>,
      %sub3A_723 = arith.subf %get3A_722, %gather3A_711 : vector<16xf32>
      %sub3A_724 = arith.constant 512 : i32
      %sub3A_725 = arith.subi %mul3A_185, %sub3A_724 : i32
      %swap3A_726 = arith.constant 26 : i32
      %swap3A_727 = arith.index_cast %swap3A_726 : i32 to index
      %swap3A_728 = arith.index_cast %sub3A_725 : i32 to index
      %swap3A_729 = tpu.vector_load %arg11[%swap3A_727, %swap3A_728] {strides = array<i32>} : memref<32x512xf32, #tpu.memory_space<vmem>>, vector<16xf32>,
      tpu.vector_store %arg11[%swap3A_727, %swap3A_728], %sub3A_723 {strides = array<i32>} : memref<32x512xf32, #tpu.memory_space<vmem>>, vector<16xf32>,
      %gather3A_730 = tpu.vector_load_idx %arg7[%broadcast_in_dim3A_77, %get3A_218] : memref<32x1024xf32, #tpu.memory_space<vmem>>[vector<16xi32>, vector<16xi32>], vector<16xf32>,
      %swap3A_731 = arith.constant 27 : i32
      %swap3A_732 = arith.index_cast %swap3A_731 : i32 to index
      %swap3A_733 = arith.index_cast %mul3A_185 : i32 to index
      %swap3A_734 = tpu.vector_load %arg9[%swap3A_732, %swap3A_733] {strides = array<i32>} : memref<32x1024xf32, #tpu.memory_space<vmem>>, vector<16xf32>,
      tpu.vector_store %arg9[%swap3A_732, %swap3A_733], %gather3A_730 {strides = array<i32>} : memref<32x1024xf32, #tpu.memory_space<vmem>>, vector<16xf32>,
      %get3A_735 = arith.constant 3 : i32
      %get3A_736 = arith.constant 3 : i32
      %get3A_737 = arith.index_cast %get3A_735 : i32 to index
      %get3A_738 = arith.index_cast %select_n3A : i32 to index
      %get3A_739 = arith.index_cast %get3A_736 : i32 to index
      %get3A_740 = arith.index_cast %mul3A_217 : i32 to index
      %get3A_741 = tpu.vector_load %arg10[%get3A_737, %get3A_738, %get3A_739, %get3A_740] {strides = array<i32>} : memref<4x8x8x128xf32, #tpu.memory_space<vmem>>, vector<16xf32>,
      %sub3A_742 = arith.subf %get3A_741, %gather3A_730 : vector<16xf32>
      %sub3A_743 = arith.constant 512 : i32
      %sub3A_744 = arith.subi %mul3A_185, %sub3A_743 : i32
      %swap3A_745 = arith.constant 27 : i32
      %swap3A_746 = arith.index_cast %swap3A_745 : i32 to index
      %swap3A_747 = arith.index_cast %sub3A_744 : i32 to index
      %swap3A_748 = tpu.vector_load %arg11[%swap3A_746, %swap3A_747] {strides = array<i32>} : memref<32x512xf32, #tpu.memory_space<vmem>>, vector<16xf32>,
      tpu.vector_store %arg11[%swap3A_746, %swap3A_747], %sub3A_742 {strides = array<i32>} : memref<32x512xf32, #tpu.memory_space<vmem>>, vector<16xf32>,
      %gather3A_749 = tpu.vector_load_idx %arg7[%broadcast_in_dim3A_79, %get3A_218] : memref<32x1024xf32, #tpu.memory_space<vmem>>[vector<16xi32>, vector<16xi32>], vector<16xf32>,
      %swap3A_750 = arith.constant 28 : i32
      %swap3A_751 = arith.index_cast %swap3A_750 : i32 to index
      %swap3A_752 = arith.index_cast %mul3A_185 : i32 to index
      %swap3A_753 = tpu.vector_load %arg9[%swap3A_751, %swap3A_752] {strides = array<i32>} : memref<32x1024xf32, #tpu.memory_space<vmem>>, vector<16xf32>,
      tpu.vector_store %arg9[%swap3A_751, %swap3A_752], %gather3A_749 {strides = array<i32>} : memref<32x1024xf32, #tpu.memory_space<vmem>>, vector<16xf32>,
      %get3A_754 = arith.constant 3 : i32
      %get3A_755 = arith.constant 4 : i32
      %get3A_756 = arith.index_cast %get3A_754 : i32 to index
      %get3A_757 = arith.index_cast %select_n3A : i32 to index
      %get3A_758 = arith.index_cast %get3A_755 : i32 to index
      %get3A_759 = arith.index_cast %mul3A_217 : i32 to index
      %get3A_760 = tpu.vector_load %arg10[%get3A_756, %get3A_757, %get3A_758, %get3A_759] {strides = array<i32>} : memref<4x8x8x128xf32, #tpu.memory_space<vmem>>, vector<16xf32>,
      %sub3A_761 = arith.subf %get3A_760, %gather3A_749 : vector<16xf32>
      %sub3A_762 = arith.constant 512 : i32
      %sub3A_763 = arith.subi %mul3A_185, %sub3A_762 : i32
      %swap3A_764 = arith.constant 28 : i32
      %swap3A_765 = arith.index_cast %swap3A_764 : i32 to index
      %swap3A_766 = arith.index_cast %sub3A_763 : i32 to index
      %swap3A_767 = tpu.vector_load %arg11[%swap3A_765, %swap3A_766] {strides = array<i32>} : memref<32x512xf32, #tpu.memory_space<vmem>>, vector<16xf32>,
      tpu.vector_store %arg11[%swap3A_765, %swap3A_766], %sub3A_761 {strides = array<i32>} : memref<32x512xf32, #tpu.memory_space<vmem>>, vector<16xf32>,
      %gather3A_768 = tpu.vector_load_idx %arg7[%broadcast_in_dim3A_81, %get3A_218] : memref<32x1024xf32, #tpu.memory_space<vmem>>[vector<16xi32>, vector<16xi32>], vector<16xf32>,
      %swap3A_769 = arith.constant 29 : i32
      %swap3A_770 = arith.index_cast %swap3A_769 : i32 to index
      %swap3A_771 = arith.index_cast %mul3A_185 : i32 to index
      %swap3A_772 = tpu.vector_load %arg9[%swap3A_770, %swap3A_771] {strides = array<i32>} : memref<32x1024xf32, #tpu.memory_space<vmem>>, vector<16xf32>,
      tpu.vector_store %arg9[%swap3A_770, %swap3A_771], %gather3A_768 {strides = array<i32>} : memref<32x1024xf32, #tpu.memory_space<vmem>>, vector<16xf32>,
      %get3A_773 = arith.constant 3 : i32
      %get3A_774 = arith.constant 5 : i32
      %get3A_775 = arith.index_cast %get3A_773 : i32 to index
      %get3A_776 = arith.index_cast %select_n3A : i32 to index
      %get3A_777 = arith.index_cast %get3A_774 : i32 to index
      %get3A_778 = arith.index_cast %mul3A_217 : i32 to index
      %get3A_779 = tpu.vector_load %arg10[%get3A_775, %get3A_776, %get3A_777, %get3A_778] {strides = array<i32>} : memref<4x8x8x128xf32, #tpu.memory_space<vmem>>, vector<16xf32>,
      %sub3A_780 = arith.subf %get3A_779, %gather3A_768 : vector<16xf32>
      %sub3A_781 = arith.constant 512 : i32
      %sub3A_782 = arith.subi %mul3A_185, %sub3A_781 : i32
      %swap3A_783 = arith.constant 29 : i32
      %swap3A_784 = arith.index_cast %swap3A_783 : i32 to index
      %swap3A_785 = arith.index_cast %sub3A_782 : i32 to index
      %swap3A_786 = tpu.vector_load %arg11[%swap3A_784, %swap3A_785] {strides = array<i32>} : memref<32x512xf32, #tpu.memory_space<vmem>>, vector<16xf32>,
      tpu.vector_store %arg11[%swap3A_784, %swap3A_785], %sub3A_780 {strides = array<i32>} : memref<32x512xf32, #tpu.memory_space<vmem>>, vector<16xf32>,
      %gather3A_787 = tpu.vector_load_idx %arg7[%broadcast_in_dim3A_83, %get3A_218] : memref<32x1024xf32, #tpu.memory_space<vmem>>[vector<16xi32>, vector<16xi32>], vector<16xf32>,
      %swap3A_788 = arith.constant 30 : i32
      %swap3A_789 = arith.index_cast %swap3A_788 : i32 to index
      %swap3A_790 = arith.index_cast %mul3A_185 : i32 to index
      %swap3A_791 = tpu.vector_load %arg9[%swap3A_789, %swap3A_790] {strides = array<i32>} : memref<32x1024xf32, #tpu.memory_space<vmem>>, vector<16xf32>,
      tpu.vector_store %arg9[%swap3A_789, %swap3A_790], %gather3A_787 {strides = array<i32>} : memref<32x1024xf32, #tpu.memory_space<vmem>>, vector<16xf32>,
      %get3A_792 = arith.constant 3 : i32
      %get3A_793 = arith.constant 6 : i32
      %get3A_794 = arith.index_cast %get3A_792 : i32 to index
      %get3A_795 = arith.index_cast %select_n3A : i32 to index
      %get3A_796 = arith.index_cast %get3A_793 : i32 to index
      %get3A_797 = arith.index_cast %mul3A_217 : i32 to index
      %get3A_798 = tpu.vector_load %arg10[%get3A_794, %get3A_795, %get3A_796, %get3A_797] {strides = array<i32>} : memref<4x8x8x128xf32, #tpu.memory_space<vmem>>, vector<16xf32>,
      %sub3A_799 = arith.subf %get3A_798, %gather3A_787 : vector<16xf32>
      %sub3A_800 = arith.constant 512 : i32
      %sub3A_801 = arith.subi %mul3A_185, %sub3A_800 : i32
      %swap3A_802 = arith.constant 30 : i32
      %swap3A_803 = arith.index_cast %swap3A_802 : i32 to index
      %swap3A_804 = arith.index_cast %sub3A_801 : i32 to index
      %swap3A_805 = tpu.vector_load %arg11[%swap3A_803, %swap3A_804] {strides = array<i32>} : memref<32x512xf32, #tpu.memory_space<vmem>>, vector<16xf32>,
      tpu.vector_store %arg11[%swap3A_803, %swap3A_804], %sub3A_799 {strides = array<i32>} : memref<32x512xf32, #tpu.memory_space<vmem>>, vector<16xf32>,
      %gather3A_806 = tpu.vector_load_idx %arg7[%broadcast_in_dim3A_85, %get3A_218] : memref<32x1024xf32, #tpu.memory_space<vmem>>[vector<16xi32>, vector<16xi32>], vector<16xf32>,
      %swap3A_807 = arith.constant 31 : i32
      %swap3A_808 = arith.index_cast %swap3A_807 : i32 to index
      %swap3A_809 = arith.index_cast %mul3A_185 : i32 to index
      %swap3A_810 = tpu.vector_load %arg9[%swap3A_808, %swap3A_809] {strides = array<i32>} : memref<32x1024xf32, #tpu.memory_space<vmem>>, vector<16xf32>,
      tpu.vector_store %arg9[%swap3A_808, %swap3A_809], %gather3A_806 {strides = array<i32>} : memref<32x1024xf32, #tpu.memory_space<vmem>>, vector<16xf32>,
      %get3A_811 = arith.constant 3 : i32
      %get3A_812 = arith.constant 7 : i32
      %get3A_813 = arith.index_cast %get3A_811 : i32 to index
      %get3A_814 = arith.index_cast %select_n3A : i32 to index
      %get3A_815 = arith.index_cast %get3A_812 : i32 to index
      %get3A_816 = arith.index_cast %mul3A_217 : i32 to index
      %get3A_817 = tpu.vector_load %arg10[%get3A_813, %get3A_814, %get3A_815, %get3A_816] {strides = array<i32>} : memref<4x8x8x128xf32, #tpu.memory_space<vmem>>, vector<16xf32>,
      %sub3A_818 = arith.subf %get3A_817, %gather3A_806 : vector<16xf32>
      %sub3A_819 = arith.constant 512 : i32
      %sub3A_820 = arith.subi %mul3A_185, %sub3A_819 : i32
      %swap3A_821 = arith.constant 31 : i32
      %swap3A_822 = arith.index_cast %swap3A_821 : i32 to index
      %swap3A_823 = arith.index_cast %sub3A_820 : i32 to index
      %swap3A_824 = tpu.vector_load %arg11[%swap3A_822, %swap3A_823] {strides = array<i32>} : memref<32x512xf32, #tpu.memory_space<vmem>>, vector<16xf32>,
      tpu.vector_store %arg11[%swap3A_822, %swap3A_823], %sub3A_818 {strides = array<i32>} : memref<32x512xf32, #tpu.memory_space<vmem>>, vector<16xf32>,
      %scan3A_825 = arith.constant 1 : i32
      %scan3A_826 = arith.addi %scan3A_183, %scan3A_825 : i32
      %mul3A_827 = arith.constant 16 : i32
      %mul3A_828 = arith.muli %scan3A_826, %mul3A_827 : i32
      %jit3A_829 = arith.constant 8 : i32
      %div3A_830 = arith.divsi %scan3A_826, %jit3A_829 : i32
      %sign3A_831 = arith.constant 0 : i32
      %sign3A_832 = arith.cmpi sgt, %scan3A_826, %sign3A_831 : i32
      %sign3A_833 = arith.extui %sign3A_832 : i1 to i32
      %sign3A_834 = arith.constant 0 : i32
      %sign3A_835 = arith.cmpi slt, %scan3A_826, %sign3A_834 : i32
      %sign3A_836 = arith.extui %sign3A_835 : i1 to i32
      %sign3A_837 = arith.subi %sign3A_833, %sign3A_836 : i32
      %sign3A_838 = arith.constant 0 : i32
      %sign3A_839 = arith.cmpi sgt, %jit3A_829, %sign3A_838 : i32
      %sign3A_840 = arith.extui %sign3A_839 : i1 to i32
      %sign3A_841 = arith.constant 0 : i32
      %sign3A_842 = arith.cmpi slt, %jit3A_829, %sign3A_841 : i32
      %sign3A_843 = arith.extui %sign3A_842 : i1 to i32
      %sign3A_844 = arith.subi %sign3A_840, %sign3A_843 : i32
      %ne3A_845 = arith.cmpi ne, %sign3A_837, %sign3A_844 : i32
      %rem3A_846 = arith.remsi %scan3A_826, %jit3A_829 : i32
      %ne3A_847 = arith.constant 0 : i32
      %ne3A_848 = arith.cmpi ne, %rem3A_846, %ne3A_847 : i32
      %and3A_849 = arith.andi %ne3A_845, %ne3A_848 : i1
      %sub3A_850 = arith.constant 1 : i32
      %sub3A_851 = arith.subi %div3A_830, %sub3A_850 : i32
      %select_n3A_852 = arith.select %and3A_849, %sub3A_851, %div3A_830 : i32
      %jit3A_853 = arith.constant 8 : i32
      %eq3A_854 = arith.constant 0 : i32
      %eq3A_855 = arith.cmpi eq, %jit3A_853, %eq3A_854 : i32
      %jit3A_856 = arith.constant 1 : i32
      %select_n3A_857 = arith.select %eq3A_855, %jit3A_856, %jit3A_853 : i32
      %rem3A_858 = arith.remsi %scan3A_826, %select_n3A_857 : i32
      %ne3A_859 = arith.constant 0 : i32
      %ne3A_860 = arith.cmpi ne, %rem3A_858, %ne3A_859 : i32
      %lt3A_861 = arith.constant 0 : i32
      %lt3A_862 = arith.cmpi slt, %rem3A_858, %lt3A_861 : i32
      %lt3A_863 = arith.constant 0 : i32
      %lt3A_864 = arith.cmpi slt, %select_n3A_857, %lt3A_863 : i32
      %ne3A_865 = arith.xori %lt3A_862, %lt3A_864 : i1
      %and3A_866 = arith.andi %ne3A_865, %ne3A_860 : i1
      %add3A_867 = arith.addi %rem3A_858, %select_n3A_857 : i32
      %select_n3A_868 = arith.select %and3A_866, %add3A_867, %rem3A_858 : i32
      %mul3A_869 = arith.constant 16 : i32
      %mul3A_870 = arith.muli %select_n3A_868, %mul3A_869 : i32
      %get3A_871 = arith.index_cast %mul3A_828 : i32 to index
      %get3A_872 = tpu.vector_load %arg8[%get3A_871] {strides = array<i32>} : memref<1024xi32, #tpu.memory_space<vmem>>, vector<16xi32>,
      %gather3A_873 = tpu.vector_load_idx %arg7[%broadcast_in_dim3A_23, %get3A_872] : memref<32x1024xf32, #tpu.memory_space<vmem>>[vector<16xi32>, vector<16xi32>], vector<16xf32>,
      %swap3A_874 = arith.constant 0 : i32
      %swap3A_875 = arith.index_cast %swap3A_874 : i32 to index
      %swap3A_876 = arith.index_cast %mul3A_828 : i32 to index
      %swap3A_877 = tpu.vector_load %arg9[%swap3A_875, %swap3A_876] {strides = array<i32>} : memref<32x1024xf32, #tpu.memory_space<vmem>>, vector<16xf32>,
      tpu.vector_store %arg9[%swap3A_875, %swap3A_876], %gather3A_873 {strides = array<i32>} : memref<32x1024xf32, #tpu.memory_space<vmem>>, vector<16xf32>,
      %get3A_878 = arith.constant 0 : i32
      %get3A_879 = arith.constant 0 : i32
      %get3A_880 = arith.index_cast %get3A_878 : i32 to index
      %get3A_881 = arith.index_cast %select_n3A_852 : i32 to index
      %get3A_882 = arith.index_cast %get3A_879 : i32 to index
      %get3A_883 = arith.index_cast %mul3A_870 : i32 to index
      %get3A_884 = tpu.vector_load %arg10[%get3A_880, %get3A_881, %get3A_882, %get3A_883] {strides = array<i32>} : memref<4x8x8x128xf32, #tpu.memory_space<vmem>>, vector<16xf32>,
      %sub3A_885 = arith.subf %get3A_884, %gather3A_873 : vector<16xf32>
      %sub3A_886 = arith.constant 512 : i32
      %sub3A_887 = arith.subi %mul3A_828, %sub3A_886 : i32
      %swap3A_888 = arith.constant 0 : i32
      %swap3A_889 = arith.index_cast %swap3A_888 : i32 to index
      %swap3A_890 = arith.index_cast %sub3A_887 : i32 to index
      %swap3A_891 = tpu.vector_load %arg11[%swap3A_889, %swap3A_890] {strides = array<i32>} : memref<32x512xf32, #tpu.memory_space<vmem>>, vector<16xf32>,
      tpu.vector_store %arg11[%swap3A_889, %swap3A_890], %sub3A_885 {strides = array<i32>} : memref<32x512xf32, #tpu.memory_space<vmem>>, vector<16xf32>,
      %gather3A_892 = tpu.vector_load_idx %arg7[%broadcast_in_dim3A_25, %get3A_872] : memref<32x1024xf32, #tpu.memory_space<vmem>>[vector<16xi32>, vector<16xi32>], vector<16xf32>,
      %swap3A_893 = arith.constant 1 : i32
      %swap3A_894 = arith.index_cast %swap3A_893 : i32 to index
      %swap3A_895 = arith.index_cast %mul3A_828 : i32 to index
      %swap3A_896 = tpu.vector_load %arg9[%swap3A_894, %swap3A_895] {strides = array<i32>} : memref<32x1024xf32, #tpu.memory_space<vmem>>, vector<16xf32>,
      tpu.vector_store %arg9[%swap3A_894, %swap3A_895], %gather3A_892 {strides = array<i32>} : memref<32x1024xf32, #tpu.memory_space<vmem>>, vector<16xf32>,
      %get3A_897 = arith.constant 0 : i32
      %get3A_898 = arith.constant 1 : i32
      %get3A_899 = arith.index_cast %get3A_897 : i32 to index
      %get3A_900 = arith.index_cast %select_n3A_852 : i32 to index
      %get3A_901 = arith.index_cast %get3A_898 : i32 to index
      %get3A_902 = arith.index_cast %mul3A_870 : i32 to index
      %get3A_903 = tpu.vector_load %arg10[%get3A_899, %get3A_900, %get3A_901, %get3A_902] {strides = array<i32>} : memref<4x8x8x128xf32, #tpu.memory_space<vmem>>, vector<16xf32>,
      %sub3A_904 = arith.subf %get3A_903, %gather3A_892 : vector<16xf32>
      %sub3A_905 = arith.constant 512 : i32
      %sub3A_906 = arith.subi %mul3A_828, %sub3A_905 : i32
      %swap3A_907 = arith.constant 1 : i32
      %swap3A_908 = arith.index_cast %swap3A_907 : i32 to index
      %swap3A_909 = arith.index_cast %sub3A_906 : i32 to index
      %swap3A_910 = tpu.vector_load %arg11[%swap3A_908, %swap3A_909] {strides = array<i32>} : memref<32x512xf32, #tpu.memory_space<vmem>>, vector<16xf32>,
      tpu.vector_store %arg11[%swap3A_908, %swap3A_909], %sub3A_904 {strides = array<i32>} : memref<32x512xf32, #tpu.memory_space<vmem>>, vector<16xf32>,
      %gather3A_911 = tpu.vector_load_idx %arg7[%broadcast_in_dim3A_27, %get3A_872] : memref<32x1024xf32, #tpu.memory_space<vmem>>[vector<16xi32>, vector<16xi32>], vector<16xf32>,
      %swap3A_912 = arith.constant 2 : i32
      %swap3A_913 = arith.index_cast %swap3A_912 : i32 to index
      %swap3A_914 = arith.index_cast %mul3A_828 : i32 to index
      %swap3A_915 = tpu.vector_load %arg9[%swap3A_913, %swap3A_914] {strides = array<i32>} : memref<32x1024xf32, #tpu.memory_space<vmem>>, vector<16xf32>,
      tpu.vector_store %arg9[%swap3A_913, %swap3A_914], %gather3A_911 {strides = array<i32>} : memref<32x1024xf32, #tpu.memory_space<vmem>>, vector<16xf32>,
      %get3A_916 = arith.constant 0 : i32
      %get3A_917 = arith.constant 2 : i32
      %get3A_918 = arith.index_cast %get3A_916 : i32 to index
      %get3A_919 = arith.index_cast %select_n3A_852 : i32 to index
      %get3A_920 = arith.index_cast %get3A_917 : i32 to index
      %get3A_921 = arith.index_cast %mul3A_870 : i32 to index
      %get3A_922 = tpu.vector_load %arg10[%get3A_918, %get3A_919, %get3A_920, %get3A_921] {strides = array<i32>} : memref<4x8x8x128xf32, #tpu.memory_space<vmem>>, vector<16xf32>,
      %sub3A_923 = arith.subf %get3A_922, %gather3A_911 : vector<16xf32>
      %sub3A_924 = arith.constant 512 : i32
      %sub3A_925 = arith.subi %mul3A_828, %sub3A_924 : i32
      %swap3A_926 = arith.constant 2 : i32
      %swap3A_927 = arith.index_cast %swap3A_926 : i32 to index
      %swap3A_928 = arith.index_cast %sub3A_925 : i32 to index
      %swap3A_929 = tpu.vector_load %arg11[%swap3A_927, %swap3A_928] {strides = array<i32>} : memref<32x512xf32, #tpu.memory_space<vmem>>, vector<16xf32>,
      tpu.vector_store %arg11[%swap3A_927, %swap3A_928], %sub3A_923 {strides = array<i32>} : memref<32x512xf32, #tpu.memory_space<vmem>>, vector<16xf32>,
      %gather3A_930 = tpu.vector_load_idx %arg7[%broadcast_in_dim3A_29, %get3A_872] : memref<32x1024xf32, #tpu.memory_space<vmem>>[vector<16xi32>, vector<16xi32>], vector<16xf32>,
      %swap3A_931 = arith.constant 3 : i32
      %swap3A_932 = arith.index_cast %swap3A_931 : i32 to index
      %swap3A_933 = arith.index_cast %mul3A_828 : i32 to index
      %swap3A_934 = tpu.vector_load %arg9[%swap3A_932, %swap3A_933] {strides = array<i32>} : memref<32x1024xf32, #tpu.memory_space<vmem>>, vector<16xf32>,
      tpu.vector_store %arg9[%swap3A_932, %swap3A_933], %gather3A_930 {strides = array<i32>} : memref<32x1024xf32, #tpu.memory_space<vmem>>, vector<16xf32>,
      %get3A_935 = arith.constant 0 : i32
      %get3A_936 = arith.constant 3 : i32
      %get3A_937 = arith.index_cast %get3A_935 : i32 to index
      %get3A_938 = arith.index_cast %select_n3A_852 : i32 to index
      %get3A_939 = arith.index_cast %get3A_936 : i32 to index
      %get3A_940 = arith.index_cast %mul3A_870 : i32 to index
      %get3A_941 = tpu.vector_load %arg10[%get3A_937, %get3A_938, %get3A_939, %get3A_940] {strides = array<i32>} : memref<4x8x8x128xf32, #tpu.memory_space<vmem>>, vector<16xf32>,
      %sub3A_942 = arith.subf %get3A_941, %gather3A_930 : vector<16xf32>
      %sub3A_943 = arith.constant 512 : i32
      %sub3A_944 = arith.subi %mul3A_828, %sub3A_943 : i32
      %swap3A_945 = arith.constant 3 : i32
      %swap3A_946 = arith.index_cast %swap3A_945 : i32 to index
      %swap3A_947 = arith.index_cast %sub3A_944 : i32 to index
      %swap3A_948 = tpu.vector_load %arg11[%swap3A_946, %swap3A_947] {strides = array<i32>} : memref<32x512xf32, #tpu.memory_space<vmem>>, vector<16xf32>,
      tpu.vector_store %arg11[%swap3A_946, %swap3A_947], %sub3A_942 {strides = array<i32>} : memref<32x512xf32, #tpu.memory_space<vmem>>, vector<16xf32>,
      %gather3A_949 = tpu.vector_load_idx %arg7[%broadcast_in_dim3A_31, %get3A_872] : memref<32x1024xf32, #tpu.memory_space<vmem>>[vector<16xi32>, vector<16xi32>], vector<16xf32>,
      %swap3A_950 = arith.constant 4 : i32
      %swap3A_951 = arith.index_cast %swap3A_950 : i32 to index
      %swap3A_952 = arith.index_cast %mul3A_828 : i32 to index
      %swap3A_953 = tpu.vector_load %arg9[%swap3A_951, %swap3A_952] {strides = array<i32>} : memref<32x1024xf32, #tpu.memory_space<vmem>>, vector<16xf32>,
      tpu.vector_store %arg9[%swap3A_951, %swap3A_952], %gather3A_949 {strides = array<i32>} : memref<32x1024xf32, #tpu.memory_space<vmem>>, vector<16xf32>,
      %get3A_954 = arith.constant 0 : i32
      %get3A_955 = arith.constant 4 : i32
      %get3A_956 = arith.index_cast %get3A_954 : i32 to index
      %get3A_957 = arith.index_cast %select_n3A_852 : i32 to index
      %get3A_958 = arith.index_cast %get3A_955 : i32 to index
      %get3A_959 = arith.index_cast %mul3A_870 : i32 to index
      %get3A_960 = tpu.vector_load %arg10[%get3A_956, %get3A_957, %get3A_958, %get3A_959] {strides = array<i32>} : memref<4x8x8x128xf32, #tpu.memory_space<vmem>>, vector<16xf32>,
      %sub3A_961 = arith.subf %get3A_960, %gather3A_949 : vector<16xf32>
      %sub3A_962 = arith.constant 512 : i32
      %sub3A_963 = arith.subi %mul3A_828, %sub3A_962 : i32
      %swap3A_964 = arith.constant 4 : i32
      %swap3A_965 = arith.index_cast %swap3A_964 : i32 to index
      %swap3A_966 = arith.index_cast %sub3A_963 : i32 to index
      %swap3A_967 = tpu.vector_load %arg11[%swap3A_965, %swap3A_966] {strides = array<i32>} : memref<32x512xf32, #tpu.memory_space<vmem>>, vector<16xf32>,
      tpu.vector_store %arg11[%swap3A_965, %swap3A_966], %sub3A_961 {strides = array<i32>} : memref<32x512xf32, #tpu.memory_space<vmem>>, vector<16xf32>,
      %gather3A_968 = tpu.vector_load_idx %arg7[%broadcast_in_dim3A_33, %get3A_872] : memref<32x1024xf32, #tpu.memory_space<vmem>>[vector<16xi32>, vector<16xi32>], vector<16xf32>,
      %swap3A_969 = arith.constant 5 : i32
      %swap3A_970 = arith.index_cast %swap3A_969 : i32 to index
      %swap3A_971 = arith.index_cast %mul3A_828 : i32 to index
      %swap3A_972 = tpu.vector_load %arg9[%swap3A_970, %swap3A_971] {strides = array<i32>} : memref<32x1024xf32, #tpu.memory_space<vmem>>, vector<16xf32>,
      tpu.vector_store %arg9[%swap3A_970, %swap3A_971], %gather3A_968 {strides = array<i32>} : memref<32x1024xf32, #tpu.memory_space<vmem>>, vector<16xf32>,
      %get3A_973 = arith.constant 0 : i32
      %get3A_974 = arith.constant 5 : i32
      %get3A_975 = arith.index_cast %get3A_973 : i32 to index
      %get3A_976 = arith.index_cast %select_n3A_852 : i32 to index
      %get3A_977 = arith.index_cast %get3A_974 : i32 to index
      %get3A_978 = arith.index_cast %mul3A_870 : i32 to index
      %get3A_979 = tpu.vector_load %arg10[%get3A_975, %get3A_976, %get3A_977, %get3A_978] {strides = array<i32>} : memref<4x8x8x128xf32, #tpu.memory_space<vmem>>, vector<16xf32>,
      %sub3A_980 = arith.subf %get3A_979, %gather3A_968 : vector<16xf32>
      %sub3A_981 = arith.constant 512 : i32
      %sub3A_982 = arith.subi %mul3A_828, %sub3A_981 : i32
      %swap3A_983 = arith.constant 5 : i32
      %swap3A_984 = arith.index_cast %swap3A_983 : i32 to index
      %swap3A_985 = arith.index_cast %sub3A_982 : i32 to index
      %swap3A_986 = tpu.vector_load %arg11[%swap3A_984, %swap3A_985] {strides = array<i32>} : memref<32x512xf32, #tpu.memory_space<vmem>>, vector<16xf32>,
      tpu.vector_store %arg11[%swap3A_984, %swap3A_985], %sub3A_980 {strides = array<i32>} : memref<32x512xf32, #tpu.memory_space<vmem>>, vector<16xf32>,
      %gather3A_987 = tpu.vector_load_idx %arg7[%broadcast_in_dim3A_35, %get3A_872] : memref<32x1024xf32, #tpu.memory_space<vmem>>[vector<16xi32>, vector<16xi32>], vector<16xf32>,
      %swap3A_988 = arith.constant 6 : i32
      %swap3A_989 = arith.index_cast %swap3A_988 : i32 to index
      %swap3A_990 = arith.index_cast %mul3A_828 : i32 to index
      %swap3A_991 = tpu.vector_load %arg9[%swap3A_989, %swap3A_990] {strides = array<i32>} : memref<32x1024xf32, #tpu.memory_space<vmem>>, vector<16xf32>,
      tpu.vector_store %arg9[%swap3A_989, %swap3A_990], %gather3A_987 {strides = array<i32>} : memref<32x1024xf32, #tpu.memory_space<vmem>>, vector<16xf32>,
      %get3A_992 = arith.constant 0 : i32
      %get3A_993 = arith.constant 6 : i32
      %get3A_994 = arith.index_cast %get3A_992 : i32 to index
      %get3A_995 = arith.index_cast %select_n3A_852 : i32 to index
      %get3A_996 = arith.index_cast %get3A_993 : i32 to index
      %get3A_997 = arith.index_cast %mul3A_870 : i32 to index
      %get3A_998 = tpu.vector_load %arg10[%get3A_994, %get3A_995, %get3A_996, %get3A_997] {strides = array<i32>} : memref<4x8x8x128xf32, #tpu.memory_space<vmem>>, vector<16xf32>,
      %sub3A_999 = arith.subf %get3A_998, %gather3A_987 : vector<16xf32>
      %sub3A_1000 = arith.constant 512 : i32
      %sub3A_1001 = arith.subi %mul3A_828, %sub3A_1000 : i32
      %swap3A_1002 = arith.constant 6 : i32
      %swap3A_1003 = arith.index_cast %swap3A_1002 : i32 to index
      %swap3A_1004 = arith.index_cast %sub3A_1001 : i32 to index
      %swap3A_1005 = tpu.vector_load %arg11[%swap3A_1003, %swap3A_1004] {strides = array<i32>} : memref<32x512xf32, #tpu.memory_space<vmem>>, vector<16xf32>,
      tpu.vector_store %arg11[%swap3A_1003, %swap3A_1004], %sub3A_999 {strides = array<i32>} : memref<32x512xf32, #tpu.memory_space<vmem>>, vector<16xf32>,
      %gather3A_1006 = tpu.vector_load_idx %arg7[%broadcast_in_dim3A_37, %get3A_872] : memref<32x1024xf32, #tpu.memory_space<vmem>>[vector<16xi32>, vector<16xi32>], vector<16xf32>,
      %swap3A_1007 = arith.constant 7 : i32
      %swap3A_1008 = arith.index_cast %swap3A_1007 : i32 to index
      %swap3A_1009 = arith.index_cast %mul3A_828 : i32 to index
      %swap3A_1010 = tpu.vector_load %arg9[%swap3A_1008, %swap3A_1009] {strides = array<i32>} : memref<32x1024xf32, #tpu.memory_space<vmem>>, vector<16xf32>,
      tpu.vector_store %arg9[%swap3A_1008, %swap3A_1009], %gather3A_1006 {strides = array<i32>} : memref<32x1024xf32, #tpu.memory_space<vmem>>, vector<16xf32>,
      %get3A_1011 = arith.constant 0 : i32
      %get3A_1012 = arith.constant 7 : i32
      %get3A_1013 = arith.index_cast %get3A_1011 : i32 to index
      %get3A_1014 = arith.index_cast %select_n3A_852 : i32 to index
      %get3A_1015 = arith.index_cast %get3A_1012 : i32 to index
      %get3A_1016 = arith.index_cast %mul3A_870 : i32 to index
      %get3A_1017 = tpu.vector_load %arg10[%get3A_1013, %get3A_1014, %get3A_1015, %get3A_1016] {strides = array<i32>} : memref<4x8x8x128xf32, #tpu.memory_space<vmem>>, vector<16xf32>,
      %sub3A_1018 = arith.subf %get3A_1017, %gather3A_1006 : vector<16xf32>
      %sub3A_1019 = arith.constant 512 : i32
      %sub3A_1020 = arith.subi %mul3A_828, %sub3A_1019 : i32
      %swap3A_1021 = arith.constant 7 : i32
      %swap3A_1022 = arith.index_cast %swap3A_1021 : i32 to index
      %swap3A_1023 = arith.index_cast %sub3A_1020 : i32 to index
      %swap3A_1024 = tpu.vector_load %arg11[%swap3A_1022, %swap3A_1023] {strides = array<i32>} : memref<32x512xf32, #tpu.memory_space<vmem>>, vector<16xf32>,
      tpu.vector_store %arg11[%swap3A_1022, %swap3A_1023], %sub3A_1018 {strides = array<i32>} : memref<32x512xf32, #tpu.memory_space<vmem>>, vector<16xf32>,
      %gather3A_1025 = tpu.vector_load_idx %arg7[%broadcast_in_dim3A_39, %get3A_872] : memref<32x1024xf32, #tpu.memory_space<vmem>>[vector<16xi32>, vector<16xi32>], vector<16xf32>,
      %swap3A_1026 = arith.constant 8 : i32
      %swap3A_1027 = arith.index_cast %swap3A_1026 : i32 to index
      %swap3A_1028 = arith.index_cast %mul3A_828 : i32 to index
      %swap3A_1029 = tpu.vector_load %arg9[%swap3A_1027, %swap3A_1028] {strides = array<i32>} : memref<32x1024xf32, #tpu.memory_space<vmem>>, vector<16xf32>,
      tpu.vector_store %arg9[%swap3A_1027, %swap3A_1028], %gather3A_1025 {strides = array<i32>} : memref<32x1024xf32, #tpu.memory_space<vmem>>, vector<16xf32>,
      %get3A_1030 = arith.constant 1 : i32
      %get3A_1031 = arith.constant 0 : i32
      %get3A_1032 = arith.index_cast %get3A_1030 : i32 to index
      %get3A_1033 = arith.index_cast %select_n3A_852 : i32 to index
      %get3A_1034 = arith.index_cast %get3A_1031 : i32 to index
      %get3A_1035 = arith.index_cast %mul3A_870 : i32 to index
      %get3A_1036 = tpu.vector_load %arg10[%get3A_1032, %get3A_1033, %get3A_1034, %get3A_1035] {strides = array<i32>} : memref<4x8x8x128xf32, #tpu.memory_space<vmem>>, vector<16xf32>,
      %sub3A_1037 = arith.subf %get3A_1036, %gather3A_1025 : vector<16xf32>
      %sub3A_1038 = arith.constant 512 : i32
      %sub3A_1039 = arith.subi %mul3A_828, %sub3A_1038 : i32
      %swap3A_1040 = arith.constant 8 : i32
      %swap3A_1041 = arith.index_cast %swap3A_1040 : i32 to index
      %swap3A_1042 = arith.index_cast %sub3A_1039 : i32 to index
      %swap3A_1043 = tpu.vector_load %arg11[%swap3A_1041, %swap3A_1042] {strides = array<i32>} : memref<32x512xf32, #tpu.memory_space<vmem>>, vector<16xf32>,
      tpu.vector_store %arg11[%swap3A_1041, %swap3A_1042], %sub3A_1037 {strides = array<i32>} : memref<32x512xf32, #tpu.memory_space<vmem>>, vector<16xf32>,
      %gather3A_1044 = tpu.vector_load_idx %arg7[%broadcast_in_dim3A_41, %get3A_872] : memref<32x1024xf32, #tpu.memory_space<vmem>>[vector<16xi32>, vector<16xi32>], vector<16xf32>,
      %swap3A_1045 = arith.constant 9 : i32
      %swap3A_1046 = arith.index_cast %swap3A_1045 : i32 to index
      %swap3A_1047 = arith.index_cast %mul3A_828 : i32 to index
      %swap3A_1048 = tpu.vector_load %arg9[%swap3A_1046, %swap3A_1047] {strides = array<i32>} : memref<32x1024xf32, #tpu.memory_space<vmem>>, vector<16xf32>,
      tpu.vector_store %arg9[%swap3A_1046, %swap3A_1047], %gather3A_1044 {strides = array<i32>} : memref<32x1024xf32, #tpu.memory_space<vmem>>, vector<16xf32>,
      %get3A_1049 = arith.constant 1 : i32
      %get3A_1050 = arith.constant 1 : i32
      %get3A_1051 = arith.index_cast %get3A_1049 : i32 to index
      %get3A_1052 = arith.index_cast %select_n3A_852 : i32 to index
      %get3A_1053 = arith.index_cast %get3A_1050 : i32 to index
      %get3A_1054 = arith.index_cast %mul3A_870 : i32 to index
      %get3A_1055 = tpu.vector_load %arg10[%get3A_1051, %get3A_1052, %get3A_1053, %get3A_1054] {strides = array<i32>} : memref<4x8x8x128xf32, #tpu.memory_space<vmem>>, vector<16xf32>,
      %sub3A_1056 = arith.subf %get3A_1055, %gather3A_1044 : vector<16xf32>
      %sub3A_1057 = arith.constant 512 : i32
      %sub3A_1058 = arith.subi %mul3A_828, %sub3A_1057 : i32
      %swap3A_1059 = arith.constant 9 : i32
      %swap3A_1060 = arith.index_cast %swap3A_1059 : i32 to index
      %swap3A_1061 = arith.index_cast %sub3A_1058 : i32 to index
      %swap3A_1062 = tpu.vector_load %arg11[%swap3A_1060, %swap3A_1061] {strides = array<i32>} : memref<32x512xf32, #tpu.memory_space<vmem>>, vector<16xf32>,
      tpu.vector_store %arg11[%swap3A_1060, %swap3A_1061], %sub3A_1056 {strides = array<i32>} : memref<32x512xf32, #tpu.memory_space<vmem>>, vector<16xf32>,
      %gather3A_1063 = tpu.vector_load_idx %arg7[%broadcast_in_dim3A_43, %get3A_872] : memref<32x1024xf32, #tpu.memory_space<vmem>>[vector<16xi32>, vector<16xi32>], vector<16xf32>,
      %swap3A_1064 = arith.constant 10 : i32
      %swap3A_1065 = arith.index_cast %swap3A_1064 : i32 to index
      %swap3A_1066 = arith.index_cast %mul3A_828 : i32 to index
      %swap3A_1067 = tpu.vector_load %arg9[%swap3A_1065, %swap3A_1066] {strides = array<i32>} : memref<32x1024xf32, #tpu.memory_space<vmem>>, vector<16xf32>,
      tpu.vector_store %arg9[%swap3A_1065, %swap3A_1066], %gather3A_1063 {strides = array<i32>} : memref<32x1024xf32, #tpu.memory_space<vmem>>, vector<16xf32>,
      %get3A_1068 = arith.constant 1 : i32
      %get3A_1069 = arith.constant 2 : i32
      %get3A_1070 = arith.index_cast %get3A_1068 : i32 to index
      %get3A_1071 = arith.index_cast %select_n3A_852 : i32 to index
      %get3A_1072 = arith.index_cast %get3A_1069 : i32 to index
      %get3A_1073 = arith.index_cast %mul3A_870 : i32 to index
      %get3A_1074 = tpu.vector_load %arg10[%get3A_1070, %get3A_1071, %get3A_1072, %get3A_1073] {strides = array<i32>} : memref<4x8x8x128xf32, #tpu.memory_space<vmem>>, vector<16xf32>,
      %sub3A_1075 = arith.subf %get3A_1074, %gather3A_1063 : vector<16xf32>
      %sub3A_1076 = arith.constant 512 : i32
      %sub3A_1077 = arith.subi %mul3A_828, %sub3A_1076 : i32
      %swap3A_1078 = arith.constant 10 : i32
      %swap3A_1079 = arith.index_cast %swap3A_1078 : i32 to index
      %swap3A_1080 = arith.index_cast %sub3A_1077 : i32 to index
      %swap3A_1081 = tpu.vector_load %arg11[%swap3A_1079, %swap3A_1080] {strides = array<i32>} : memref<32x512xf32, #tpu.memory_space<vmem>>, vector<16xf32>,
      tpu.vector_store %arg11[%swap3A_1079, %swap3A_1080], %sub3A_1075 {strides = array<i32>} : memref<32x512xf32, #tpu.memory_space<vmem>>, vector<16xf32>,
      %gather3A_1082 = tpu.vector_load_idx %arg7[%broadcast_in_dim3A_45, %get3A_872] : memref<32x1024xf32, #tpu.memory_space<vmem>>[vector<16xi32>, vector<16xi32>], vector<16xf32>,
      %swap3A_1083 = arith.constant 11 : i32
      %swap3A_1084 = arith.index_cast %swap3A_1083 : i32 to index
      %swap3A_1085 = arith.index_cast %mul3A_828 : i32 to index
      %swap3A_1086 = tpu.vector_load %arg9[%swap3A_1084, %swap3A_1085] {strides = array<i32>} : memref<32x1024xf32, #tpu.memory_space<vmem>>, vector<16xf32>,
      tpu.vector_store %arg9[%swap3A_1084, %swap3A_1085], %gather3A_1082 {strides = array<i32>} : memref<32x1024xf32, #tpu.memory_space<vmem>>, vector<16xf32>,
      %get3A_1087 = arith.constant 1 : i32
      %get3A_1088 = arith.constant 3 : i32
      %get3A_1089 = arith.index_cast %get3A_1087 : i32 to index
      %get3A_1090 = arith.index_cast %select_n3A_852 : i32 to index
      %get3A_1091 = arith.index_cast %get3A_1088 : i32 to index
      %get3A_1092 = arith.index_cast %mul3A_870 : i32 to index
      %get3A_1093 = tpu.vector_load %arg10[%get3A_1089, %get3A_1090, %get3A_1091, %get3A_1092] {strides = array<i32>} : memref<4x8x8x128xf32, #tpu.memory_space<vmem>>, vector<16xf32>,
      %sub3A_1094 = arith.subf %get3A_1093, %gather3A_1082 : vector<16xf32>
      %sub3A_1095 = arith.constant 512 : i32
      %sub3A_1096 = arith.subi %mul3A_828, %sub3A_1095 : i32
      %swap3A_1097 = arith.constant 11 : i32
      %swap3A_1098 = arith.index_cast %swap3A_1097 : i32 to index
      %swap3A_1099 = arith.index_cast %sub3A_1096 : i32 to index
      %swap3A_1100 = tpu.vector_load %arg11[%swap3A_1098, %swap3A_1099] {strides = array<i32>} : memref<32x512xf32, #tpu.memory_space<vmem>>, vector<16xf32>,
      tpu.vector_store %arg11[%swap3A_1098, %swap3A_1099], %sub3A_1094 {strides = array<i32>} : memref<32x512xf32, #tpu.memory_space<vmem>>, vector<16xf32>,
      %gather3A_1101 = tpu.vector_load_idx %arg7[%broadcast_in_dim3A_47, %get3A_872] : memref<32x1024xf32, #tpu.memory_space<vmem>>[vector<16xi32>, vector<16xi32>], vector<16xf32>,
      %swap3A_1102 = arith.constant 12 : i32
      %swap3A_1103 = arith.index_cast %swap3A_1102 : i32 to index
      %swap3A_1104 = arith.index_cast %mul3A_828 : i32 to index
      %swap3A_1105 = tpu.vector_load %arg9[%swap3A_1103, %swap3A_1104] {strides = array<i32>} : memref<32x1024xf32, #tpu.memory_space<vmem>>, vector<16xf32>,
      tpu.vector_store %arg9[%swap3A_1103, %swap3A_1104], %gather3A_1101 {strides = array<i32>} : memref<32x1024xf32, #tpu.memory_space<vmem>>, vector<16xf32>,
      %get3A_1106 = arith.constant 1 : i32
      %get3A_1107 = arith.constant 4 : i32
      %get3A_1108 = arith.index_cast %get3A_1106 : i32 to index
      %get3A_1109 = arith.index_cast %select_n3A_852 : i32 to index
      %get3A_1110 = arith.index_cast %get3A_1107 : i32 to index
      %get3A_1111 = arith.index_cast %mul3A_870 : i32 to index
      %get3A_1112 = tpu.vector_load %arg10[%get3A_1108, %get3A_1109, %get3A_1110, %get3A_1111] {strides = array<i32>} : memref<4x8x8x128xf32, #tpu.memory_space<vmem>>, vector<16xf32>,
      %sub3A_1113 = arith.subf %get3A_1112, %gather3A_1101 : vector<16xf32>
      %sub3A_1114 = arith.constant 512 : i32
      %sub3A_1115 = arith.subi %mul3A_828, %sub3A_1114 : i32
      %swap3A_1116 = arith.constant 12 : i32
      %swap3A_1117 = arith.index_cast %swap3A_1116 : i32 to index
      %swap3A_1118 = arith.index_cast %sub3A_1115 : i32 to index
      %swap3A_1119 = tpu.vector_load %arg11[%swap3A_1117, %swap3A_1118] {strides = array<i32>} : memref<32x512xf32, #tpu.memory_space<vmem>>, vector<16xf32>,
      tpu.vector_store %arg11[%swap3A_1117, %swap3A_1118], %sub3A_1113 {strides = array<i32>} : memref<32x512xf32, #tpu.memory_space<vmem>>, vector<16xf32>,
      %gather3A_1120 = tpu.vector_load_idx %arg7[%broadcast_in_dim3A_49, %get3A_872] : memref<32x1024xf32, #tpu.memory_space<vmem>>[vector<16xi32>, vector<16xi32>], vector<16xf32>,
      %swap3A_1121 = arith.constant 13 : i32
      %swap3A_1122 = arith.index_cast %swap3A_1121 : i32 to index
      %swap3A_1123 = arith.index_cast %mul3A_828 : i32 to index
      %swap3A_1124 = tpu.vector_load %arg9[%swap3A_1122, %swap3A_1123] {strides = array<i32>} : memref<32x1024xf32, #tpu.memory_space<vmem>>, vector<16xf32>,
      tpu.vector_store %arg9[%swap3A_1122, %swap3A_1123], %gather3A_1120 {strides = array<i32>} : memref<32x1024xf32, #tpu.memory_space<vmem>>, vector<16xf32>,
      %get3A_1125 = arith.constant 1 : i32
      %get3A_1126 = arith.constant 5 : i32
      %get3A_1127 = arith.index_cast %get3A_1125 : i32 to index
      %get3A_1128 = arith.index_cast %select_n3A_852 : i32 to index
      %get3A_1129 = arith.index_cast %get3A_1126 : i32 to index
      %get3A_1130 = arith.index_cast %mul3A_870 : i32 to index
      %get3A_1131 = tpu.vector_load %arg10[%get3A_1127, %get3A_1128, %get3A_1129, %get3A_1130] {strides = array<i32>} : memref<4x8x8x128xf32, #tpu.memory_space<vmem>>, vector<16xf32>,
      %sub3A_1132 = arith.subf %get3A_1131, %gather3A_1120 : vector<16xf32>
      %sub3A_1133 = arith.constant 512 : i32
      %sub3A_1134 = arith.subi %mul3A_828, %sub3A_1133 : i32
      %swap3A_1135 = arith.constant 13 : i32
      %swap3A_1136 = arith.index_cast %swap3A_1135 : i32 to index
      %swap3A_1137 = arith.index_cast %sub3A_1134 : i32 to index
      %swap3A_1138 = tpu.vector_load %arg11[%swap3A_1136, %swap3A_1137] {strides = array<i32>} : memref<32x512xf32, #tpu.memory_space<vmem>>, vector<16xf32>,
      tpu.vector_store %arg11[%swap3A_1136, %swap3A_1137], %sub3A_1132 {strides = array<i32>} : memref<32x512xf32, #tpu.memory_space<vmem>>, vector<16xf32>,
      %gather3A_1139 = tpu.vector_load_idx %arg7[%broadcast_in_dim3A_51, %get3A_872] : memref<32x1024xf32, #tpu.memory_space<vmem>>[vector<16xi32>, vector<16xi32>], vector<16xf32>,
      %swap3A_1140 = arith.constant 14 : i32
      %swap3A_1141 = arith.index_cast %swap3A_1140 : i32 to index
      %swap3A_1142 = arith.index_cast %mul3A_828 : i32 to index
      %swap3A_1143 = tpu.vector_load %arg9[%swap3A_1141, %swap3A_1142] {strides = array<i32>} : memref<32x1024xf32, #tpu.memory_space<vmem>>, vector<16xf32>,
      tpu.vector_store %arg9[%swap3A_1141, %swap3A_1142], %gather3A_1139 {strides = array<i32>} : memref<32x1024xf32, #tpu.memory_space<vmem>>, vector<16xf32>,
      %get3A_1144 = arith.constant 1 : i32
      %get3A_1145 = arith.constant 6 : i32
      %get3A_1146 = arith.index_cast %get3A_1144 : i32 to index
      %get3A_1147 = arith.index_cast %select_n3A_852 : i32 to index
      %get3A_1148 = arith.index_cast %get3A_1145 : i32 to index
      %get3A_1149 = arith.index_cast %mul3A_870 : i32 to index
      %get3A_1150 = tpu.vector_load %arg10[%get3A_1146, %get3A_1147, %get3A_1148, %get3A_1149] {strides = array<i32>} : memref<4x8x8x128xf32, #tpu.memory_space<vmem>>, vector<16xf32>,
      %sub3A_1151 = arith.subf %get3A_1150, %gather3A_1139 : vector<16xf32>
      %sub3A_1152 = arith.constant 512 : i32
      %sub3A_1153 = arith.subi %mul3A_828, %sub3A_1152 : i32
      %swap3A_1154 = arith.constant 14 : i32
      %swap3A_1155 = arith.index_cast %swap3A_1154 : i32 to index
      %swap3A_1156 = arith.index_cast %sub3A_1153 : i32 to index
      %swap3A_1157 = tpu.vector_load %arg11[%swap3A_1155, %swap3A_1156] {strides = array<i32>} : memref<32x512xf32, #tpu.memory_space<vmem>>, vector<16xf32>,
      tpu.vector_store %arg11[%swap3A_1155, %swap3A_1156], %sub3A_1151 {strides = array<i32>} : memref<32x512xf32, #tpu.memory_space<vmem>>, vector<16xf32>,
      %gather3A_1158 = tpu.vector_load_idx %arg7[%broadcast_in_dim3A_53, %get3A_872] : memref<32x1024xf32, #tpu.memory_space<vmem>>[vector<16xi32>, vector<16xi32>], vector<16xf32>,
      %swap3A_1159 = arith.constant 15 : i32
      %swap3A_1160 = arith.index_cast %swap3A_1159 : i32 to index
      %swap3A_1161 = arith.index_cast %mul3A_828 : i32 to index
      %swap3A_1162 = tpu.vector_load %arg9[%swap3A_1160, %swap3A_1161] {strides = array<i32>} : memref<32x1024xf32, #tpu.memory_space<vmem>>, vector<16xf32>,
      tpu.vector_store %arg9[%swap3A_1160, %swap3A_1161], %gather3A_1158 {strides = array<i32>} : memref<32x1024xf32, #tpu.memory_space<vmem>>, vector<16xf32>,
      %get3A_1163 = arith.constant 1 : i32
      %get3A_1164 = arith.constant 7 : i32
      %get3A_1165 = arith.index_cast %get3A_1163 : i32 to index
      %get3A_1166 = arith.index_cast %select_n3A_852 : i32 to index
      %get3A_1167 = arith.index_cast %get3A_1164 : i32 to index
      %get3A_1168 = arith.index_cast %mul3A_870 : i32 to index
      %get3A_1169 = tpu.vector_load %arg10[%get3A_1165, %get3A_1166, %get3A_1167, %get3A_1168] {strides = array<i32>} : memref<4x8x8x128xf32, #tpu.memory_space<vmem>>, vector<16xf32>,
      %sub3A_1170 = arith.subf %get3A_1169, %gather3A_1158 : vector<16xf32>
      %sub3A_1171 = arith.constant 512 : i32
      %sub3A_1172 = arith.subi %mul3A_828, %sub3A_1171 : i32
      %swap3A_1173 = arith.constant 15 : i32
      %swap3A_1174 = arith.index_cast %swap3A_1173 : i32 to index
      %swap3A_1175 = arith.index_cast %sub3A_1172 : i32 to index
      %swap3A_1176 = tpu.vector_load %arg11[%swap3A_1174, %swap3A_1175] {strides = array<i32>} : memref<32x512xf32, #tpu.memory_space<vmem>>, vector<16xf32>,
      tpu.vector_store %arg11[%swap3A_1174, %swap3A_1175], %sub3A_1170 {strides = array<i32>} : memref<32x512xf32, #tpu.memory_space<vmem>>, vector<16xf32>,
      %gather3A_1177 = tpu.vector_load_idx %arg7[%broadcast_in_dim3A_55, %get3A_872] : memref<32x1024xf32, #tpu.memory_space<vmem>>[vector<16xi32>, vector<16xi32>], vector<16xf32>,
      %swap3A_1178 = arith.constant 16 : i32
      %swap3A_1179 = arith.index_cast %swap3A_1178 : i32 to index
      %swap3A_1180 = arith.index_cast %mul3A_828 : i32 to index
      %swap3A_1181 = tpu.vector_load %arg9[%swap3A_1179, %swap3A_1180] {strides = array<i32>} : memref<32x1024xf32, #tpu.memory_space<vmem>>, vector<16xf32>,
      tpu.vector_store %arg9[%swap3A_1179, %swap3A_1180], %gather3A_1177 {strides = array<i32>} : memref<32x1024xf32, #tpu.memory_space<vmem>>, vector<16xf32>,
      %get3A_1182 = arith.constant 2 : i32
      %get3A_1183 = arith.constant 0 : i32
      %get3A_1184 = arith.index_cast %get3A_1182 : i32 to index
      %get3A_1185 = arith.index_cast %select_n3A_852 : i32 to index
      %get3A_1186 = arith.index_cast %get3A_1183 : i32 to index
      %get3A_1187 = arith.index_cast %mul3A_870 : i32 to index
      %get3A_1188 = tpu.vector_load %arg10[%get3A_1184, %get3A_1185, %get3A_1186, %get3A_1187] {strides = array<i32>} : memref<4x8x8x128xf32, #tpu.memory_space<vmem>>, vector<16xf32>,
      %sub3A_1189 = arith.subf %get3A_1188, %gather3A_1177 : vector<16xf32>
      %sub3A_1190 = arith.constant 512 : i32
      %sub3A_1191 = arith.subi %mul3A_828, %sub3A_1190 : i32
      %swap3A_1192 = arith.constant 16 : i32
      %swap3A_1193 = arith.index_cast %swap3A_1192 : i32 to index
      %swap3A_1194 = arith.index_cast %sub3A_1191 : i32 to index
      %swap3A_1195 = tpu.vector_load %arg11[%swap3A_1193, %swap3A_1194] {strides = array<i32>} : memref<32x512xf32, #tpu.memory_space<vmem>>, vector<16xf32>,
      tpu.vector_store %arg11[%swap3A_1193, %swap3A_1194], %sub3A_1189 {strides = array<i32>} : memref<32x512xf32, #tpu.memory_space<vmem>>, vector<16xf32>,
      %gather3A_1196 = tpu.vector_load_idx %arg7[%broadcast_in_dim3A_57, %get3A_872] : memref<32x1024xf32, #tpu.memory_space<vmem>>[vector<16xi32>, vector<16xi32>], vector<16xf32>,
      %swap3A_1197 = arith.constant 17 : i32
      %swap3A_1198 = arith.index_cast %swap3A_1197 : i32 to index
      %swap3A_1199 = arith.index_cast %mul3A_828 : i32 to index
      %swap3A_1200 = tpu.vector_load %arg9[%swap3A_1198, %swap3A_1199] {strides = array<i32>} : memref<32x1024xf32, #tpu.memory_space<vmem>>, vector<16xf32>,
      tpu.vector_store %arg9[%swap3A_1198, %swap3A_1199], %gather3A_1196 {strides = array<i32>} : memref<32x1024xf32, #tpu.memory_space<vmem>>, vector<16xf32>,
      %get3A_1201 = arith.constant 2 : i32
      %get3A_1202 = arith.constant 1 : i32
      %get3A_1203 = arith.index_cast %get3A_1201 : i32 to index
      %get3A_1204 = arith.index_cast %select_n3A_852 : i32 to index
      %get3A_1205 = arith.index_cast %get3A_1202 : i32 to index
      %get3A_1206 = arith.index_cast %mul3A_870 : i32 to index
      %get3A_1207 = tpu.vector_load %arg10[%get3A_1203, %get3A_1204, %get3A_1205, %get3A_1206] {strides = array<i32>} : memref<4x8x8x128xf32, #tpu.memory_space<vmem>>, vector<16xf32>,
      %sub3A_1208 = arith.subf %get3A_1207, %gather3A_1196 : vector<16xf32>
      %sub3A_1209 = arith.constant 512 : i32
      %sub3A_1210 = arith.subi %mul3A_828, %sub3A_1209 : i32
      %swap3A_1211 = arith.constant 17 : i32
      %swap3A_1212 = arith.index_cast %swap3A_1211 : i32 to index
      %swap3A_1213 = arith.index_cast %sub3A_1210 : i32 to index
      %swap3A_1214 = tpu.vector_load %arg11[%swap3A_1212, %swap3A_1213] {strides = array<i32>} : memref<32x512xf32, #tpu.memory_space<vmem>>, vector<16xf32>,
      tpu.vector_store %arg11[%swap3A_1212, %swap3A_1213], %sub3A_1208 {strides = array<i32>} : memref<32x512xf32, #tpu.memory_space<vmem>>, vector<16xf32>,
      %gather3A_1215 = tpu.vector_load_idx %arg7[%broadcast_in_dim3A_59, %get3A_872] : memref<32x1024xf32, #tpu.memory_space<vmem>>[vector<16xi32>, vector<16xi32>], vector<16xf32>,
      %swap3A_1216 = arith.constant 18 : i32
      %swap3A_1217 = arith.index_cast %swap3A_1216 : i32 to index
      %swap3A_1218 = arith.index_cast %mul3A_828 : i32 to index
      %swap3A_1219 = tpu.vector_load %arg9[%swap3A_1217, %swap3A_1218] {strides = array<i32>} : memref<32x1024xf32, #tpu.memory_space<vmem>>, vector<16xf32>,
      tpu.vector_store %arg9[%swap3A_1217, %swap3A_1218], %gather3A_1215 {strides = array<i32>} : memref<32x1024xf32, #tpu.memory_space<vmem>>, vector<16xf32>,
      %get3A_1220 = arith.constant 2 : i32
      %get3A_1221 = arith.constant 2 : i32
      %get3A_1222 = arith.index_cast %get3A_1220 : i32 to index
      %get3A_1223 = arith.index_cast %select_n3A_852 : i32 to index
      %get3A_1224 = arith.index_cast %get3A_1221 : i32 to index
      %get3A_1225 = arith.index_cast %mul3A_870 : i32 to index
      %get3A_1226 = tpu.vector_load %arg10[%get3A_1222, %get3A_1223, %get3A_1224, %get3A_1225] {strides = array<i32>} : memref<4x8x8x128xf32, #tpu.memory_space<vmem>>, vector<16xf32>,
      %sub3A_1227 = arith.subf %get3A_1226, %gather3A_1215 : vector<16xf32>
      %sub3A_1228 = arith.constant 512 : i32
      %sub3A_1229 = arith.subi %mul3A_828, %sub3A_1228 : i32
      %swap3A_1230 = arith.constant 18 : i32
      %swap3A_1231 = arith.index_cast %swap3A_1230 : i32 to index
      %swap3A_1232 = arith.index_cast %sub3A_1229 : i32 to index
      %swap3A_1233 = tpu.vector_load %arg11[%swap3A_1231, %swap3A_1232] {strides = array<i32>} : memref<32x512xf32, #tpu.memory_space<vmem>>, vector<16xf32>,
      tpu.vector_store %arg11[%swap3A_1231, %swap3A_1232], %sub3A_1227 {strides = array<i32>} : memref<32x512xf32, #tpu.memory_space<vmem>>, vector<16xf32>,
      %gather3A_1234 = tpu.vector_load_idx %arg7[%broadcast_in_dim3A_61, %get3A_872] : memref<32x1024xf32, #tpu.memory_space<vmem>>[vector<16xi32>, vector<16xi32>], vector<16xf32>,
      %swap3A_1235 = arith.constant 19 : i32
      %swap3A_1236 = arith.index_cast %swap3A_1235 : i32 to index
      %swap3A_1237 = arith.index_cast %mul3A_828 : i32 to index
      %swap3A_1238 = tpu.vector_load %arg9[%swap3A_1236, %swap3A_1237] {strides = array<i32>} : memref<32x1024xf32, #tpu.memory_space<vmem>>, vector<16xf32>,
      tpu.vector_store %arg9[%swap3A_1236, %swap3A_1237], %gather3A_1234 {strides = array<i32>} : memref<32x1024xf32, #tpu.memory_space<vmem>>, vector<16xf32>,
      %get3A_1239 = arith.constant 2 : i32
      %get3A_1240 = arith.constant 3 : i32
      %get3A_1241 = arith.index_cast %get3A_1239 : i32 to index
      %get3A_1242 = arith.index_cast %select_n3A_852 : i32 to index
      %get3A_1243 = arith.index_cast %get3A_1240 : i32 to index
      %get3A_1244 = arith.index_cast %mul3A_870 : i32 to index
      %get3A_1245 = tpu.vector_load %arg10[%get3A_1241, %get3A_1242, %get3A_1243, %get3A_1244] {strides = array<i32>} : memref<4x8x8x128xf32, #tpu.memory_space<vmem>>, vector<16xf32>,
      %sub3A_1246 = arith.subf %get3A_1245, %gather3A_1234 : vector<16xf32>
      %sub3A_1247 = arith.constant 512 : i32
      %sub3A_1248 = arith.subi %mul3A_828, %sub3A_1247 : i32
      %swap3A_1249 = arith.constant 19 : i32
      %swap3A_1250 = arith.index_cast %swap3A_1249 : i32 to index
      %swap3A_1251 = arith.index_cast %sub3A_1248 : i32 to index
      %swap3A_1252 = tpu.vector_load %arg11[%swap3A_1250, %swap3A_1251] {strides = array<i32>} : memref<32x512xf32, #tpu.memory_space<vmem>>, vector<16xf32>,
      tpu.vector_store %arg11[%swap3A_1250, %swap3A_1251], %sub3A_1246 {strides = array<i32>} : memref<32x512xf32, #tpu.memory_space<vmem>>, vector<16xf32>,
      %gather3A_1253 = tpu.vector_load_idx %arg7[%broadcast_in_dim3A_63, %get3A_872] : memref<32x1024xf32, #tpu.memory_space<vmem>>[vector<16xi32>, vector<16xi32>], vector<16xf32>,
      %swap3A_1254 = arith.constant 20 : i32
      %swap3A_1255 = arith.index_cast %swap3A_1254 : i32 to index
      %swap3A_1256 = arith.index_cast %mul3A_828 : i32 to index
      %swap3A_1257 = tpu.vector_load %arg9[%swap3A_1255, %swap3A_1256] {strides = array<i32>} : memref<32x1024xf32, #tpu.memory_space<vmem>>, vector<16xf32>,
      tpu.vector_store %arg9[%swap3A_1255, %swap3A_1256], %gather3A_1253 {strides = array<i32>} : memref<32x1024xf32, #tpu.memory_space<vmem>>, vector<16xf32>,
      %get3A_1258 = arith.constant 2 : i32
      %get3A_1259 = arith.constant 4 : i32
      %get3A_1260 = arith.index_cast %get3A_1258 : i32 to index
      %get3A_1261 = arith.index_cast %select_n3A_852 : i32 to index
      %get3A_1262 = arith.index_cast %get3A_1259 : i32 to index
      %get3A_1263 = arith.index_cast %mul3A_870 : i32 to index
      %get3A_1264 = tpu.vector_load %arg10[%get3A_1260, %get3A_1261, %get3A_1262, %get3A_1263] {strides = array<i32>} : memref<4x8x8x128xf32, #tpu.memory_space<vmem>>, vector<16xf32>,
      %sub3A_1265 = arith.subf %get3A_1264, %gather3A_1253 : vector<16xf32>
      %sub3A_1266 = arith.constant 512 : i32
      %sub3A_1267 = arith.subi %mul3A_828, %sub3A_1266 : i32
      %swap3A_1268 = arith.constant 20 : i32
      %swap3A_1269 = arith.index_cast %swap3A_1268 : i32 to index
      %swap3A_1270 = arith.index_cast %sub3A_1267 : i32 to index
      %swap3A_1271 = tpu.vector_load %arg11[%swap3A_1269, %swap3A_1270] {strides = array<i32>} : memref<32x512xf32, #tpu.memory_space<vmem>>, vector<16xf32>,
      tpu.vector_store %arg11[%swap3A_1269, %swap3A_1270], %sub3A_1265 {strides = array<i32>} : memref<32x512xf32, #tpu.memory_space<vmem>>, vector<16xf32>,
      %gather3A_1272 = tpu.vector_load_idx %arg7[%broadcast_in_dim3A_65, %get3A_872] : memref<32x1024xf32, #tpu.memory_space<vmem>>[vector<16xi32>, vector<16xi32>], vector<16xf32>,
      %swap3A_1273 = arith.constant 21 : i32
      %swap3A_1274 = arith.index_cast %swap3A_1273 : i32 to index
      %swap3A_1275 = arith.index_cast %mul3A_828 : i32 to index
      %swap3A_1276 = tpu.vector_load %arg9[%swap3A_1274, %swap3A_1275] {strides = array<i32>} : memref<32x1024xf32, #tpu.memory_space<vmem>>, vector<16xf32>,
      tpu.vector_store %arg9[%swap3A_1274, %swap3A_1275], %gather3A_1272 {strides = array<i32>} : memref<32x1024xf32, #tpu.memory_space<vmem>>, vector<16xf32>,
      %get3A_1277 = arith.constant 2 : i32
      %get3A_1278 = arith.constant 5 : i32
      %get3A_1279 = arith.index_cast %get3A_1277 : i32 to index
      %get3A_1280 = arith.index_cast %select_n3A_852 : i32 to index
      %get3A_1281 = arith.index_cast %get3A_1278 : i32 to index
      %get3A_1282 = arith.index_cast %mul3A_870 : i32 to index
      %get3A_1283 = tpu.vector_load %arg10[%get3A_1279, %get3A_1280, %get3A_1281, %get3A_1282] {strides = array<i32>} : memref<4x8x8x128xf32, #tpu.memory_space<vmem>>, vector<16xf32>,
      %sub3A_1284 = arith.subf %get3A_1283, %gather3A_1272 : vector<16xf32>
      %sub3A_1285 = arith.constant 512 : i32
      %sub3A_1286 = arith.subi %mul3A_828, %sub3A_1285 : i32
      %swap3A_1287 = arith.constant 21 : i32
      %swap3A_1288 = arith.index_cast %swap3A_1287 : i32 to index
      %swap3A_1289 = arith.index_cast %sub3A_1286 : i32 to index
      %swap3A_1290 = tpu.vector_load %arg11[%swap3A_1288, %swap3A_1289] {strides = array<i32>} : memref<32x512xf32, #tpu.memory_space<vmem>>, vector<16xf32>,
      tpu.vector_store %arg11[%swap3A_1288, %swap3A_1289], %sub3A_1284 {strides = array<i32>} : memref<32x512xf32, #tpu.memory_space<vmem>>, vector<16xf32>,
      %gather3A_1291 = tpu.vector_load_idx %arg7[%broadcast_in_dim3A_67, %get3A_872] : memref<32x1024xf32, #tpu.memory_space<vmem>>[vector<16xi32>, vector<16xi32>], vector<16xf32>,
      %swap3A_1292 = arith.constant 22 : i32
      %swap3A_1293 = arith.index_cast %swap3A_1292 : i32 to index
      %swap3A_1294 = arith.index_cast %mul3A_828 : i32 to index
      %swap3A_1295 = tpu.vector_load %arg9[%swap3A_1293, %swap3A_1294] {strides = array<i32>} : memref<32x1024xf32, #tpu.memory_space<vmem>>, vector<16xf32>,
      tpu.vector_store %arg9[%swap3A_1293, %swap3A_1294], %gather3A_1291 {strides = array<i32>} : memref<32x1024xf32, #tpu.memory_space<vmem>>, vector<16xf32>,
      %get3A_1296 = arith.constant 2 : i32
      %get3A_1297 = arith.constant 6 : i32
      %get3A_1298 = arith.index_cast %get3A_1296 : i32 to index
      %get3A_1299 = arith.index_cast %select_n3A_852 : i32 to index
      %get3A_1300 = arith.index_cast %get3A_1297 : i32 to index
      %get3A_1301 = arith.index_cast %mul3A_870 : i32 to index
      %get3A_1302 = tpu.vector_load %arg10[%get3A_1298, %get3A_1299, %get3A_1300, %get3A_1301] {strides = array<i32>} : memref<4x8x8x128xf32, #tpu.memory_space<vmem>>, vector<16xf32>,
      %sub3A_1303 = arith.subf %get3A_1302, %gather3A_1291 : vector<16xf32>
      %sub3A_1304 = arith.constant 512 : i32
      %sub3A_1305 = arith.subi %mul3A_828, %sub3A_1304 : i32
      %swap3A_1306 = arith.constant 22 : i32
      %swap3A_1307 = arith.index_cast %swap3A_1306 : i32 to index
      %swap3A_1308 = arith.index_cast %sub3A_1305 : i32 to index
      %swap3A_1309 = tpu.vector_load %arg11[%swap3A_1307, %swap3A_1308] {strides = array<i32>} : memref<32x512xf32, #tpu.memory_space<vmem>>, vector<16xf32>,
      tpu.vector_store %arg11[%swap3A_1307, %swap3A_1308], %sub3A_1303 {strides = array<i32>} : memref<32x512xf32, #tpu.memory_space<vmem>>, vector<16xf32>,
      %gather3A_1310 = tpu.vector_load_idx %arg7[%broadcast_in_dim3A_69, %get3A_872] : memref<32x1024xf32, #tpu.memory_space<vmem>>[vector<16xi32>, vector<16xi32>], vector<16xf32>,
      %swap3A_1311 = arith.constant 23 : i32
      %swap3A_1312 = arith.index_cast %swap3A_1311 : i32 to index
      %swap3A_1313 = arith.index_cast %mul3A_828 : i32 to index
      %swap3A_1314 = tpu.vector_load %arg9[%swap3A_1312, %swap3A_1313] {strides = array<i32>} : memref<32x1024xf32, #tpu.memory_space<vmem>>, vector<16xf32>,
      tpu.vector_store %arg9[%swap3A_1312, %swap3A_1313], %gather3A_1310 {strides = array<i32>} : memref<32x1024xf32, #tpu.memory_space<vmem>>, vector<16xf32>,
      %get3A_1315 = arith.constant 2 : i32
      %get3A_1316 = arith.constant 7 : i32
      %get3A_1317 = arith.index_cast %get3A_1315 : i32 to index
      %get3A_1318 = arith.index_cast %select_n3A_852 : i32 to index
      %get3A_1319 = arith.index_cast %get3A_1316 : i32 to index
      %get3A_1320 = arith.index_cast %mul3A_870 : i32 to index
      %get3A_1321 = tpu.vector_load %arg10[%get3A_1317, %get3A_1318, %get3A_1319, %get3A_1320] {strides = array<i32>} : memref<4x8x8x128xf32, #tpu.memory_space<vmem>>, vector<16xf32>,
      %sub3A_1322 = arith.subf %get3A_1321, %gather3A_1310 : vector<16xf32>
      %sub3A_1323 = arith.constant 512 : i32
      %sub3A_1324 = arith.subi %mul3A_828, %sub3A_1323 : i32
      %swap3A_1325 = arith.constant 23 : i32
      %swap3A_1326 = arith.index_cast %swap3A_1325 : i32 to index
      %swap3A_1327 = arith.index_cast %sub3A_1324 : i32 to index
      %swap3A_1328 = tpu.vector_load %arg11[%swap3A_1326, %swap3A_1327] {strides = array<i32>} : memref<32x512xf32, #tpu.memory_space<vmem>>, vector<16xf32>,
      tpu.vector_store %arg11[%swap3A_1326, %swap3A_1327], %sub3A_1322 {strides = array<i32>} : memref<32x512xf32, #tpu.memory_space<vmem>>, vector<16xf32>,
      %gather3A_1329 = tpu.vector_load_idx %arg7[%broadcast_in_dim3A_71, %get3A_872] : memref<32x1024xf32, #tpu.memory_space<vmem>>[vector<16xi32>, vector<16xi32>], vector<16xf32>,
      %swap3A_1330 = arith.constant 24 : i32
      %swap3A_1331 = arith.index_cast %swap3A_1330 : i32 to index
      %swap3A_1332 = arith.index_cast %mul3A_828 : i32 to index
      %swap3A_1333 = tpu.vector_load %arg9[%swap3A_1331, %swap3A_1332] {strides = array<i32>} : memref<32x1024xf32, #tpu.memory_space<vmem>>, vector<16xf32>,
      tpu.vector_store %arg9[%swap3A_1331, %swap3A_1332], %gather3A_1329 {strides = array<i32>} : memref<32x1024xf32, #tpu.memory_space<vmem>>, vector<16xf32>,
      %get3A_1334 = arith.constant 3 : i32
      %get3A_1335 = arith.constant 0 : i32
      %get3A_1336 = arith.index_cast %get3A_1334 : i32 to index
      %get3A_1337 = arith.index_cast %select_n3A_852 : i32 to index
      %get3A_1338 = arith.index_cast %get3A_1335 : i32 to index
      %get3A_1339 = arith.index_cast %mul3A_870 : i32 to index
      %get3A_1340 = tpu.vector_load %arg10[%get3A_1336, %get3A_1337, %get3A_1338, %get3A_1339] {strides = array<i32>} : memref<4x8x8x128xf32, #tpu.memory_space<vmem>>, vector<16xf32>,
      %sub3A_1341 = arith.subf %get3A_1340, %gather3A_1329 : vector<16xf32>
      %sub3A_1342 = arith.constant 512 : i32
      %sub3A_1343 = arith.subi %mul3A_828, %sub3A_1342 : i32
      %swap3A_1344 = arith.constant 24 : i32
      %swap3A_1345 = arith.index_cast %swap3A_1344 : i32 to index
      %swap3A_1346 = arith.index_cast %sub3A_1343 : i32 to index
      %swap3A_1347 = tpu.vector_load %arg11[%swap3A_1345, %swap3A_1346] {strides = array<i32>} : memref<32x512xf32, #tpu.memory_space<vmem>>, vector<16xf32>,
      tpu.vector_store %arg11[%swap3A_1345, %swap3A_1346], %sub3A_1341 {strides = array<i32>} : memref<32x512xf32, #tpu.memory_space<vmem>>, vector<16xf32>,
      %gather3A_1348 = tpu.vector_load_idx %arg7[%broadcast_in_dim3A_73, %get3A_872] : memref<32x1024xf32, #tpu.memory_space<vmem>>[vector<16xi32>, vector<16xi32>], vector<16xf32>,
      %swap3A_1349 = arith.constant 25 : i32
      %swap3A_1350 = arith.index_cast %swap3A_1349 : i32 to index
      %swap3A_1351 = arith.index_cast %mul3A_828 : i32 to index
      %swap3A_1352 = tpu.vector_load %arg9[%swap3A_1350, %swap3A_1351] {strides = array<i32>} : memref<32x1024xf32, #tpu.memory_space<vmem>>, vector<16xf32>,
      tpu.vector_store %arg9[%swap3A_1350, %swap3A_1351], %gather3A_1348 {strides = array<i32>} : memref<32x1024xf32, #tpu.memory_space<vmem>>, vector<16xf32>,
      %get3A_1353 = arith.constant 3 : i32
      %get3A_1354 = arith.constant 1 : i32
      %get3A_1355 = arith.index_cast %get3A_1353 : i32 to index
      %get3A_1356 = arith.index_cast %select_n3A_852 : i32 to index
      %get3A_1357 = arith.index_cast %get3A_1354 : i32 to index
      %get3A_1358 = arith.index_cast %mul3A_870 : i32 to index
      %get3A_1359 = tpu.vector_load %arg10[%get3A_1355, %get3A_1356, %get3A_1357, %get3A_1358] {strides = array<i32>} : memref<4x8x8x128xf32, #tpu.memory_space<vmem>>, vector<16xf32>,
      %sub3A_1360 = arith.subf %get3A_1359, %gather3A_1348 : vector<16xf32>
      %sub3A_1361 = arith.constant 512 : i32
      %sub3A_1362 = arith.subi %mul3A_828, %sub3A_1361 : i32
      %swap3A_1363 = arith.constant 25 : i32
      %swap3A_1364 = arith.index_cast %swap3A_1363 : i32 to index
      %swap3A_1365 = arith.index_cast %sub3A_1362 : i32 to index
      %swap3A_1366 = tpu.vector_load %arg11[%swap3A_1364, %swap3A_1365] {strides = array<i32>} : memref<32x512xf32, #tpu.memory_space<vmem>>, vector<16xf32>,
      tpu.vector_store %arg11[%swap3A_1364, %swap3A_1365], %sub3A_1360 {strides = array<i32>} : memref<32x512xf32, #tpu.memory_space<vmem>>, vector<16xf32>,
      %gather3A_1367 = tpu.vector_load_idx %arg7[%broadcast_in_dim3A_75, %get3A_872] : memref<32x1024xf32, #tpu.memory_space<vmem>>[vector<16xi32>, vector<16xi32>], vector<16xf32>,
      %swap3A_1368 = arith.constant 26 : i32
      %swap3A_1369 = arith.index_cast %swap3A_1368 : i32 to index
      %swap3A_1370 = arith.index_cast %mul3A_828 : i32 to index
      %swap3A_1371 = tpu.vector_load %arg9[%swap3A_1369, %swap3A_1370] {strides = array<i32>} : memref<32x1024xf32, #tpu.memory_space<vmem>>, vector<16xf32>,
      tpu.vector_store %arg9[%swap3A_1369, %swap3A_1370], %gather3A_1367 {strides = array<i32>} : memref<32x1024xf32, #tpu.memory_space<vmem>>, vector<16xf32>,
      %get3A_1372 = arith.constant 3 : i32
      %get3A_1373 = arith.constant 2 : i32
      %get3A_1374 = arith.index_cast %get3A_1372 : i32 to index
      %get3A_1375 = arith.index_cast %select_n3A_852 : i32 to index
      %get3A_1376 = arith.index_cast %get3A_1373 : i32 to index
      %get3A_1377 = arith.index_cast %mul3A_870 : i32 to index
      %get3A_1378 = tpu.vector_load %arg10[%get3A_1374, %get3A_1375, %get3A_1376, %get3A_1377] {strides = array<i32>} : memref<4x8x8x128xf32, #tpu.memory_space<vmem>>, vector<16xf32>,
      %sub3A_1379 = arith.subf %get3A_1378, %gather3A_1367 : vector<16xf32>
      %sub3A_1380 = arith.constant 512 : i32
      %sub3A_1381 = arith.subi %mul3A_828, %sub3A_1380 : i32
      %swap3A_1382 = arith.constant 26 : i32
      %swap3A_1383 = arith.index_cast %swap3A_1382 : i32 to index
      %swap3A_1384 = arith.index_cast %sub3A_1381 : i32 to index
      %swap3A_1385 = tpu.vector_load %arg11[%swap3A_1383, %swap3A_1384] {strides = array<i32>} : memref<32x512xf32, #tpu.memory_space<vmem>>, vector<16xf32>,
      tpu.vector_store %arg11[%swap3A_1383, %swap3A_1384], %sub3A_1379 {strides = array<i32>} : memref<32x512xf32, #tpu.memory_space<vmem>>, vector<16xf32>,
      %gather3A_1386 = tpu.vector_load_idx %arg7[%broadcast_in_dim3A_77, %get3A_872] : memref<32x1024xf32, #tpu.memory_space<vmem>>[vector<16xi32>, vector<16xi32>], vector<16xf32>,
      %swap3A_1387 = arith.constant 27 : i32
      %swap3A_1388 = arith.index_cast %swap3A_1387 : i32 to index
      %swap3A_1389 = arith.index_cast %mul3A_828 : i32 to index
      %swap3A_1390 = tpu.vector_load %arg9[%swap3A_1388, %swap3A_1389] {strides = array<i32>} : memref<32x1024xf32, #tpu.memory_space<vmem>>, vector<16xf32>,
      tpu.vector_store %arg9[%swap3A_1388, %swap3A_1389], %gather3A_1386 {strides = array<i32>} : memref<32x1024xf32, #tpu.memory_space<vmem>>, vector<16xf32>,
      %get3A_1391 = arith.constant 3 : i32
      %get3A_1392 = arith.constant 3 : i32
      %get3A_1393 = arith.index_cast %get3A_1391 : i32 to index
      %get3A_1394 = arith.index_cast %select_n3A_852 : i32 to index
      %get3A_1395 = arith.index_cast %get3A_1392 : i32 to index
      %get3A_1396 = arith.index_cast %mul3A_870 : i32 to index
      %get3A_1397 = tpu.vector_load %arg10[%get3A_1393, %get3A_1394, %get3A_1395, %get3A_1396] {strides = array<i32>} : memref<4x8x8x128xf32, #tpu.memory_space<vmem>>, vector<16xf32>,
      %sub3A_1398 = arith.subf %get3A_1397, %gather3A_1386 : vector<16xf32>
      %sub3A_1399 = arith.constant 512 : i32
      %sub3A_1400 = arith.subi %mul3A_828, %sub3A_1399 : i32
      %swap3A_1401 = arith.constant 27 : i32
      %swap3A_1402 = arith.index_cast %swap3A_1401 : i32 to index
      %swap3A_1403 = arith.index_cast %sub3A_1400 : i32 to index
      %swap3A_1404 = tpu.vector_load %arg11[%swap3A_1402, %swap3A_1403] {strides = array<i32>} : memref<32x512xf32, #tpu.memory_space<vmem>>, vector<16xf32>,
      tpu.vector_store %arg11[%swap3A_1402, %swap3A_1403], %sub3A_1398 {strides = array<i32>} : memref<32x512xf32, #tpu.memory_space<vmem>>, vector<16xf32>,
      %gather3A_1405 = tpu.vector_load_idx %arg7[%broadcast_in_dim3A_79, %get3A_872] : memref<32x1024xf32, #tpu.memory_space<vmem>>[vector<16xi32>, vector<16xi32>], vector<16xf32>,
      %swap3A_1406 = arith.constant 28 : i32
      %swap3A_1407 = arith.index_cast %swap3A_1406 : i32 to index
      %swap3A_1408 = arith.index_cast %mul3A_828 : i32 to index
      %swap3A_1409 = tpu.vector_load %arg9[%swap3A_1407, %swap3A_1408] {strides = array<i32>} : memref<32x1024xf32, #tpu.memory_space<vmem>>, vector<16xf32>,
      tpu.vector_store %arg9[%swap3A_1407, %swap3A_1408], %gather3A_1405 {strides = array<i32>} : memref<32x1024xf32, #tpu.memory_space<vmem>>, vector<16xf32>,
      %get3A_1410 = arith.constant 3 : i32
      %get3A_1411 = arith.constant 4 : i32
      %get3A_1412 = arith.index_cast %get3A_1410 : i32 to index
      %get3A_1413 = arith.index_cast %select_n3A_852 : i32 to index
      %get3A_1414 = arith.index_cast %get3A_1411 : i32 to index
      %get3A_1415 = arith.index_cast %mul3A_870 : i32 to index
      %get3A_1416 = tpu.vector_load %arg10[%get3A_1412, %get3A_1413, %get3A_1414, %get3A_1415] {strides = array<i32>} : memref<4x8x8x128xf32, #tpu.memory_space<vmem>>, vector<16xf32>,
      %sub3A_1417 = arith.subf %get3A_1416, %gather3A_1405 : vector<16xf32>
      %sub3A_1418 = arith.constant 512 : i32
      %sub3A_1419 = arith.subi %mul3A_828, %sub3A_1418 : i32
      %swap3A_1420 = arith.constant 28 : i32
      %swap3A_1421 = arith.index_cast %swap3A_1420 : i32 to index
      %swap3A_1422 = arith.index_cast %sub3A_1419 : i32 to index
      %swap3A_1423 = tpu.vector_load %arg11[%swap3A_1421, %swap3A_1422] {strides = array<i32>} : memref<32x512xf32, #tpu.memory_space<vmem>>, vector<16xf32>,
      tpu.vector_store %arg11[%swap3A_1421, %swap3A_1422], %sub3A_1417 {strides = array<i32>} : memref<32x512xf32, #tpu.memory_space<vmem>>, vector<16xf32>,
      %gather3A_1424 = tpu.vector_load_idx %arg7[%broadcast_in_dim3A_81, %get3A_872] : memref<32x1024xf32, #tpu.memory_space<vmem>>[vector<16xi32>, vector<16xi32>], vector<16xf32>,
      %swap3A_1425 = arith.constant 29 : i32
      %swap3A_1426 = arith.index_cast %swap3A_1425 : i32 to index
      %swap3A_1427 = arith.index_cast %mul3A_828 : i32 to index
      %swap3A_1428 = tpu.vector_load %arg9[%swap3A_1426, %swap3A_1427] {strides = array<i32>} : memref<32x1024xf32, #tpu.memory_space<vmem>>, vector<16xf32>,
      tpu.vector_store %arg9[%swap3A_1426, %swap3A_1427], %gather3A_1424 {strides = array<i32>} : memref<32x1024xf32, #tpu.memory_space<vmem>>, vector<16xf32>,
      %get3A_1429 = arith.constant 3 : i32
      %get3A_1430 = arith.constant 5 : i32
      %get3A_1431 = arith.index_cast %get3A_1429 : i32 to index
      %get3A_1432 = arith.index_cast %select_n3A_852 : i32 to index
      %get3A_1433 = arith.index_cast %get3A_1430 : i32 to index
      %get3A_1434 = arith.index_cast %mul3A_870 : i32 to index
      %get3A_1435 = tpu.vector_load %arg10[%get3A_1431, %get3A_1432, %get3A_1433, %get3A_1434] {strides = array<i32>} : memref<4x8x8x128xf32, #tpu.memory_space<vmem>>, vector<16xf32>,
      %sub3A_1436 = arith.subf %get3A_1435, %gather3A_1424 : vector<16xf32>
      %sub3A_1437 = arith.constant 512 : i32
      %sub3A_1438 = arith.subi %mul3A_828, %sub3A_1437 : i32
      %swap3A_1439 = arith.constant 29 : i32
      %swap3A_1440 = arith.index_cast %swap3A_1439 : i32 to index
      %swap3A_1441 = arith.index_cast %sub3A_1438 : i32 to index
      %swap3A_1442 = tpu.vector_load %arg11[%swap3A_1440, %swap3A_1441] {strides = array<i32>} : memref<32x512xf32, #tpu.memory_space<vmem>>, vector<16xf32>,
      tpu.vector_store %arg11[%swap3A_1440, %swap3A_1441], %sub3A_1436 {strides = array<i32>} : memref<32x512xf32, #tpu.memory_space<vmem>>, vector<16xf32>,
      %gather3A_1443 = tpu.vector_load_idx %arg7[%broadcast_in_dim3A_83, %get3A_872] : memref<32x1024xf32, #tpu.memory_space<vmem>>[vector<16xi32>, vector<16xi32>], vector<16xf32>,
      %swap3A_1444 = arith.constant 30 : i32
      %swap3A_1445 = arith.index_cast %swap3A_1444 : i32 to index
      %swap3A_1446 = arith.index_cast %mul3A_828 : i32 to index
      %swap3A_1447 = tpu.vector_load %arg9[%swap3A_1445, %swap3A_1446] {strides = array<i32>} : memref<32x1024xf32, #tpu.memory_space<vmem>>, vector<16xf32>,
      tpu.vector_store %arg9[%swap3A_1445, %swap3A_1446], %gather3A_1443 {strides = array<i32>} : memref<32x1024xf32, #tpu.memory_space<vmem>>, vector<16xf32>,
      %get3A_1448 = arith.constant 3 : i32
      %get3A_1449 = arith.constant 6 : i32
      %get3A_1450 = arith.index_cast %get3A_1448 : i32 to index
      %get3A_1451 = arith.index_cast %select_n3A_852 : i32 to index
      %get3A_1452 = arith.index_cast %get3A_1449 : i32 to index
      %get3A_1453 = arith.index_cast %mul3A_870 : i32 to index
      %get3A_1454 = tpu.vector_load %arg10[%get3A_1450, %get3A_1451, %get3A_1452, %get3A_1453] {strides = array<i32>} : memref<4x8x8x128xf32, #tpu.memory_space<vmem>>, vector<16xf32>,
      %sub3A_1455 = arith.subf %get3A_1454, %gather3A_1443 : vector<16xf32>
      %sub3A_1456 = arith.constant 512 : i32
      %sub3A_1457 = arith.subi %mul3A_828, %sub3A_1456 : i32
      %swap3A_1458 = arith.constant 30 : i32
      %swap3A_1459 = arith.index_cast %swap3A_1458 : i32 to index
      %swap3A_1460 = arith.index_cast %sub3A_1457 : i32 to index
      %swap3A_1461 = tpu.vector_load %arg11[%swap3A_1459, %swap3A_1460] {strides = array<i32>} : memref<32x512xf32, #tpu.memory_space<vmem>>, vector<16xf32>,
      tpu.vector_store %arg11[%swap3A_1459, %swap3A_1460], %sub3A_1455 {strides = array<i32>} : memref<32x512xf32, #tpu.memory_space<vmem>>, vector<16xf32>,
      %gather3A_1462 = tpu.vector_load_idx %arg7[%broadcast_in_dim3A_85, %get3A_872] : memref<32x1024xf32, #tpu.memory_space<vmem>>[vector<16xi32>, vector<16xi32>], vector<16xf32>,
      %swap3A_1463 = arith.constant 31 : i32
      %swap3A_1464 = arith.index_cast %swap3A_1463 : i32 to index
      %swap3A_1465 = arith.index_cast %mul3A_828 : i32 to index
      %swap3A_1466 = tpu.vector_load %arg9[%swap3A_1464, %swap3A_1465] {strides = array<i32>} : memref<32x1024xf32, #tpu.memory_space<vmem>>, vector<16xf32>,
      tpu.vector_store %arg9[%swap3A_1464, %swap3A_1465], %gather3A_1462 {strides = array<i32>} : memref<32x1024xf32, #tpu.memory_space<vmem>>, vector<16xf32>,
      %get3A_1467 = arith.constant 3 : i32
      %get3A_1468 = arith.constant 7 : i32
      %get3A_1469 = arith.index_cast %get3A_1467 : i32 to index
      %get3A_1470 = arith.index_cast %select_n3A_852 : i32 to index
      %get3A_1471 = arith.index_cast %get3A_1468 : i32 to index
      %get3A_1472 = arith.index_cast %mul3A_870 : i32 to index
      %get3A_1473 = tpu.vector_load %arg10[%get3A_1469, %get3A_1470, %get3A_1471, %get3A_1472] {strides = array<i32>} : memref<4x8x8x128xf32, #tpu.memory_space<vmem>>, vector<16xf32>,
      %sub3A_1474 = arith.subf %get3A_1473, %gather3A_1462 : vector<16xf32>
      %sub3A_1475 = arith.constant 512 : i32
      %sub3A_1476 = arith.subi %mul3A_828, %sub3A_1475 : i32
      %swap3A_1477 = arith.constant 31 : i32
      %swap3A_1478 = arith.index_cast %swap3A_1477 : i32 to index
      %swap3A_1479 = arith.index_cast %sub3A_1476 : i32 to index
      %swap3A_1480 = tpu.vector_load %arg11[%swap3A_1478, %swap3A_1479] {strides = array<i32>} : memref<32x512xf32, #tpu.memory_space<vmem>>, vector<16xf32>,
      tpu.vector_store %arg11[%swap3A_1478, %swap3A_1479], %sub3A_1474 {strides = array<i32>} : memref<32x512xf32, #tpu.memory_space<vmem>>, vector<16xf32>,
    }
    %scan3A_124 = arith.constant 32 : i32
    %dma_start3A_125 = arith.constant 0 : i32
    %dma_start3A_126 = arith.constant 512 : i32
    %dma_start3A_127 = tpu.memref_slice %arg6[%add3A, %dma_start3A_125, %dma_start3A_126] : memref<32x32x1024xf32, #tpu.memory_space<hbm>> -> memref<1x32x512xf32, #tpu.memory_space<hbm>>
    %dma_start3A_128 = tpu.memref_squeeze %dma_start3A_127 : memref<1x32x512xf32, #tpu.memory_space<hbm>> -> memref<32x512xf32, #tpu.memory_space<hbm>>
    %dma_start3A_129 = arith.constant 0 : i32
    %dma_start3A_130 = arith.constant 512 : i32
    %dma_start3A_131 = tpu.memref_slice %arg6[%add3A, %dma_start3A_129, %dma_start3A_130] : memref<32x32x1024xf32, #tpu.memory_space<hbm>> -> memref<1x32x512xf32, #tpu.memory_space<hbm>>
    %dma_start3A_132 = tpu.memref_squeeze %dma_start3A_131 : memref<1x32x512xf32, #tpu.memory_space<hbm>> -> memref<32x512xf32, #tpu.memory_space<hbm>>
    tpu.enqueue_dma source(%arg11 : memref<32x512xf32, #tpu.memory_space<vmem>>) target(%dma_start3A_132 : memref<32x512xf32, #tpu.memory_space<hbm>>) target_semaphore(%arg12 : memref<!tpu.dma_semaphore, #tpu.memory_space<semaphore_mem>>)
    %dma_start3A_133 = arith.constant 0 : i32
    %dma_start3A_134 = arith.constant 512 : i32
    %dma_start3A_135 = tpu.memref_slice %arg9[%dma_start3A_133, %dma_start3A_134] : memref<32x1024xf32, #tpu.memory_space<vmem>> -> memref<32x512xf32, #tpu.memory_space<vmem>>
    %dma_start3A_136 = arith.constant 0 : i32
    %dma_start3A_137 = arith.constant 512 : i32
    %dma_start3A_138 = tpu.memref_slice %arg5[%add3A, %dma_start3A_136, %dma_start3A_137] : memref<32x32x1024xf32, #tpu.memory_space<hbm>> -> memref<1x32x512xf32, #tpu.memory_space<hbm>>
    %dma_start3A_139 = tpu.memref_squeeze %dma_start3A_138 : memref<1x32x512xf32, #tpu.memory_space<hbm>> -> memref<32x512xf32, #tpu.memory_space<hbm>>
    %dma_start3A_140 = arith.constant 0 : i32
    %dma_start3A_141 = arith.constant 512 : i32
    %dma_start3A_142 = tpu.memref_slice %arg5[%add3A, %dma_start3A_140, %dma_start3A_141] : memref<32x32x1024xf32, #tpu.memory_space<hbm>> -> memref<1x32x512xf32, #tpu.memory_space<hbm>>
    %dma_start3A_143 = tpu.memref_squeeze %dma_start3A_142 : memref<1x32x512xf32, #tpu.memory_space<hbm>> -> memref<32x512xf32, #tpu.memory_space<hbm>>
    %dma_start3A_144 = arith.constant 0 : i32
    %dma_start3A_145 = arith.constant 512 : i32
    %dma_start3A_146 = tpu.memref_slice %arg9[%dma_start3A_144, %dma_start3A_145] : memref<32x1024xf32, #tpu.memory_space<vmem>> -> memref<32x512xf32, #tpu.memory_space<vmem>>
    tpu.enqueue_dma source(%dma_start3A_146 : memref<32x512xf32, #tpu.memory_space<vmem>>) target(%dma_start3A_143 : memref<32x512xf32, #tpu.memory_space<hbm>>) target_semaphore(%arg12 : memref<!tpu.dma_semaphore, #tpu.memory_space<semaphore_mem>>)
    %dma_wait3A_147 = arith.constant 0 : i32
    %dma_wait3A_148 = arith.constant 0 : i32
    %dma_wait3A_149 = tpu.memref_slice %arg9[%dma_wait3A_147, %dma_wait3A_148] : memref<32x1024xf32, #tpu.memory_space<vmem>> -> memref<32x512xf32, #tpu.memory_space<vmem>>
    %dma_wait3A_150 = arith.constant 0 : i32
    %dma_wait3A_151 = arith.constant 0 : i32
    %dma_wait3A_152 = tpu.memref_slice %arg5[%add3A, %dma_wait3A_150, %dma_wait3A_151] : memref<32x32x1024xf32, #tpu.memory_space<hbm>> -> memref<1x32x512xf32, #tpu.memory_space<hbm>>
    %dma_wait3A_153 = tpu.memref_squeeze %dma_wait3A_152 : memref<1x32x512xf32, #tpu.memory_space<hbm>> -> memref<32x512xf32, #tpu.memory_space<hbm>>
    %dma_wait3A_154 = arith.constant 0 : i32
    %dma_wait3A_155 = arith.constant 0 : i32
    %dma_wait3A_156 = tpu.memref_slice %arg5[%add3A, %dma_wait3A_154, %dma_wait3A_155] : memref<32x32x1024xf32, #tpu.memory_space<hbm>> -> memref<1x32x512xf32, #tpu.memory_space<hbm>>
    %dma_wait3A_157 = tpu.memref_squeeze %dma_wait3A_156 : memref<1x32x512xf32, #tpu.memory_space<hbm>> -> memref<32x512xf32, #tpu.memory_space<hbm>>
    %dma_wait3A_158 = arith.constant 0 : i32
    %dma_wait3A_159 = arith.constant 0 : i32
    %dma_wait3A_160 = tpu.memref_slice %arg9[%dma_wait3A_158, %dma_wait3A_159] : memref<32x1024xf32, #tpu.memory_space<vmem>> -> memref<32x512xf32, #tpu.memory_space<vmem>>
    tpu.wait_dma2 semaphore(%arg12 : memref<!tpu.dma_semaphore, #tpu.memory_space<semaphore_mem>>) src(%dma_wait3A_160 : memref<32x512xf32, #tpu.memory_space<vmem>>) dst(%dma_wait3A_157 : memref<32x512xf32, #tpu.memory_space<hbm>>)
    %dma_wait3A_161 = arith.constant 0 : i32
    %dma_wait3A_162 = arith.constant 512 : i32
    %dma_wait3A_163 = tpu.memref_slice %arg6[%add3A, %dma_wait3A_161, %dma_wait3A_162] : memref<32x32x1024xf32, #tpu.memory_space<hbm>> -> memref<1x32x512xf32, #tpu.memory_space<hbm>>
    %dma_wait3A_164 = tpu.memref_squeeze %dma_wait3A_163 : memref<1x32x512xf32, #tpu.memory_space<hbm>> -> memref<32x512xf32, #tpu.memory_space<hbm>>
    %dma_wait3A_165 = arith.constant 0 : i32
    %dma_wait3A_166 = arith.constant 512 : i32
    %dma_wait3A_167 = tpu.memref_slice %arg6[%add3A, %dma_wait3A_165, %dma_wait3A_166] : memref<32x32x1024xf32, #tpu.memory_space<hbm>> -> memref<1x32x512xf32, #tpu.memory_space<hbm>>
    %dma_wait3A_168 = tpu.memref_squeeze %dma_wait3A_167 : memref<1x32x512xf32, #tpu.memory_space<hbm>> -> memref<32x512xf32, #tpu.memory_space<hbm>>
    tpu.wait_dma2 semaphore(%arg12 : memref<!tpu.dma_semaphore, #tpu.memory_space<semaphore_mem>>) src(%arg11 : memref<32x512xf32, #tpu.memory_space<vmem>>) dst(%dma_wait3A_168 : memref<32x512xf32, #tpu.memory_space<hbm>>)
    %dma_wait3A_169 = arith.constant 0 : i32
    %dma_wait3A_170 = arith.constant 512 : i32
    %dma_wait3A_171 = tpu.memref_slice %arg9[%dma_wait3A_169, %dma_wait3A_170] : memref<32x1024xf32, #tpu.memory_space<vmem>> -> memref<32x512xf32, #tpu.memory_space<vmem>>
    %dma_wait3A_172 = arith.constant 0 : i32
    %dma_wait3A_173 = arith.constant 512 : i32
    %dma_wait3A_174 = tpu.memref_slice %arg5[%add3A, %dma_wait3A_172, %dma_wait3A_173] : memref<32x32x1024xf32, #tpu.memory_space<hbm>> -> memref<1x32x512xf32, #tpu.memory_space<hbm>>
    %dma_wait3A_175 = tpu.memref_squeeze %dma_wait3A_174 : memref<1x32x512xf32, #tpu.memory_space<hbm>> -> memref<32x512xf32, #tpu.memory_space<hbm>>
    %dma_wait3A_176 = arith.constant 0 : i32
    %dma_wait3A_177 = arith.constant 512 : i32
    %dma_wait3A_178 = tpu.memref_slice %arg5[%add3A, %dma_wait3A_176, %dma_wait3A_177] : memref<32x32x1024xf32, #tpu.memory_space<hbm>> -> memref<1x32x512xf32, #tpu.memory_space<hbm>>
    %dma_wait3A_179 = tpu.memref_squeeze %dma_wait3A_178 : memref<1x32x512xf32, #tpu.memory_space<hbm>> -> memref<32x512xf32, #tpu.memory_space<hbm>>
    %dma_wait3A_180 = arith.constant 0 : i32
    %dma_wait3A_181 = arith.constant 512 : i32
    %dma_wait3A_182 = tpu.memref_slice %arg9[%dma_wait3A_180, %dma_wait3A_181] : memref<32x1024xf32, #tpu.memory_space<vmem>> -> memref<32x512xf32, #tpu.memory_space<vmem>>
    tpu.wait_dma2 semaphore(%arg12 : memref<!tpu.dma_semaphore, #tpu.memory_space<semaphore_mem>>) src(%dma_wait3A_182 : memref<32x512xf32, #tpu.memory_space<vmem>>) dst(%dma_wait3A_179 : memref<32x512xf32, #tpu.memory_space<hbm>>)
    return
  }
}

module attributes {stable_mosaic.version = 14 : i64} {
  func.func @_argmin_body(%arg0: i32, %arg1: memref<1x32x32x32xf32, #tpu.memory_space<vmem>>, %arg2: memref<1024x32xf32, #tpu.memory_space<vmem>>, %arg3: memref<1x32x32xi32, #tpu.memory_space<vmem>>, %arg4: memref<1024xi32, #tpu.memory_space<vmem>>, %arg5: memref<4x8x8x128xf32, #tpu.memory_space<vmem>>, %arg6: memref<32x1024xf32, #tpu.memory_space<vmem>>) attributes {dimension_semantics = [#tpu.dimension_semantics<arbitrary>], iteration_bounds = array<i64: 32>, scalar_prefetch = 0 : i64, scratch_operands = 1 : i64, tpu.core_type = #tpu.core_type<tc>, window_params = [{transform_indices = @transform_0, window_bounds = array<i64: 1, 32, 32, 32>}, {pipeline_mode = #tpu.pipeline_mode<synchronous>, transform_indices = @transform_1, window_bounds = array<i64: 1024, 32>}, {transform_indices = @transform_2, window_bounds = array<i64: 1, 32, 32>}, {transform_indices = @transform_3, window_bounds = array<i64: 1024>}, {transform_indices = @transform_4, window_bounds = array<i64: 4, 8, 8, 128>}]} {
    %get3A = arith.constant 0 : index
    %get3A_0 = arith.constant 0 : index
    %get3A_1 = arith.constant 0 : index
    %get3A_2 = arith.constant 0 : index
    %get3A_3 = vector.load %arg1[%get3A, %get3A_0, %get3A_1, %get3A_2] : memref<1x32x32x32xf32, #tpu.memory_space<vmem>>, vector<1x32x1x32xf32>
    %get3A_4 = vector.shape_cast %get3A_3 : vector<1x32x1x32xf32> to vector<32x32xf32>
    %swap3A = arith.constant 0 : index
    %swap3A_5 = arith.constant 0 : index
    %swap3A_6 = vector.load %arg6[%swap3A, %swap3A_5] : memref<32x1024xf32, #tpu.memory_space<vmem>>, vector<32x32xf32>
    tpu.vector_store %arg6[%swap3A, %swap3A_5], %get3A_4 {strides = array<i32>} : memref<32x1024xf32, #tpu.memory_space<vmem>>, vector<32x32xf32>,
    %get3A_7 = arith.constant 0 : index
    %get3A_8 = arith.constant 0 : index
    %get3A_9 = arith.constant 1 : index
    %get3A_10 = arith.constant 0 : index
    %get3A_11 = vector.load %arg1[%get3A_7, %get3A_8, %get3A_9, %get3A_10] : memref<1x32x32x32xf32, #tpu.memory_space<vmem>>, vector<1x32x1x32xf32>
    %get3A_12 = vector.shape_cast %get3A_11 : vector<1x32x1x32xf32> to vector<32x32xf32>
    %swap3A_13 = arith.constant 0 : index
    %swap3A_14 = arith.constant 32 : index
    %swap3A_15 = vector.load %arg6[%swap3A_13, %swap3A_14] : memref<32x1024xf32, #tpu.memory_space<vmem>>, vector<32x32xf32>
    tpu.vector_store %arg6[%swap3A_13, %swap3A_14], %get3A_12 {strides = array<i32>} : memref<32x1024xf32, #tpu.memory_space<vmem>>, vector<32x32xf32>,
    %get3A_16 = arith.constant 0 : index
    %get3A_17 = arith.constant 0 : index
    %get3A_18 = arith.constant 2 : index
    %get3A_19 = arith.constant 0 : index
    %get3A_20 = vector.load %arg1[%get3A_16, %get3A_17, %get3A_18, %get3A_19] : memref<1x32x32x32xf32, #tpu.memory_space<vmem>>, vector<1x32x1x32xf32>
    %get3A_21 = vector.shape_cast %get3A_20 : vector<1x32x1x32xf32> to vector<32x32xf32>
    %swap3A_22 = arith.constant 0 : index
    %swap3A_23 = arith.constant 64 : index
    %swap3A_24 = vector.load %arg6[%swap3A_22, %swap3A_23] : memref<32x1024xf32, #tpu.memory_space<vmem>>, vector<32x32xf32>
    tpu.vector_store %arg6[%swap3A_22, %swap3A_23], %get3A_21 {strides = array<i32>} : memref<32x1024xf32, #tpu.memory_space<vmem>>, vector<32x32xf32>,
    %get3A_25 = arith.constant 0 : index
    %get3A_26 = arith.constant 0 : index
    %get3A_27 = arith.constant 3 : index
    %get3A_28 = arith.constant 0 : index
    %get3A_29 = vector.load %arg1[%get3A_25, %get3A_26, %get3A_27, %get3A_28] : memref<1x32x32x32xf32, #tpu.memory_space<vmem>>, vector<1x32x1x32xf32>
    %get3A_30 = vector.shape_cast %get3A_29 : vector<1x32x1x32xf32> to vector<32x32xf32>
    %swap3A_31 = arith.constant 0 : index
    %swap3A_32 = arith.constant 96 : index
    %swap3A_33 = vector.load %arg6[%swap3A_31, %swap3A_32] : memref<32x1024xf32, #tpu.memory_space<vmem>>, vector<32x32xf32>
    tpu.vector_store %arg6[%swap3A_31, %swap3A_32], %get3A_30 {strides = array<i32>} : memref<32x1024xf32, #tpu.memory_space<vmem>>, vector<32x32xf32>,
    %get3A_34 = arith.constant 0 : index
    %get3A_35 = arith.constant 0 : index
    %get3A_36 = arith.constant 4 : index
    %get3A_37 = arith.constant 0 : index
    %get3A_38 = vector.load %arg1[%get3A_34, %get3A_35, %get3A_36, %get3A_37] : memref<1x32x32x32xf32, #tpu.memory_space<vmem>>, vector<1x32x1x32xf32>
    %get3A_39 = vector.shape_cast %get3A_38 : vector<1x32x1x32xf32> to vector<32x32xf32>
    %swap3A_40 = arith.constant 0 : index
    %swap3A_41 = arith.constant 128 : index
    %swap3A_42 = vector.load %arg6[%swap3A_40, %swap3A_41] : memref<32x1024xf32, #tpu.memory_space<vmem>>, vector<32x32xf32>
    tpu.vector_store %arg6[%swap3A_40, %swap3A_41], %get3A_39 {strides = array<i32>} : memref<32x1024xf32, #tpu.memory_space<vmem>>, vector<32x32xf32>,
    %get3A_43 = arith.constant 0 : index
    %get3A_44 = arith.constant 0 : index
    %get3A_45 = arith.constant 5 : index
    %get3A_46 = arith.constant 0 : index
    %get3A_47 = vector.load %arg1[%get3A_43, %get3A_44, %get3A_45, %get3A_46] : memref<1x32x32x32xf32, #tpu.memory_space<vmem>>, vector<1x32x1x32xf32>
    %get3A_48 = vector.shape_cast %get3A_47 : vector<1x32x1x32xf32> to vector<32x32xf32>
    %swap3A_49 = arith.constant 0 : index
    %swap3A_50 = arith.constant 160 : index
    %swap3A_51 = vector.load %arg6[%swap3A_49, %swap3A_50] : memref<32x1024xf32, #tpu.memory_space<vmem>>, vector<32x32xf32>
    tpu.vector_store %arg6[%swap3A_49, %swap3A_50], %get3A_48 {strides = array<i32>} : memref<32x1024xf32, #tpu.memory_space<vmem>>, vector<32x32xf32>,
    %get3A_52 = arith.constant 0 : index
    %get3A_53 = arith.constant 0 : index
    %get3A_54 = arith.constant 6 : index
    %get3A_55 = arith.constant 0 : index
    %get3A_56 = vector.load %arg1[%get3A_52, %get3A_53, %get3A_54, %get3A_55] : memref<1x32x32x32xf32, #tpu.memory_space<vmem>>, vector<1x32x1x32xf32>
    %get3A_57 = vector.shape_cast %get3A_56 : vector<1x32x1x32xf32> to vector<32x32xf32>
    %swap3A_58 = arith.constant 0 : index
    %swap3A_59 = arith.constant 192 : index
    %swap3A_60 = vector.load %arg6[%swap3A_58, %swap3A_59] : memref<32x1024xf32, #tpu.memory_space<vmem>>, vector<32x32xf32>
    tpu.vector_store %arg6[%swap3A_58, %swap3A_59], %get3A_57 {strides = array<i32>} : memref<32x1024xf32, #tpu.memory_space<vmem>>, vector<32x32xf32>,
    %get3A_61 = arith.constant 0 : index
    %get3A_62 = arith.constant 0 : index
    %get3A_63 = arith.constant 7 : index
    %get3A_64 = arith.constant 0 : index
    %get3A_65 = vector.load %arg1[%get3A_61, %get3A_62, %get3A_63, %get3A_64] : memref<1x32x32x32xf32, #tpu.memory_space<vmem>>, vector<1x32x1x32xf32>
    %get3A_66 = vector.shape_cast %get3A_65 : vector<1x32x1x32xf32> to vector<32x32xf32>
    %swap3A_67 = arith.constant 0 : index
    %swap3A_68 = arith.constant 224 : index
    %swap3A_69 = vector.load %arg6[%swap3A_67, %swap3A_68] : memref<32x1024xf32, #tpu.memory_space<vmem>>, vector<32x32xf32>
    tpu.vector_store %arg6[%swap3A_67, %swap3A_68], %get3A_66 {strides = array<i32>} : memref<32x1024xf32, #tpu.memory_space<vmem>>, vector<32x32xf32>,
    %get3A_70 = arith.constant 0 : index
    %get3A_71 = arith.constant 0 : index
    %get3A_72 = arith.constant 8 : index
    %get3A_73 = arith.constant 0 : index
    %get3A_74 = vector.load %arg1[%get3A_70, %get3A_71, %get3A_72, %get3A_73] : memref<1x32x32x32xf32, #tpu.memory_space<vmem>>, vector<1x32x1x32xf32>
    %get3A_75 = vector.shape_cast %get3A_74 : vector<1x32x1x32xf32> to vector<32x32xf32>
    %swap3A_76 = arith.constant 0 : index
    %swap3A_77 = arith.constant 256 : index
    %swap3A_78 = vector.load %arg6[%swap3A_76, %swap3A_77] : memref<32x1024xf32, #tpu.memory_space<vmem>>, vector<32x32xf32>
    tpu.vector_store %arg6[%swap3A_76, %swap3A_77], %get3A_75 {strides = array<i32>} : memref<32x1024xf32, #tpu.memory_space<vmem>>, vector<32x32xf32>,
    %get3A_79 = arith.constant 0 : index
    %get3A_80 = arith.constant 0 : index
    %get3A_81 = arith.constant 9 : index
    %get3A_82 = arith.constant 0 : index
    %get3A_83 = vector.load %arg1[%get3A_79, %get3A_80, %get3A_81, %get3A_82] : memref<1x32x32x32xf32, #tpu.memory_space<vmem>>, vector<1x32x1x32xf32>
    %get3A_84 = vector.shape_cast %get3A_83 : vector<1x32x1x32xf32> to vector<32x32xf32>
    %swap3A_85 = arith.constant 0 : index
    %swap3A_86 = arith.constant 288 : index
    %swap3A_87 = vector.load %arg6[%swap3A_85, %swap3A_86] : memref<32x1024xf32, #tpu.memory_space<vmem>>, vector<32x32xf32>
    tpu.vector_store %arg6[%swap3A_85, %swap3A_86], %get3A_84 {strides = array<i32>} : memref<32x1024xf32, #tpu.memory_space<vmem>>, vector<32x32xf32>,
    %get3A_88 = arith.constant 0 : index
    %get3A_89 = arith.constant 0 : index
    %get3A_90 = arith.constant 10 : index
    %get3A_91 = arith.constant 0 : index
    %get3A_92 = vector.load %arg1[%get3A_88, %get3A_89, %get3A_90, %get3A_91] : memref<1x32x32x32xf32, #tpu.memory_space<vmem>>, vector<1x32x1x32xf32>
    %get3A_93 = vector.shape_cast %get3A_92 : vector<1x32x1x32xf32> to vector<32x32xf32>
    %swap3A_94 = arith.constant 0 : index
    %swap3A_95 = arith.constant 320 : index
    %swap3A_96 = vector.load %arg6[%swap3A_94, %swap3A_95] : memref<32x1024xf32, #tpu.memory_space<vmem>>, vector<32x32xf32>
    tpu.vector_store %arg6[%swap3A_94, %swap3A_95], %get3A_93 {strides = array<i32>} : memref<32x1024xf32, #tpu.memory_space<vmem>>, vector<32x32xf32>,
    %get3A_97 = arith.constant 0 : index
    %get3A_98 = arith.constant 0 : index
    %get3A_99 = arith.constant 11 : index
    %get3A_100 = arith.constant 0 : index
    %get3A_101 = vector.load %arg1[%get3A_97, %get3A_98, %get3A_99, %get3A_100] : memref<1x32x32x32xf32, #tpu.memory_space<vmem>>, vector<1x32x1x32xf32>
    %get3A_102 = vector.shape_cast %get3A_101 : vector<1x32x1x32xf32> to vector<32x32xf32>
    %swap3A_103 = arith.constant 0 : index
    %swap3A_104 = arith.constant 352 : index
    %swap3A_105 = vector.load %arg6[%swap3A_103, %swap3A_104] : memref<32x1024xf32, #tpu.memory_space<vmem>>, vector<32x32xf32>
    tpu.vector_store %arg6[%swap3A_103, %swap3A_104], %get3A_102 {strides = array<i32>} : memref<32x1024xf32, #tpu.memory_space<vmem>>, vector<32x32xf32>,
    %get3A_106 = arith.constant 0 : index
    %get3A_107 = arith.constant 0 : index
    %get3A_108 = arith.constant 12 : index
    %get3A_109 = arith.constant 0 : index
    %get3A_110 = vector.load %arg1[%get3A_106, %get3A_107, %get3A_108, %get3A_109] : memref<1x32x32x32xf32, #tpu.memory_space<vmem>>, vector<1x32x1x32xf32>
    %get3A_111 = vector.shape_cast %get3A_110 : vector<1x32x1x32xf32> to vector<32x32xf32>
    %swap3A_112 = arith.constant 0 : index
    %swap3A_113 = arith.constant 384 : index
    %swap3A_114 = vector.load %arg6[%swap3A_112, %swap3A_113] : memref<32x1024xf32, #tpu.memory_space<vmem>>, vector<32x32xf32>
    tpu.vector_store %arg6[%swap3A_112, %swap3A_113], %get3A_111 {strides = array<i32>} : memref<32x1024xf32, #tpu.memory_space<vmem>>, vector<32x32xf32>,
    %get3A_115 = arith.constant 0 : index
    %get3A_116 = arith.constant 0 : index
    %get3A_117 = arith.constant 13 : index
    %get3A_118 = arith.constant 0 : index
    %get3A_119 = vector.load %arg1[%get3A_115, %get3A_116, %get3A_117, %get3A_118] : memref<1x32x32x32xf32, #tpu.memory_space<vmem>>, vector<1x32x1x32xf32>
    %get3A_120 = vector.shape_cast %get3A_119 : vector<1x32x1x32xf32> to vector<32x32xf32>
    %swap3A_121 = arith.constant 0 : index
    %swap3A_122 = arith.constant 416 : index
    %swap3A_123 = vector.load %arg6[%swap3A_121, %swap3A_122] : memref<32x1024xf32, #tpu.memory_space<vmem>>, vector<32x32xf32>
    tpu.vector_store %arg6[%swap3A_121, %swap3A_122], %get3A_120 {strides = array<i32>} : memref<32x1024xf32, #tpu.memory_space<vmem>>, vector<32x32xf32>,
    %get3A_124 = arith.constant 0 : index
    %get3A_125 = arith.constant 0 : index
    %get3A_126 = arith.constant 14 : index
    %get3A_127 = arith.constant 0 : index
    %get3A_128 = vector.load %arg1[%get3A_124, %get3A_125, %get3A_126, %get3A_127] : memref<1x32x32x32xf32, #tpu.memory_space<vmem>>, vector<1x32x1x32xf32>
    %get3A_129 = vector.shape_cast %get3A_128 : vector<1x32x1x32xf32> to vector<32x32xf32>
    %swap3A_130 = arith.constant 0 : index
    %swap3A_131 = arith.constant 448 : index
    %swap3A_132 = vector.load %arg6[%swap3A_130, %swap3A_131] : memref<32x1024xf32, #tpu.memory_space<vmem>>, vector<32x32xf32>
    tpu.vector_store %arg6[%swap3A_130, %swap3A_131], %get3A_129 {strides = array<i32>} : memref<32x1024xf32, #tpu.memory_space<vmem>>, vector<32x32xf32>,
    %get3A_133 = arith.constant 0 : index
    %get3A_134 = arith.constant 0 : index
    %get3A_135 = arith.constant 15 : index
    %get3A_136 = arith.constant 0 : index
    %get3A_137 = vector.load %arg1[%get3A_133, %get3A_134, %get3A_135, %get3A_136] : memref<1x32x32x32xf32, #tpu.memory_space<vmem>>, vector<1x32x1x32xf32>
    %get3A_138 = vector.shape_cast %get3A_137 : vector<1x32x1x32xf32> to vector<32x32xf32>
    %swap3A_139 = arith.constant 0 : index
    %swap3A_140 = arith.constant 480 : index
    %swap3A_141 = vector.load %arg6[%swap3A_139, %swap3A_140] : memref<32x1024xf32, #tpu.memory_space<vmem>>, vector<32x32xf32>
    tpu.vector_store %arg6[%swap3A_139, %swap3A_140], %get3A_138 {strides = array<i32>} : memref<32x1024xf32, #tpu.memory_space<vmem>>, vector<32x32xf32>,
    %get3A_142 = arith.constant 0 : index
    %get3A_143 = arith.constant 0 : index
    %get3A_144 = arith.constant 16 : index
    %get3A_145 = arith.constant 0 : index
    %get3A_146 = vector.load %arg1[%get3A_142, %get3A_143, %get3A_144, %get3A_145] : memref<1x32x32x32xf32, #tpu.memory_space<vmem>>, vector<1x32x1x32xf32>
    %get3A_147 = vector.shape_cast %get3A_146 : vector<1x32x1x32xf32> to vector<32x32xf32>
    %swap3A_148 = arith.constant 0 : index
    %swap3A_149 = arith.constant 512 : index
    %swap3A_150 = vector.load %arg6[%swap3A_148, %swap3A_149] : memref<32x1024xf32, #tpu.memory_space<vmem>>, vector<32x32xf32>
    tpu.vector_store %arg6[%swap3A_148, %swap3A_149], %get3A_147 {strides = array<i32>} : memref<32x1024xf32, #tpu.memory_space<vmem>>, vector<32x32xf32>,
    %get3A_151 = arith.constant 0 : index
    %get3A_152 = arith.constant 0 : index
    %get3A_153 = arith.constant 17 : index
    %get3A_154 = arith.constant 0 : index
    %get3A_155 = vector.load %arg1[%get3A_151, %get3A_152, %get3A_153, %get3A_154] : memref<1x32x32x32xf32, #tpu.memory_space<vmem>>, vector<1x32x1x32xf32>
    %get3A_156 = vector.shape_cast %get3A_155 : vector<1x32x1x32xf32> to vector<32x32xf32>
    %swap3A_157 = arith.constant 0 : index
    %swap3A_158 = arith.constant 544 : index
    %swap3A_159 = vector.load %arg6[%swap3A_157, %swap3A_158] : memref<32x1024xf32, #tpu.memory_space<vmem>>, vector<32x32xf32>
    tpu.vector_store %arg6[%swap3A_157, %swap3A_158], %get3A_156 {strides = array<i32>} : memref<32x1024xf32, #tpu.memory_space<vmem>>, vector<32x32xf32>,
    %get3A_160 = arith.constant 0 : index
    %get3A_161 = arith.constant 0 : index
    %get3A_162 = arith.constant 18 : index
    %get3A_163 = arith.constant 0 : index
    %get3A_164 = vector.load %arg1[%get3A_160, %get3A_161, %get3A_162, %get3A_163] : memref<1x32x32x32xf32, #tpu.memory_space<vmem>>, vector<1x32x1x32xf32>
    %get3A_165 = vector.shape_cast %get3A_164 : vector<1x32x1x32xf32> to vector<32x32xf32>
    %swap3A_166 = arith.constant 0 : index
    %swap3A_167 = arith.constant 576 : index
    %swap3A_168 = vector.load %arg6[%swap3A_166, %swap3A_167] : memref<32x1024xf32, #tpu.memory_space<vmem>>, vector<32x32xf32>
    tpu.vector_store %arg6[%swap3A_166, %swap3A_167], %get3A_165 {strides = array<i32>} : memref<32x1024xf32, #tpu.memory_space<vmem>>, vector<32x32xf32>,
    %get3A_169 = arith.constant 0 : index
    %get3A_170 = arith.constant 0 : index
    %get3A_171 = arith.constant 19 : index
    %get3A_172 = arith.constant 0 : index
    %get3A_173 = vector.load %arg1[%get3A_169, %get3A_170, %get3A_171, %get3A_172] : memref<1x32x32x32xf32, #tpu.memory_space<vmem>>, vector<1x32x1x32xf32>
    %get3A_174 = vector.shape_cast %get3A_173 : vector<1x32x1x32xf32> to vector<32x32xf32>
    %swap3A_175 = arith.constant 0 : index
    %swap3A_176 = arith.constant 608 : index
    %swap3A_177 = vector.load %arg6[%swap3A_175, %swap3A_176] : memref<32x1024xf32, #tpu.memory_space<vmem>>, vector<32x32xf32>
    tpu.vector_store %arg6[%swap3A_175, %swap3A_176], %get3A_174 {strides = array<i32>} : memref<32x1024xf32, #tpu.memory_space<vmem>>, vector<32x32xf32>,
    %get3A_178 = arith.constant 0 : index
    %get3A_179 = arith.constant 0 : index
    %get3A_180 = arith.constant 20 : index
    %get3A_181 = arith.constant 0 : index
    %get3A_182 = vector.load %arg1[%get3A_178, %get3A_179, %get3A_180, %get3A_181] : memref<1x32x32x32xf32, #tpu.memory_space<vmem>>, vector<1x32x1x32xf32>
    %get3A_183 = vector.shape_cast %get3A_182 : vector<1x32x1x32xf32> to vector<32x32xf32>
    %swap3A_184 = arith.constant 0 : index
    %swap3A_185 = arith.constant 640 : index
    %swap3A_186 = vector.load %arg6[%swap3A_184, %swap3A_185] : memref<32x1024xf32, #tpu.memory_space<vmem>>, vector<32x32xf32>
    tpu.vector_store %arg6[%swap3A_184, %swap3A_185], %get3A_183 {strides = array<i32>} : memref<32x1024xf32, #tpu.memory_space<vmem>>, vector<32x32xf32>,
    %get3A_187 = arith.constant 0 : index
    %get3A_188 = arith.constant 0 : index
    %get3A_189 = arith.constant 21 : index
    %get3A_190 = arith.constant 0 : index
    %get3A_191 = vector.load %arg1[%get3A_187, %get3A_188, %get3A_189, %get3A_190] : memref<1x32x32x32xf32, #tpu.memory_space<vmem>>, vector<1x32x1x32xf32>
    %get3A_192 = vector.shape_cast %get3A_191 : vector<1x32x1x32xf32> to vector<32x32xf32>
    %swap3A_193 = arith.constant 0 : index
    %swap3A_194 = arith.constant 672 : index
    %swap3A_195 = vector.load %arg6[%swap3A_193, %swap3A_194] : memref<32x1024xf32, #tpu.memory_space<vmem>>, vector<32x32xf32>
    tpu.vector_store %arg6[%swap3A_193, %swap3A_194], %get3A_192 {strides = array<i32>} : memref<32x1024xf32, #tpu.memory_space<vmem>>, vector<32x32xf32>,
    %get3A_196 = arith.constant 0 : index
    %get3A_197 = arith.constant 0 : index
    %get3A_198 = arith.constant 22 : index
    %get3A_199 = arith.constant 0 : index
    %get3A_200 = vector.load %arg1[%get3A_196, %get3A_197, %get3A_198, %get3A_199] : memref<1x32x32x32xf32, #tpu.memory_space<vmem>>, vector<1x32x1x32xf32>
    %get3A_201 = vector.shape_cast %get3A_200 : vector<1x32x1x32xf32> to vector<32x32xf32>
    %swap3A_202 = arith.constant 0 : index
    %swap3A_203 = arith.constant 704 : index
    %swap3A_204 = vector.load %arg6[%swap3A_202, %swap3A_203] : memref<32x1024xf32, #tpu.memory_space<vmem>>, vector<32x32xf32>
    tpu.vector_store %arg6[%swap3A_202, %swap3A_203], %get3A_201 {strides = array<i32>} : memref<32x1024xf32, #tpu.memory_space<vmem>>, vector<32x32xf32>,
    %get3A_205 = arith.constant 0 : index
    %get3A_206 = arith.constant 0 : index
    %get3A_207 = arith.constant 23 : index
    %get3A_208 = arith.constant 0 : index
    %get3A_209 = vector.load %arg1[%get3A_205, %get3A_206, %get3A_207, %get3A_208] : memref<1x32x32x32xf32, #tpu.memory_space<vmem>>, vector<1x32x1x32xf32>
    %get3A_210 = vector.shape_cast %get3A_209 : vector<1x32x1x32xf32> to vector<32x32xf32>
    %swap3A_211 = arith.constant 0 : index
    %swap3A_212 = arith.constant 736 : index
    %swap3A_213 = vector.load %arg6[%swap3A_211, %swap3A_212] : memref<32x1024xf32, #tpu.memory_space<vmem>>, vector<32x32xf32>
    tpu.vector_store %arg6[%swap3A_211, %swap3A_212], %get3A_210 {strides = array<i32>} : memref<32x1024xf32, #tpu.memory_space<vmem>>, vector<32x32xf32>,
    %get3A_214 = arith.constant 0 : index
    %get3A_215 = arith.constant 0 : index
    %get3A_216 = arith.constant 24 : index
    %get3A_217 = arith.constant 0 : index
    %get3A_218 = vector.load %arg1[%get3A_214, %get3A_215, %get3A_216, %get3A_217] : memref<1x32x32x32xf32, #tpu.memory_space<vmem>>, vector<1x32x1x32xf32>
    %get3A_219 = vector.shape_cast %get3A_218 : vector<1x32x1x32xf32> to vector<32x32xf32>
    %swap3A_220 = arith.constant 0 : index
    %swap3A_221 = arith.constant 768 : index
    %swap3A_222 = vector.load %arg6[%swap3A_220, %swap3A_221] : memref<32x1024xf32, #tpu.memory_space<vmem>>, vector<32x32xf32>
    tpu.vector_store %arg6[%swap3A_220, %swap3A_221], %get3A_219 {strides = array<i32>} : memref<32x1024xf32, #tpu.memory_space<vmem>>, vector<32x32xf32>,
    %get3A_223 = arith.constant 0 : index
    %get3A_224 = arith.constant 0 : index
    %get3A_225 = arith.constant 25 : index
    %get3A_226 = arith.constant 0 : index
    %get3A_227 = vector.load %arg1[%get3A_223, %get3A_224, %get3A_225, %get3A_226] : memref<1x32x32x32xf32, #tpu.memory_space<vmem>>, vector<1x32x1x32xf32>
    %get3A_228 = vector.shape_cast %get3A_227 : vector<1x32x1x32xf32> to vector<32x32xf32>
    %swap3A_229 = arith.constant 0 : index
    %swap3A_230 = arith.constant 800 : index
    %swap3A_231 = vector.load %arg6[%swap3A_229, %swap3A_230] : memref<32x1024xf32, #tpu.memory_space<vmem>>, vector<32x32xf32>
    tpu.vector_store %arg6[%swap3A_229, %swap3A_230], %get3A_228 {strides = array<i32>} : memref<32x1024xf32, #tpu.memory_space<vmem>>, vector<32x32xf32>,
    %get3A_232 = arith.constant 0 : index
    %get3A_233 = arith.constant 0 : index
    %get3A_234 = arith.constant 26 : index
    %get3A_235 = arith.constant 0 : index
    %get3A_236 = vector.load %arg1[%get3A_232, %get3A_233, %get3A_234, %get3A_235] : memref<1x32x32x32xf32, #tpu.memory_space<vmem>>, vector<1x32x1x32xf32>
    %get3A_237 = vector.shape_cast %get3A_236 : vector<1x32x1x32xf32> to vector<32x32xf32>
    %swap3A_238 = arith.constant 0 : index
    %swap3A_239 = arith.constant 832 : index
    %swap3A_240 = vector.load %arg6[%swap3A_238, %swap3A_239] : memref<32x1024xf32, #tpu.memory_space<vmem>>, vector<32x32xf32>
    tpu.vector_store %arg6[%swap3A_238, %swap3A_239], %get3A_237 {strides = array<i32>} : memref<32x1024xf32, #tpu.memory_space<vmem>>, vector<32x32xf32>,
    %get3A_241 = arith.constant 0 : index
    %get3A_242 = arith.constant 0 : index
    %get3A_243 = arith.constant 27 : index
    %get3A_244 = arith.constant 0 : index
    %get3A_245 = vector.load %arg1[%get3A_241, %get3A_242, %get3A_243, %get3A_244] : memref<1x32x32x32xf32, #tpu.memory_space<vmem>>, vector<1x32x1x32xf32>
    %get3A_246 = vector.shape_cast %get3A_245 : vector<1x32x1x32xf32> to vector<32x32xf32>
    %swap3A_247 = arith.constant 0 : index
    %swap3A_248 = arith.constant 864 : index
    %swap3A_249 = vector.load %arg6[%swap3A_247, %swap3A_248] : memref<32x1024xf32, #tpu.memory_space<vmem>>, vector<32x32xf32>
    tpu.vector_store %arg6[%swap3A_247, %swap3A_248], %get3A_246 {strides = array<i32>} : memref<32x1024xf32, #tpu.memory_space<vmem>>, vector<32x32xf32>,
    %get3A_250 = arith.constant 0 : index
    %get3A_251 = arith.constant 0 : index
    %get3A_252 = arith.constant 28 : index
    %get3A_253 = arith.constant 0 : index
    %get3A_254 = vector.load %arg1[%get3A_250, %get3A_251, %get3A_252, %get3A_253] : memref<1x32x32x32xf32, #tpu.memory_space<vmem>>, vector<1x32x1x32xf32>
    %get3A_255 = vector.shape_cast %get3A_254 : vector<1x32x1x32xf32> to vector<32x32xf32>
    %swap3A_256 = arith.constant 0 : index
    %swap3A_257 = arith.constant 896 : index
    %swap3A_258 = vector.load %arg6[%swap3A_256, %swap3A_257] : memref<32x1024xf32, #tpu.memory_space<vmem>>, vector<32x32xf32>
    tpu.vector_store %arg6[%swap3A_256, %swap3A_257], %get3A_255 {strides = array<i32>} : memref<32x1024xf32, #tpu.memory_space<vmem>>, vector<32x32xf32>,
    %get3A_259 = arith.constant 0 : index
    %get3A_260 = arith.constant 0 : index
    %get3A_261 = arith.constant 29 : index
    %get3A_262 = arith.constant 0 : index
    %get3A_263 = vector.load %arg1[%get3A_259, %get3A_260, %get3A_261, %get3A_262] : memref<1x32x32x32xf32, #tpu.memory_space<vmem>>, vector<1x32x1x32xf32>
    %get3A_264 = vector.shape_cast %get3A_263 : vector<1x32x1x32xf32> to vector<32x32xf32>
    %swap3A_265 = arith.constant 0 : index
    %swap3A_266 = arith.constant 928 : index
    %swap3A_267 = vector.load %arg6[%swap3A_265, %swap3A_266] : memref<32x1024xf32, #tpu.memory_space<vmem>>, vector<32x32xf32>
    tpu.vector_store %arg6[%swap3A_265, %swap3A_266], %get3A_264 {strides = array<i32>} : memref<32x1024xf32, #tpu.memory_space<vmem>>, vector<32x32xf32>,
    %get3A_268 = arith.constant 0 : index
    %get3A_269 = arith.constant 0 : index
    %get3A_270 = arith.constant 30 : index
    %get3A_271 = arith.constant 0 : index
    %get3A_272 = vector.load %arg1[%get3A_268, %get3A_269, %get3A_270, %get3A_271] : memref<1x32x32x32xf32, #tpu.memory_space<vmem>>, vector<1x32x1x32xf32>
    %get3A_273 = vector.shape_cast %get3A_272 : vector<1x32x1x32xf32> to vector<32x32xf32>
    %swap3A_274 = arith.constant 0 : index
    %swap3A_275 = arith.constant 960 : index
    %swap3A_276 = vector.load %arg6[%swap3A_274, %swap3A_275] : memref<32x1024xf32, #tpu.memory_space<vmem>>, vector<32x32xf32>
    tpu.vector_store %arg6[%swap3A_274, %swap3A_275], %get3A_273 {strides = array<i32>} : memref<32x1024xf32, #tpu.memory_space<vmem>>, vector<32x32xf32>,
    %get3A_277 = arith.constant 0 : index
    %get3A_278 = arith.constant 0 : index
    %get3A_279 = arith.constant 31 : index
    %get3A_280 = arith.constant 0 : index
    %get3A_281 = vector.load %arg1[%get3A_277, %get3A_278, %get3A_279, %get3A_280] : memref<1x32x32x32xf32, #tpu.memory_space<vmem>>, vector<1x32x1x32xf32>
    %get3A_282 = vector.shape_cast %get3A_281 : vector<1x32x1x32xf32> to vector<32x32xf32>
    %swap3A_283 = arith.constant 0 : index
    %swap3A_284 = arith.constant 992 : index
    %swap3A_285 = vector.load %arg6[%swap3A_283, %swap3A_284] : memref<32x1024xf32, #tpu.memory_space<vmem>>, vector<32x32xf32>
    tpu.vector_store %arg6[%swap3A_283, %swap3A_284], %get3A_282 {strides = array<i32>} : memref<32x1024xf32, #tpu.memory_space<vmem>>, vector<32x32xf32>,
    %get3A_286 = arith.constant 0 : index
    %get3A_287 = arith.constant 0 : index
    %get3A_288 = vector.load %arg6[%get3A_286, %get3A_287] : memref<32x1024xf32, #tpu.memory_space<vmem>>, vector<32x1024xf32>
    %get3A_289 = arith.constant 0 : index
    %get3A_290 = arith.constant 0 : index
    %get3A_291 = vector.load %arg2[%get3A_289, %get3A_290] : memref<1024x32xf32, #tpu.memory_space<vmem>>, vector<1024x32xf32>
    %mul3A = arith.mulf %get3A_291, %get3A_291 : vector<1024x32xf32>
    %reduce_sum3A = arith.constant dense<0.000000e+00> : vector<1024xf32>
    %reduce_sum3A_292 = vector.multi_reduction <add>, %mul3A, %reduce_sum3A [1] : vector<1024x32xf32> to vector<1024xf32>
    %dot_general3A = arith.constant dense<0.000000e+00> : vector<1024x1024xf32>
    %dot_general3A_293 = tpu.matmul %get3A_291, %get3A_288, %dot_general3A {dimension_numbers = #tpu.dot_dimension_numbers<[1], [0], [0], [1], [0, 0, 1, 1], [], []>, transpose_lhs_hint = false} : vector<1024x32xf32>, vector<32x1024xf32>, vector<1024x1024xf32> -> vector<1024x1024xf32>
    %broadcast_in_dim3A = vector.shape_cast %reduce_sum3A_292 : vector<1024xf32> to vector<1024x1xf32>
    %mul3A_294 = arith.constant 2.000000e+00 : f32
    %mul3A_295 = vector.broadcast %mul3A_294 : f32 to vector<1024x1024xf32>
    %mul3A_296 = arith.mulf %mul3A_295, %dot_general3A_293 : vector<1024x1024xf32>
    %sub3A = vector.broadcast %broadcast_in_dim3A : vector<1024x1xf32> to vector<1024x1024xf32>
    %sub3A_297 = arith.subf %sub3A, %mul3A_296 : vector<1024x1024xf32>
    %argmin3A = tpu.reduce_index %sub3A_297 {axis = 0 : i32, kind = #tpu.reduction_kind<arg_min>} : vector<1024x1024xf32> -> vector<1024xi32>
    %slice3A = vector.extract_strided_slice %argmin3A {offsets = [0], sizes = [32], strides = [1]} : vector<1024xi32> to vector<32xi32>
    %swap3A_298 = arith.constant 0 : index
    %swap3A_299 = arith.constant 0 : index
    %swap3A_300 = arith.constant 0 : index
    %swap3A_301 = vector.load %arg3[%swap3A_298, %swap3A_299, %swap3A_300] : memref<1x32x32xi32, #tpu.memory_space<vmem>>, vector<1x1x32xi32>
    %swap3A_302 = vector.shape_cast %swap3A_301 : vector<1x1x32xi32> to vector<32xi32>
    %swap3A_303 = vector.shape_cast %slice3A : vector<32xi32> to vector<1x1x32xi32>
    tpu.vector_store %arg3[%swap3A_298, %swap3A_299, %swap3A_300], %swap3A_303 {strides = array<i32>} : memref<1x32x32xi32, #tpu.memory_space<vmem>>, vector<1x1x32xi32>,
    %slice3A_304 = vector.extract_strided_slice %argmin3A {offsets = [32], sizes = [32], strides = [1]} : vector<1024xi32> to vector<32xi32>
    %swap3A_305 = arith.constant 0 : index
    %swap3A_306 = arith.constant 1 : index
    %swap3A_307 = arith.constant 0 : index
    %swap3A_308 = vector.load %arg3[%swap3A_305, %swap3A_306, %swap3A_307] : memref<1x32x32xi32, #tpu.memory_space<vmem>>, vector<1x1x32xi32>
    %swap3A_309 = vector.shape_cast %swap3A_308 : vector<1x1x32xi32> to vector<32xi32>
    %swap3A_310 = vector.shape_cast %slice3A_304 : vector<32xi32> to vector<1x1x32xi32>
    tpu.vector_store %arg3[%swap3A_305, %swap3A_306, %swap3A_307], %swap3A_310 {strides = array<i32>} : memref<1x32x32xi32, #tpu.memory_space<vmem>>, vector<1x1x32xi32>,
    %slice3A_311 = vector.extract_strided_slice %argmin3A {offsets = [64], sizes = [32], strides = [1]} : vector<1024xi32> to vector<32xi32>
    %swap3A_312 = arith.constant 0 : index
    %swap3A_313 = arith.constant 2 : index
    %swap3A_314 = arith.constant 0 : index
    %swap3A_315 = vector.load %arg3[%swap3A_312, %swap3A_313, %swap3A_314] : memref<1x32x32xi32, #tpu.memory_space<vmem>>, vector<1x1x32xi32>
    %swap3A_316 = vector.shape_cast %swap3A_315 : vector<1x1x32xi32> to vector<32xi32>
    %swap3A_317 = vector.shape_cast %slice3A_311 : vector<32xi32> to vector<1x1x32xi32>
    tpu.vector_store %arg3[%swap3A_312, %swap3A_313, %swap3A_314], %swap3A_317 {strides = array<i32>} : memref<1x32x32xi32, #tpu.memory_space<vmem>>, vector<1x1x32xi32>,
    %slice3A_318 = vector.extract_strided_slice %argmin3A {offsets = [96], sizes = [32], strides = [1]} : vector<1024xi32> to vector<32xi32>
    %swap3A_319 = arith.constant 0 : index
    %swap3A_320 = arith.constant 3 : index
    %swap3A_321 = arith.constant 0 : index
    %swap3A_322 = vector.load %arg3[%swap3A_319, %swap3A_320, %swap3A_321] : memref<1x32x32xi32, #tpu.memory_space<vmem>>, vector<1x1x32xi32>
    %swap3A_323 = vector.shape_cast %swap3A_322 : vector<1x1x32xi32> to vector<32xi32>
    %swap3A_324 = vector.shape_cast %slice3A_318 : vector<32xi32> to vector<1x1x32xi32>
    tpu.vector_store %arg3[%swap3A_319, %swap3A_320, %swap3A_321], %swap3A_324 {strides = array<i32>} : memref<1x32x32xi32, #tpu.memory_space<vmem>>, vector<1x1x32xi32>,
    %slice3A_325 = vector.extract_strided_slice %argmin3A {offsets = [128], sizes = [32], strides = [1]} : vector<1024xi32> to vector<32xi32>
    %swap3A_326 = arith.constant 0 : index
    %swap3A_327 = arith.constant 4 : index
    %swap3A_328 = arith.constant 0 : index
    %swap3A_329 = vector.load %arg3[%swap3A_326, %swap3A_327, %swap3A_328] : memref<1x32x32xi32, #tpu.memory_space<vmem>>, vector<1x1x32xi32>
    %swap3A_330 = vector.shape_cast %swap3A_329 : vector<1x1x32xi32> to vector<32xi32>
    %swap3A_331 = vector.shape_cast %slice3A_325 : vector<32xi32> to vector<1x1x32xi32>
    tpu.vector_store %arg3[%swap3A_326, %swap3A_327, %swap3A_328], %swap3A_331 {strides = array<i32>} : memref<1x32x32xi32, #tpu.memory_space<vmem>>, vector<1x1x32xi32>,
    %slice3A_332 = vector.extract_strided_slice %argmin3A {offsets = [160], sizes = [32], strides = [1]} : vector<1024xi32> to vector<32xi32>
    %swap3A_333 = arith.constant 0 : index
    %swap3A_334 = arith.constant 5 : index
    %swap3A_335 = arith.constant 0 : index
    %swap3A_336 = vector.load %arg3[%swap3A_333, %swap3A_334, %swap3A_335] : memref<1x32x32xi32, #tpu.memory_space<vmem>>, vector<1x1x32xi32>
    %swap3A_337 = vector.shape_cast %swap3A_336 : vector<1x1x32xi32> to vector<32xi32>
    %swap3A_338 = vector.shape_cast %slice3A_332 : vector<32xi32> to vector<1x1x32xi32>
    tpu.vector_store %arg3[%swap3A_333, %swap3A_334, %swap3A_335], %swap3A_338 {strides = array<i32>} : memref<1x32x32xi32, #tpu.memory_space<vmem>>, vector<1x1x32xi32>,
    %slice3A_339 = vector.extract_strided_slice %argmin3A {offsets = [192], sizes = [32], strides = [1]} : vector<1024xi32> to vector<32xi32>
    %swap3A_340 = arith.constant 0 : index
    %swap3A_341 = arith.constant 6 : index
    %swap3A_342 = arith.constant 0 : index
    %swap3A_343 = vector.load %arg3[%swap3A_340, %swap3A_341, %swap3A_342] : memref<1x32x32xi32, #tpu.memory_space<vmem>>, vector<1x1x32xi32>
    %swap3A_344 = vector.shape_cast %swap3A_343 : vector<1x1x32xi32> to vector<32xi32>
    %swap3A_345 = vector.shape_cast %slice3A_339 : vector<32xi32> to vector<1x1x32xi32>
    tpu.vector_store %arg3[%swap3A_340, %swap3A_341, %swap3A_342], %swap3A_345 {strides = array<i32>} : memref<1x32x32xi32, #tpu.memory_space<vmem>>, vector<1x1x32xi32>,
    %slice3A_346 = vector.extract_strided_slice %argmin3A {offsets = [224], sizes = [32], strides = [1]} : vector<1024xi32> to vector<32xi32>
    %swap3A_347 = arith.constant 0 : index
    %swap3A_348 = arith.constant 7 : index
    %swap3A_349 = arith.constant 0 : index
    %swap3A_350 = vector.load %arg3[%swap3A_347, %swap3A_348, %swap3A_349] : memref<1x32x32xi32, #tpu.memory_space<vmem>>, vector<1x1x32xi32>
    %swap3A_351 = vector.shape_cast %swap3A_350 : vector<1x1x32xi32> to vector<32xi32>
    %swap3A_352 = vector.shape_cast %slice3A_346 : vector<32xi32> to vector<1x1x32xi32>
    tpu.vector_store %arg3[%swap3A_347, %swap3A_348, %swap3A_349], %swap3A_352 {strides = array<i32>} : memref<1x32x32xi32, #tpu.memory_space<vmem>>, vector<1x1x32xi32>,
    %slice3A_353 = vector.extract_strided_slice %argmin3A {offsets = [256], sizes = [32], strides = [1]} : vector<1024xi32> to vector<32xi32>
    %swap3A_354 = arith.constant 0 : index
    %swap3A_355 = arith.constant 8 : index
    %swap3A_356 = arith.constant 0 : index
    %swap3A_357 = vector.load %arg3[%swap3A_354, %swap3A_355, %swap3A_356] : memref<1x32x32xi32, #tpu.memory_space<vmem>>, vector<1x1x32xi32>
    %swap3A_358 = vector.shape_cast %swap3A_357 : vector<1x1x32xi32> to vector<32xi32>
    %swap3A_359 = vector.shape_cast %slice3A_353 : vector<32xi32> to vector<1x1x32xi32>
    tpu.vector_store %arg3[%swap3A_354, %swap3A_355, %swap3A_356], %swap3A_359 {strides = array<i32>} : memref<1x32x32xi32, #tpu.memory_space<vmem>>, vector<1x1x32xi32>,
    %slice3A_360 = vector.extract_strided_slice %argmin3A {offsets = [288], sizes = [32], strides = [1]} : vector<1024xi32> to vector<32xi32>
    %swap3A_361 = arith.constant 0 : index
    %swap3A_362 = arith.constant 9 : index
    %swap3A_363 = arith.constant 0 : index
    %swap3A_364 = vector.load %arg3[%swap3A_361, %swap3A_362, %swap3A_363] : memref<1x32x32xi32, #tpu.memory_space<vmem>>, vector<1x1x32xi32>
    %swap3A_365 = vector.shape_cast %swap3A_364 : vector<1x1x32xi32> to vector<32xi32>
    %swap3A_366 = vector.shape_cast %slice3A_360 : vector<32xi32> to vector<1x1x32xi32>
    tpu.vector_store %arg3[%swap3A_361, %swap3A_362, %swap3A_363], %swap3A_366 {strides = array<i32>} : memref<1x32x32xi32, #tpu.memory_space<vmem>>, vector<1x1x32xi32>,
    %slice3A_367 = vector.extract_strided_slice %argmin3A {offsets = [320], sizes = [32], strides = [1]} : vector<1024xi32> to vector<32xi32>
    %swap3A_368 = arith.constant 0 : index
    %swap3A_369 = arith.constant 10 : index
    %swap3A_370 = arith.constant 0 : index
    %swap3A_371 = vector.load %arg3[%swap3A_368, %swap3A_369, %swap3A_370] : memref<1x32x32xi32, #tpu.memory_space<vmem>>, vector<1x1x32xi32>
    %swap3A_372 = vector.shape_cast %swap3A_371 : vector<1x1x32xi32> to vector<32xi32>
    %swap3A_373 = vector.shape_cast %slice3A_367 : vector<32xi32> to vector<1x1x32xi32>
    tpu.vector_store %arg3[%swap3A_368, %swap3A_369, %swap3A_370], %swap3A_373 {strides = array<i32>} : memref<1x32x32xi32, #tpu.memory_space<vmem>>, vector<1x1x32xi32>,
    %slice3A_374 = vector.extract_strided_slice %argmin3A {offsets = [352], sizes = [32], strides = [1]} : vector<1024xi32> to vector<32xi32>
    %swap3A_375 = arith.constant 0 : index
    %swap3A_376 = arith.constant 11 : index
    %swap3A_377 = arith.constant 0 : index
    %swap3A_378 = vector.load %arg3[%swap3A_375, %swap3A_376, %swap3A_377] : memref<1x32x32xi32, #tpu.memory_space<vmem>>, vector<1x1x32xi32>
    %swap3A_379 = vector.shape_cast %swap3A_378 : vector<1x1x32xi32> to vector<32xi32>
    %swap3A_380 = vector.shape_cast %slice3A_374 : vector<32xi32> to vector<1x1x32xi32>
    tpu.vector_store %arg3[%swap3A_375, %swap3A_376, %swap3A_377], %swap3A_380 {strides = array<i32>} : memref<1x32x32xi32, #tpu.memory_space<vmem>>, vector<1x1x32xi32>,
    %slice3A_381 = vector.extract_strided_slice %argmin3A {offsets = [384], sizes = [32], strides = [1]} : vector<1024xi32> to vector<32xi32>
    %swap3A_382 = arith.constant 0 : index
    %swap3A_383 = arith.constant 12 : index
    %swap3A_384 = arith.constant 0 : index
    %swap3A_385 = vector.load %arg3[%swap3A_382, %swap3A_383, %swap3A_384] : memref<1x32x32xi32, #tpu.memory_space<vmem>>, vector<1x1x32xi32>
    %swap3A_386 = vector.shape_cast %swap3A_385 : vector<1x1x32xi32> to vector<32xi32>
    %swap3A_387 = vector.shape_cast %slice3A_381 : vector<32xi32> to vector<1x1x32xi32>
    tpu.vector_store %arg3[%swap3A_382, %swap3A_383, %swap3A_384], %swap3A_387 {strides = array<i32>} : memref<1x32x32xi32, #tpu.memory_space<vmem>>, vector<1x1x32xi32>,
    %slice3A_388 = vector.extract_strided_slice %argmin3A {offsets = [416], sizes = [32], strides = [1]} : vector<1024xi32> to vector<32xi32>
    %swap3A_389 = arith.constant 0 : index
    %swap3A_390 = arith.constant 13 : index
    %swap3A_391 = arith.constant 0 : index
    %swap3A_392 = vector.load %arg3[%swap3A_389, %swap3A_390, %swap3A_391] : memref<1x32x32xi32, #tpu.memory_space<vmem>>, vector<1x1x32xi32>
    %swap3A_393 = vector.shape_cast %swap3A_392 : vector<1x1x32xi32> to vector<32xi32>
    %swap3A_394 = vector.shape_cast %slice3A_388 : vector<32xi32> to vector<1x1x32xi32>
    tpu.vector_store %arg3[%swap3A_389, %swap3A_390, %swap3A_391], %swap3A_394 {strides = array<i32>} : memref<1x32x32xi32, #tpu.memory_space<vmem>>, vector<1x1x32xi32>,
    %slice3A_395 = vector.extract_strided_slice %argmin3A {offsets = [448], sizes = [32], strides = [1]} : vector<1024xi32> to vector<32xi32>
    %swap3A_396 = arith.constant 0 : index
    %swap3A_397 = arith.constant 14 : index
    %swap3A_398 = arith.constant 0 : index
    %swap3A_399 = vector.load %arg3[%swap3A_396, %swap3A_397, %swap3A_398] : memref<1x32x32xi32, #tpu.memory_space<vmem>>, vector<1x1x32xi32>
    %swap3A_400 = vector.shape_cast %swap3A_399 : vector<1x1x32xi32> to vector<32xi32>
    %swap3A_401 = vector.shape_cast %slice3A_395 : vector<32xi32> to vector<1x1x32xi32>
    tpu.vector_store %arg3[%swap3A_396, %swap3A_397, %swap3A_398], %swap3A_401 {strides = array<i32>} : memref<1x32x32xi32, #tpu.memory_space<vmem>>, vector<1x1x32xi32>,
    %slice3A_402 = vector.extract_strided_slice %argmin3A {offsets = [480], sizes = [32], strides = [1]} : vector<1024xi32> to vector<32xi32>
    %swap3A_403 = arith.constant 0 : index
    %swap3A_404 = arith.constant 15 : index
    %swap3A_405 = arith.constant 0 : index
    %swap3A_406 = vector.load %arg3[%swap3A_403, %swap3A_404, %swap3A_405] : memref<1x32x32xi32, #tpu.memory_space<vmem>>, vector<1x1x32xi32>
    %swap3A_407 = vector.shape_cast %swap3A_406 : vector<1x1x32xi32> to vector<32xi32>
    %swap3A_408 = vector.shape_cast %slice3A_402 : vector<32xi32> to vector<1x1x32xi32>
    tpu.vector_store %arg3[%swap3A_403, %swap3A_404, %swap3A_405], %swap3A_408 {strides = array<i32>} : memref<1x32x32xi32, #tpu.memory_space<vmem>>, vector<1x1x32xi32>,
    %slice3A_409 = vector.extract_strided_slice %argmin3A {offsets = [512], sizes = [32], strides = [1]} : vector<1024xi32> to vector<32xi32>
    %swap3A_410 = arith.constant 0 : index
    %swap3A_411 = arith.constant 16 : index
    %swap3A_412 = arith.constant 0 : index
    %swap3A_413 = vector.load %arg3[%swap3A_410, %swap3A_411, %swap3A_412] : memref<1x32x32xi32, #tpu.memory_space<vmem>>, vector<1x1x32xi32>
    %swap3A_414 = vector.shape_cast %swap3A_413 : vector<1x1x32xi32> to vector<32xi32>
    %swap3A_415 = vector.shape_cast %slice3A_409 : vector<32xi32> to vector<1x1x32xi32>
    tpu.vector_store %arg3[%swap3A_410, %swap3A_411, %swap3A_412], %swap3A_415 {strides = array<i32>} : memref<1x32x32xi32, #tpu.memory_space<vmem>>, vector<1x1x32xi32>,
    %slice3A_416 = vector.extract_strided_slice %argmin3A {offsets = [544], sizes = [32], strides = [1]} : vector<1024xi32> to vector<32xi32>
    %swap3A_417 = arith.constant 0 : index
    %swap3A_418 = arith.constant 17 : index
    %swap3A_419 = arith.constant 0 : index
    %swap3A_420 = vector.load %arg3[%swap3A_417, %swap3A_418, %swap3A_419] : memref<1x32x32xi32, #tpu.memory_space<vmem>>, vector<1x1x32xi32>
    %swap3A_421 = vector.shape_cast %swap3A_420 : vector<1x1x32xi32> to vector<32xi32>
    %swap3A_422 = vector.shape_cast %slice3A_416 : vector<32xi32> to vector<1x1x32xi32>
    tpu.vector_store %arg3[%swap3A_417, %swap3A_418, %swap3A_419], %swap3A_422 {strides = array<i32>} : memref<1x32x32xi32, #tpu.memory_space<vmem>>, vector<1x1x32xi32>,
    %slice3A_423 = vector.extract_strided_slice %argmin3A {offsets = [576], sizes = [32], strides = [1]} : vector<1024xi32> to vector<32xi32>
    %swap3A_424 = arith.constant 0 : index
    %swap3A_425 = arith.constant 18 : index
    %swap3A_426 = arith.constant 0 : index
    %swap3A_427 = vector.load %arg3[%swap3A_424, %swap3A_425, %swap3A_426] : memref<1x32x32xi32, #tpu.memory_space<vmem>>, vector<1x1x32xi32>
    %swap3A_428 = vector.shape_cast %swap3A_427 : vector<1x1x32xi32> to vector<32xi32>
    %swap3A_429 = vector.shape_cast %slice3A_423 : vector<32xi32> to vector<1x1x32xi32>
    tpu.vector_store %arg3[%swap3A_424, %swap3A_425, %swap3A_426], %swap3A_429 {strides = array<i32>} : memref<1x32x32xi32, #tpu.memory_space<vmem>>, vector<1x1x32xi32>,
    %slice3A_430 = vector.extract_strided_slice %argmin3A {offsets = [608], sizes = [32], strides = [1]} : vector<1024xi32> to vector<32xi32>
    %swap3A_431 = arith.constant 0 : index
    %swap3A_432 = arith.constant 19 : index
    %swap3A_433 = arith.constant 0 : index
    %swap3A_434 = vector.load %arg3[%swap3A_431, %swap3A_432, %swap3A_433] : memref<1x32x32xi32, #tpu.memory_space<vmem>>, vector<1x1x32xi32>
    %swap3A_435 = vector.shape_cast %swap3A_434 : vector<1x1x32xi32> to vector<32xi32>
    %swap3A_436 = vector.shape_cast %slice3A_430 : vector<32xi32> to vector<1x1x32xi32>
    tpu.vector_store %arg3[%swap3A_431, %swap3A_432, %swap3A_433], %swap3A_436 {strides = array<i32>} : memref<1x32x32xi32, #tpu.memory_space<vmem>>, vector<1x1x32xi32>,
    %slice3A_437 = vector.extract_strided_slice %argmin3A {offsets = [640], sizes = [32], strides = [1]} : vector<1024xi32> to vector<32xi32>
    %swap3A_438 = arith.constant 0 : index
    %swap3A_439 = arith.constant 20 : index
    %swap3A_440 = arith.constant 0 : index
    %swap3A_441 = vector.load %arg3[%swap3A_438, %swap3A_439, %swap3A_440] : memref<1x32x32xi32, #tpu.memory_space<vmem>>, vector<1x1x32xi32>
    %swap3A_442 = vector.shape_cast %swap3A_441 : vector<1x1x32xi32> to vector<32xi32>
    %swap3A_443 = vector.shape_cast %slice3A_437 : vector<32xi32> to vector<1x1x32xi32>
    tpu.vector_store %arg3[%swap3A_438, %swap3A_439, %swap3A_440], %swap3A_443 {strides = array<i32>} : memref<1x32x32xi32, #tpu.memory_space<vmem>>, vector<1x1x32xi32>,
    %slice3A_444 = vector.extract_strided_slice %argmin3A {offsets = [672], sizes = [32], strides = [1]} : vector<1024xi32> to vector<32xi32>
    %swap3A_445 = arith.constant 0 : index
    %swap3A_446 = arith.constant 21 : index
    %swap3A_447 = arith.constant 0 : index
    %swap3A_448 = vector.load %arg3[%swap3A_445, %swap3A_446, %swap3A_447] : memref<1x32x32xi32, #tpu.memory_space<vmem>>, vector<1x1x32xi32>
    %swap3A_449 = vector.shape_cast %swap3A_448 : vector<1x1x32xi32> to vector<32xi32>
    %swap3A_450 = vector.shape_cast %slice3A_444 : vector<32xi32> to vector<1x1x32xi32>
    tpu.vector_store %arg3[%swap3A_445, %swap3A_446, %swap3A_447], %swap3A_450 {strides = array<i32>} : memref<1x32x32xi32, #tpu.memory_space<vmem>>, vector<1x1x32xi32>,
    %slice3A_451 = vector.extract_strided_slice %argmin3A {offsets = [704], sizes = [32], strides = [1]} : vector<1024xi32> to vector<32xi32>
    %swap3A_452 = arith.constant 0 : index
    %swap3A_453 = arith.constant 22 : index
    %swap3A_454 = arith.constant 0 : index
    %swap3A_455 = vector.load %arg3[%swap3A_452, %swap3A_453, %swap3A_454] : memref<1x32x32xi32, #tpu.memory_space<vmem>>, vector<1x1x32xi32>
    %swap3A_456 = vector.shape_cast %swap3A_455 : vector<1x1x32xi32> to vector<32xi32>
    %swap3A_457 = vector.shape_cast %slice3A_451 : vector<32xi32> to vector<1x1x32xi32>
    tpu.vector_store %arg3[%swap3A_452, %swap3A_453, %swap3A_454], %swap3A_457 {strides = array<i32>} : memref<1x32x32xi32, #tpu.memory_space<vmem>>, vector<1x1x32xi32>,
    %slice3A_458 = vector.extract_strided_slice %argmin3A {offsets = [736], sizes = [32], strides = [1]} : vector<1024xi32> to vector<32xi32>
    %swap3A_459 = arith.constant 0 : index
    %swap3A_460 = arith.constant 23 : index
    %swap3A_461 = arith.constant 0 : index
    %swap3A_462 = vector.load %arg3[%swap3A_459, %swap3A_460, %swap3A_461] : memref<1x32x32xi32, #tpu.memory_space<vmem>>, vector<1x1x32xi32>
    %swap3A_463 = vector.shape_cast %swap3A_462 : vector<1x1x32xi32> to vector<32xi32>
    %swap3A_464 = vector.shape_cast %slice3A_458 : vector<32xi32> to vector<1x1x32xi32>
    tpu.vector_store %arg3[%swap3A_459, %swap3A_460, %swap3A_461], %swap3A_464 {strides = array<i32>} : memref<1x32x32xi32, #tpu.memory_space<vmem>>, vector<1x1x32xi32>,
    %slice3A_465 = vector.extract_strided_slice %argmin3A {offsets = [768], sizes = [32], strides = [1]} : vector<1024xi32> to vector<32xi32>
    %swap3A_466 = arith.constant 0 : index
    %swap3A_467 = arith.constant 24 : index
    %swap3A_468 = arith.constant 0 : index
    %swap3A_469 = vector.load %arg3[%swap3A_466, %swap3A_467, %swap3A_468] : memref<1x32x32xi32, #tpu.memory_space<vmem>>, vector<1x1x32xi32>
    %swap3A_470 = vector.shape_cast %swap3A_469 : vector<1x1x32xi32> to vector<32xi32>
    %swap3A_471 = vector.shape_cast %slice3A_465 : vector<32xi32> to vector<1x1x32xi32>
    tpu.vector_store %arg3[%swap3A_466, %swap3A_467, %swap3A_468], %swap3A_471 {strides = array<i32>} : memref<1x32x32xi32, #tpu.memory_space<vmem>>, vector<1x1x32xi32>,
    %slice3A_472 = vector.extract_strided_slice %argmin3A {offsets = [800], sizes = [32], strides = [1]} : vector<1024xi32> to vector<32xi32>
    %swap3A_473 = arith.constant 0 : index
    %swap3A_474 = arith.constant 25 : index
    %swap3A_475 = arith.constant 0 : index
    %swap3A_476 = vector.load %arg3[%swap3A_473, %swap3A_474, %swap3A_475] : memref<1x32x32xi32, #tpu.memory_space<vmem>>, vector<1x1x32xi32>
    %swap3A_477 = vector.shape_cast %swap3A_476 : vector<1x1x32xi32> to vector<32xi32>
    %swap3A_478 = vector.shape_cast %slice3A_472 : vector<32xi32> to vector<1x1x32xi32>
    tpu.vector_store %arg3[%swap3A_473, %swap3A_474, %swap3A_475], %swap3A_478 {strides = array<i32>} : memref<1x32x32xi32, #tpu.memory_space<vmem>>, vector<1x1x32xi32>,
    %slice3A_479 = vector.extract_strided_slice %argmin3A {offsets = [832], sizes = [32], strides = [1]} : vector<1024xi32> to vector<32xi32>
    %swap3A_480 = arith.constant 0 : index
    %swap3A_481 = arith.constant 26 : index
    %swap3A_482 = arith.constant 0 : index
    %swap3A_483 = vector.load %arg3[%swap3A_480, %swap3A_481, %swap3A_482] : memref<1x32x32xi32, #tpu.memory_space<vmem>>, vector<1x1x32xi32>
    %swap3A_484 = vector.shape_cast %swap3A_483 : vector<1x1x32xi32> to vector<32xi32>
    %swap3A_485 = vector.shape_cast %slice3A_479 : vector<32xi32> to vector<1x1x32xi32>
    tpu.vector_store %arg3[%swap3A_480, %swap3A_481, %swap3A_482], %swap3A_485 {strides = array<i32>} : memref<1x32x32xi32, #tpu.memory_space<vmem>>, vector<1x1x32xi32>,
    %slice3A_486 = vector.extract_strided_slice %argmin3A {offsets = [864], sizes = [32], strides = [1]} : vector<1024xi32> to vector<32xi32>
    %swap3A_487 = arith.constant 0 : index
    %swap3A_488 = arith.constant 27 : index
    %swap3A_489 = arith.constant 0 : index
    %swap3A_490 = vector.load %arg3[%swap3A_487, %swap3A_488, %swap3A_489] : memref<1x32x32xi32, #tpu.memory_space<vmem>>, vector<1x1x32xi32>
    %swap3A_491 = vector.shape_cast %swap3A_490 : vector<1x1x32xi32> to vector<32xi32>
    %swap3A_492 = vector.shape_cast %slice3A_486 : vector<32xi32> to vector<1x1x32xi32>
    tpu.vector_store %arg3[%swap3A_487, %swap3A_488, %swap3A_489], %swap3A_492 {strides = array<i32>} : memref<1x32x32xi32, #tpu.memory_space<vmem>>, vector<1x1x32xi32>,
    %slice3A_493 = vector.extract_strided_slice %argmin3A {offsets = [896], sizes = [32], strides = [1]} : vector<1024xi32> to vector<32xi32>
    %swap3A_494 = arith.constant 0 : index
    %swap3A_495 = arith.constant 28 : index
    %swap3A_496 = arith.constant 0 : index
    %swap3A_497 = vector.load %arg3[%swap3A_494, %swap3A_495, %swap3A_496] : memref<1x32x32xi32, #tpu.memory_space<vmem>>, vector<1x1x32xi32>
    %swap3A_498 = vector.shape_cast %swap3A_497 : vector<1x1x32xi32> to vector<32xi32>
    %swap3A_499 = vector.shape_cast %slice3A_493 : vector<32xi32> to vector<1x1x32xi32>
    tpu.vector_store %arg3[%swap3A_494, %swap3A_495, %swap3A_496], %swap3A_499 {strides = array<i32>} : memref<1x32x32xi32, #tpu.memory_space<vmem>>, vector<1x1x32xi32>,
    %slice3A_500 = vector.extract_strided_slice %argmin3A {offsets = [928], sizes = [32], strides = [1]} : vector<1024xi32> to vector<32xi32>
    %swap3A_501 = arith.constant 0 : index
    %swap3A_502 = arith.constant 29 : index
    %swap3A_503 = arith.constant 0 : index
    %swap3A_504 = vector.load %arg3[%swap3A_501, %swap3A_502, %swap3A_503] : memref<1x32x32xi32, #tpu.memory_space<vmem>>, vector<1x1x32xi32>
    %swap3A_505 = vector.shape_cast %swap3A_504 : vector<1x1x32xi32> to vector<32xi32>
    %swap3A_506 = vector.shape_cast %slice3A_500 : vector<32xi32> to vector<1x1x32xi32>
    tpu.vector_store %arg3[%swap3A_501, %swap3A_502, %swap3A_503], %swap3A_506 {strides = array<i32>} : memref<1x32x32xi32, #tpu.memory_space<vmem>>, vector<1x1x32xi32>,
    %slice3A_507 = vector.extract_strided_slice %argmin3A {offsets = [960], sizes = [32], strides = [1]} : vector<1024xi32> to vector<32xi32>
    %swap3A_508 = arith.constant 0 : index
    %swap3A_509 = arith.constant 30 : index
    %swap3A_510 = arith.constant 0 : index
    %swap3A_511 = vector.load %arg3[%swap3A_508, %swap3A_509, %swap3A_510] : memref<1x32x32xi32, #tpu.memory_space<vmem>>, vector<1x1x32xi32>
    %swap3A_512 = vector.shape_cast %swap3A_511 : vector<1x1x32xi32> to vector<32xi32>
    %swap3A_513 = vector.shape_cast %slice3A_507 : vector<32xi32> to vector<1x1x32xi32>
    tpu.vector_store %arg3[%swap3A_508, %swap3A_509, %swap3A_510], %swap3A_513 {strides = array<i32>} : memref<1x32x32xi32, #tpu.memory_space<vmem>>, vector<1x1x32xi32>,
    %slice3A_514 = vector.extract_strided_slice %argmin3A {offsets = [992], sizes = [32], strides = [1]} : vector<1024xi32> to vector<32xi32>
    %swap3A_515 = arith.constant 0 : index
    %swap3A_516 = arith.constant 31 : index
    %swap3A_517 = arith.constant 0 : index
    %swap3A_518 = vector.load %arg3[%swap3A_515, %swap3A_516, %swap3A_517] : memref<1x32x32xi32, #tpu.memory_space<vmem>>, vector<1x1x32xi32>
    %swap3A_519 = vector.shape_cast %swap3A_518 : vector<1x1x32xi32> to vector<32xi32>
    %swap3A_520 = vector.shape_cast %slice3A_514 : vector<32xi32> to vector<1x1x32xi32>
    tpu.vector_store %arg3[%swap3A_515, %swap3A_516, %swap3A_517], %swap3A_520 {strides = array<i32>} : memref<1x32x32xi32, #tpu.memory_space<vmem>>, vector<1x1x32xi32>,
    %swap3A_521 = arith.constant 0 : index
    %swap3A_522 = vector.load %arg4[%swap3A_521] : memref<1024xi32, #tpu.memory_space<vmem>>, vector<1024xi32>
    tpu.vector_store %arg4[%swap3A_521], %argmin3A {strides = array<i32>} : memref<1024xi32, #tpu.memory_space<vmem>>, vector<1024xi32>,
    %slice3A_523 = vector.extract_strided_slice %get3A_288 {offsets = [0, 0], sizes = [8, 128], strides = [1, 1]} : vector<32x1024xf32> to vector<8x128xf32>
    %swap3A_524 = arith.constant 0 : index
    %swap3A_525 = arith.constant 0 : index
    %swap3A_526 = arith.constant 0 : index
    %swap3A_527 = arith.constant 0 : index
    %swap3A_528 = vector.load %arg5[%swap3A_524, %swap3A_525, %swap3A_526, %swap3A_527] : memref<4x8x8x128xf32, #tpu.memory_space<vmem>>, vector<1x1x8x128xf32>
    %swap3A_529 = vector.shape_cast %swap3A_528 : vector<1x1x8x128xf32> to vector<8x128xf32>
    %swap3A_530 = vector.shape_cast %slice3A_523 : vector<8x128xf32> to vector<1x1x8x128xf32>
    tpu.vector_store %arg5[%swap3A_524, %swap3A_525, %swap3A_526, %swap3A_527], %swap3A_530 {strides = array<i32>} : memref<4x8x8x128xf32, #tpu.memory_space<vmem>>, vector<1x1x8x128xf32>,
    %slice3A_531 = vector.extract_strided_slice %get3A_288 {offsets = [0, 128], sizes = [8, 128], strides = [1, 1]} : vector<32x1024xf32> to vector<8x128xf32>
    %swap3A_532 = arith.constant 0 : index
    %swap3A_533 = arith.constant 1 : index
    %swap3A_534 = arith.constant 0 : index
    %swap3A_535 = arith.constant 0 : index
    %swap3A_536 = vector.load %arg5[%swap3A_532, %swap3A_533, %swap3A_534, %swap3A_535] : memref<4x8x8x128xf32, #tpu.memory_space<vmem>>, vector<1x1x8x128xf32>
    %swap3A_537 = vector.shape_cast %swap3A_536 : vector<1x1x8x128xf32> to vector<8x128xf32>
    %swap3A_538 = vector.shape_cast %slice3A_531 : vector<8x128xf32> to vector<1x1x8x128xf32>
    tpu.vector_store %arg5[%swap3A_532, %swap3A_533, %swap3A_534, %swap3A_535], %swap3A_538 {strides = array<i32>} : memref<4x8x8x128xf32, #tpu.memory_space<vmem>>, vector<1x1x8x128xf32>,
    %slice3A_539 = vector.extract_strided_slice %get3A_288 {offsets = [0, 256], sizes = [8, 128], strides = [1, 1]} : vector<32x1024xf32> to vector<8x128xf32>
    %swap3A_540 = arith.constant 0 : index
    %swap3A_541 = arith.constant 2 : index
    %swap3A_542 = arith.constant 0 : index
    %swap3A_543 = arith.constant 0 : index
    %swap3A_544 = vector.load %arg5[%swap3A_540, %swap3A_541, %swap3A_542, %swap3A_543] : memref<4x8x8x128xf32, #tpu.memory_space<vmem>>, vector<1x1x8x128xf32>
    %swap3A_545 = vector.shape_cast %swap3A_544 : vector<1x1x8x128xf32> to vector<8x128xf32>
    %swap3A_546 = vector.shape_cast %slice3A_539 : vector<8x128xf32> to vector<1x1x8x128xf32>
    tpu.vector_store %arg5[%swap3A_540, %swap3A_541, %swap3A_542, %swap3A_543], %swap3A_546 {strides = array<i32>} : memref<4x8x8x128xf32, #tpu.memory_space<vmem>>, vector<1x1x8x128xf32>,
    %slice3A_547 = vector.extract_strided_slice %get3A_288 {offsets = [0, 384], sizes = [8, 128], strides = [1, 1]} : vector<32x1024xf32> to vector<8x128xf32>
    %swap3A_548 = arith.constant 0 : index
    %swap3A_549 = arith.constant 3 : index
    %swap3A_550 = arith.constant 0 : index
    %swap3A_551 = arith.constant 0 : index
    %swap3A_552 = vector.load %arg5[%swap3A_548, %swap3A_549, %swap3A_550, %swap3A_551] : memref<4x8x8x128xf32, #tpu.memory_space<vmem>>, vector<1x1x8x128xf32>
    %swap3A_553 = vector.shape_cast %swap3A_552 : vector<1x1x8x128xf32> to vector<8x128xf32>
    %swap3A_554 = vector.shape_cast %slice3A_547 : vector<8x128xf32> to vector<1x1x8x128xf32>
    tpu.vector_store %arg5[%swap3A_548, %swap3A_549, %swap3A_550, %swap3A_551], %swap3A_554 {strides = array<i32>} : memref<4x8x8x128xf32, #tpu.memory_space<vmem>>, vector<1x1x8x128xf32>,
    %slice3A_555 = vector.extract_strided_slice %get3A_288 {offsets = [0, 512], sizes = [8, 128], strides = [1, 1]} : vector<32x1024xf32> to vector<8x128xf32>
    %swap3A_556 = arith.constant 0 : index
    %swap3A_557 = arith.constant 4 : index
    %swap3A_558 = arith.constant 0 : index
    %swap3A_559 = arith.constant 0 : index
    %swap3A_560 = vector.load %arg5[%swap3A_556, %swap3A_557, %swap3A_558, %swap3A_559] : memref<4x8x8x128xf32, #tpu.memory_space<vmem>>, vector<1x1x8x128xf32>
    %swap3A_561 = vector.shape_cast %swap3A_560 : vector<1x1x8x128xf32> to vector<8x128xf32>
    %swap3A_562 = vector.shape_cast %slice3A_555 : vector<8x128xf32> to vector<1x1x8x128xf32>
    tpu.vector_store %arg5[%swap3A_556, %swap3A_557, %swap3A_558, %swap3A_559], %swap3A_562 {strides = array<i32>} : memref<4x8x8x128xf32, #tpu.memory_space<vmem>>, vector<1x1x8x128xf32>,
    %slice3A_563 = vector.extract_strided_slice %get3A_288 {offsets = [0, 640], sizes = [8, 128], strides = [1, 1]} : vector<32x1024xf32> to vector<8x128xf32>
    %swap3A_564 = arith.constant 0 : index
    %swap3A_565 = arith.constant 5 : index
    %swap3A_566 = arith.constant 0 : index
    %swap3A_567 = arith.constant 0 : index
    %swap3A_568 = vector.load %arg5[%swap3A_564, %swap3A_565, %swap3A_566, %swap3A_567] : memref<4x8x8x128xf32, #tpu.memory_space<vmem>>, vector<1x1x8x128xf32>
    %swap3A_569 = vector.shape_cast %swap3A_568 : vector<1x1x8x128xf32> to vector<8x128xf32>
    %swap3A_570 = vector.shape_cast %slice3A_563 : vector<8x128xf32> to vector<1x1x8x128xf32>
    tpu.vector_store %arg5[%swap3A_564, %swap3A_565, %swap3A_566, %swap3A_567], %swap3A_570 {strides = array<i32>} : memref<4x8x8x128xf32, #tpu.memory_space<vmem>>, vector<1x1x8x128xf32>,
    %slice3A_571 = vector.extract_strided_slice %get3A_288 {offsets = [0, 768], sizes = [8, 128], strides = [1, 1]} : vector<32x1024xf32> to vector<8x128xf32>
    %swap3A_572 = arith.constant 0 : index
    %swap3A_573 = arith.constant 6 : index
    %swap3A_574 = arith.constant 0 : index
    %swap3A_575 = arith.constant 0 : index
    %swap3A_576 = vector.load %arg5[%swap3A_572, %swap3A_573, %swap3A_574, %swap3A_575] : memref<4x8x8x128xf32, #tpu.memory_space<vmem>>, vector<1x1x8x128xf32>
    %swap3A_577 = vector.shape_cast %swap3A_576 : vector<1x1x8x128xf32> to vector<8x128xf32>
    %swap3A_578 = vector.shape_cast %slice3A_571 : vector<8x128xf32> to vector<1x1x8x128xf32>
    tpu.vector_store %arg5[%swap3A_572, %swap3A_573, %swap3A_574, %swap3A_575], %swap3A_578 {strides = array<i32>} : memref<4x8x8x128xf32, #tpu.memory_space<vmem>>, vector<1x1x8x128xf32>,
    %slice3A_579 = vector.extract_strided_slice %get3A_288 {offsets = [0, 896], sizes = [8, 128], strides = [1, 1]} : vector<32x1024xf32> to vector<8x128xf32>
    %swap3A_580 = arith.constant 0 : index
    %swap3A_581 = arith.constant 7 : index
    %swap3A_582 = arith.constant 0 : index
    %swap3A_583 = arith.constant 0 : index
    %swap3A_584 = vector.load %arg5[%swap3A_580, %swap3A_581, %swap3A_582, %swap3A_583] : memref<4x8x8x128xf32, #tpu.memory_space<vmem>>, vector<1x1x8x128xf32>
    %swap3A_585 = vector.shape_cast %swap3A_584 : vector<1x1x8x128xf32> to vector<8x128xf32>
    %swap3A_586 = vector.shape_cast %slice3A_579 : vector<8x128xf32> to vector<1x1x8x128xf32>
    tpu.vector_store %arg5[%swap3A_580, %swap3A_581, %swap3A_582, %swap3A_583], %swap3A_586 {strides = array<i32>} : memref<4x8x8x128xf32, #tpu.memory_space<vmem>>, vector<1x1x8x128xf32>,
    %slice3A_587 = vector.extract_strided_slice %get3A_288 {offsets = [8, 0], sizes = [8, 128], strides = [1, 1]} : vector<32x1024xf32> to vector<8x128xf32>
    %swap3A_588 = arith.constant 1 : index
    %swap3A_589 = arith.constant 0 : index
    %swap3A_590 = arith.constant 0 : index
    %swap3A_591 = arith.constant 0 : index
    %swap3A_592 = vector.load %arg5[%swap3A_588, %swap3A_589, %swap3A_590, %swap3A_591] : memref<4x8x8x128xf32, #tpu.memory_space<vmem>>, vector<1x1x8x128xf32>
    %swap3A_593 = vector.shape_cast %swap3A_592 : vector<1x1x8x128xf32> to vector<8x128xf32>
    %swap3A_594 = vector.shape_cast %slice3A_587 : vector<8x128xf32> to vector<1x1x8x128xf32>
    tpu.vector_store %arg5[%swap3A_588, %swap3A_589, %swap3A_590, %swap3A_591], %swap3A_594 {strides = array<i32>} : memref<4x8x8x128xf32, #tpu.memory_space<vmem>>, vector<1x1x8x128xf32>,
    %slice3A_595 = vector.extract_strided_slice %get3A_288 {offsets = [8, 128], sizes = [8, 128], strides = [1, 1]} : vector<32x1024xf32> to vector<8x128xf32>
    %swap3A_596 = arith.constant 1 : index
    %swap3A_597 = arith.constant 1 : index
    %swap3A_598 = arith.constant 0 : index
    %swap3A_599 = arith.constant 0 : index
    %swap3A_600 = vector.load %arg5[%swap3A_596, %swap3A_597, %swap3A_598, %swap3A_599] : memref<4x8x8x128xf32, #tpu.memory_space<vmem>>, vector<1x1x8x128xf32>
    %swap3A_601 = vector.shape_cast %swap3A_600 : vector<1x1x8x128xf32> to vector<8x128xf32>
    %swap3A_602 = vector.shape_cast %slice3A_595 : vector<8x128xf32> to vector<1x1x8x128xf32>
    tpu.vector_store %arg5[%swap3A_596, %swap3A_597, %swap3A_598, %swap3A_599], %swap3A_602 {strides = array<i32>} : memref<4x8x8x128xf32, #tpu.memory_space<vmem>>, vector<1x1x8x128xf32>,
    %slice3A_603 = vector.extract_strided_slice %get3A_288 {offsets = [8, 256], sizes = [8, 128], strides = [1, 1]} : vector<32x1024xf32> to vector<8x128xf32>
    %swap3A_604 = arith.constant 1 : index
    %swap3A_605 = arith.constant 2 : index
    %swap3A_606 = arith.constant 0 : index
    %swap3A_607 = arith.constant 0 : index
    %swap3A_608 = vector.load %arg5[%swap3A_604, %swap3A_605, %swap3A_606, %swap3A_607] : memref<4x8x8x128xf32, #tpu.memory_space<vmem>>, vector<1x1x8x128xf32>
    %swap3A_609 = vector.shape_cast %swap3A_608 : vector<1x1x8x128xf32> to vector<8x128xf32>
    %swap3A_610 = vector.shape_cast %slice3A_603 : vector<8x128xf32> to vector<1x1x8x128xf32>
    tpu.vector_store %arg5[%swap3A_604, %swap3A_605, %swap3A_606, %swap3A_607], %swap3A_610 {strides = array<i32>} : memref<4x8x8x128xf32, #tpu.memory_space<vmem>>, vector<1x1x8x128xf32>,
    %slice3A_611 = vector.extract_strided_slice %get3A_288 {offsets = [8, 384], sizes = [8, 128], strides = [1, 1]} : vector<32x1024xf32> to vector<8x128xf32>
    %swap3A_612 = arith.constant 1 : index
    %swap3A_613 = arith.constant 3 : index
    %swap3A_614 = arith.constant 0 : index
    %swap3A_615 = arith.constant 0 : index
    %swap3A_616 = vector.load %arg5[%swap3A_612, %swap3A_613, %swap3A_614, %swap3A_615] : memref<4x8x8x128xf32, #tpu.memory_space<vmem>>, vector<1x1x8x128xf32>
    %swap3A_617 = vector.shape_cast %swap3A_616 : vector<1x1x8x128xf32> to vector<8x128xf32>
    %swap3A_618 = vector.shape_cast %slice3A_611 : vector<8x128xf32> to vector<1x1x8x128xf32>
    tpu.vector_store %arg5[%swap3A_612, %swap3A_613, %swap3A_614, %swap3A_615], %swap3A_618 {strides = array<i32>} : memref<4x8x8x128xf32, #tpu.memory_space<vmem>>, vector<1x1x8x128xf32>,
    %slice3A_619 = vector.extract_strided_slice %get3A_288 {offsets = [8, 512], sizes = [8, 128], strides = [1, 1]} : vector<32x1024xf32> to vector<8x128xf32>
    %swap3A_620 = arith.constant 1 : index
    %swap3A_621 = arith.constant 4 : index
    %swap3A_622 = arith.constant 0 : index
    %swap3A_623 = arith.constant 0 : index
    %swap3A_624 = vector.load %arg5[%swap3A_620, %swap3A_621, %swap3A_622, %swap3A_623] : memref<4x8x8x128xf32, #tpu.memory_space<vmem>>, vector<1x1x8x128xf32>
    %swap3A_625 = vector.shape_cast %swap3A_624 : vector<1x1x8x128xf32> to vector<8x128xf32>
    %swap3A_626 = vector.shape_cast %slice3A_619 : vector<8x128xf32> to vector<1x1x8x128xf32>
    tpu.vector_store %arg5[%swap3A_620, %swap3A_621, %swap3A_622, %swap3A_623], %swap3A_626 {strides = array<i32>} : memref<4x8x8x128xf32, #tpu.memory_space<vmem>>, vector<1x1x8x128xf32>,
    %slice3A_627 = vector.extract_strided_slice %get3A_288 {offsets = [8, 640], sizes = [8, 128], strides = [1, 1]} : vector<32x1024xf32> to vector<8x128xf32>
    %swap3A_628 = arith.constant 1 : index
    %swap3A_629 = arith.constant 5 : index
    %swap3A_630 = arith.constant 0 : index
    %swap3A_631 = arith.constant 0 : index
    %swap3A_632 = vector.load %arg5[%swap3A_628, %swap3A_629, %swap3A_630, %swap3A_631] : memref<4x8x8x128xf32, #tpu.memory_space<vmem>>, vector<1x1x8x128xf32>
    %swap3A_633 = vector.shape_cast %swap3A_632 : vector<1x1x8x128xf32> to vector<8x128xf32>
    %swap3A_634 = vector.shape_cast %slice3A_627 : vector<8x128xf32> to vector<1x1x8x128xf32>
    tpu.vector_store %arg5[%swap3A_628, %swap3A_629, %swap3A_630, %swap3A_631], %swap3A_634 {strides = array<i32>} : memref<4x8x8x128xf32, #tpu.memory_space<vmem>>, vector<1x1x8x128xf32>,
    %slice3A_635 = vector.extract_strided_slice %get3A_288 {offsets = [8, 768], sizes = [8, 128], strides = [1, 1]} : vector<32x1024xf32> to vector<8x128xf32>
    %swap3A_636 = arith.constant 1 : index
    %swap3A_637 = arith.constant 6 : index
    %swap3A_638 = arith.constant 0 : index
    %swap3A_639 = arith.constant 0 : index
    %swap3A_640 = vector.load %arg5[%swap3A_636, %swap3A_637, %swap3A_638, %swap3A_639] : memref<4x8x8x128xf32, #tpu.memory_space<vmem>>, vector<1x1x8x128xf32>
    %swap3A_641 = vector.shape_cast %swap3A_640 : vector<1x1x8x128xf32> to vector<8x128xf32>
    %swap3A_642 = vector.shape_cast %slice3A_635 : vector<8x128xf32> to vector<1x1x8x128xf32>
    tpu.vector_store %arg5[%swap3A_636, %swap3A_637, %swap3A_638, %swap3A_639], %swap3A_642 {strides = array<i32>} : memref<4x8x8x128xf32, #tpu.memory_space<vmem>>, vector<1x1x8x128xf32>,
    %slice3A_643 = vector.extract_strided_slice %get3A_288 {offsets = [8, 896], sizes = [8, 128], strides = [1, 1]} : vector<32x1024xf32> to vector<8x128xf32>
    %swap3A_644 = arith.constant 1 : index
    %swap3A_645 = arith.constant 7 : index
    %swap3A_646 = arith.constant 0 : index
    %swap3A_647 = arith.constant 0 : index
    %swap3A_648 = vector.load %arg5[%swap3A_644, %swap3A_645, %swap3A_646, %swap3A_647] : memref<4x8x8x128xf32, #tpu.memory_space<vmem>>, vector<1x1x8x128xf32>
    %swap3A_649 = vector.shape_cast %swap3A_648 : vector<1x1x8x128xf32> to vector<8x128xf32>
    %swap3A_650 = vector.shape_cast %slice3A_643 : vector<8x128xf32> to vector<1x1x8x128xf32>
    tpu.vector_store %arg5[%swap3A_644, %swap3A_645, %swap3A_646, %swap3A_647], %swap3A_650 {strides = array<i32>} : memref<4x8x8x128xf32, #tpu.memory_space<vmem>>, vector<1x1x8x128xf32>,
    %slice3A_651 = vector.extract_strided_slice %get3A_288 {offsets = [16, 0], sizes = [8, 128], strides = [1, 1]} : vector<32x1024xf32> to vector<8x128xf32>
    %swap3A_652 = arith.constant 2 : index
    %swap3A_653 = arith.constant 0 : index
    %swap3A_654 = arith.constant 0 : index
    %swap3A_655 = arith.constant 0 : index
    %swap3A_656 = vector.load %arg5[%swap3A_652, %swap3A_653, %swap3A_654, %swap3A_655] : memref<4x8x8x128xf32, #tpu.memory_space<vmem>>, vector<1x1x8x128xf32>
    %swap3A_657 = vector.shape_cast %swap3A_656 : vector<1x1x8x128xf32> to vector<8x128xf32>
    %swap3A_658 = vector.shape_cast %slice3A_651 : vector<8x128xf32> to vector<1x1x8x128xf32>
    tpu.vector_store %arg5[%swap3A_652, %swap3A_653, %swap3A_654, %swap3A_655], %swap3A_658 {strides = array<i32>} : memref<4x8x8x128xf32, #tpu.memory_space<vmem>>, vector<1x1x8x128xf32>,
    %slice3A_659 = vector.extract_strided_slice %get3A_288 {offsets = [16, 128], sizes = [8, 128], strides = [1, 1]} : vector<32x1024xf32> to vector<8x128xf32>
    %swap3A_660 = arith.constant 2 : index
    %swap3A_661 = arith.constant 1 : index
    %swap3A_662 = arith.constant 0 : index
    %swap3A_663 = arith.constant 0 : index
    %swap3A_664 = vector.load %arg5[%swap3A_660, %swap3A_661, %swap3A_662, %swap3A_663] : memref<4x8x8x128xf32, #tpu.memory_space<vmem>>, vector<1x1x8x128xf32>
    %swap3A_665 = vector.shape_cast %swap3A_664 : vector<1x1x8x128xf32> to vector<8x128xf32>
    %swap3A_666 = vector.shape_cast %slice3A_659 : vector<8x128xf32> to vector<1x1x8x128xf32>
    tpu.vector_store %arg5[%swap3A_660, %swap3A_661, %swap3A_662, %swap3A_663], %swap3A_666 {strides = array<i32>} : memref<4x8x8x128xf32, #tpu.memory_space<vmem>>, vector<1x1x8x128xf32>,
    %slice3A_667 = vector.extract_strided_slice %get3A_288 {offsets = [16, 256], sizes = [8, 128], strides = [1, 1]} : vector<32x1024xf32> to vector<8x128xf32>
    %swap3A_668 = arith.constant 2 : index
    %swap3A_669 = arith.constant 2 : index
    %swap3A_670 = arith.constant 0 : index
    %swap3A_671 = arith.constant 0 : index
    %swap3A_672 = vector.load %arg5[%swap3A_668, %swap3A_669, %swap3A_670, %swap3A_671] : memref<4x8x8x128xf32, #tpu.memory_space<vmem>>, vector<1x1x8x128xf32>
    %swap3A_673 = vector.shape_cast %swap3A_672 : vector<1x1x8x128xf32> to vector<8x128xf32>
    %swap3A_674 = vector.shape_cast %slice3A_667 : vector<8x128xf32> to vector<1x1x8x128xf32>
    tpu.vector_store %arg5[%swap3A_668, %swap3A_669, %swap3A_670, %swap3A_671], %swap3A_674 {strides = array<i32>} : memref<4x8x8x128xf32, #tpu.memory_space<vmem>>, vector<1x1x8x128xf32>,
    %slice3A_675 = vector.extract_strided_slice %get3A_288 {offsets = [16, 384], sizes = [8, 128], strides = [1, 1]} : vector<32x1024xf32> to vector<8x128xf32>
    %swap3A_676 = arith.constant 2 : index
    %swap3A_677 = arith.constant 3 : index
    %swap3A_678 = arith.constant 0 : index
    %swap3A_679 = arith.constant 0 : index
    %swap3A_680 = vector.load %arg5[%swap3A_676, %swap3A_677, %swap3A_678, %swap3A_679] : memref<4x8x8x128xf32, #tpu.memory_space<vmem>>, vector<1x1x8x128xf32>
    %swap3A_681 = vector.shape_cast %swap3A_680 : vector<1x1x8x128xf32> to vector<8x128xf32>
    %swap3A_682 = vector.shape_cast %slice3A_675 : vector<8x128xf32> to vector<1x1x8x128xf32>
    tpu.vector_store %arg5[%swap3A_676, %swap3A_677, %swap3A_678, %swap3A_679], %swap3A_682 {strides = array<i32>} : memref<4x8x8x128xf32, #tpu.memory_space<vmem>>, vector<1x1x8x128xf32>,
    %slice3A_683 = vector.extract_strided_slice %get3A_288 {offsets = [16, 512], sizes = [8, 128], strides = [1, 1]} : vector<32x1024xf32> to vector<8x128xf32>
    %swap3A_684 = arith.constant 2 : index
    %swap3A_685 = arith.constant 4 : index
    %swap3A_686 = arith.constant 0 : index
    %swap3A_687 = arith.constant 0 : index
    %swap3A_688 = vector.load %arg5[%swap3A_684, %swap3A_685, %swap3A_686, %swap3A_687] : memref<4x8x8x128xf32, #tpu.memory_space<vmem>>, vector<1x1x8x128xf32>
    %swap3A_689 = vector.shape_cast %swap3A_688 : vector<1x1x8x128xf32> to vector<8x128xf32>
    %swap3A_690 = vector.shape_cast %slice3A_683 : vector<8x128xf32> to vector<1x1x8x128xf32>
    tpu.vector_store %arg5[%swap3A_684, %swap3A_685, %swap3A_686, %swap3A_687], %swap3A_690 {strides = array<i32>} : memref<4x8x8x128xf32, #tpu.memory_space<vmem>>, vector<1x1x8x128xf32>,
    %slice3A_691 = vector.extract_strided_slice %get3A_288 {offsets = [16, 640], sizes = [8, 128], strides = [1, 1]} : vector<32x1024xf32> to vector<8x128xf32>
    %swap3A_692 = arith.constant 2 : index
    %swap3A_693 = arith.constant 5 : index
    %swap3A_694 = arith.constant 0 : index
    %swap3A_695 = arith.constant 0 : index
    %swap3A_696 = vector.load %arg5[%swap3A_692, %swap3A_693, %swap3A_694, %swap3A_695] : memref<4x8x8x128xf32, #tpu.memory_space<vmem>>, vector<1x1x8x128xf32>
    %swap3A_697 = vector.shape_cast %swap3A_696 : vector<1x1x8x128xf32> to vector<8x128xf32>
    %swap3A_698 = vector.shape_cast %slice3A_691 : vector<8x128xf32> to vector<1x1x8x128xf32>
    tpu.vector_store %arg5[%swap3A_692, %swap3A_693, %swap3A_694, %swap3A_695], %swap3A_698 {strides = array<i32>} : memref<4x8x8x128xf32, #tpu.memory_space<vmem>>, vector<1x1x8x128xf32>,
    %slice3A_699 = vector.extract_strided_slice %get3A_288 {offsets = [16, 768], sizes = [8, 128], strides = [1, 1]} : vector<32x1024xf32> to vector<8x128xf32>
    %swap3A_700 = arith.constant 2 : index
    %swap3A_701 = arith.constant 6 : index
    %swap3A_702 = arith.constant 0 : index
    %swap3A_703 = arith.constant 0 : index
    %swap3A_704 = vector.load %arg5[%swap3A_700, %swap3A_701, %swap3A_702, %swap3A_703] : memref<4x8x8x128xf32, #tpu.memory_space<vmem>>, vector<1x1x8x128xf32>
    %swap3A_705 = vector.shape_cast %swap3A_704 : vector<1x1x8x128xf32> to vector<8x128xf32>
    %swap3A_706 = vector.shape_cast %slice3A_699 : vector<8x128xf32> to vector<1x1x8x128xf32>
    tpu.vector_store %arg5[%swap3A_700, %swap3A_701, %swap3A_702, %swap3A_703], %swap3A_706 {strides = array<i32>} : memref<4x8x8x128xf32, #tpu.memory_space<vmem>>, vector<1x1x8x128xf32>,
    %slice3A_707 = vector.extract_strided_slice %get3A_288 {offsets = [16, 896], sizes = [8, 128], strides = [1, 1]} : vector<32x1024xf32> to vector<8x128xf32>
    %swap3A_708 = arith.constant 2 : index
    %swap3A_709 = arith.constant 7 : index
    %swap3A_710 = arith.constant 0 : index
    %swap3A_711 = arith.constant 0 : index
    %swap3A_712 = vector.load %arg5[%swap3A_708, %swap3A_709, %swap3A_710, %swap3A_711] : memref<4x8x8x128xf32, #tpu.memory_space<vmem>>, vector<1x1x8x128xf32>
    %swap3A_713 = vector.shape_cast %swap3A_712 : vector<1x1x8x128xf32> to vector<8x128xf32>
    %swap3A_714 = vector.shape_cast %slice3A_707 : vector<8x128xf32> to vector<1x1x8x128xf32>
    tpu.vector_store %arg5[%swap3A_708, %swap3A_709, %swap3A_710, %swap3A_711], %swap3A_714 {strides = array<i32>} : memref<4x8x8x128xf32, #tpu.memory_space<vmem>>, vector<1x1x8x128xf32>,
    %slice3A_715 = vector.extract_strided_slice %get3A_288 {offsets = [24, 0], sizes = [8, 128], strides = [1, 1]} : vector<32x1024xf32> to vector<8x128xf32>
    %swap3A_716 = arith.constant 3 : index
    %swap3A_717 = arith.constant 0 : index
    %swap3A_718 = arith.constant 0 : index
    %swap3A_719 = arith.constant 0 : index
    %swap3A_720 = vector.load %arg5[%swap3A_716, %swap3A_717, %swap3A_718, %swap3A_719] : memref<4x8x8x128xf32, #tpu.memory_space<vmem>>, vector<1x1x8x128xf32>
    %swap3A_721 = vector.shape_cast %swap3A_720 : vector<1x1x8x128xf32> to vector<8x128xf32>
    %swap3A_722 = vector.shape_cast %slice3A_715 : vector<8x128xf32> to vector<1x1x8x128xf32>
    tpu.vector_store %arg5[%swap3A_716, %swap3A_717, %swap3A_718, %swap3A_719], %swap3A_722 {strides = array<i32>} : memref<4x8x8x128xf32, #tpu.memory_space<vmem>>, vector<1x1x8x128xf32>,
    %slice3A_723 = vector.extract_strided_slice %get3A_288 {offsets = [24, 128], sizes = [8, 128], strides = [1, 1]} : vector<32x1024xf32> to vector<8x128xf32>
    %swap3A_724 = arith.constant 3 : index
    %swap3A_725 = arith.constant 1 : index
    %swap3A_726 = arith.constant 0 : index
    %swap3A_727 = arith.constant 0 : index
    %swap3A_728 = vector.load %arg5[%swap3A_724, %swap3A_725, %swap3A_726, %swap3A_727] : memref<4x8x8x128xf32, #tpu.memory_space<vmem>>, vector<1x1x8x128xf32>
    %swap3A_729 = vector.shape_cast %swap3A_728 : vector<1x1x8x128xf32> to vector<8x128xf32>
    %swap3A_730 = vector.shape_cast %slice3A_723 : vector<8x128xf32> to vector<1x1x8x128xf32>
    tpu.vector_store %arg5[%swap3A_724, %swap3A_725, %swap3A_726, %swap3A_727], %swap3A_730 {strides = array<i32>} : memref<4x8x8x128xf32, #tpu.memory_space<vmem>>, vector<1x1x8x128xf32>,
    %slice3A_731 = vector.extract_strided_slice %get3A_288 {offsets = [24, 256], sizes = [8, 128], strides = [1, 1]} : vector<32x1024xf32> to vector<8x128xf32>
    %swap3A_732 = arith.constant 3 : index
    %swap3A_733 = arith.constant 2 : index
    %swap3A_734 = arith.constant 0 : index
    %swap3A_735 = arith.constant 0 : index
    %swap3A_736 = vector.load %arg5[%swap3A_732, %swap3A_733, %swap3A_734, %swap3A_735] : memref<4x8x8x128xf32, #tpu.memory_space<vmem>>, vector<1x1x8x128xf32>
    %swap3A_737 = vector.shape_cast %swap3A_736 : vector<1x1x8x128xf32> to vector<8x128xf32>
    %swap3A_738 = vector.shape_cast %slice3A_731 : vector<8x128xf32> to vector<1x1x8x128xf32>
    tpu.vector_store %arg5[%swap3A_732, %swap3A_733, %swap3A_734, %swap3A_735], %swap3A_738 {strides = array<i32>} : memref<4x8x8x128xf32, #tpu.memory_space<vmem>>, vector<1x1x8x128xf32>,
    %slice3A_739 = vector.extract_strided_slice %get3A_288 {offsets = [24, 384], sizes = [8, 128], strides = [1, 1]} : vector<32x1024xf32> to vector<8x128xf32>
    %swap3A_740 = arith.constant 3 : index
    %swap3A_741 = arith.constant 3 : index
    %swap3A_742 = arith.constant 0 : index
    %swap3A_743 = arith.constant 0 : index
    %swap3A_744 = vector.load %arg5[%swap3A_740, %swap3A_741, %swap3A_742, %swap3A_743] : memref<4x8x8x128xf32, #tpu.memory_space<vmem>>, vector<1x1x8x128xf32>
    %swap3A_745 = vector.shape_cast %swap3A_744 : vector<1x1x8x128xf32> to vector<8x128xf32>
    %swap3A_746 = vector.shape_cast %slice3A_739 : vector<8x128xf32> to vector<1x1x8x128xf32>
    tpu.vector_store %arg5[%swap3A_740, %swap3A_741, %swap3A_742, %swap3A_743], %swap3A_746 {strides = array<i32>} : memref<4x8x8x128xf32, #tpu.memory_space<vmem>>, vector<1x1x8x128xf32>,
    %slice3A_747 = vector.extract_strided_slice %get3A_288 {offsets = [24, 512], sizes = [8, 128], strides = [1, 1]} : vector<32x1024xf32> to vector<8x128xf32>
    %swap3A_748 = arith.constant 3 : index
    %swap3A_749 = arith.constant 4 : index
    %swap3A_750 = arith.constant 0 : index
    %swap3A_751 = arith.constant 0 : index
    %swap3A_752 = vector.load %arg5[%swap3A_748, %swap3A_749, %swap3A_750, %swap3A_751] : memref<4x8x8x128xf32, #tpu.memory_space<vmem>>, vector<1x1x8x128xf32>
    %swap3A_753 = vector.shape_cast %swap3A_752 : vector<1x1x8x128xf32> to vector<8x128xf32>
    %swap3A_754 = vector.shape_cast %slice3A_747 : vector<8x128xf32> to vector<1x1x8x128xf32>
    tpu.vector_store %arg5[%swap3A_748, %swap3A_749, %swap3A_750, %swap3A_751], %swap3A_754 {strides = array<i32>} : memref<4x8x8x128xf32, #tpu.memory_space<vmem>>, vector<1x1x8x128xf32>,
    %slice3A_755 = vector.extract_strided_slice %get3A_288 {offsets = [24, 640], sizes = [8, 128], strides = [1, 1]} : vector<32x1024xf32> to vector<8x128xf32>
    %swap3A_756 = arith.constant 3 : index
    %swap3A_757 = arith.constant 5 : index
    %swap3A_758 = arith.constant 0 : index
    %swap3A_759 = arith.constant 0 : index
    %swap3A_760 = vector.load %arg5[%swap3A_756, %swap3A_757, %swap3A_758, %swap3A_759] : memref<4x8x8x128xf32, #tpu.memory_space<vmem>>, vector<1x1x8x128xf32>
    %swap3A_761 = vector.shape_cast %swap3A_760 : vector<1x1x8x128xf32> to vector<8x128xf32>
    %swap3A_762 = vector.shape_cast %slice3A_755 : vector<8x128xf32> to vector<1x1x8x128xf32>
    tpu.vector_store %arg5[%swap3A_756, %swap3A_757, %swap3A_758, %swap3A_759], %swap3A_762 {strides = array<i32>} : memref<4x8x8x128xf32, #tpu.memory_space<vmem>>, vector<1x1x8x128xf32>,
    %slice3A_763 = vector.extract_strided_slice %get3A_288 {offsets = [24, 768], sizes = [8, 128], strides = [1, 1]} : vector<32x1024xf32> to vector<8x128xf32>
    %swap3A_764 = arith.constant 3 : index
    %swap3A_765 = arith.constant 6 : index
    %swap3A_766 = arith.constant 0 : index
    %swap3A_767 = arith.constant 0 : index
    %swap3A_768 = vector.load %arg5[%swap3A_764, %swap3A_765, %swap3A_766, %swap3A_767] : memref<4x8x8x128xf32, #tpu.memory_space<vmem>>, vector<1x1x8x128xf32>
    %swap3A_769 = vector.shape_cast %swap3A_768 : vector<1x1x8x128xf32> to vector<8x128xf32>
    %swap3A_770 = vector.shape_cast %slice3A_763 : vector<8x128xf32> to vector<1x1x8x128xf32>
    tpu.vector_store %arg5[%swap3A_764, %swap3A_765, %swap3A_766, %swap3A_767], %swap3A_770 {strides = array<i32>} : memref<4x8x8x128xf32, #tpu.memory_space<vmem>>, vector<1x1x8x128xf32>,
    %slice3A_771 = vector.extract_strided_slice %get3A_288 {offsets = [24, 896], sizes = [8, 128], strides = [1, 1]} : vector<32x1024xf32> to vector<8x128xf32>
    %swap3A_772 = arith.constant 3 : index
    %swap3A_773 = arith.constant 7 : index
    %swap3A_774 = arith.constant 0 : index
    %swap3A_775 = arith.constant 0 : index
    %swap3A_776 = vector.load %arg5[%swap3A_772, %swap3A_773, %swap3A_774, %swap3A_775] : memref<4x8x8x128xf32, #tpu.memory_space<vmem>>, vector<1x1x8x128xf32>
    %swap3A_777 = vector.shape_cast %swap3A_776 : vector<1x1x8x128xf32> to vector<8x128xf32>
    %swap3A_778 = vector.shape_cast %slice3A_771 : vector<8x128xf32> to vector<1x1x8x128xf32>
    tpu.vector_store %arg5[%swap3A_772, %swap3A_773, %swap3A_774, %swap3A_775], %swap3A_778 {strides = array<i32>} : memref<4x8x8x128xf32, #tpu.memory_space<vmem>>, vector<1x1x8x128xf32>,
    return
  }
  func.func @transform_0(%arg0: i32) -> (i32, i32, i32, i32) {
    %c0_i32 = arith.constant 0 : i32
    %c0_i32_0 = arith.constant 0 : i32
    %c0_i32_1 = arith.constant 0 : i32
    %c0_i32_2 = arith.constant 0 : i32
    return %arg0, %c0_i32, %c0_i32_0, %c0_i32_1 : i32, i32, i32, i32
  }
  func.func @transform_1(%arg0: i32) -> (i32, i32) {
    %c0_i32 = arith.constant 0 : i32
    %c0_i32_0 = arith.constant 0 : i32
    %c0_i32_1 = arith.constant 0 : i32
    return %c0_i32, %c0_i32_0 : i32, i32
  }
  func.func @transform_2(%arg0: i32) -> (i32, i32, i32) {
    %c0_i32 = arith.constant 0 : i32
    %c0_i32_0 = arith.constant 0 : i32
    %c0_i32_1 = arith.constant 0 : i32
    return %arg0, %c0_i32, %c0_i32_0 : i32, i32, i32
  }
  func.func @transform_3(%arg0: i32) -> i32 {
    %c0_i32 = arith.constant 0 : i32
    return %arg0 : i32
  }
  func.func @transform_4(%arg0: i32) -> (i32, i32, i32, i32) {
    %c0_i32 = arith.constant 0 : i32
    %c0_i32_0 = arith.constant 0 : i32
    %c0_i32_1 = arith.constant 0 : i32
    %c0_i32_2 = arith.constant 0 : i32
    return %c0_i32, %arg0, %c0_i32_0, %c0_i32_1 : i32, i32, i32, i32
  }
}

</mosaic_0001>

<sc_bundles>
// kernel: kernel.4.cloned.1.call-start
scs
__scs_entry_jumppad:
0x0: {  	(pc) =	sbr.rel $0x88, $3  }
0x1: {  	(tag) =	ssettag $0x0;
	lr =	simm.s32 $0x1  }
0x2: {  	[smem:$0x3F9F] =	sst lr;
	_ =	strace $0xD0000000  }
0x3: {  	_ = 	snop  }
0x4: {  	_ = 	snop  }
0x5: {  	_ = 	snop  }
0x6: {  	_ = 	snop  }
0x7: {  	_ = 	snop  }
__scs_overlays_trampoline_lowered:
0x8: {  	[smem:$0x3FAE] =	sst s0  }
0x9: {  	[smem:$0x3FAF] =	sst s1  }
0xa: {  	[smem:$0x3FB0] =	sst s2  }
0xb: {  	[smem:$0x3FB1] =	sst s3  }
0xc: {  	[smem:$0x3FB2] =	sst s4  }
0xd: {  	[smem:$0x3FB3] =	sst s5  }
0xe: {  	[smem:$0x3FB4] =	sst s6  }
0xf: {  	[smem:$0x3FB5] =	sst s7  }
0x10: {  	[smem:$0x3FB6] =	sst s8  }
0x11: {  	[smem:$0x3FB7] =	sst s9;
	s0 =	simm.s32 @!p0 $0x0  }
0x12: {  	s1 =	sld [smem:$0x3F9D];
	s0 =	simm.s32 @p0 $0x1  }
0x13: {  	[smem:$0x3FB8] =	sst s0;
	s0 =	simm.s32 @!p1 $0x0  }
0x14: {  	s2 =	sld [smem:$0x3F9C];
	s0 =	simm.s32 @p1 $0x1  }
0x15: {  	[smem:$0x3FB9] =	sst s0;
	s0 =	simm.s32 @!p2 $0x0  }
0x16: {  	s3 =	sld [smem:$0x3FDB];
	s0 =	simm.s32 @p2 $0x1  }
0x17: {  	s4 =	simm.s32 $0x1BF5;
	[smem:$0x3FBB] =	sst s0  }
0x18: {  	s0 =	sld [smem:$0x3F9E];
	_ =	swait.ge [sflag:s4], $0x0  }
0x19: {  	s7 =	sld [smem:$0x3F9F]  }
0x1a: {  	s8 =	sadd.s32 $0xFFFFE003, lr  }
0x1b: {  	s9 =	sadd.s32 $0xFFFFFEF7, lr;
	s5 =	simm.s32 $0xFFFFFFFF;
	p2 =	slt.u32 s8, $0xFFFFF086  }
0x1c: {  	p1 =	slt.u32 s9, $0xF7A;
	s5 =	simm.s32 @!p2 $0x0  }
0x1d: {  	s5 =	simm.s32 @p1 $0x1;
	p0 =	seq.s32 s7, s2  }
0x1e: {  	s7 =	smul.u32 @!p0 $0xF7A, s2;
	p2 =	seq.s32 @!p0 s5, $0x0  }
0x1f: {  	s9 =	smul.u32 $0xF7A, s1;
	s8 =	simm.s32 @!p0 $0x1BF5;
	p2 =	por !p2, p0  }
0x20: {  	[sflag:s8] =	ssyncset.s32 @!p0 $0xFFFFF086;
	s6 =	sadd.s32 @!p0 s3, s7;
	s7 =	simm.s32 @!p0 $0x108  }
0x21: {  	s3 =	sadd.s32 s3, s9;
	s6 =	sadd.s32 @!p0 $0x88, s6;
	s7 =	simm.s32 @p2 $0x1082  }
0x22: {  	[simem:s7], [sflag:s8] =	dma.local @!p0 [hbm:s6], $0xF7A  }
0x23: {  	s9 =	sor.u32 $0xD0000000, s2;
	s6 =	simm.s32 $0x108;
	_ =	swait.ge @!p0 [sflag:s8], $0x0  }
0x24: {  	s3 =	sadd.s32 $0x88, s3;
	s6 =	simm.s32 @!p1 $0x1082;
	[sflag:s4] =	ssyncset.s32 $0xFFFFF086  }
0x25: {  	[simem:s6], [sflag:s4] =	dma.local [hbm:s3], $0xF7A  }
0x26: {  	[smem:$0x3F9F] =	sst s1;
	(tag) =	ssettag s2;
	_ =	strace s9  }
0x27: {  	s1 =	sld [smem:$0x3FAF]  }
0x28: {  	s2 =	sld [smem:$0x3FB0]  }
0x29: {  	s4 =	sld [smem:$0x3FB2]  }
0x2a: {  	p0 =	seq.s32 s5, $0x0;
	s5 =	sld [smem:$0x3FB3]  }
0x2b: {  	s6 =	sld [smem:$0x3FB4]  }
0x2c: {  	s7 =	sld [smem:$0x3FB5]  }
0x2d: {  	s3 =	simm.s32 $0x108;
	s8 =	sld [smem:$0x3FB6]  }
0x2e: {  	s3 =	simm.s32 @!p0 $0x1082;
	s9 =	sld [smem:$0x3FB7]  }
0x2f: {  	lr =	sadd.s32 s0, s3;
	s0 =	sld [smem:$0x3FAE]  }
0x30: {  	s3 =	sld [smem:$0x3FB1]  }
0x31: {  	[smem:$0x3FBA] =	sst s10  }
0x32: {  	s10 =	sld [smem:$0x3FB8];
	_ =	sdelay $0x3  }
0x33: {  	p0 =	seq.s32 s10, $0x1;
	s10 =	sld [smem:$0x3FBA];
	_ =	sdelay $0x3  }
0x34: {  	[smem:$0x3FBA] =	sst s10  }
0x35: {  	s10 =	sld [smem:$0x3FB9];
	_ =	sdelay $0x3  }
0x36: {  	p1 =	seq.s32 s10, $0x1;
	s10 =	sld [smem:$0x3FBA];
	_ =	sdelay $0x3  }
0x37: {  	[smem:$0x3FBA] =	sst s10  }
0x38: {  	s10 =	sld [smem:$0x3FBB]  }
0x39: {  	_ = 	snop;
	(pc) =	sbr.ind lr, $3  }
0x3a: {  	_ = 	snop  }
0x3b: {  	_ = 	snop  }
0x3c: {  	p2 =	seq.s32 s10, $0x1;
	s10 =	sld [smem:$0x3FBA]  }
0x3d: {  	_ =	shalt  }
0x3e: {  	_ =	shalt  }
0x3f: {  	_ =	shalt  }
0x40: {  	_ =	shalt  }
0x41: {  	_ =	shalt  }
0x42: {  	_ =	shalt  }
0x43: {  	_ =	shalt  }
0x44: {  	_ =	shalt  }
0x45: {  	_ =	shalt  }
0x46: {  	_ =	shalt  }
0x47: {  	_ =	shalt  }
0x48: {  	_ =	shalt  }
0x49: {  	_ =	shalt  }
0x4a: {  	_ =	shalt  }
0x4b: {  	_ =	shalt  }
0x4c: {  	_ =	shalt  }
0x4d: {  	_ =	shalt  }
0x4e: {  	_ =	shalt  }
0x4f: {  	_ =	shalt  }
0x50: {  	_ =	shalt  }
0x51: {  	_ =	shalt  }
0x52: {  	_ =	shalt  }
0x53: {  	_ =	shalt  }
0x54: {  	_ =	shalt  }
0x55: {  	_ =	shalt  }
0x56: {  	_ =	shalt  }
0x57: {  	_ =	shalt  }
0x58: {  	_ =	shalt  }
0x59: {  	_ =	shalt  }
0x5a: {  	_ =	shalt  }
0x5b: {  	_ =	shalt  }
0x5c: {  	_ =	shalt  }
0x5d: {  	_ =	shalt  }
0x5e: {  	_ =	shalt  }
0x5f: {  	_ =	shalt  }
0x60: {  	_ =	shalt  }
0x61: {  	_ =	shalt  }
0x62: {  	_ =	shalt  }
0x63: {  	_ =	shalt  }
0x64: {  	_ =	shalt  }
0x65: {  	_ =	shalt  }
0x66: {  	_ =	shalt  }
0x67: {  	_ =	shalt  }
0x68: {  	_ =	shalt  }
0x69: {  	_ =	shalt  }
0x6a: {  	_ =	shalt  }
0x6b: {  	_ =	shalt  }
0x6c: {  	_ =	shalt  }
0x6d: {  	_ =	shalt  }
0x6e: {  	_ =	shalt  }
0x6f: {  	_ =	shalt  }
0x70: {  	_ =	shalt  }
0x71: {  	_ =	shalt  }
0x72: {  	_ =	shalt  }
0x73: {  	_ =	shalt  }
0x74: {  	_ =	shalt  }
0x75: {  	_ =	shalt  }
0x76: {  	_ =	shalt  }
0x77: {  	_ =	shalt  }
0x78: {  	_ =	shalt  }
0x79: {  	_ =	shalt  }
0x7a: {  	_ =	shalt  }
0x7b: {  	_ =	shalt  }
0x7c: {  	_ =	shalt  }
0x7d: {  	_ =	shalt  }
0x7e: {  	_ =	shalt  }
0x7f: {  	_ =	shalt  }
0x80: {  	_ =	shalt  }
0x81: {  	_ =	shalt  }
0x82: {  	_ =	shalt  }
0x83: {  	_ =	shalt  }
0x84: {  	_ =	shalt  }
0x85: {  	_ =	shalt  }
0x86: {  	_ =	shalt  }
0x87: {  	_ =	shalt  }
.Lfunc_end0:
.L_simem_size_0:
called_computation_lowered:
.L_overlay_start_0:
0x88: {  	s2 =	sld [smem:$0x3FD9]  }
0x89: {  	s3 =	sld [smem:$0x3FFE];
	_ =	sdelay $0x1  }
0x8a: {  	s1 =	srdreg.scid  }
0x8b: {  	s0 =	sand.u32 $0x1, s1  }
0x8c: {  	s14 =	sshll.u32 s0, $0xA;
	s2 =	sadd.s32 s3, s2  }
0x8d: {  	s2 =	sadd.s32 s2, s14  }
0x8e: {  	[smem:$0x3FC6] =	sst s2  }
0x8f: {  	_ = 	snop  }
0x90: {  	s2 =	sld [smem:$0x3FD0];
	_ =	sdelay $0x2  }
0x91: {  	s15 =	simm.s32 $0xA;
	s4 =	simm.s32 $0x10  }
0x92: {  	[smem:s4], [sflag:s15] =	dma.local [hbm:s2], $0x1  }
0x93: {  	_ =	swait.eq [sflag:s15], $0x1  }
0x94: {  	[sflag:s15] =	ssyncset.done $0x0  }
0x95: {  	s16 =	sld [smem:$0x10];
	[sflag:s15] =	ssyncadd.s32 $0xFFFFFFFF  }
0x96: {  	s17 =	sld [smem:$0x12];
	(tm) =	ssettm $0x1  }
0x97: {  	s18 =	sld [smem:$0x3FFB];
	_ =	sdelay $0x3  }
0x98: {  	_ =	strace s18  }
0x99: {  	s4 =	sld [smem:$0x3FFC];
	_ =	sdelay $0x3  }
0x9a: {  	_ =	strace s4  }
0x9b: {  	s4 =	sld [smem:$0x3FFD];
	_ =	sdelay $0x3  }
0x9c: {  	_ =	strace s4  }
0x9d: {  	_ =	strace $0x8FFFFFFF  }
0x9e: {  	s19 =	sld [smem:$0x3FDB];
	_ =	sdelay $0x1  }
0x9f: {  	s5 =	simm.s32 $_scs_section_size  }
0xa0: {  	s6 =	simm.s32 $_size__tile_overlayer_lowered;
	s7 =	simm.s32 $_tile_overlayer_lowered  }
0xa1: {  	s22 =	simm.s32 $0x1BFF;
	s21 =	sshll.u32 s7, $0x1;
	s4 =	sadd.s32 s5, s19  }
0xa2: {  	s8 =	simm.s32 $0x0;
	s20 =	sshll.u32 s6, $0x1;
	s6 =	sadd.s32 s21, s4  }
0xa3: {  	[timem:s8], [sflag:s22] =	dma.local [hbm:s6], s20  }
0xa4: {  	_ =	swait.ge [sflag:s22], s20  }
0xa5: {  	s5 =	ssub.s32 $0x0, s20;
	[sflag:s22] =	ssyncset.done $0x0  }
0xa6: {  	[sflag:s22] =	ssyncadd.s32 s5;
	_ =	sdelay $0x1  }
0xa7: {  	s23 =	simm.s32 $0x1B8B  }
0xa8: {  	_ =	swait.ge [sflag:s23], $0x1  }
0xa9: {  	[sflag:s23] =	ssyncset.done $0x0  }
0xaa: {  	s25 =	simm.s32 $0x1B8E;
	s24 =	sld [smem:$0x3FFE];
	[sflag:s23] =	ssyncadd.s32 $0xFFFFFFFF  }
0xab: {  	s26 =	simm.s32 $execute0_lowered;
	[smem:$0x3FD2] =	sst s25  }
0xac: {  	s6 =	sshll.u32 s26, $0x1;
	_ =	strace $0x80000046;
	[dreg:$0x1] =	wrdreg $0xFFFFFFFF  }
0xad: {  	s28 =	simm.s32 $_size_execute0_lowered;
	s4 =	sadd.s32 s4, s6;
	[dreg:$0x0] =	wrdreg $0x0  }
0xae: {  	s6 =	sshll.u32 s28, $0x1;
	[dreg:$0x2] =	wrdreg s4  }
0xaf: {  	[dreg:$0x3] =	wrdreg s6  }
0xb0: {  	[dreg:$0x4] =	wrdreg $0xC0  }
0xb1: {  	_ =	task [dreg:s8], $0x5FFFF  }
0xb2: {  	[dreg:$0x1] =	wrdreg $0xFFFFFFFF  }
0xb3: {  	[dreg:$0x0] =	wrdreg $0x60  }
0xb4: {  	[dreg:$0x2] =	wrdreg s24  }
0xb5: {  	[dreg:$0x3] =	wrdreg s17  }
0xb6: {  	[dreg:$0x4] =	wrdreg s16  }
0xb7: {  	[dreg:$0x5] =	wrdreg $0x9  }
0xb8: {  	_ =	task.clear_ibuf [dreg:s8], $0x6FFFF;
	_ =	strace $0x90000046  }
0xb9: {  	s29 =	simm.s32 $0x9;
	_ =	strace $0x80000048  }
0xba: {  	_ =	swait.ge [sflag:s29], $0x1  }
0xbb: {  	[sflag:s29] =	ssyncadd.s32 $0xFFFFFFFF  }
0xbc: {  	_ =	strace $0x90000048  }
0xbd: {  	_ =	sfence  }
0xbe: {  	s30 =	sld [smem:$0x0];
	_ =	sdelay $0x2  }
0xbf: {  	s31 =	sshll.u32 s1, $0xD;
	s1 =	sshrl.u32 s1, $0x2  }
0xc0: {  	s3 =	sand.u32 $0x4000, s31;
	s1 =	sadd.s32 s1, s30  }
0xc1: {  	s0 =	sor.u32 s3, s0;
	s1 =	sshll.u32 s1, $0x11  }
0xc2: {  	s0 =	sor.u32 s1, s0  }
0xc3: {  	s0 =	sadd.s32 $0x8F2B, s0  }
0xc4: {  	[sflag:s0] =	ssyncadd.remote.s32 $0x1  }
0xc5: {  	_ =	sfence.sel $0xFFFF  }
0xc6: {  	[dreg:$0x0] =	wrdreg $0xFFFFFFFF;
	(pc) =	sbr.abs _section_cstart, $3  }
0xc7: {  	[dreg:$0x1] =	wrdreg $0xFFFFFFFF  }
0xc8: {  	_ =	task.clear_ibuf [dreg:s8], $0x2FFFF;
	_ =	strace $0x9FFFFFFF  }
0xc9: {  	(tm) =	ssettm $0x7FFFFFFF  }
tec
execute0_lowered:
.L_overlay_start_1:
0x0: {  	(tag) =	ssettag $0x1  }
0x1: {  	s0 =	rddreg [dreg:$0x0]  }
0x2: {  	s1 =	rddreg [dreg:$0x1]  }
0x3: {  	s3 =	rddreg [dreg:$0x2];
	s4 =	srdreg.scid  }
0x4: {  	s5 =	stileid.u32;
	s2 =	simm.s32 $0x0;
	s4 =	sand.u32 $0x1, s4  }
0x5: {  	s5 =	sshll.u32 s5, $0x1;
	[smem:$0x7FF] =	sst s2;
	s7 =	sadd.s32 $0x1200, s0  }
0x6: {  	s5 =	sor.u32 s4, s5;
	_ =	strace $0x80000047;
	s4 =	ssub.s32 $0x2, s4  }
0x7: {  	[dreg:$0x8] =	wrdreg s7;
	s6 =	sshll.u32 s5, $0x7;
	s26 =	sshll.u32 s5, $0xA  }
0x8: {  	s25 =	sshrl.u32 s4, $0x1;
	s28 =	sshll.u32 s5, $0xC;
	s1 =	sadd.s32 s1, s26  }
0x9: {  	s6 =	sadd.s32 s6, s0;
	s29 =	sadd.s32 s3, s28;
	[dreg:$0xa] =	wrdreg s1  }
0xa: {  	s0 =	sadd.s32 $0x3200, s0;
	s6 =	sadd.s32 $0x2200, s6;
	[dreg:$0xc] =	wrdreg s29  }
0xb: {  	s4 =	ssub.s32 s4, s25;
	s5 =	sadd.s32 s0, s28;
	[dreg:$0x9] =	wrdreg s6  }
0xc: {  	s1 =	sor.u32 $0x40, s28;
	s31 =	smax.u32 s4, $0x1;
	[dreg:$0xb] =	wrdreg s5  }
0xd: {  	s0 =	sadd.s32 s0, s1;
	[dreg:$0xf] =	wrdreg s31  }
0xe: {  	s30 =	sadd.s32 s3, s1;
	[dreg:$0xd] =	wrdreg s0  }
0xf: {  	s6 =	simm.s32 $0x1;
	s1 =	simm.s32 $0x0;
	[dreg:$0xe] =	wrdreg s30  }
.LBB2_1:
0x10: {  	[dreg:$0x10] =	wrdreg s1  }
0x11: {  	s0 =	rddreg [dreg:$0x8]  }
0x12: {  	s17 =	rddreg [dreg:$0x9]  }
0x13: {  	[tilespmem:s2], [sflag:$0x1] =	stream.linear.gather [hbm4b:s0+s2], $0x8000, $0x38;
	[tilespmem:$0x1C400] =	vst v63  }
0x14: {  	s18 =	simm.s32 $0x8000;
	s19 =	rddreg [dreg:$0xa]  }
0x15: {  	[tilespmem:s18], [sflag:$0x1] =	stream.linear.gather [hbm4b:s17+s2], $0x400, $0x38;
	[tilespmem:$0x1C400] =	vst v63  }
0x16: {  	s20 =	simm.s32 $0x2000;
	s3 =	simm.s32 $0x40000;
	s4 =	simm.s32 $0x10400  }
0x17: {  	[tilespmem:s4], [sflag:$0x1] =	stream.strided.gather [hbm4b:s19+s20], $0x8000, s3, s20, $0x38;
	[tilespmem:$0x1C400] =	vst v63  }
0x18: {  	_ =	swait.ge [sflag:s6], $0x8000  }
0x19: {  	[sflag:s6] =	ssyncset.done $0x0  }
0x1a: {  	[sflag:s6] =	ssyncadd.s32 $0xFFFF8000  }
0x1b: {  	_ =	swait.ge [sflag:s6], $0x400  }
0x1c: {  	[sflag:s6] =	ssyncset.done $0x0  }
0x1d: {  	[sflag:s6] =	ssyncadd.s32 $0xFFFFFC00  }
0x1e: {  	_ =	swait.ge [sflag:s6], $0x8000  }
0x1f: {  	[sflag:s6] =	ssyncset.done $0x0  }
0x20: {  	s20 =	simm.s32 $0x0;
	[sflag:s6] =	ssyncadd.s32 $0xFFFF8000  }
0x21: {  	v0 =	vld [tilespmem:s20+$0x8000];
	_ =	sdelay $0x7  }
0x22: {  	v1 =	vld.idx.msk [tilespmem:v0+s2+$0x0], $0xffff;
	_ =	sdelay $0x2  }
0x23: {  	s21 =	simm.s32 $0x0;
	s11 =	sand.u32 $0xC00, s2  }
0x24: {  	s9 =	sand.u32 $0x60, s21;
	s0 =	sadd.s32 $0x10400, s11  }
0x25: {  	s22 =	sor.u32 s9, s0;
	[tilespmem:s20+$0x8400] =	vst v1  }
0x26: {  	v2 =	vld [tilespmem:s22+$0x0];
	_ =	sdelay $0x2  }
0x27: {  	v3 =	vadd.s32 $0x400, v0;
	_ =	sdelay $0x1  }
0x28: {  	v1 =	vsub.f32 v2, v1;
	_ =	sdelay $0x1  }
0x29: {  	[tilespmem:s20+$0x18400] =	vst v1  }
0x2a: {  	v1 =	vld.idx.msk [tilespmem:v3+s2+$0x0], $0xffff;
	_ =	sdelay $0x4  }
0x2b: {  	[tilespmem:s20+$0x8800] =	vst v1  }
0x2c: {  	v2 =	vld [tilespmem:s22+$0x80];
	_ =	sdelay $0x2  }
0x2d: {  	v3 =	vadd.s32 $0x800, v0;
	_ =	sdelay $0x1  }
0x2e: {  	v1 =	vsub.f32 v2, v1;
	_ =	sdelay $0x1  }
0x2f: {  	[tilespmem:s20+$0x18600] =	vst v1  }
0x30: {  	v1 =	vld.idx.msk [tilespmem:v3+s2+$0x0], $0xffff;
	_ =	sdelay $0x4  }
0x31: {  	[tilespmem:s20+$0x8C00] =	vst v1  }
0x32: {  	v2 =	vld [tilespmem:s22+$0x100];
	_ =	sdelay $0x2  }
0x33: {  	v3 =	vadd.s32 $0xC00, v0;
	_ =	sdelay $0x1  }
0x34: {  	v1 =	vsub.f32 v2, v1;
	_ =	sdelay $0x1  }
0x35: {  	[tilespmem:s20+$0x18800] =	vst v1  }
0x36: {  	v1 =	vld.idx.msk [tilespmem:v3+s2+$0x0], $0xffff;
	_ =	sdelay $0x4  }
0x37: {  	[tilespmem:s20+$0x9000] =	vst v1  }
0x38: {  	v2 =	vld [tilespmem:s22+$0x180];
	_ =	sdelay $0x2  }
0x39: {  	v3 =	vadd.s32 $0x1000, v0;
	_ =	sdelay $0x1  }
0x3a: {  	v1 =	vsub.f32 v2, v1;
	_ =	sdelay $0x1  }
0x3b: {  	[tilespmem:s20+$0x18A00] =	vst v1  }
0x3c: {  	v1 =	vld.idx.msk [tilespmem:v3+s2+$0x0], $0xffff;
	_ =	sdelay $0x4  }
0x3d: {  	[tilespmem:s20+$0x9400] =	vst v1  }
0x3e: {  	v2 =	vld [tilespmem:s22+$0x200];
	_ =	sdelay $0x2  }
0x3f: {  	v3 =	vadd.s32 $0x1400, v0;
	_ =	sdelay $0x1  }
0x40: {  	v1 =	vsub.f32 v2, v1;
	_ =	sdelay $0x1  }
0x41: {  	[tilespmem:s20+$0x18C00] =	vst v1  }
0x42: {  	v1 =	vld.idx.msk [tilespmem:v3+s2+$0x0], $0xffff;
	_ =	sdelay $0x4  }
0x43: {  	[tilespmem:s20+$0x9800] =	vst v1  }
0x44: {  	v2 =	vld [tilespmem:s22+$0x280];
	_ =	sdelay $0x2  }
0x45: {  	v3 =	vadd.s32 $0x1800, v0;
	_ =	sdelay $0x1  }
0x46: {  	v1 =	vsub.f32 v2, v1;
	_ =	sdelay $0x1  }
0x47: {  	[tilespmem:s20+$0x18E00] =	vst v1  }
0x48: {  	v1 =	vld.idx.msk [tilespmem:v3+s2+$0x0], $0xffff;
	_ =	sdelay $0x4  }
0x49: {  	[tilespmem:s20+$0x9C00] =	vst v1  }
0x4a: {  	v2 =	vld [tilespmem:s22+$0x300];
	_ =	sdelay $0x2  }
0x4b: {  	v3 =	vadd.s32 $0x1C00, v0;
	_ =	sdelay $0x1  }
0x4c: {  	v1 =	vsub.f32 v2, v1;
	_ =	sdelay $0x1  }
0x4d: {  	[tilespmem:s20+$0x19000] =	vst v1  }
0x4e: {  	v1 =	vld.idx.msk [tilespmem:v3+s2+$0x0], $0xffff;
	_ =	sdelay $0x4  }
0x4f: {  	[tilespmem:s20+$0xA000] =	vst v1  }
0x50: {  	v2 =	vld [tilespmem:s22+$0x380];
	_ =	sdelay $0x2  }
0x51: {  	v3 =	vadd.s32 $0x2000, v0;
	_ =	sdelay $0x1  }
0x52: {  	v1 =	vsub.f32 v2, v1;
	_ =	sdelay $0x1  }
0x53: {  	[tilespmem:s20+$0x19200] =	vst v1  }
0x54: {  	v1 =	vld.idx.msk [tilespmem:v3+s2+$0x0], $0xffff;
	_ =	sdelay $0x3  }
0x55: {  	s1 =	sadd.s32 $0x12400, s11  }
0x56: {  	s23 =	sor.u32 s9, s1;
	[tilespmem:s20+$0xA400] =	vst v1  }
0x57: {  	v2 =	vld [tilespmem:s23+$0x0];
	_ =	sdelay $0x2  }
0x58: {  	v3 =	vadd.s32 $0x2400, v0;
	_ =	sdelay $0x1  }
0x59: {  	v1 =	vsub.f32 v2, v1;
	_ =	sdelay $0x1  }
0x5a: {  	[tilespmem:s20+$0x19400] =	vst v1  }
0x5b: {  	v1 =	vld.idx.msk [tilespmem:v3+s2+$0x0], $0xffff;
	_ =	sdelay $0x3  }
0x5c: {  	s3 =	sadd.s32 $0x12480, s11  }
0x5d: {  	s24 =	sor.u32 s9, s3;
	[tilespmem:s20+$0xA800] =	vst v1  }
0x5e: {  	v2 =	vld [tilespmem:s24+$0x0];
	_ =	sdelay $0x2  }
0x5f: {  	v3 =	vadd.s32 $0x2800, v0;
	_ =	sdelay $0x1  }
0x60: {  	v1 =	vsub.f32 v2, v1;
	_ =	sdelay $0x1  }
0x61: {  	[tilespmem:s20+$0x19600] =	vst v1  }
0x62: {  	v1 =	vld.idx.msk [tilespmem:v3+s2+$0x0], $0xffff;
	_ =	sdelay $0x3  }
0x63: {  	s4 =	sadd.s32 $0x12500, s11  }
0x64: {  	s5 =	sor.u32 s9, s4;
	[tilespmem:s20+$0xAC00] =	vst v1  }
0x65: {  	v2 =	vld [tilespmem:s5+$0x0];
	_ =	sdelay $0x2  }
0x66: {  	v3 =	vadd.s32 $0x2C00, v0;
	_ =	sdelay $0x1  }
0x67: {  	v1 =	vsub.f32 v2, v1;
	_ =	sdelay $0x1  }
0x68: {  	[tilespmem:s20+$0x19800] =	vst v1  }
0x69: {  	v1 =	vld.idx.msk [tilespmem:v3+s2+$0x0], $0xffff;
	_ =	sdelay $0x3  }
0x6a: {  	s5 =	sadd.s32 $0x12580, s11  }
0x6b: {  	s25 =	sor.u32 s9, s5;
	[tilespmem:s20+$0xB000] =	vst v1  }
0x6c: {  	v2 =	vld [tilespmem:s25+$0x0];
	_ =	sdelay $0x2  }
0x6d: {  	v3 =	vadd.s32 $0x3000, v0;
	_ =	sdelay $0x1  }
0x6e: {  	v1 =	vsub.f32 v2, v1;
	_ =	sdelay $0x1  }
0x6f: {  	[tilespmem:s20+$0x19A00] =	vst v1  }
0x70: {  	v1 =	vld.idx.msk [tilespmem:v3+s2+$0x0], $0xffff;
	_ =	sdelay $0x3  }
0x71: {  	s6 =	sadd.s32 $0x12600, s11  }
0x72: {  	s7 =	sor.u32 s9, s6;
	[tilespmem:s20+$0xB400] =	vst v1  }
0x73: {  	v2 =	vld [tilespmem:s7+$0x0];
	_ =	sdelay $0x2  }
0x74: {  	v3 =	vadd.s32 $0x3400, v0;
	_ =	sdelay $0x1  }
0x75: {  	v1 =	vsub.f32 v2, v1;
	_ =	sdelay $0x1  }
0x76: {  	[tilespmem:s20+$0x19C00] =	vst v1  }
0x77: {  	v1 =	vld.idx.msk [tilespmem:v3+s2+$0x0], $0xffff;
	_ =	sdelay $0x3  }
0x78: {  	s7 =	sadd.s32 $0x12680, s11  }
0x79: {  	s8 =	sor.u32 s9, s7;
	[tilespmem:s20+$0xB800] =	vst v1  }
0x7a: {  	v2 =	vld [tilespmem:s8+$0x0];
	_ =	sdelay $0x2  }
0x7b: {  	v3 =	vadd.s32 $0x3800, v0;
	_ =	sdelay $0x1  }
0x7c: {  	v1 =	vsub.f32 v2, v1;
	_ =	sdelay $0x1  }
0x7d: {  	[tilespmem:s20+$0x19E00] =	vst v1  }
0x7e: {  	v1 =	vld.idx.msk [tilespmem:v3+s2+$0x0], $0xffff;
	_ =	sdelay $0x3  }
0x7f: {  	s8 =	sadd.s32 $0x12700, s11  }
0x80: {  	s10 =	sor.u32 s9, s8;
	[tilespmem:s20+$0xBC00] =	vst v1  }
0x81: {  	v2 =	vld [tilespmem:s10+$0x0];
	_ =	sdelay $0x2  }
0x82: {  	v3 =	vadd.s32 $0x3C00, v0;
	_ =	sdelay $0x1  }
0x83: {  	v1 =	vsub.f32 v2, v1;
	_ =	sdelay $0x1  }
0x84: {  	[tilespmem:s20+$0x1A000] =	vst v1  }
0x85: {  	v1 =	vld.idx.msk [tilespmem:v3+s2+$0x0], $0xffff;
	_ =	sdelay $0x3  }
0x86: {  	s10 =	sadd.s32 $0x12780, s11  }
0x87: {  	s12 =	sor.u32 s9, s10;
	[tilespmem:s20+$0xC000] =	vst v1  }
0x88: {  	v2 =	vld [tilespmem:s12+$0x0];
	_ =	sdelay $0x2  }
0x89: {  	v3 =	vadd.s32 $0x4000, v0;
	_ =	sdelay $0x1  }
0x8a: {  	v1 =	vsub.f32 v2, v1;
	_ =	sdelay $0x1  }
0x8b: {  	[tilespmem:s20+$0x1A200] =	vst v1  }
0x8c: {  	v1 =	vld.idx.msk [tilespmem:v3+s2+$0x0], $0xffff;
	_ =	sdelay $0x3  }
0x8d: {  	s12 =	sadd.s32 $0x14400, s11  }
0x8e: {  	s13 =	sor.u32 s9, s12;
	[tilespmem:s20+$0xC400] =	vst v1  }
0x8f: {  	v2 =	vld [tilespmem:s13+$0x0];
	_ =	sdelay $0x2  }
0x90: {  	v3 =	vadd.s32 $0x4400, v0;
	_ =	sdelay $0x1  }
0x91: {  	v1 =	vsub.f32 v2, v1;
	_ =	sdelay $0x1  }
0x92: {  	[tilespmem:s20+$0x1A400] =	vst v1  }
0x93: {  	v1 =	vld.idx.msk [tilespmem:v3+s2+$0x0], $0xffff;
	_ =	sdelay $0x3  }
0x94: {  	s13 =	sadd.s32 $0x14480, s11  }
0x95: {  	s14 =	sor.u32 s9, s13;
	[tilespmem:s20+$0xC800] =	vst v1  }
0x96: {  	v2 =	vld [tilespmem:s14+$0x0];
	_ =	sdelay $0x2  }
0x97: {  	v3 =	vadd.s32 $0x4800, v0;
	_ =	sdelay $0x1  }
0x98: {  	v1 =	vsub.f32 v2, v1;
	_ =	sdelay $0x1  }
0x99: {  	[tilespmem:s20+$0x1A600] =	vst v1  }
0x9a: {  	v1 =	vld.idx.msk [tilespmem:v3+s2+$0x0], $0xffff;
	_ =	sdelay $0x3  }
0x9b: {  	s14 =	sadd.s32 $0x14500, s11  }
0x9c: {  	s15 =	sor.u32 s9, s14;
	[tilespmem:s20+$0xCC00] =	vst v1  }
0x9d: {  	v2 =	vld [tilespmem:s15+$0x0];
	_ =	sdelay $0x2  }
0x9e: {  	v3 =	vadd.s32 $0x4C00, v0;
	_ =	sdelay $0x1  }
0x9f: {  	v1 =	vsub.f32 v2, v1;
	_ =	sdelay $0x1  }
0xa0: {  	[tilespmem:s20+$0x1A800] =	vst v1  }
0xa1: {  	v1 =	vld.idx.msk [tilespmem:v3+s2+$0x0], $0xffff;
	_ =	sdelay $0x3  }
0xa2: {  	s15 =	sadd.s32 $0x14580, s11  }
0xa3: {  	s16 =	sor.u32 s9, s15;
	[tilespmem:s20+$0xD000] =	vst v1  }
0xa4: {  	v2 =	vld [tilespmem:s16+$0x0];
	_ =	sdelay $0x2  }
0xa5: {  	v3 =	vadd.s32 $0x5000, v0;
	_ =	sdelay $0x1  }
0xa6: {  	v1 =	vsub.f32 v2, v1;
	_ =	sdelay $0x1  }
0xa7: {  	[tilespmem:s20+$0x1AA00] =	vst v1  }
0xa8: {  	v1 =	vld.idx.msk [tilespmem:v3+s2+$0x0], $0xffff;
	_ =	sdelay $0x3  }
0xa9: {  	s16 =	sadd.s32 $0x14600, s11  }
0xaa: {  	s17 =	sor.u32 s9, s16;
	[tilespmem:s20+$0xD400] =	vst v1  }
0xab: {  	v2 =	vld [tilespmem:s17+$0x0];
	_ =	sdelay $0x2  }
0xac: {  	v3 =	vadd.s32 $0x5400, v0;
	_ =	sdelay $0x1  }
0xad: {  	v1 =	vsub.f32 v2, v1;
	_ =	sdelay $0x1  }
0xae: {  	[tilespmem:s20+$0x1AC00] =	vst v1  }
0xaf: {  	v1 =	vld.idx.msk [tilespmem:v3+s2+$0x0], $0xffff;
	_ =	sdelay $0x3  }
0xb0: {  	s17 =	sadd.s32 $0x14680, s11  }
0xb1: {  	s18 =	sor.u32 s9, s17;
	[tilespmem:s20+$0xD800] =	vst v1  }
0xb2: {  	v2 =	vld [tilespmem:s18+$0x0];
	_ =	sdelay $0x2  }
0xb3: {  	v3 =	vadd.s32 $0x5800, v0;
	_ =	sdelay $0x1  }
0xb4: {  	v1 =	vsub.f32 v2, v1;
	_ =	sdelay $0x1  }
0xb5: {  	[tilespmem:s20+$0x1AE00] =	vst v1  }
0xb6: {  	v1 =	vld.idx.msk [tilespmem:v3+s2+$0x0], $0xffff;
	_ =	sdelay $0x3  }
0xb7: {  	s18 =	sadd.s32 $0x14700, s11  }
0xb8: {  	s19 =	sor.u32 s9, s18;
	[tilespmem:s20+$0xDC00] =	vst v1  }
0xb9: {  	v2 =	vld [tilespmem:s19+$0x0];
	_ =	sdelay $0x2  }
0xba: {  	v3 =	vadd.s32 $0x5C00, v0;
	_ =	sdelay $0x1  }
0xbb: {  	v1 =	vsub.f32 v2, v1;
	_ =	sdelay $0x1  }
0xbc: {  	[tilespmem:s20+$0x1B000] =	vst v1  }
0xbd: {  	v1 =	vld.idx.msk [tilespmem:v3+s2+$0x0], $0xffff;
	_ =	sdelay $0x3  }
0xbe: {  	s19 =	sadd.s32 $0x14780, s11  }
0xbf: {  	s21 =	sor.u32 s9, s19;
	[tilespmem:s20+$0xE000] =	vst v1  }
0xc0: {  	v2 =	vld [tilespmem:s21+$0x0];
	_ =	sdelay $0x2  }
0xc1: {  	v3 =	vadd.s32 $0x6000, v0;
	_ =	sdelay $0x1  }
0xc2: {  	v1 =	vsub.f32 v2, v1;
	_ =	sdelay $0x1  }
0xc3: {  	[tilespmem:s20+$0x1B200] =	vst v1  }
0xc4: {  	v1 =	vld.idx.msk [tilespmem:v3+s2+$0x0], $0xffff;
	_ =	sdelay $0x3  }
0xc5: {  	s22 =	sadd.s32 $0x16400, s11  }
0xc6: {  	s26 =	sor.u32 s9, s22;
	[tilespmem:s20+$0xE400] =	vst v1  }
0xc7: {  	v2 =	vld [tilespmem:s26+$0x0];
	_ =	sdelay $0x2  }
0xc8: {  	v3 =	vadd.s32 $0x6400, v0;
	_ =	sdelay $0x1  }
0xc9: {  	v1 =	vsub.f32 v2, v1;
	_ =	sdelay $0x1  }
0xca: {  	[tilespmem:s20+$0x1B400] =	vst v1  }
0xcb: {  	v1 =	vld.idx.msk [tilespmem:v3+s2+$0x0], $0xffff;
	_ =	sdelay $0x3  }
0xcc: {  	s23 =	sadd.s32 $0x16480, s11  }
0xcd: {  	s28 =	sor.u32 s9, s23;
	[tilespmem:s20+$0xE800] =	vst v1  }
0xce: {  	v2 =	vld [tilespmem:s28+$0x0];
	_ =	sdelay $0x2  }
0xcf: {  	v3 =	vadd.s32 $0x6800, v0;
	_ =	sdelay $0x1  }
0xd0: {  	v1 =	vsub.f32 v2, v1;
	_ =	sdelay $0x1  }
0xd1: {  	[tilespmem:s20+$0x1B600] =	vst v1  }
0xd2: {  	v1 =	vld.idx.msk [tilespmem:v3+s2+$0x0], $0xffff;
	_ =	sdelay $0x3  }
0xd3: {  	s24 =	sadd.s32 $0x16500, s11  }
0xd4: {  	s29 =	sor.u32 s9, s24;
	[tilespmem:s20+$0xEC00] =	vst v1  }
0xd5: {  	v2 =	vld [tilespmem:s29+$0x0];
	_ =	sdelay $0x2  }
0xd6: {  	v3 =	vadd.s32 $0x6C00, v0;
	_ =	sdelay $0x1  }
0xd7: {  	v1 =	vsub.f32 v2, v1;
	_ =	sdelay $0x1  }
0xd8: {  	[tilespmem:s20+$0x1B800] =	vst v1  }
0xd9: {  	v1 =	vld.idx.msk [tilespmem:v3+s2+$0x0], $0xffff;
	_ =	sdelay $0x3  }
0xda: {  	s28 =	sadd.s32 $0x16580, s11  }
0xdb: {  	s30 =	sor.u32 s9, s28;
	[tilespmem:s20+$0xF000] =	vst v1  }
0xdc: {  	v2 =	vld [tilespmem:s30+$0x0];
	_ =	sdelay $0x2  }
0xdd: {  	v3 =	vadd.s32 $0x7000, v0;
	_ =	sdelay $0x1  }
0xde: {  	v1 =	vsub.f32 v2, v1;
	_ =	sdelay $0x1  }
0xdf: {  	[tilespmem:s20+$0x1BA00] =	vst v1  }
0xe0: {  	v1 =	vld.idx.msk [tilespmem:v3+s2+$0x0], $0xffff;
	_ =	sdelay $0x3  }
0xe1: {  	s29 =	sadd.s32 $0x16600, s11  }
0xe2: {  	s31 =	sor.u32 s9, s29;
	[tilespmem:s20+$0xF400] =	vst v1  }
0xe3: {  	v2 =	vld [tilespmem:s31+$0x0];
	_ =	sdelay $0x2  }
0xe4: {  	v3 =	vadd.s32 $0x7400, v0;
	_ =	sdelay $0x1  }
0xe5: {  	v1 =	vsub.f32 v2, v1;
	_ =	sdelay $0x1  }
0xe6: {  	[tilespmem:s20+$0x1BC00] =	vst v1  }
0xe7: {  	v1 =	vld.idx.msk [tilespmem:v3+s2+$0x0], $0xffff;
	_ =	sdelay $0x3  }
0xe8: {  	s30 =	sadd.s32 $0x16680, s11  }
0xe9: {  	s25 =	sor.u32 s9, s30;
	[tilespmem:s20+$0xF800] =	vst v1  }
0xea: {  	v2 =	vld [tilespmem:s25+$0x0];
	_ =	sdelay $0x2  }
0xeb: {  	v3 =	vadd.s32 $0x7800, v0;
	_ =	sdelay $0x1  }
0xec: {  	v1 =	vsub.f32 v2, v1;
	_ =	sdelay $0x1  }
0xed: {  	[tilespmem:s20+$0x1BE00] =	vst v1  }
0xee: {  	v1 =	vld.idx.msk [tilespmem:v3+s2+$0x0], $0xffff;
	_ =	sdelay $0x3  }
0xef: {  	s31 =	sadd.s32 $0x16700, s11  }
0xf0: {  	s26 =	sor.u32 s9, s31;
	[tilespmem:s20+$0xFC00] =	vst v1  }
0xf1: {  	v2 =	vld [tilespmem:s26+$0x0];
	_ =	sdelay $0x2  }
0xf2: {  	v0 =	vadd.s32 $0x7C00, v0;
	_ =	sdelay $0x1  }
0xf3: {  	v1 =	vsub.f32 v2, v1;
	_ =	sdelay $0x1  }
0xf4: {  	[tilespmem:s20+$0x1C000] =	vst v1  }
0xf5: {  	v1 =	vld.idx.msk [tilespmem:v0+s2+$0x0], $0xffff;
	_ =	sdelay $0x3  }
0xf6: {  	s25 =	sadd.s32 $0x16780, s11  }
0xf7: {  	s9 =	sor.u32 s9, s25;
	v0 =	vld [tilespmem:s20+$0x8010];
	[tilespmem:s20+$0x10000] =	vst v1  }
0xf8: {  	v2 =	vld [tilespmem:s9+$0x0];
	_ =	sdelay $0x4  }
0xf9: {  	v1 =	vsub.f32 v2, v1;
	_ =	sdelay $0x1  }
0xfa: {  	[tilespmem:s20+$0x1C200] =	vst v1  }
0xfb: {  	v1 =	vld.idx.msk [tilespmem:v0+s2+$0x0], $0xffff;
	_ =	sdelay $0x2  }
0xfc: {  	s21 =	simm.s32 $0x10  }
0xfd: {  	s26 =	sand.u32 $0x70, s21  }
0xfe: {  	s0 =	sor.u32 s26, s0;
	[tilespmem:s20+$0x8410] =	vst v1  }
0xff: {  	v2 =	vld [tilespmem:s0+$0x0];
	_ =	sdelay $0x2  }
0x100: {  	v3 =	vadd.s32 $0x400, v0;
	_ =	sdelay $0x1  }
0x101: {  	v1 =	vsub.f32 v2, v1;
	_ =	sdelay $0x1  }
0x102: {  	[tilespmem:s20+$0x18410] =	vst v1  }
0x103: {  	v1 =	vld.idx.msk [tilespmem:v3+s2+$0x0], $0xffff;
	_ =	sdelay $0x4  }
0x104: {  	[tilespmem:s20+$0x8810] =	vst v1  }
0x105: {  	v2 =	vld [tilespmem:s0+$0x80];
	_ =	sdelay $0x2  }
0x106: {  	v3 =	vadd.s32 $0x800, v0;
	_ =	sdelay $0x1  }
0x107: {  	v1 =	vsub.f32 v2, v1;
	_ =	sdelay $0x1  }
0x108: {  	[tilespmem:s20+$0x18610] =	vst v1  }
0x109: {  	v1 =	vld.idx.msk [tilespmem:v3+s2+$0x0], $0xffff;
	_ =	sdelay $0x4  }
0x10a: {  	[tilespmem:s20+$0x8C10] =	vst v1  }
0x10b: {  	v2 =	vld [tilespmem:s0+$0x100];
	_ =	sdelay $0x2  }
0x10c: {  	v3 =	vadd.s32 $0xC00, v0;
	_ =	sdelay $0x1  }
0x10d: {  	v1 =	vsub.f32 v2, v1;
	_ =	sdelay $0x1  }
0x10e: {  	[tilespmem:s20+$0x18810] =	vst v1  }
0x10f: {  	v1 =	vld.idx.msk [tilespmem:v3+s2+$0x0], $0xffff;
	_ =	sdelay $0x4  }
0x110: {  	[tilespmem:s20+$0x9010] =	vst v1  }
0x111: {  	v2 =	vld [tilespmem:s0+$0x180];
	_ =	sdelay $0x2  }
0x112: {  	v3 =	vadd.s32 $0x1000, v0;
	_ =	sdelay $0x1  }
0x113: {  	v1 =	vsub.f32 v2, v1;
	_ =	sdelay $0x1  }
0x114: {  	[tilespmem:s20+$0x18A10] =	vst v1  }
0x115: {  	v1 =	vld.idx.msk [tilespmem:v3+s2+$0x0], $0xffff;
	_ =	sdelay $0x4  }
0x116: {  	[tilespmem:s20+$0x9410] =	vst v1  }
0x117: {  	v2 =	vld [tilespmem:s0+$0x200];
	_ =	sdelay $0x2  }
0x118: {  	v3 =	vadd.s32 $0x1400, v0;
	_ =	sdelay $0x1  }
0x119: {  	v1 =	vsub.f32 v2, v1;
	_ =	sdelay $0x1  }
0x11a: {  	[tilespmem:s20+$0x18C10] =	vst v1  }
0x11b: {  	v1 =	vld.idx.msk [tilespmem:v3+s2+$0x0], $0xffff;
	_ =	sdelay $0x4  }
0x11c: {  	[tilespmem:s20+$0x9810] =	vst v1  }
0x11d: {  	v2 =	vld [tilespmem:s0+$0x280];
	_ =	sdelay $0x2  }
0x11e: {  	v3 =	vadd.s32 $0x1800, v0;
	_ =	sdelay $0x1  }
0x11f: {  	v1 =	vsub.f32 v2, v1;
	_ =	sdelay $0x1  }
0x120: {  	[tilespmem:s20+$0x18E10] =	vst v1  }
0x121: {  	v1 =	vld.idx.msk [tilespmem:v3+s2+$0x0], $0xffff;
	_ =	sdelay $0x4  }
0x122: {  	[tilespmem:s20+$0x9C10] =	vst v1  }
0x123: {  	v2 =	vld [tilespmem:s0+$0x300];
	_ =	sdelay $0x2  }
0x124: {  	v3 =	vadd.s32 $0x1C00, v0;
	_ =	sdelay $0x1  }
0x125: {  	v1 =	vsub.f32 v2, v1;
	_ =	sdelay $0x1  }
0x126: {  	[tilespmem:s20+$0x19010] =	vst v1  }
0x127: {  	v1 =	vld.idx.msk [tilespmem:v3+s2+$0x0], $0xffff;
	_ =	sdelay $0x4  }
0x128: {  	[tilespmem:s20+$0xA010] =	vst v1  }
0x129: {  	v2 =	vld [tilespmem:s0+$0x380];
	_ =	sdelay $0x2  }
0x12a: {  	v3 =	vadd.s32 $0x2000, v0;
	_ =	sdelay $0x1  }
0x12b: {  	v1 =	vsub.f32 v2, v1;
	_ =	sdelay $0x1  }
0x12c: {  	[tilespmem:s20+$0x19210] =	vst v1  }
0x12d: {  	v1 =	vld.idx.msk [tilespmem:v3+s2+$0x0], $0xffff;
	_ =	sdelay $0x4  }
0x12e: {  	s1 =	sor.u32 s26, s1;
	[tilespmem:s20+$0xA410] =	vst v1  }
0x12f: {  	v2 =	vld [tilespmem:s1+$0x0];
	_ =	sdelay $0x2  }
0x130: {  	v3 =	vadd.s32 $0x2400, v0;
	_ =	sdelay $0x1  }
0x131: {  	v1 =	vsub.f32 v2, v1;
	_ =	sdelay $0x1  }
0x132: {  	[tilespmem:s20+$0x19410] =	vst v1  }
0x133: {  	v1 =	vld.idx.msk [tilespmem:v3+s2+$0x0], $0xffff;
	_ =	sdelay $0x4  }
0x134: {  	s3 =	sor.u32 s26, s3;
	[tilespmem:s20+$0xA810] =	vst v1  }
0x135: {  	v2 =	vld [tilespmem:s3+$0x0];
	_ =	sdelay $0x2  }
0x136: {  	v3 =	vadd.s32 $0x2800, v0;
	_ =	sdelay $0x1  }
0x137: {  	v1 =	vsub.f32 v2, v1;
	_ =	sdelay $0x1  }
0x138: {  	[tilespmem:s20+$0x19610] =	vst v1  }
0x139: {  	v1 =	vld.idx.msk [tilespmem:v3+s2+$0x0], $0xffff;
	_ =	sdelay $0x4  }
0x13a: {  	s4 =	sor.u32 s26, s4;
	[tilespmem:s20+$0xAC10] =	vst v1  }
0x13b: {  	v2 =	vld [tilespmem:s4+$0x0];
	_ =	sdelay $0x2  }
0x13c: {  	v3 =	vadd.s32 $0x2C00, v0;
	_ =	sdelay $0x1  }
0x13d: {  	v1 =	vsub.f32 v2, v1;
	_ =	sdelay $0x1  }
0x13e: {  	[tilespmem:s20+$0x19810] =	vst v1  }
0x13f: {  	v1 =	vld.idx.msk [tilespmem:v3+s2+$0x0], $0xffff;
	_ =	sdelay $0x4  }
0x140: {  	s5 =	sor.u32 s26, s5;
	[tilespmem:s20+$0xB010] =	vst v1  }
0x141: {  	v2 =	vld [tilespmem:s5+$0x0];
	_ =	sdelay $0x2  }
0x142: {  	v3 =	vadd.s32 $0x3000, v0;
	_ =	sdelay $0x1  }
0x143: {  	v1 =	vsub.f32 v2, v1;
	_ =	sdelay $0x1  }
0x144: {  	[tilespmem:s20+$0x19A10] =	vst v1  }
0x145: {  	v1 =	vld.idx.msk [tilespmem:v3+s2+$0x0], $0xffff;
	_ =	sdelay $0x4  }
0x146: {  	s6 =	sor.u32 s26, s6;
	[tilespmem:s20+$0xB410] =	vst v1  }
0x147: {  	v2 =	vld [tilespmem:s6+$0x0];
	_ =	sdelay $0x2  }
0x148: {  	v3 =	vadd.s32 $0x3400, v0;
	_ =	sdelay $0x1  }
0x149: {  	v1 =	vsub.f32 v2, v1;
	_ =	sdelay $0x1  }
0x14a: {  	[tilespmem:s20+$0x19C10] =	vst v1  }
0x14b: {  	v1 =	vld.idx.msk [tilespmem:v3+s2+$0x0], $0xffff;
	_ =	sdelay $0x4  }
0x14c: {  	s7 =	sor.u32 s26, s7;
	[tilespmem:s20+$0xB810] =	vst v1  }
0x14d: {  	v2 =	vld [tilespmem:s7+$0x0];
	_ =	sdelay $0x2  }
0x14e: {  	v3 =	vadd.s32 $0x3800, v0;
	_ =	sdelay $0x1  }
0x14f: {  	v1 =	vsub.f32 v2, v1;
	_ =	sdelay $0x1  }
0x150: {  	[tilespmem:s20+$0x19E10] =	vst v1  }
0x151: {  	v1 =	vld.idx.msk [tilespmem:v3+s2+$0x0], $0xffff;
	_ =	sdelay $0x4  }
0x152: {  	s9 =	sor.u32 s26, s8;
	[tilespmem:s20+$0xBC10] =	vst v1  }
0x153: {  	v2 =	vld [tilespmem:s9+$0x0];
	_ =	sdelay $0x2  }
0x154: {  	v3 =	vadd.s32 $0x3C00, v0;
	_ =	sdelay $0x1  }
0x155: {  	v1 =	vsub.f32 v2, v1;
	_ =	sdelay $0x1  }
0x156: {  	[tilespmem:s20+$0x1A010] =	vst v1  }
0x157: {  	v1 =	vld.idx.msk [tilespmem:v3+s2+$0x0], $0xffff;
	_ =	sdelay $0x4  }
0x158: {  	s11 =	sor.u32 s26, s10;
	[tilespmem:s20+$0xC010] =	vst v1  }
0x159: {  	v2 =	vld [tilespmem:s11+$0x0];
	_ =	sdelay $0x2  }
0x15a: {  	v3 =	vadd.s32 $0x4000, v0;
	_ =	sdelay $0x1  }
0x15b: {  	v1 =	vsub.f32 v2, v1;
	_ =	sdelay $0x1  }
0x15c: {  	[tilespmem:s20+$0x1A210] =	vst v1  }
0x15d: {  	v1 =	vld.idx.msk [tilespmem:v3+s2+$0x0], $0xffff;
	_ =	sdelay $0x4  }
0x15e: {  	s12 =	sor.u32 s26, s12;
	[tilespmem:s20+$0xC410] =	vst v1  }
0x15f: {  	v2 =	vld [tilespmem:s12+$0x0];
	_ =	sdelay $0x2  }
0x160: {  	v3 =	vadd.s32 $0x4400, v0;
	_ =	sdelay $0x1  }
0x161: {  	v1 =	vsub.f32 v2, v1;
	_ =	sdelay $0x1  }
0x162: {  	[tilespmem:s20+$0x1A410] =	vst v1  }
0x163: {  	v1 =	vld.idx.msk [tilespmem:v3+s2+$0x0], $0xffff;
	_ =	sdelay $0x4  }
0x164: {  	s13 =	sor.u32 s26, s13;
	[tilespmem:s20+$0xC810] =	vst v1  }
0x165: {  	v2 =	vld [tilespmem:s13+$0x0];
	_ =	sdelay $0x2  }
0x166: {  	v3 =	vadd.s32 $0x4800, v0;
	_ =	sdelay $0x1  }
0x167: {  	v1 =	vsub.f32 v2, v1;
	_ =	sdelay $0x1  }
0x168: {  	[tilespmem:s20+$0x1A610] =	vst v1  }
0x169: {  	v1 =	vld.idx.msk [tilespmem:v3+s2+$0x0], $0xffff;
	_ =	sdelay $0x4  }
0x16a: {  	s14 =	sor.u32 s26, s14;
	[tilespmem:s20+$0xCC10] =	vst v1  }
0x16b: {  	v2 =	vld [tilespmem:s14+$0x0];
	_ =	sdelay $0x2  }
0x16c: {  	v3 =	vadd.s32 $0x4C00, v0;
	_ =	sdelay $0x1  }
0x16d: {  	v1 =	vsub.f32 v2, v1;
	_ =	sdelay $0x1  }
0x16e: {  	[tilespmem:s20+$0x1A810] =	vst v1  }
0x16f: {  	v1 =	vld.idx.msk [tilespmem:v3+s2+$0x0], $0xffff;
	_ =	sdelay $0x4  }
0x170: {  	s15 =	sor.u32 s26, s15;
	[tilespmem:s20+$0xD010] =	vst v1  }
0x171: {  	v2 =	vld [tilespmem:s15+$0x0];
	_ =	sdelay $0x2  }
0x172: {  	v3 =	vadd.s32 $0x5000, v0;
	_ =	sdelay $0x1  }
0x173: {  	v1 =	vsub.f32 v2, v1;
	_ =	sdelay $0x1  }
0x174: {  	[tilespmem:s20+$0x1AA10] =	vst v1  }
0x175: {  	v1 =	vld.idx.msk [tilespmem:v3+s2+$0x0], $0xffff;
	_ =	sdelay $0x4  }
0x176: {  	s16 =	sor.u32 s26, s16;
	[tilespmem:s20+$0xD410] =	vst v1  }
0x177: {  	v2 =	vld [tilespmem:s16+$0x0];
	_ =	sdelay $0x2  }
0x178: {  	v3 =	vadd.s32 $0x5400, v0;
	_ =	sdelay $0x1  }
0x179: {  	v1 =	vsub.f32 v2, v1;
	_ =	sdelay $0x1  }
0x17a: {  	[tilespmem:s20+$0x1AC10] =	vst v1  }
0x17b: {  	v1 =	vld.idx.msk [tilespmem:v3+s2+$0x0], $0xffff;
	_ =	sdelay $0x4  }
0x17c: {  	s17 =	sor.u32 s26, s17;
	[tilespmem:s20+$0xD810] =	vst v1  }
0x17d: {  	v2 =	vld [tilespmem:s17+$0x0];
	_ =	sdelay $0x2  }
0x17e: {  	v3 =	vadd.s32 $0x5800, v0;
	_ =	sdelay $0x1  }
0x17f: {  	v1 =	vsub.f32 v2, v1;
	_ =	sdelay $0x1  }
0x180: {  	[tilespmem:s20+$0x1AE10] =	vst v1  }
0x181: {  	v1 =	vld.idx.msk [tilespmem:v3+s2+$0x0], $0xffff;
	_ =	sdelay $0x4  }
0x182: {  	s18 =	sor.u32 s26, s18;
	[tilespmem:s20+$0xDC10] =	vst v1  }
0x183: {  	v2 =	vld [tilespmem:s18+$0x0];
	_ =	sdelay $0x2  }
0x184: {  	v3 =	vadd.s32 $0x5C00, v0;
	_ =	sdelay $0x1  }
0x185: {  	v1 =	vsub.f32 v2, v1;
	_ =	sdelay $0x1  }
0x186: {  	[tilespmem:s20+$0x1B010] =	vst v1  }
0x187: {  	v1 =	vld.idx.msk [tilespmem:v3+s2+$0x0], $0xffff;
	_ =	sdelay $0x4  }
0x188: {  	s19 =	sor.u32 s26, s19;
	[tilespmem:s20+$0xE010] =	vst v1  }
0x189: {  	v2 =	vld [tilespmem:s19+$0x0];
	_ =	sdelay $0x2  }
0x18a: {  	v3 =	vadd.s32 $0x6000, v0;
	_ =	sdelay $0x1  }
0x18b: {  	v1 =	vsub.f32 v2, v1;
	_ =	sdelay $0x1  }
0x18c: {  	[tilespmem:s20+$0x1B210] =	vst v1  }
0x18d: {  	v1 =	vld.idx.msk [tilespmem:v3+s2+$0x0], $0xffff;
	_ =	sdelay $0x4  }
0x18e: {  	s22 =	sor.u32 s26, s22;
	[tilespmem:s20+$0xE410] =	vst v1  }
0x18f: {  	v2 =	vld [tilespmem:s22+$0x0];
	_ =	sdelay $0x2  }
0x190: {  	v3 =	vadd.s32 $0x6400, v0;
	_ =	sdelay $0x1  }
0x191: {  	v1 =	vsub.f32 v2, v1;
	_ =	sdelay $0x1  }
0x192: {  	[tilespmem:s20+$0x1B410] =	vst v1  }
0x193: {  	v1 =	vld.idx.msk [tilespmem:v3+s2+$0x0], $0xffff;
	_ =	sdelay $0x4  }
0x194: {  	s23 =	sor.u32 s26, s23;
	[tilespmem:s20+$0xE810] =	vst v1  }
0x195: {  	v2 =	vld [tilespmem:s23+$0x0];
	_ =	sdelay $0x2  }
0x196: {  	v3 =	vadd.s32 $0x6800, v0;
	_ =	sdelay $0x1  }
0x197: {  	v1 =	vsub.f32 v2, v1;
	_ =	sdelay $0x1  }
0x198: {  	[tilespmem:s20+$0x1B610] =	vst v1  }
0x199: {  	v1 =	vld.idx.msk [tilespmem:v3+s2+$0x0], $0xffff;
	_ =	sdelay $0x4  }
0x19a: {  	s24 =	sor.u32 s26, s24;
	[tilespmem:s20+$0xEC10] =	vst v1  }
0x19b: {  	v2 =	vld [tilespmem:s24+$0x0];
	_ =	sdelay $0x2  }
0x19c: {  	v3 =	vadd.s32 $0x6C00, v0;
	_ =	sdelay $0x1  }
0x19d: {  	v1 =	vsub.f32 v2, v1;
	_ =	sdelay $0x1  }
0x19e: {  	[tilespmem:s20+$0x1B810] =	vst v1  }
0x19f: {  	v1 =	vld.idx.msk [tilespmem:v3+s2+$0x0], $0xffff;
	_ =	sdelay $0x4  }
0x1a0: {  	s28 =	sor.u32 s26, s28;
	[tilespmem:s20+$0xF010] =	vst v1  }
0x1a1: {  	v2 =	vld [tilespmem:s28+$0x0];
	_ =	sdelay $0x2  }
0x1a2: {  	v3 =	vadd.s32 $0x7000, v0;
	_ =	sdelay $0x1  }
0x1a3: {  	v1 =	vsub.f32 v2, v1;
	_ =	sdelay $0x1  }
0x1a4: {  	[tilespmem:s20+$0x1BA10] =	vst v1  }
0x1a5: {  	v1 =	vld.idx.msk [tilespmem:v3+s2+$0x0], $0xffff;
	_ =	sdelay $0x4  }
0x1a6: {  	s29 =	sor.u32 s26, s29;
	[tilespmem:s20+$0xF410] =	vst v1  }
0x1a7: {  	v2 =	vld [tilespmem:s29+$0x0];
	_ =	sdelay $0x2  }
0x1a8: {  	v3 =	vadd.s32 $0x7400, v0;
	_ =	sdelay $0x1  }
0x1a9: {  	v1 =	vsub.f32 v2, v1;
	_ =	sdelay $0x1  }
0x1aa: {  	[tilespmem:s20+$0x1BC10] =	vst v1  }
0x1ab: {  	v1 =	vld.idx.msk [tilespmem:v3+s2+$0x0], $0xffff;
	_ =	sdelay $0x4  }
0x1ac: {  	s30 =	sor.u32 s26, s30;
	[tilespmem:s20+$0xF810] =	vst v1  }
0x1ad: {  	v2 =	vld [tilespmem:s30+$0x0];
	_ =	sdelay $0x2  }
0x1ae: {  	v3 =	vadd.s32 $0x7800, v0;
	_ =	sdelay $0x1  }
0x1af: {  	v1 =	vsub.f32 v2, v1;
	_ =	sdelay $0x1  }
0x1b0: {  	[tilespmem:s20+$0x1BE10] =	vst v1  }
0x1b1: {  	v1 =	vld.idx.msk [tilespmem:v3+s2+$0x0], $0xffff;
	_ =	sdelay $0x4  }
0x1b2: {  	s31 =	sor.u32 s26, s31;
	[tilespmem:s20+$0xFC10] =	vst v1  }
0x1b3: {  	v2 =	vld [tilespmem:s31+$0x0];
	_ =	sdelay $0x2  }
0x1b4: {  	v0 =	vadd.s32 $0x7C00, v0;
	_ =	sdelay $0x1  }
0x1b5: {  	v1 =	vsub.f32 v2, v1;
	_ =	sdelay $0x1  }
0x1b6: {  	[tilespmem:s20+$0x1C010] =	vst v1  }
0x1b7: {  	s22 =	simm.s32 $0x0;
	s23 =	simm.s32 $0x80;
	s24 =	simm.s32 $0x0;
	v1 =	vld.idx.msk [tilespmem:v0+s2+$0x0], $0xffff  }
.LBB2_2:
0x1b8: {  	_ =	sdelay $0x2  }
0x1b9: {  	s0 =	sshra.s32 s23, $0x2  }
0x1ba: {  	s1 =	sor.u32 s26, s25;
	v0 =	vld [tilespmem:s0+$0x8000];
	[tilespmem:s20+$0x10010] =	vst v1  }
0x1bb: {  	v2 =	vld [tilespmem:s1+$0x0];
	_ =	sdelay $0x4  }
0x1bc: {  	v1 =	vsub.f32 v2, v1;
	_ =	sdelay $0x1  }
0x1bd: {  	[tilespmem:s20+$0x1C210] =	vst v1  }
0x1be: {  	v1 =	vld.idx.msk [tilespmem:v0+s2+$0x0], $0xffff;
	_ =	sdelay $0x1  }
0x1bf: {  	s24 =	sadd.s32 $0x100, s24;
	s21 =	sadd.s32 $0x20, s21  }
0x1c0: {  	s14 =	sadd.s32 $0xFFFFFFF0, s21;
	s25 =	sand.u32 $0xC00, s24  }
0x1c1: {  	s9 =	sand.u32 $0x60, s14;
	s15 =	sadd.s32 $0x10400, s25;
	s20 =	smov.u32 s0  }
0x1c2: {  	s0 =	sor.u32 s9, s15;
	[tilespmem:s20+$0x8400] =	vst v1  }
0x1c3: {  	v2 =	vld [tilespmem:s0+$0x0];
	_ =	sdelay $0x2  }
0x1c4: {  	v3 =	vadd.s32 $0x400, v0;
	_ =	sdelay $0x1  }
0x1c5: {  	v1 =	vsub.f32 v2, v1;
	_ =	sdelay $0x1  }
0x1c6: {  	[tilespmem:s20+$0x18400] =	vst v1  }
0x1c7: {  	v1 =	vld.idx.msk [tilespmem:v3+s2+$0x0], $0xffff;
	_ =	sdelay $0x4  }
0x1c8: {  	[tilespmem:s20+$0x8800] =	vst v1  }
0x1c9: {  	v2 =	vld [tilespmem:s0+$0x80];
	_ =	sdelay $0x2  }
0x1ca: {  	v3 =	vadd.s32 $0x800, v0;
	_ =	sdelay $0x1  }
0x1cb: {  	v1 =	vsub.f32 v2, v1;
	_ =	sdelay $0x1  }
0x1cc: {  	[tilespmem:s20+$0x18600] =	vst v1  }
0x1cd: {  	v1 =	vld.idx.msk [tilespmem:v3+s2+$0x0], $0xffff;
	_ =	sdelay $0x4  }
0x1ce: {  	[tilespmem:s20+$0x8C00] =	vst v1  }
0x1cf: {  	v2 =	vld [tilespmem:s0+$0x100];
	_ =	sdelay $0x2  }
0x1d0: {  	v3 =	vadd.s32 $0xC00, v0;
	_ =	sdelay $0x1  }
0x1d1: {  	v1 =	vsub.f32 v2, v1;
	_ =	sdelay $0x1  }
0x1d2: {  	[tilespmem:s20+$0x18800] =	vst v1  }
0x1d3: {  	v1 =	vld.idx.msk [tilespmem:v3+s2+$0x0], $0xffff;
	_ =	sdelay $0x4  }
0x1d4: {  	[tilespmem:s20+$0x9000] =	vst v1  }
0x1d5: {  	v2 =	vld [tilespmem:s0+$0x180];
	_ =	sdelay $0x2  }
0x1d6: {  	v3 =	vadd.s32 $0x1000, v0;
	_ =	sdelay $0x1  }
0x1d7: {  	v1 =	vsub.f32 v2, v1;
	_ =	sdelay $0x1  }
0x1d8: {  	[tilespmem:s20+$0x18A00] =	vst v1  }
0x1d9: {  	v1 =	vld.idx.msk [tilespmem:v3+s2+$0x0], $0xffff;
	_ =	sdelay $0x4  }
0x1da: {  	[tilespmem:s20+$0x9400] =	vst v1  }
0x1db: {  	v2 =	vld [tilespmem:s0+$0x200];
	_ =	sdelay $0x2  }
0x1dc: {  	v3 =	vadd.s32 $0x1400, v0;
	_ =	sdelay $0x1  }
0x1dd: {  	v1 =	vsub.f32 v2, v1;
	_ =	sdelay $0x1  }
0x1de: {  	[tilespmem:s20+$0x18C00] =	vst v1  }
0x1df: {  	v1 =	vld.idx.msk [tilespmem:v3+s2+$0x0], $0xffff;
	_ =	sdelay $0x4  }
0x1e0: {  	[tilespmem:s20+$0x9800] =	vst v1  }
0x1e1: {  	v2 =	vld [tilespmem:s0+$0x280];
	_ =	sdelay $0x2  }
0x1e2: {  	v3 =	vadd.s32 $0x1800, v0;
	_ =	sdelay $0x1  }
0x1e3: {  	v1 =	vsub.f32 v2, v1;
	_ =	sdelay $0x1  }
0x1e4: {  	[tilespmem:s20+$0x18E00] =	vst v1  }
0x1e5: {  	v1 =	vld.idx.msk [tilespmem:v3+s2+$0x0], $0xffff;
	_ =	sdelay $0x4  }
0x1e6: {  	[tilespmem:s20+$0x9C00] =	vst v1  }
0x1e7: {  	v2 =	vld [tilespmem:s0+$0x300];
	_ =	sdelay $0x2  }
0x1e8: {  	v3 =	vadd.s32 $0x1C00, v0;
	_ =	sdelay $0x1  }
0x1e9: {  	v1 =	vsub.f32 v2, v1;
	_ =	sdelay $0x1  }
0x1ea: {  	[tilespmem:s20+$0x19000] =	vst v1  }
0x1eb: {  	v1 =	vld.idx.msk [tilespmem:v3+s2+$0x0], $0xffff;
	_ =	sdelay $0x4  }
0x1ec: {  	[tilespmem:s20+$0xA000] =	vst v1  }
0x1ed: {  	v2 =	vld [tilespmem:s0+$0x380];
	_ =	sdelay $0x2  }
0x1ee: {  	v3 =	vadd.s32 $0x2000, v0;
	_ =	sdelay $0x1  }
0x1ef: {  	v1 =	vsub.f32 v2, v1;
	_ =	sdelay $0x1  }
0x1f0: {  	[tilespmem:s20+$0x19200] =	vst v1  }
0x1f1: {  	v1 =	vld.idx.msk [tilespmem:v3+s2+$0x0], $0xffff;
	_ =	sdelay $0x3  }
0x1f2: {  	s16 =	sadd.s32 $0x12400, s25  }
0x1f3: {  	s0 =	sor.u32 s9, s16;
	[tilespmem:s20+$0xA400] =	vst v1  }
0x1f4: {  	v2 =	vld [tilespmem:s0+$0x0];
	_ =	sdelay $0x2  }
0x1f5: {  	v3 =	vadd.s32 $0x2400, v0;
	_ =	sdelay $0x1  }
0x1f6: {  	v1 =	vsub.f32 v2, v1;
	_ =	sdelay $0x1  }
0x1f7: {  	[tilespmem:s20+$0x19400] =	vst v1  }
0x1f8: {  	v1 =	vld.idx.msk [tilespmem:v3+s2+$0x0], $0xffff;
	_ =	sdelay $0x3  }
0x1f9: {  	s30 =	sadd.s32 $0x12480, s25  }
0x1fa: {  	s17 =	sor.u32 s9, s30;
	[tilespmem:s20+$0xA800] =	vst v1  }
0x1fb: {  	v2 =	vld [tilespmem:s17+$0x0];
	_ =	sdelay $0x2  }
0x1fc: {  	v3 =	vadd.s32 $0x2800, v0;
	_ =	sdelay $0x1  }
0x1fd: {  	v1 =	vsub.f32 v2, v1;
	_ =	sdelay $0x1  }
0x1fe: {  	[tilespmem:s20+$0x19600] =	vst v1  }
0x1ff: {  	v1 =	vld.idx.msk [tilespmem:v3+s2+$0x0], $0xffff;
	_ =	sdelay $0x3  }
0x200: {  	s31 =	sadd.s32 $0x12500, s25  }
0x201: {  	s18 =	sor.u32 s9, s31;
	[tilespmem:s20+$0xAC00] =	vst v1  }
0x202: {  	v2 =	vld [tilespmem:s18+$0x0];
	_ =	sdelay $0x2  }
0x203: {  	v3 =	vadd.s32 $0x2C00, v0;
	_ =	sdelay $0x1  }
0x204: {  	v1 =	vsub.f32 v2, v1;
	_ =	sdelay $0x1  }
0x205: {  	[tilespmem:s20+$0x19800] =	vst v1  }
0x206: {  	v1 =	vld.idx.msk [tilespmem:v3+s2+$0x0], $0xffff;
	_ =	sdelay $0x3  }
0x207: {  	s29 =	sadd.s32 $0x12580, s25  }
0x208: {  	s19 =	sor.u32 s9, s29;
	[tilespmem:s20+$0xB000] =	vst v1  }
0x209: {  	v2 =	vld [tilespmem:s19+$0x0];
	_ =	sdelay $0x2  }
0x20a: {  	v3 =	vadd.s32 $0x3000, v0;
	_ =	sdelay $0x1  }
0x20b: {  	v1 =	vsub.f32 v2, v1;
	_ =	sdelay $0x1  }
0x20c: {  	[tilespmem:s20+$0x19A00] =	vst v1  }
0x20d: {  	v1 =	vld.idx.msk [tilespmem:v3+s2+$0x0], $0xffff;
	_ =	sdelay $0x3  }
0x20e: {  	s28 =	sadd.s32 $0x12600, s25  }
0x20f: {  	s26 =	sor.u32 s9, s28;
	[tilespmem:s20+$0xB400] =	vst v1  }
0x210: {  	v2 =	vld [tilespmem:s26+$0x0];
	_ =	sdelay $0x2  }
0x211: {  	v3 =	vadd.s32 $0x3400, v0;
	_ =	sdelay $0x1  }
0x212: {  	v1 =	vsub.f32 v2, v1;
	_ =	sdelay $0x1  }
0x213: {  	[tilespmem:s20+$0x19C00] =	vst v1  }
0x214: {  	v1 =	vld.idx.msk [tilespmem:v3+s2+$0x0], $0xffff;
	_ =	sdelay $0x3  }
0x215: {  	s11 =	sadd.s32 $0x12680, s25  }
0x216: {  	s1 =	sor.u32 s9, s11;
	[tilespmem:s20+$0xB800] =	vst v1  }
0x217: {  	v2 =	vld [tilespmem:s1+$0x0];
	_ =	sdelay $0x2  }
0x218: {  	v3 =	vadd.s32 $0x3800, v0;
	_ =	sdelay $0x1  }
0x219: {  	v1 =	vsub.f32 v2, v1;
	_ =	sdelay $0x1  }
0x21a: {  	[tilespmem:s20+$0x19E00] =	vst v1  }
0x21b: {  	v1 =	vld.idx.msk [tilespmem:v3+s2+$0x0], $0xffff;
	_ =	sdelay $0x3  }
0x21c: {  	s12 =	sadd.s32 $0x12700, s25  }
0x21d: {  	s3 =	sor.u32 s9, s12;
	[tilespmem:s20+$0xBC00] =	vst v1  }
0x21e: {  	v2 =	vld [tilespmem:s3+$0x0];
	_ =	sdelay $0x2  }
0x21f: {  	v3 =	vadd.s32 $0x3C00, v0;
	_ =	sdelay $0x1  }
0x220: {  	v1 =	vsub.f32 v2, v1;
	_ =	sdelay $0x1  }
0x221: {  	[tilespmem:s20+$0x1A000] =	vst v1  }
0x222: {  	v1 =	vld.idx.msk [tilespmem:v3+s2+$0x0], $0xffff;
	_ =	sdelay $0x3  }
0x223: {  	s13 =	sadd.s32 $0x12780, s25  }
0x224: {  	s4 =	sor.u32 s9, s13;
	[tilespmem:s20+$0xC000] =	vst v1  }
0x225: {  	v2 =	vld [tilespmem:s4+$0x0];
	_ =	sdelay $0x2  }
0x226: {  	v3 =	vadd.s32 $0x4000, v0;
	_ =	sdelay $0x1  }
0x227: {  	v1 =	vsub.f32 v2, v1;
	_ =	sdelay $0x1  }
0x228: {  	[tilespmem:s20+$0x1A200] =	vst v1  }
0x229: {  	v1 =	vld.idx.msk [tilespmem:v3+s2+$0x0], $0xffff;
	_ =	sdelay $0x3  }
0x22a: {  	s14 =	sadd.s32 $0x14400, s25  }
0x22b: {  	s5 =	sor.u32 s9, s14;
	[tilespmem:s20+$0xC400] =	vst v1  }
0x22c: {  	v2 =	vld [tilespmem:s5+$0x0];
	_ =	sdelay $0x2  }
0x22d: {  	v3 =	vadd.s32 $0x4400, v0;
	_ =	sdelay $0x1  }
0x22e: {  	v1 =	vsub.f32 v2, v1;
	_ =	sdelay $0x1  }
0x22f: {  	[tilespmem:s20+$0x1A400] =	vst v1  }
0x230: {  	v1 =	vld.idx.msk [tilespmem:v3+s2+$0x0], $0xffff;
	_ =	sdelay $0x3  }
0x231: {  	[dreg:$0x7] =	wrdreg s16;
	s16 =	sadd.s32 $0x14480, s25  }
0x232: {  	s6 =	sor.u32 s9, s16;
	[tilespmem:s20+$0xC800] =	vst v1  }
0x233: {  	v2 =	vld [tilespmem:s6+$0x0];
	_ =	sdelay $0x2  }
0x234: {  	v3 =	vadd.s32 $0x4800, v0;
	_ =	sdelay $0x1  }
0x235: {  	v1 =	vsub.f32 v2, v1;
	_ =	sdelay $0x1  }
0x236: {  	[tilespmem:s20+$0x1A600] =	vst v1  }
0x237: {  	v1 =	vld.idx.msk [tilespmem:v3+s2+$0x0], $0xffff;
	_ =	sdelay $0x3  }
0x238: {  	s17 =	sadd.s32 $0x14500, s25  }
0x239: {  	s7 =	sor.u32 s9, s17;
	[tilespmem:s20+$0xCC00] =	vst v1  }
0x23a: {  	v2 =	vld [tilespmem:s7+$0x0];
	_ =	sdelay $0x2  }
0x23b: {  	v3 =	vadd.s32 $0x4C00, v0;
	_ =	sdelay $0x1  }
0x23c: {  	v1 =	vsub.f32 v2, v1;
	_ =	sdelay $0x1  }
0x23d: {  	[tilespmem:s20+$0x1A800] =	vst v1  }
0x23e: {  	v1 =	vld.idx.msk [tilespmem:v3+s2+$0x0], $0xffff;
	_ =	sdelay $0x3  }
0x23f: {  	s18 =	sadd.s32 $0x14580, s25  }
0x240: {  	s8 =	sor.u32 s9, s18;
	[tilespmem:s20+$0xD000] =	vst v1  }
0x241: {  	v2 =	vld [tilespmem:s8+$0x0];
	_ =	sdelay $0x2  }
0x242: {  	v3 =	vadd.s32 $0x5000, v0;
	_ =	sdelay $0x1  }
0x243: {  	v1 =	vsub.f32 v2, v1;
	_ =	sdelay $0x1  }
0x244: {  	[tilespmem:s20+$0x1AA00] =	vst v1  }
0x245: {  	v1 =	vld.idx.msk [tilespmem:v3+s2+$0x0], $0xffff;
	_ =	sdelay $0x3  }
0x246: {  	s3 =	sadd.s32 $0x14600, s25  }
0x247: {  	s10 =	sor.u32 s9, s3;
	[tilespmem:s20+$0xD400] =	vst v1  }
0x248: {  	v2 =	vld [tilespmem:s10+$0x0];
	_ =	sdelay $0x2  }
0x249: {  	v3 =	vadd.s32 $0x5400, v0;
	_ =	sdelay $0x1  }
0x24a: {  	v1 =	vsub.f32 v2, v1;
	_ =	sdelay $0x1  }
0x24b: {  	[tilespmem:s20+$0x1AC00] =	vst v1  }
0x24c: {  	v1 =	vld.idx.msk [tilespmem:v3+s2+$0x0], $0xffff;
	_ =	sdelay $0x3  }
0x24d: {  	s4 =	sadd.s32 $0x14680, s25  }
0x24e: {  	[dreg:$0x5] =	wrdreg s15;
	s15 =	sor.u32 s9, s4;
	[tilespmem:s20+$0xD800] =	vst v1  }
0x24f: {  	v2 =	vld [tilespmem:s15+$0x0];
	_ =	sdelay $0x2  }
0x250: {  	v3 =	vadd.s32 $0x5800, v0;
	_ =	sdelay $0x1  }
0x251: {  	v1 =	vsub.f32 v2, v1;
	_ =	sdelay $0x1  }
0x252: {  	[tilespmem:s20+$0x1AE00] =	vst v1  }
0x253: {  	v1 =	vld.idx.msk [tilespmem:v3+s2+$0x0], $0xffff;
	_ =	sdelay $0x3  }
0x254: {  	s5 =	sadd.s32 $0x14700, s25  }
0x255: {  	s19 =	sor.u32 s9, s5;
	[tilespmem:s20+$0xDC00] =	vst v1  }
0x256: {  	v2 =	vld [tilespmem:s19+$0x0];
	_ =	sdelay $0x2  }
0x257: {  	v3 =	vadd.s32 $0x5C00, v0;
	_ =	sdelay $0x1  }
0x258: {  	v1 =	vsub.f32 v2, v1;
	_ =	sdelay $0x1  }
0x259: {  	[tilespmem:s20+$0x1B000] =	vst v1  }
0x25a: {  	v1 =	vld.idx.msk [tilespmem:v3+s2+$0x0], $0xffff;
	_ =	sdelay $0x3  }
0x25b: {  	s6 =	sadd.s32 $0x14780, s25  }
0x25c: {  	s26 =	sor.u32 s9, s6;
	[tilespmem:s20+$0xE000] =	vst v1  }
0x25d: {  	v2 =	vld [tilespmem:s26+$0x0];
	_ =	sdelay $0x2  }
0x25e: {  	v3 =	vadd.s32 $0x6000, v0;
	_ =	sdelay $0x1  }
0x25f: {  	v1 =	vsub.f32 v2, v1;
	_ =	sdelay $0x1  }
0x260: {  	[tilespmem:s20+$0x1B200] =	vst v1  }
0x261: {  	v1 =	vld.idx.msk [tilespmem:v3+s2+$0x0], $0xffff;
	_ =	sdelay $0x3  }
0x262: {  	s8 =	sadd.s32 $0x16400, s25  }
0x263: {  	s1 =	sor.u32 s9, s8;
	[tilespmem:s20+$0xE400] =	vst v1  }
0x264: {  	v2 =	vld [tilespmem:s1+$0x0];
	_ =	sdelay $0x2  }
0x265: {  	v3 =	vadd.s32 $0x6400, v0;
	_ =	sdelay $0x1  }
0x266: {  	v1 =	vsub.f32 v2, v1;
	_ =	sdelay $0x1  }
0x267: {  	[tilespmem:s20+$0x1B400] =	vst v1  }
0x268: {  	v1 =	vld.idx.msk [tilespmem:v3+s2+$0x0], $0xffff;
	_ =	sdelay $0x3  }
0x269: {  	s10 =	sadd.s32 $0x16480, s25  }
0x26a: {  	s7 =	sor.u32 s9, s10;
	[tilespmem:s20+$0xE800] =	vst v1  }
0x26b: {  	v2 =	vld [tilespmem:s7+$0x0];
	_ =	sdelay $0x2  }
0x26c: {  	v3 =	vadd.s32 $0x6800, v0;
	_ =	sdelay $0x1  }
0x26d: {  	v1 =	vsub.f32 v2, v1;
	_ =	sdelay $0x1  }
0x26e: {  	[tilespmem:s20+$0x1B600] =	vst v1  }
0x26f: {  	v1 =	vld.idx.msk [tilespmem:v3+s2+$0x0], $0xffff;
	_ =	sdelay $0x3  }
0x270: {  	s19 =	sadd.s32 $0x16500, s25  }
0x271: {  	s15 =	sor.u32 s9, s19;
	[tilespmem:s20+$0xEC00] =	vst v1  }
0x272: {  	v2 =	vld [tilespmem:s15+$0x0];
	_ =	sdelay $0x2  }
0x273: {  	v3 =	vadd.s32 $0x6C00, v0;
	_ =	sdelay $0x1  }
0x274: {  	v1 =	vsub.f32 v2, v1;
	_ =	sdelay $0x1  }
0x275: {  	[tilespmem:s20+$0x1B800] =	vst v1  }
0x276: {  	v1 =	vld.idx.msk [tilespmem:v3+s2+$0x0], $0xffff;
	_ =	sdelay $0x3  }
0x277: {  	s15 =	sadd.s32 $0x16580, s25  }
0x278: {  	s26 =	sor.u32 s9, s15;
	[tilespmem:s20+$0xF000] =	vst v1  }
0x279: {  	v2 =	vld [tilespmem:s26+$0x0];
	_ =	sdelay $0x2  }
0x27a: {  	v3 =	vadd.s32 $0x7000, v0;
	_ =	sdelay $0x1  }
0x27b: {  	v1 =	vsub.f32 v2, v1;
	_ =	sdelay $0x1  }
0x27c: {  	[tilespmem:s20+$0x1BA00] =	vst v1  }
0x27d: {  	v1 =	vld.idx.msk [tilespmem:v3+s2+$0x0], $0xffff;
	_ =	sdelay $0x3  }
0x27e: {  	s7 =	sadd.s32 $0x16600, s25  }
0x27f: {  	s1 =	sor.u32 s9, s7;
	[tilespmem:s20+$0xF400] =	vst v1  }
0x280: {  	v2 =	vld [tilespmem:s1+$0x0];
	_ =	sdelay $0x2  }
0x281: {  	v3 =	vadd.s32 $0x7400, v0;
	_ =	sdelay $0x1  }
0x282: {  	v1 =	vsub.f32 v2, v1;
	_ =	sdelay $0x1  }
0x283: {  	[tilespmem:s20+$0x1BC00] =	vst v1  }
0x284: {  	v1 =	vld.idx.msk [tilespmem:v3+s2+$0x0], $0xffff;
	_ =	sdelay $0x3  }
0x285: {  	s1 =	sadd.s32 $0x16680, s25  }
0x286: {  	s26 =	sor.u32 s9, s1;
	[tilespmem:s20+$0xF800] =	vst v1  }
0x287: {  	v2 =	vld [tilespmem:s26+$0x0];
	_ =	sdelay $0x2  }
0x288: {  	v3 =	vadd.s32 $0x7800, v0;
	_ =	sdelay $0x1  }
0x289: {  	v1 =	vsub.f32 v2, v1;
	_ =	sdelay $0x1  }
0x28a: {  	[tilespmem:s20+$0x1BE00] =	vst v1  }
0x28b: {  	v1 =	vld.idx.msk [tilespmem:v3+s2+$0x0], $0xffff;
	_ =	sdelay $0x3  }
0x28c: {  	s0 =	sadd.s32 $0x16700, s25  }
0x28d: {  	s26 =	sor.u32 s9, s0;
	[tilespmem:s20+$0xFC00] =	vst v1  }
0x28e: {  	v2 =	vld [tilespmem:s26+$0x0];
	_ =	sdelay $0x2  }
0x28f: {  	v0 =	vadd.s32 $0x7C00, v0;
	_ =	sdelay $0x1  }
0x290: {  	v1 =	vsub.f32 v2, v1;
	_ =	sdelay $0x1  }
0x291: {  	[tilespmem:s20+$0x1C000] =	vst v1  }
0x292: {  	v1 =	vld.idx.msk [tilespmem:v0+s2+$0x0], $0xffff;
	_ =	sdelay $0x3  }
0x293: {  	s25 =	sadd.s32 $0x16780, s25  }
0x294: {  	s9 =	sor.u32 s9, s25;
	v0 =	vld [tilespmem:s20+$0x8010];
	[tilespmem:s20+$0x10000] =	vst v1  }
0x295: {  	v2 =	vld [tilespmem:s9+$0x0];
	_ =	sdelay $0x4  }
0x296: {  	v1 =	vsub.f32 v2, v1;
	_ =	sdelay $0x1  }
0x297: {  	[tilespmem:s20+$0x1C200] =	vst v1  }
0x298: {  	v1 =	vld.idx.msk [tilespmem:v0+s2+$0x0], $0xffff;
	_ =	sdelay $0x3  }
0x299: {  	s26 =	sand.u32 $0x70, s21;
	s9 =	rddreg [dreg:$0x5]  }
0x29a: {  	s9 =	sor.u32 s26, s9;
	[tilespmem:s20+$0x8410] =	vst v1  }
0x29b: {  	v2 =	vld [tilespmem:s9+$0x0];
	_ =	sdelay $0x2  }
0x29c: {  	v3 =	vadd.s32 $0x400, v0;
	_ =	sdelay $0x1  }
0x29d: {  	v1 =	vsub.f32 v2, v1;
	_ =	sdelay $0x1  }
0x29e: {  	[tilespmem:s20+$0x18410] =	vst v1  }
0x29f: {  	v1 =	vld.idx.msk [tilespmem:v3+s2+$0x0], $0xffff;
	_ =	sdelay $0x4  }
0x2a0: {  	[tilespmem:s20+$0x8810] =	vst v1  }
0x2a1: {  	v2 =	vld [tilespmem:s9+$0x80];
	_ =	sdelay $0x2  }
0x2a2: {  	v3 =	vadd.s32 $0x800, v0;
	_ =	sdelay $0x1  }
0x2a3: {  	v1 =	vsub.f32 v2, v1;
	_ =	sdelay $0x1  }
0x2a4: {  	[tilespmem:s20+$0x18610] =	vst v1  }
0x2a5: {  	v1 =	vld.idx.msk [tilespmem:v3+s2+$0x0], $0xffff;
	_ =	sdelay $0x4  }
0x2a6: {  	[tilespmem:s20+$0x8C10] =	vst v1  }
0x2a7: {  	v2 =	vld [tilespmem:s9+$0x100];
	_ =	sdelay $0x2  }
0x2a8: {  	v3 =	vadd.s32 $0xC00, v0;
	_ =	sdelay $0x1  }
0x2a9: {  	v1 =	vsub.f32 v2, v1;
	_ =	sdelay $0x1  }
0x2aa: {  	[tilespmem:s20+$0x18810] =	vst v1  }
0x2ab: {  	v1 =	vld.idx.msk [tilespmem:v3+s2+$0x0], $0xffff;
	_ =	sdelay $0x4  }
0x2ac: {  	[tilespmem:s20+$0x9010] =	vst v1  }
0x2ad: {  	v2 =	vld [tilespmem:s9+$0x180];
	_ =	sdelay $0x2  }
0x2ae: {  	v3 =	vadd.s32 $0x1000, v0;
	_ =	sdelay $0x1  }
0x2af: {  	v1 =	vsub.f32 v2, v1;
	_ =	sdelay $0x1  }
0x2b0: {  	[tilespmem:s20+$0x18A10] =	vst v1  }
0x2b1: {  	v1 =	vld.idx.msk [tilespmem:v3+s2+$0x0], $0xffff;
	_ =	sdelay $0x4  }
0x2b2: {  	[tilespmem:s20+$0x9410] =	vst v1  }
0x2b3: {  	v2 =	vld [tilespmem:s9+$0x200];
	_ =	sdelay $0x2  }
0x2b4: {  	v3 =	vadd.s32 $0x1400, v0;
	_ =	sdelay $0x1  }
0x2b5: {  	v1 =	vsub.f32 v2, v1;
	_ =	sdelay $0x1  }
0x2b6: {  	[tilespmem:s20+$0x18C10] =	vst v1  }
0x2b7: {  	v1 =	vld.idx.msk [tilespmem:v3+s2+$0x0], $0xffff;
	_ =	sdelay $0x4  }
0x2b8: {  	[tilespmem:s20+$0x9810] =	vst v1  }
0x2b9: {  	v2 =	vld [tilespmem:s9+$0x280];
	_ =	sdelay $0x2  }
0x2ba: {  	v3 =	vadd.s32 $0x1800, v0;
	_ =	sdelay $0x1  }
0x2bb: {  	v1 =	vsub.f32 v2, v1;
	_ =	sdelay $0x1  }
0x2bc: {  	[tilespmem:s20+$0x18E10] =	vst v1  }
0x2bd: {  	v1 =	vld.idx.msk [tilespmem:v3+s2+$0x0], $0xffff;
	_ =	sdelay $0x4  }
0x2be: {  	[tilespmem:s20+$0x9C10] =	vst v1  }
0x2bf: {  	v2 =	vld [tilespmem:s9+$0x300];
	_ =	sdelay $0x2  }
0x2c0: {  	v3 =	vadd.s32 $0x1C00, v0;
	_ =	sdelay $0x1  }
0x2c1: {  	v1 =	vsub.f32 v2, v1;
	_ =	sdelay $0x1  }
0x2c2: {  	[tilespmem:s20+$0x19010] =	vst v1  }
0x2c3: {  	v1 =	vld.idx.msk [tilespmem:v3+s2+$0x0], $0xffff;
	_ =	sdelay $0x4  }
0x2c4: {  	[tilespmem:s20+$0xA010] =	vst v1  }
0x2c5: {  	v2 =	vld [tilespmem:s9+$0x380];
	_ =	sdelay $0x2  }
0x2c6: {  	v3 =	vadd.s32 $0x2000, v0;
	_ =	sdelay $0x1  }
0x2c7: {  	v1 =	vsub.f32 v2, v1;
	_ =	sdelay $0x1  }
0x2c8: {  	[tilespmem:s20+$0x19210] =	vst v1  }
0x2c9: {  	v1 =	vld.idx.msk [tilespmem:v3+s2+$0x0], $0xffff;
	_ =	sdelay $0x3  }
0x2ca: {  	s9 =	rddreg [dreg:$0x7]  }
0x2cb: {  	s9 =	sor.u32 s26, s9;
	[tilespmem:s20+$0xA410] =	vst v1  }
0x2cc: {  	v2 =	vld [tilespmem:s9+$0x0];
	_ =	sdelay $0x2  }
0x2cd: {  	v3 =	vadd.s32 $0x2400, v0;
	_ =	sdelay $0x1  }
0x2ce: {  	v1 =	vsub.f32 v2, v1;
	_ =	sdelay $0x1  }
0x2cf: {  	[tilespmem:s20+$0x19410] =	vst v1  }
0x2d0: {  	v1 =	vld.idx.msk [tilespmem:v3+s2+$0x0], $0xffff;
	_ =	sdelay $0x4  }
0x2d1: {  	s30 =	sor.u32 s26, s30;
	[tilespmem:s20+$0xA810] =	vst v1  }
0x2d2: {  	v2 =	vld [tilespmem:s30+$0x0];
	_ =	sdelay $0x2  }
0x2d3: {  	v3 =	vadd.s32 $0x2800, v0;
	_ =	sdelay $0x1  }
0x2d4: {  	v1 =	vsub.f32 v2, v1;
	_ =	sdelay $0x1  }
0x2d5: {  	[tilespmem:s20+$0x19610] =	vst v1  }
0x2d6: {  	v1 =	vld.idx.msk [tilespmem:v3+s2+$0x0], $0xffff;
	_ =	sdelay $0x4  }
0x2d7: {  	s31 =	sor.u32 s26, s31;
	[tilespmem:s20+$0xAC10] =	vst v1  }
0x2d8: {  	v2 =	vld [tilespmem:s31+$0x0];
	_ =	sdelay $0x2  }
0x2d9: {  	v3 =	vadd.s32 $0x2C00, v0;
	_ =	sdelay $0x1  }
0x2da: {  	v1 =	vsub.f32 v2, v1;
	_ =	sdelay $0x1  }
0x2db: {  	[tilespmem:s20+$0x19810] =	vst v1  }
0x2dc: {  	v1 =	vld.idx.msk [tilespmem:v3+s2+$0x0], $0xffff;
	_ =	sdelay $0x4  }
0x2dd: {  	s30 =	sor.u32 s26, s29;
	[tilespmem:s20+$0xB010] =	vst v1  }
0x2de: {  	v2 =	vld [tilespmem:s30+$0x0];
	_ =	sdelay $0x2  }
0x2df: {  	v3 =	vadd.s32 $0x3000, v0;
	_ =	sdelay $0x1  }
0x2e0: {  	v1 =	vsub.f32 v2, v1;
	_ =	sdelay $0x1  }
0x2e1: {  	[tilespmem:s20+$0x19A10] =	vst v1  }
0x2e2: {  	v1 =	vld.idx.msk [tilespmem:v3+s2+$0x0], $0xffff;
	_ =	sdelay $0x4  }
0x2e3: {  	s31 =	sor.u32 s26, s28;
	[tilespmem:s20+$0xB410] =	vst v1  }
0x2e4: {  	v2 =	vld [tilespmem:s31+$0x0];
	_ =	sdelay $0x2  }
0x2e5: {  	v3 =	vadd.s32 $0x3400, v0;
	_ =	sdelay $0x1  }
0x2e6: {  	v1 =	vsub.f32 v2, v1;
	_ =	sdelay $0x1  }
0x2e7: {  	[tilespmem:s20+$0x19C10] =	vst v1  }
0x2e8: {  	v1 =	vld.idx.msk [tilespmem:v3+s2+$0x0], $0xffff;
	_ =	sdelay $0x4  }
0x2e9: {  	s28 =	sor.u32 s26, s11;
	[tilespmem:s20+$0xB810] =	vst v1  }
0x2ea: {  	v2 =	vld [tilespmem:s28+$0x0];
	_ =	sdelay $0x2  }
0x2eb: {  	v3 =	vadd.s32 $0x3800, v0;
	_ =	sdelay $0x1  }
0x2ec: {  	v1 =	vsub.f32 v2, v1;
	_ =	sdelay $0x1  }
0x2ed: {  	[tilespmem:s20+$0x19E10] =	vst v1  }
0x2ee: {  	v1 =	vld.idx.msk [tilespmem:v3+s2+$0x0], $0xffff;
	_ =	sdelay $0x4  }
0x2ef: {  	s29 =	sor.u32 s26, s12;
	[tilespmem:s20+$0xBC10] =	vst v1  }
0x2f0: {  	v2 =	vld [tilespmem:s29+$0x0];
	_ =	sdelay $0x2  }
0x2f1: {  	v3 =	vadd.s32 $0x3C00, v0;
	_ =	sdelay $0x1  }
0x2f2: {  	v1 =	vsub.f32 v2, v1;
	_ =	sdelay $0x1  }
0x2f3: {  	[tilespmem:s20+$0x1A010] =	vst v1  }
0x2f4: {  	v1 =	vld.idx.msk [tilespmem:v3+s2+$0x0], $0xffff;
	_ =	sdelay $0x4  }
0x2f5: {  	s30 =	sor.u32 s26, s13;
	[tilespmem:s20+$0xC010] =	vst v1  }
0x2f6: {  	v2 =	vld [tilespmem:s30+$0x0];
	_ =	sdelay $0x2  }
0x2f7: {  	v3 =	vadd.s32 $0x4000, v0;
	_ =	sdelay $0x1  }
0x2f8: {  	v1 =	vsub.f32 v2, v1;
	_ =	sdelay $0x1  }
0x2f9: {  	[tilespmem:s20+$0x1A210] =	vst v1  }
0x2fa: {  	v1 =	vld.idx.msk [tilespmem:v3+s2+$0x0], $0xffff;
	_ =	sdelay $0x4  }
0x2fb: {  	s31 =	sor.u32 s26, s14;
	[tilespmem:s20+$0xC410] =	vst v1  }
0x2fc: {  	v2 =	vld [tilespmem:s31+$0x0];
	_ =	sdelay $0x2  }
0x2fd: {  	v3 =	vadd.s32 $0x4400, v0;
	_ =	sdelay $0x1  }
0x2fe: {  	v1 =	vsub.f32 v2, v1;
	_ =	sdelay $0x1  }
0x2ff: {  	[tilespmem:s20+$0x1A410] =	vst v1  }
0x300: {  	v1 =	vld.idx.msk [tilespmem:v3+s2+$0x0], $0xffff;
	_ =	sdelay $0x4  }
0x301: {  	s11 =	sor.u32 s26, s16;
	[tilespmem:s20+$0xC810] =	vst v1  }
0x302: {  	v2 =	vld [tilespmem:s11+$0x0];
	_ =	sdelay $0x2  }
0x303: {  	v3 =	vadd.s32 $0x4800, v0;
	_ =	sdelay $0x1  }
0x304: {  	v1 =	vsub.f32 v2, v1;
	_ =	sdelay $0x1  }
0x305: {  	[tilespmem:s20+$0x1A610] =	vst v1  }
0x306: {  	v1 =	vld.idx.msk [tilespmem:v3+s2+$0x0], $0xffff;
	_ =	sdelay $0x4  }
0x307: {  	s12 =	sor.u32 s26, s17;
	[tilespmem:s20+$0xCC10] =	vst v1  }
0x308: {  	v2 =	vld [tilespmem:s12+$0x0];
	_ =	sdelay $0x2  }
0x309: {  	v3 =	vadd.s32 $0x4C00, v0;
	_ =	sdelay $0x1  }
0x30a: {  	v1 =	vsub.f32 v2, v1;
	_ =	sdelay $0x1  }
0x30b: {  	[tilespmem:s20+$0x1A810] =	vst v1  }
0x30c: {  	v1 =	vld.idx.msk [tilespmem:v3+s2+$0x0], $0xffff;
	_ =	sdelay $0x4  }
0x30d: {  	s13 =	sor.u32 s26, s18;
	[tilespmem:s20+$0xD010] =	vst v1  }
0x30e: {  	v2 =	vld [tilespmem:s13+$0x0];
	_ =	sdelay $0x2  }
0x30f: {  	v3 =	vadd.s32 $0x5000, v0;
	_ =	sdelay $0x1  }
0x310: {  	v1 =	vsub.f32 v2, v1;
	_ =	sdelay $0x1  }
0x311: {  	[tilespmem:s20+$0x1AA10] =	vst v1  }
0x312: {  	v1 =	vld.idx.msk [tilespmem:v3+s2+$0x0], $0xffff;
	_ =	sdelay $0x4  }
0x313: {  	s3 =	sor.u32 s26, s3;
	[tilespmem:s20+$0xD410] =	vst v1  }
0x314: {  	v2 =	vld [tilespmem:s3+$0x0];
	_ =	sdelay $0x2  }
0x315: {  	v3 =	vadd.s32 $0x5400, v0;
	_ =	sdelay $0x1  }
0x316: {  	v1 =	vsub.f32 v2, v1;
	_ =	sdelay $0x1  }
0x317: {  	[tilespmem:s20+$0x1AC10] =	vst v1  }
0x318: {  	v1 =	vld.idx.msk [tilespmem:v3+s2+$0x0], $0xffff;
	_ =	sdelay $0x4  }
0x319: {  	s14 =	sor.u32 s26, s4;
	[tilespmem:s20+$0xD810] =	vst v1  }
0x31a: {  	v2 =	vld [tilespmem:s14+$0x0];
	_ =	sdelay $0x2  }
0x31b: {  	v3 =	vadd.s32 $0x5800, v0;
	_ =	sdelay $0x1  }
0x31c: {  	v1 =	vsub.f32 v2, v1;
	_ =	sdelay $0x1  }
0x31d: {  	[tilespmem:s20+$0x1AE10] =	vst v1  }
0x31e: {  	v1 =	vld.idx.msk [tilespmem:v3+s2+$0x0], $0xffff;
	_ =	sdelay $0x4  }
0x31f: {  	s16 =	sor.u32 s26, s5;
	[tilespmem:s20+$0xDC10] =	vst v1  }
0x320: {  	v2 =	vld [tilespmem:s16+$0x0];
	_ =	sdelay $0x2  }
0x321: {  	v3 =	vadd.s32 $0x5C00, v0;
	_ =	sdelay $0x1  }
0x322: {  	v1 =	vsub.f32 v2, v1;
	_ =	sdelay $0x1  }
0x323: {  	[tilespmem:s20+$0x1B010] =	vst v1  }
0x324: {  	v1 =	vld.idx.msk [tilespmem:v3+s2+$0x0], $0xffff;
	_ =	sdelay $0x4  }
0x325: {  	s17 =	sor.u32 s26, s6;
	[tilespmem:s20+$0xE010] =	vst v1  }
0x326: {  	v2 =	vld [tilespmem:s17+$0x0];
	_ =	sdelay $0x2  }
0x327: {  	v3 =	vadd.s32 $0x6000, v0;
	_ =	sdelay $0x1  }
0x328: {  	v1 =	vsub.f32 v2, v1;
	_ =	sdelay $0x1  }
0x329: {  	[tilespmem:s20+$0x1B210] =	vst v1  }
0x32a: {  	v1 =	vld.idx.msk [tilespmem:v3+s2+$0x0], $0xffff;
	_ =	sdelay $0x4  }
0x32b: {  	s18 =	sor.u32 s26, s8;
	[tilespmem:s20+$0xE410] =	vst v1  }
0x32c: {  	v2 =	vld [tilespmem:s18+$0x0];
	_ =	sdelay $0x2  }
0x32d: {  	v3 =	vadd.s32 $0x6400, v0;
	_ =	sdelay $0x1  }
0x32e: {  	v1 =	vsub.f32 v2, v1;
	_ =	sdelay $0x1  }
0x32f: {  	[tilespmem:s20+$0x1B410] =	vst v1  }
0x330: {  	v1 =	vld.idx.msk [tilespmem:v3+s2+$0x0], $0xffff;
	_ =	sdelay $0x4  }
0x331: {  	s28 =	sor.u32 s26, s10;
	[tilespmem:s20+$0xE810] =	vst v1  }
0x332: {  	v2 =	vld [tilespmem:s28+$0x0];
	_ =	sdelay $0x2  }
0x333: {  	v3 =	vadd.s32 $0x6800, v0;
	_ =	sdelay $0x1  }
0x334: {  	v1 =	vsub.f32 v2, v1;
	_ =	sdelay $0x1  }
0x335: {  	[tilespmem:s20+$0x1B610] =	vst v1  }
0x336: {  	v1 =	vld.idx.msk [tilespmem:v3+s2+$0x0], $0xffff;
	_ =	sdelay $0x4  }
0x337: {  	s29 =	sor.u32 s26, s19;
	[tilespmem:s20+$0xEC10] =	vst v1  }
0x338: {  	v2 =	vld [tilespmem:s29+$0x0];
	_ =	sdelay $0x2  }
0x339: {  	v3 =	vadd.s32 $0x6C00, v0;
	_ =	sdelay $0x1  }
0x33a: {  	v1 =	vsub.f32 v2, v1;
	_ =	sdelay $0x1  }
0x33b: {  	[tilespmem:s20+$0x1B810] =	vst v1  }
0x33c: {  	v1 =	vld.idx.msk [tilespmem:v3+s2+$0x0], $0xffff;
	_ =	sdelay $0x4  }
0x33d: {  	s30 =	sor.u32 s26, s15;
	[tilespmem:s20+$0xF010] =	vst v1  }
0x33e: {  	v2 =	vld [tilespmem:s30+$0x0];
	_ =	sdelay $0x2  }
0x33f: {  	v3 =	vadd.s32 $0x7000, v0;
	_ =	sdelay $0x1  }
0x340: {  	v1 =	vsub.f32 v2, v1;
	_ =	sdelay $0x1  }
0x341: {  	[tilespmem:s20+$0x1BA10] =	vst v1  }
0x342: {  	v1 =	vld.idx.msk [tilespmem:v3+s2+$0x0], $0xffff;
	_ =	sdelay $0x4  }
0x343: {  	s31 =	sor.u32 s26, s7;
	[tilespmem:s20+$0xF410] =	vst v1  }
0x344: {  	v2 =	vld [tilespmem:s31+$0x0];
	_ =	sdelay $0x2  }
0x345: {  	v3 =	vadd.s32 $0x7400, v0;
	_ =	sdelay $0x1  }
0x346: {  	v1 =	vsub.f32 v2, v1;
	_ =	sdelay $0x1  }
0x347: {  	[tilespmem:s20+$0x1BC10] =	vst v1  }
0x348: {  	v1 =	vld.idx.msk [tilespmem:v3+s2+$0x0], $0xffff;
	_ =	sdelay $0x4  }
0x349: {  	s1 =	sor.u32 s26, s1;
	[tilespmem:s20+$0xF810] =	vst v1  }
0x34a: {  	v2 =	vld [tilespmem:s1+$0x0];
	_ =	sdelay $0x2  }
0x34b: {  	v3 =	vadd.s32 $0x7800, v0;
	_ =	sdelay $0x1  }
0x34c: {  	v1 =	vsub.f32 v2, v1;
	_ =	sdelay $0x1  }
0x34d: {  	[tilespmem:s20+$0x1BE10] =	vst v1  }
0x34e: {  	v1 =	vld.idx.msk [tilespmem:v3+s2+$0x0], $0xffff;
	_ =	sdelay $0x4  }
0x34f: {  	s0 =	sor.u32 s26, s0;
	[tilespmem:s20+$0xFC10] =	vst v1  }
0x350: {  	v2 =	vld [tilespmem:s0+$0x0];
	_ =	sdelay $0x1  }
0x351: {  	s22 =	sadd.s32 $0x2, s22  }
0x352: {  	p0 =	slt.u32 s22, $0x1E;
	v0 =	vadd.s32 $0x7C00, v0  }
.Ltmp0:
0x353: {  	_ = 	snop;
	(pc) =	sbr.rel @p0 .LBB2_2-.Ltmp0, $3  }
0x354: {  	v1 =	vsub.f32 v2, v1;
	_ =	sdelay $0x1  }
0x355: {  	[tilespmem:s20+$0x1C010] =	vst v1  }
0x356: {  	s23 =	sadd.s32 $0x80, s23;
	v1 =	vld.idx.msk [tilespmem:v0+s2+$0x0], $0xffff  }
0x357: {  	_ =	sdelay $0x3  }
0x358: {  	s0 =	sor.u32 s26, s25;
	[tilespmem:s20+$0x10010] =	vst v1  }
0x359: {  	v0 =	vld [tilespmem:s0+$0x0];
	_ =	sdelay $0x4  }
0x35a: {  	v0 =	vsub.f32 v0, v1  }
0x35b: {  	s31 =	rddreg [dreg:$0xb];
	s1 =	simm.s32 $0x200;
	s3 =	simm.s32 $0x400  }
0x35c: {  	s4 =	simm.s32 $0x18400;
	s5 =	rddreg [dreg:$0xc];
	s0 =	simm.s32 $0x8400;
	[tilespmem:s20+$0x1C210] =	vst v0  }
0x35d: {  	[hbm4b:s31+s1] =	stream.strided.scatter [tilespmem:s4], [sflag:$0x1], $0x4000, s3, s1, $0x38;
	[tilespmem:$0x1C400] =	vst v63  }
0x35e: {  	s1 =	simm.s32 $0x80;
	s4 =	sadd.s32 $0x0, s5;
	s3 =	simm.s32 $0x8800  }
.LBB2_4:
0x35f: {  	[hbm4b:s4+s2] =	stream.linear.scatter [tilespmem:s0], [sflag:$0x1], $0x200, $0x38;
	[tilespmem:$0x1C400] =	vst v63  }
0x360: {  	s4 =	smov.u32 s1;
	s0 =	smov.u32 s3;
	p0 =	sne.s32 s1, $0xF80  }
.Ltmp1:
0x361: {  	s1 =	sadd.s32 $0x80, s1;
	(pc) =	sbr.rel @p0 .LBB2_4-.Ltmp1, $2  }
0x362: {  	_ =	sdelay $0x2  }
0x363: {  	s3 =	sadd.s32 $0x400, s3;
	s4 =	sadd.s32 s4, s5  }
0x364: {  	[hbm4b:s4+s2] =	stream.linear.scatter [tilespmem:s0], [sflag:$0x1], $0x200, $0x38;
	[tilespmem:$0x1C400] =	vst v63  }
0x365: {  	s24 =	simm.s32 $0x1  }
0x366: {  	_ =	swait.ge [sflag:s24], $0x4000  }
0x367: {  	[sflag:s24] =	ssyncset.done $0x0  }
0x368: {  	s20 =	simm.s32 $0x0;
	[sflag:s24] =	ssyncadd.s32 $0xFFFFC000  }
0x369: {  	v0 =	vld [tilespmem:s20+$0x8200];
	_ =	sdelay $0x7  }
0x36a: {  	v1 =	vld.idx.msk [tilespmem:v0+s2+$0x0], $0xffff;
	_ =	sdelay $0x1  }
0x36b: {  	s1 =	simm.s32 $0x1000  }
0x36c: {  	s22 =	simm.s32 $0x200;
	s11 =	sand.u32 $0x1C00, s1  }
0x36d: {  	s9 =	sand.u32 $0x60, s22;
	s0 =	sadd.s32 $0x10400, s11  }
0x36e: {  	s26 =	sor.u32 s9, s0;
	[tilespmem:s20+$0x8600] =	vst v1  }
0x36f: {  	v2 =	vld [tilespmem:s26+$0x0];
	_ =	sdelay $0x2  }
0x370: {  	v3 =	vadd.s32 $0x400, v0;
	_ =	sdelay $0x1  }
0x371: {  	v1 =	vsub.f32 v2, v1;
	_ =	sdelay $0x1  }
0x372: {  	[tilespmem:s20+$0x18400] =	vst v1  }
0x373: {  	v1 =	vld.idx.msk [tilespmem:v3+s2+$0x0], $0xffff;
	_ =	sdelay $0x4  }
0x374: {  	[tilespmem:s20+$0x8A00] =	vst v1  }
0x375: {  	v2 =	vld [tilespmem:s26+$0x80];
	_ =	sdelay $0x2  }
0x376: {  	v3 =	vadd.s32 $0x800, v0;
	_ =	sdelay $0x1  }
0x377: {  	v1 =	vsub.f32 v2, v1;
	_ =	sdelay $0x1  }
0x378: {  	[tilespmem:s20+$0x18600] =	vst v1  }
0x379: {  	v1 =	vld.idx.msk [tilespmem:v3+s2+$0x0], $0xffff;
	_ =	sdelay $0x4  }
0x37a: {  	[tilespmem:s20+$0x8E00] =	vst v1  }
0x37b: {  	v2 =	vld [tilespmem:s26+$0x100];
	_ =	sdelay $0x2  }
0x37c: {  	v3 =	vadd.s32 $0xC00, v0;
	_ =	sdelay $0x1  }
0x37d: {  	v1 =	vsub.f32 v2, v1;
	_ =	sdelay $0x1  }
0x37e: {  	[tilespmem:s20+$0x18800] =	vst v1  }
0x37f: {  	v1 =	vld.idx.msk [tilespmem:v3+s2+$0x0], $0xffff;
	_ =	sdelay $0x4  }
0x380: {  	[tilespmem:s20+$0x9200] =	vst v1  }
0x381: {  	v2 =	vld [tilespmem:s26+$0x180];
	_ =	sdelay $0x2  }
0x382: {  	v3 =	vadd.s32 $0x1000, v0;
	_ =	sdelay $0x1  }
0x383: {  	v1 =	vsub.f32 v2, v1;
	_ =	sdelay $0x1  }
0x384: {  	[tilespmem:s20+$0x18A00] =	vst v1  }
0x385: {  	v1 =	vld.idx.msk [tilespmem:v3+s2+$0x0], $0xffff;
	_ =	sdelay $0x4  }
0x386: {  	[tilespmem:s20+$0x9600] =	vst v1  }
0x387: {  	v2 =	vld [tilespmem:s26+$0x200];
	_ =	sdelay $0x2  }
0x388: {  	v3 =	vadd.s32 $0x1400, v0;
	_ =	sdelay $0x1  }
0x389: {  	v1 =	vsub.f32 v2, v1;
	_ =	sdelay $0x1  }
0x38a: {  	[tilespmem:s20+$0x18C00] =	vst v1  }
0x38b: {  	v1 =	vld.idx.msk [tilespmem:v3+s2+$0x0], $0xffff;
	_ =	sdelay $0x4  }
0x38c: {  	[tilespmem:s20+$0x9A00] =	vst v1  }
0x38d: {  	v2 =	vld [tilespmem:s26+$0x280];
	_ =	sdelay $0x2  }
0x38e: {  	v3 =	vadd.s32 $0x1800, v0;
	_ =	sdelay $0x1  }
0x38f: {  	v1 =	vsub.f32 v2, v1;
	_ =	sdelay $0x1  }
0x390: {  	[tilespmem:s20+$0x18E00] =	vst v1  }
0x391: {  	v1 =	vld.idx.msk [tilespmem:v3+s2+$0x0], $0xffff;
	_ =	sdelay $0x4  }
0x392: {  	[tilespmem:s20+$0x9E00] =	vst v1  }
0x393: {  	v2 =	vld [tilespmem:s26+$0x300];
	_ =	sdelay $0x2  }
0x394: {  	v3 =	vadd.s32 $0x1C00, v0;
	_ =	sdelay $0x1  }
0x395: {  	v1 =	vsub.f32 v2, v1;
	_ =	sdelay $0x1  }
0x396: {  	[tilespmem:s20+$0x19000] =	vst v1  }
0x397: {  	v1 =	vld.idx.msk [tilespmem:v3+s2+$0x0], $0xffff;
	_ =	sdelay $0x4  }
0x398: {  	[tilespmem:s20+$0xA200] =	vst v1  }
0x399: {  	v2 =	vld [tilespmem:s26+$0x380];
	_ =	sdelay $0x2  }
0x39a: {  	v3 =	vadd.s32 $0x2000, v0;
	_ =	sdelay $0x1  }
0x39b: {  	v1 =	vsub.f32 v2, v1;
	_ =	sdelay $0x1  }
0x39c: {  	[tilespmem:s20+$0x19200] =	vst v1  }
0x39d: {  	v1 =	vld.idx.msk [tilespmem:v3+s2+$0x0], $0xffff;
	_ =	sdelay $0x3  }
0x39e: {  	s1 =	sadd.s32 $0x12400, s11  }
0x39f: {  	s3 =	sor.u32 s9, s1;
	[tilespmem:s20+$0xA600] =	vst v1  }
0x3a0: {  	v2 =	vld [tilespmem:s3+$0x0];
	_ =	sdelay $0x2  }
0x3a1: {  	v3 =	vadd.s32 $0x2400, v0;
	_ =	sdelay $0x1  }
0x3a2: {  	v1 =	vsub.f32 v2, v1;
	_ =	sdelay $0x1  }
0x3a3: {  	[tilespmem:s20+$0x19400] =	vst v1  }
0x3a4: {  	v1 =	vld.idx.msk [tilespmem:v3+s2+$0x0], $0xffff;
	_ =	sdelay $0x3  }
0x3a5: {  	s3 =	sadd.s32 $0x12480, s11  }
0x3a6: {  	s28 =	sor.u32 s9, s3;
	[tilespmem:s20+$0xAA00] =	vst v1  }
0x3a7: {  	v2 =	vld [tilespmem:s28+$0x0];
	_ =	sdelay $0x2  }
0x3a8: {  	v3 =	vadd.s32 $0x2800, v0;
	_ =	sdelay $0x1  }
0x3a9: {  	v1 =	vsub.f32 v2, v1;
	_ =	sdelay $0x1  }
0x3aa: {  	[tilespmem:s20+$0x19600] =	vst v1  }
0x3ab: {  	v1 =	vld.idx.msk [tilespmem:v3+s2+$0x0], $0xffff;
	_ =	sdelay $0x3  }
0x3ac: {  	s4 =	sadd.s32 $0x12500, s11  }
0x3ad: {  	s5 =	sor.u32 s9, s4;
	[tilespmem:s20+$0xAE00] =	vst v1  }
0x3ae: {  	v2 =	vld [tilespmem:s5+$0x0];
	_ =	sdelay $0x2  }
0x3af: {  	v3 =	vadd.s32 $0x2C00, v0;
	_ =	sdelay $0x1  }
0x3b0: {  	v1 =	vsub.f32 v2, v1;
	_ =	sdelay $0x1  }
0x3b1: {  	[tilespmem:s20+$0x19800] =	vst v1  }
0x3b2: {  	v1 =	vld.idx.msk [tilespmem:v3+s2+$0x0], $0xffff;
	_ =	sdelay $0x3  }
0x3b3: {  	s5 =	sadd.s32 $0x12580, s11  }
0x3b4: {  	s6 =	sor.u32 s9, s5;
	[tilespmem:s20+$0xB200] =	vst v1  }
0x3b5: {  	v2 =	vld [tilespmem:s6+$0x0];
	_ =	sdelay $0x2  }
0x3b6: {  	v3 =	vadd.s32 $0x3000, v0;
	_ =	sdelay $0x1  }
0x3b7: {  	v1 =	vsub.f32 v2, v1;
	_ =	sdelay $0x1  }
0x3b8: {  	[tilespmem:s20+$0x19A00] =	vst v1  }
0x3b9: {  	v1 =	vld.idx.msk [tilespmem:v3+s2+$0x0], $0xffff;
	_ =	sdelay $0x3  }
0x3ba: {  	s6 =	sadd.s32 $0x12600, s11  }
0x3bb: {  	s7 =	sor.u32 s9, s6;
	[tilespmem:s20+$0xB600] =	vst v1  }
0x3bc: {  	v2 =	vld [tilespmem:s7+$0x0];
	_ =	sdelay $0x2  }
0x3bd: {  	v3 =	vadd.s32 $0x3400, v0;
	_ =	sdelay $0x1  }
0x3be: {  	v1 =	vsub.f32 v2, v1;
	_ =	sdelay $0x1  }
0x3bf: {  	[tilespmem:s20+$0x19C00] =	vst v1  }
0x3c0: {  	v1 =	vld.idx.msk [tilespmem:v3+s2+$0x0], $0xffff;
	_ =	sdelay $0x3  }
0x3c1: {  	s7 =	sadd.s32 $0x12680, s11  }
0x3c2: {  	s8 =	sor.u32 s9, s7;
	[tilespmem:s20+$0xBA00] =	vst v1  }
0x3c3: {  	v2 =	vld [tilespmem:s8+$0x0];
	_ =	sdelay $0x2  }
0x3c4: {  	v3 =	vadd.s32 $0x3800, v0;
	_ =	sdelay $0x1  }
0x3c5: {  	v1 =	vsub.f32 v2, v1;
	_ =	sdelay $0x1  }
0x3c6: {  	[tilespmem:s20+$0x19E00] =	vst v1  }
0x3c7: {  	v1 =	vld.idx.msk [tilespmem:v3+s2+$0x0], $0xffff;
	_ =	sdelay $0x3  }
0x3c8: {  	s8 =	sadd.s32 $0x12700, s11  }
0x3c9: {  	s10 =	sor.u32 s9, s8;
	[tilespmem:s20+$0xBE00] =	vst v1  }
0x3ca: {  	v2 =	vld [tilespmem:s10+$0x0];
	_ =	sdelay $0x2  }
0x3cb: {  	v3 =	vadd.s32 $0x3C00, v0;
	_ =	sdelay $0x1  }
0x3cc: {  	v1 =	vsub.f32 v2, v1;
	_ =	sdelay $0x1  }
0x3cd: {  	[tilespmem:s20+$0x1A000] =	vst v1  }
0x3ce: {  	v1 =	vld.idx.msk [tilespmem:v3+s2+$0x0], $0xffff;
	_ =	sdelay $0x3  }
0x3cf: {  	s10 =	sadd.s32 $0x12780, s11  }
0x3d0: {  	s12 =	sor.u32 s9, s10;
	[tilespmem:s20+$0xC200] =	vst v1  }
0x3d1: {  	v2 =	vld [tilespmem:s12+$0x0];
	_ =	sdelay $0x2  }
0x3d2: {  	v3 =	vadd.s32 $0x4000, v0;
	_ =	sdelay $0x1  }
0x3d3: {  	v1 =	vsub.f32 v2, v1;
	_ =	sdelay $0x1  }
0x3d4: {  	[tilespmem:s20+$0x1A200] =	vst v1  }
0x3d5: {  	v1 =	vld.idx.msk [tilespmem:v3+s2+$0x0], $0xffff;
	_ =	sdelay $0x3  }
0x3d6: {  	s12 =	sadd.s32 $0x14400, s11  }
0x3d7: {  	s13 =	sor.u32 s9, s12;
	[tilespmem:s20+$0xC600] =	vst v1  }
0x3d8: {  	v2 =	vld [tilespmem:s13+$0x0];
	_ =	sdelay $0x2  }
0x3d9: {  	v3 =	vadd.s32 $0x4400, v0;
	_ =	sdelay $0x1  }
0x3da: {  	v1 =	vsub.f32 v2, v1;
	_ =	sdelay $0x1  }
0x3db: {  	[tilespmem:s20+$0x1A400] =	vst v1  }
0x3dc: {  	v1 =	vld.idx.msk [tilespmem:v3+s2+$0x0], $0xffff;
	_ =	sdelay $0x3  }
0x3dd: {  	s13 =	sadd.s32 $0x14480, s11  }
0x3de: {  	s14 =	sor.u32 s9, s13;
	[tilespmem:s20+$0xCA00] =	vst v1  }
0x3df: {  	v2 =	vld [tilespmem:s14+$0x0];
	_ =	sdelay $0x2  }
0x3e0: {  	v3 =	vadd.s32 $0x4800, v0;
	_ =	sdelay $0x1  }
0x3e1: {  	v1 =	vsub.f32 v2, v1;
	_ =	sdelay $0x1  }
0x3e2: {  	[tilespmem:s20+$0x1A600] =	vst v1  }
0x3e3: {  	v1 =	vld.idx.msk [tilespmem:v3+s2+$0x0], $0xffff;
	_ =	sdelay $0x3  }
0x3e4: {  	s14 =	sadd.s32 $0x14500, s11  }
0x3e5: {  	s15 =	sor.u32 s9, s14;
	[tilespmem:s20+$0xCE00] =	vst v1  }
0x3e6: {  	v2 =	vld [tilespmem:s15+$0x0];
	_ =	sdelay $0x2  }
0x3e7: {  	v3 =	vadd.s32 $0x4C00, v0;
	_ =	sdelay $0x1  }
0x3e8: {  	v1 =	vsub.f32 v2, v1;
	_ =	sdelay $0x1  }
0x3e9: {  	[tilespmem:s20+$0x1A800] =	vst v1  }
0x3ea: {  	v1 =	vld.idx.msk [tilespmem:v3+s2+$0x0], $0xffff;
	_ =	sdelay $0x3  }
0x3eb: {  	s15 =	sadd.s32 $0x14580, s11  }
0x3ec: {  	s16 =	sor.u32 s9, s15;
	[tilespmem:s20+$0xD200] =	vst v1  }
0x3ed: {  	v2 =	vld [tilespmem:s16+$0x0];
	_ =	sdelay $0x2  }
0x3ee: {  	v3 =	vadd.s32 $0x5000, v0;
	_ =	sdelay $0x1  }
0x3ef: {  	v1 =	vsub.f32 v2, v1;
	_ =	sdelay $0x1  }
0x3f0: {  	[tilespmem:s20+$0x1AA00] =	vst v1  }
0x3f1: {  	v1 =	vld.idx.msk [tilespmem:v3+s2+$0x0], $0xffff;
	_ =	sdelay $0x3  }
0x3f2: {  	s16 =	sadd.s32 $0x14600, s11  }
0x3f3: {  	s17 =	sor.u32 s9, s16;
	[tilespmem:s20+$0xD600] =	vst v1  }
0x3f4: {  	v2 =	vld [tilespmem:s17+$0x0];
	_ =	sdelay $0x2  }
0x3f5: {  	v3 =	vadd.s32 $0x5400, v0;
	_ =	sdelay $0x1  }
0x3f6: {  	v1 =	vsub.f32 v2, v1;
	_ =	sdelay $0x1  }
0x3f7: {  	[tilespmem:s20+$0x1AC00] =	vst v1  }
0x3f8: {  	v1 =	vld.idx.msk [tilespmem:v3+s2+$0x0], $0xffff;
	_ =	sdelay $0x3  }
0x3f9: {  	s17 =	sadd.s32 $0x14680, s11  }
0x3fa: {  	s18 =	sor.u32 s9, s17;
	[tilespmem:s20+$0xDA00] =	vst v1  }
0x3fb: {  	v2 =	vld [tilespmem:s18+$0x0];
	_ =	sdelay $0x2  }
0x3fc: {  	v3 =	vadd.s32 $0x5800, v0;
	_ =	sdelay $0x1  }
0x3fd: {  	v1 =	vsub.f32 v2, v1;
	_ =	sdelay $0x1  }
0x3fe: {  	[tilespmem:s20+$0x1AE00] =	vst v1  }
0x3ff: {  	v1 =	vld.idx.msk [tilespmem:v3+s2+$0x0], $0xffff;
	_ =	sdelay $0x3  }
0x400: {  	s18 =	sadd.s32 $0x14700, s11  }
0x401: {  	s19 =	sor.u32 s9, s18;
	[tilespmem:s20+$0xDE00] =	vst v1  }
0x402: {  	v2 =	vld [tilespmem:s19+$0x0];
	_ =	sdelay $0x2  }
0x403: {  	v3 =	vadd.s32 $0x5C00, v0;
	_ =	sdelay $0x1  }
0x404: {  	v1 =	vsub.f32 v2, v1;
	_ =	sdelay $0x1  }
0x405: {  	[tilespmem:s20+$0x1B000] =	vst v1  }
0x406: {  	v1 =	vld.idx.msk [tilespmem:v3+s2+$0x0], $0xffff;
	_ =	sdelay $0x3  }
0x407: {  	s19 =	sadd.s32 $0x14780, s11  }
0x408: {  	s21 =	sor.u32 s9, s19;
	[tilespmem:s20+$0xE200] =	vst v1  }
0x409: {  	v2 =	vld [tilespmem:s21+$0x0];
	_ =	sdelay $0x2  }
0x40a: {  	v3 =	vadd.s32 $0x6000, v0;
	_ =	sdelay $0x1  }
0x40b: {  	v1 =	vsub.f32 v2, v1;
	_ =	sdelay $0x1  }
0x40c: {  	[tilespmem:s20+$0x1B200] =	vst v1  }
0x40d: {  	v1 =	vld.idx.msk [tilespmem:v3+s2+$0x0], $0xffff;
	_ =	sdelay $0x3  }
0x40e: {  	s21 =	sadd.s32 $0x16400, s11  }
0x40f: {  	s23 =	sor.u32 s9, s21;
	[tilespmem:s20+$0xE600] =	vst v1  }
0x410: {  	v2 =	vld [tilespmem:s23+$0x0];
	_ =	sdelay $0x2  }
0x411: {  	v3 =	vadd.s32 $0x6400, v0;
	_ =	sdelay $0x1  }
0x412: {  	v1 =	vsub.f32 v2, v1;
	_ =	sdelay $0x1  }
0x413: {  	[tilespmem:s20+$0x1B400] =	vst v1  }
0x414: {  	v1 =	vld.idx.msk [tilespmem:v3+s2+$0x0], $0xffff;
	_ =	sdelay $0x3  }
0x415: {  	s23 =	sadd.s32 $0x16480, s11  }
0x416: {  	s24 =	sor.u32 s9, s23;
	[tilespmem:s20+$0xEA00] =	vst v1  }
0x417: {  	v2 =	vld [tilespmem:s24+$0x0];
	_ =	sdelay $0x2  }
0x418: {  	v3 =	vadd.s32 $0x6800, v0;
	_ =	sdelay $0x1  }
0x419: {  	v1 =	vsub.f32 v2, v1;
	_ =	sdelay $0x1  }
0x41a: {  	[tilespmem:s20+$0x1B600] =	vst v1  }
0x41b: {  	v1 =	vld.idx.msk [tilespmem:v3+s2+$0x0], $0xffff;
	_ =	sdelay $0x3  }
0x41c: {  	s25 =	simm.s32 $0x1000;
	s24 =	sadd.s32 $0x16500, s11  }
0x41d: {  	[dreg:$0x4] =	wrdreg s25;
	s25 =	sor.u32 s9, s24;
	[tilespmem:s20+$0xEE00] =	vst v1  }
0x41e: {  	v2 =	vld [tilespmem:s25+$0x0];
	_ =	sdelay $0x2  }
0x41f: {  	v3 =	vadd.s32 $0x6C00, v0;
	_ =	sdelay $0x1  }
0x420: {  	v1 =	vsub.f32 v2, v1;
	_ =	sdelay $0x1  }
0x421: {  	[tilespmem:s20+$0x1B800] =	vst v1  }
0x422: {  	v1 =	vld.idx.msk [tilespmem:v3+s2+$0x0], $0xffff;
	_ =	sdelay $0x3  }
0x423: {  	s28 =	sadd.s32 $0x16580, s11  }
0x424: {  	s29 =	sor.u32 s9, s28;
	[tilespmem:s20+$0xF200] =	vst v1  }
0x425: {  	v2 =	vld [tilespmem:s29+$0x0];
	_ =	sdelay $0x2  }
0x426: {  	v3 =	vadd.s32 $0x7000, v0;
	_ =	sdelay $0x1  }
0x427: {  	v1 =	vsub.f32 v2, v1;
	_ =	sdelay $0x1  }
0x428: {  	[tilespmem:s20+$0x1BA00] =	vst v1  }
0x429: {  	v1 =	vld.idx.msk [tilespmem:v3+s2+$0x0], $0xffff;
	_ =	sdelay $0x3  }
0x42a: {  	s29 =	sadd.s32 $0x16600, s11  }
0x42b: {  	s30 =	sor.u32 s9, s29;
	[tilespmem:s20+$0xF600] =	vst v1  }
0x42c: {  	v2 =	vld [tilespmem:s30+$0x0];
	_ =	sdelay $0x2  }
0x42d: {  	v3 =	vadd.s32 $0x7400, v0;
	_ =	sdelay $0x1  }
0x42e: {  	v1 =	vsub.f32 v2, v1;
	_ =	sdelay $0x1  }
0x42f: {  	[tilespmem:s20+$0x1BC00] =	vst v1  }
0x430: {  	v1 =	vld.idx.msk [tilespmem:v3+s2+$0x0], $0xffff;
	_ =	sdelay $0x3  }
0x431: {  	s30 =	sadd.s32 $0x16680, s11  }
0x432: {  	s31 =	sor.u32 s9, s30;
	[tilespmem:s20+$0xFA00] =	vst v1  }
0x433: {  	v2 =	vld [tilespmem:s31+$0x0];
	_ =	sdelay $0x2  }
0x434: {  	v3 =	vadd.s32 $0x7800, v0;
	_ =	sdelay $0x1  }
0x435: {  	v1 =	vsub.f32 v2, v1;
	_ =	sdelay $0x1  }
0x436: {  	[tilespmem:s20+$0x1BE00] =	vst v1  }
0x437: {  	v1 =	vld.idx.msk [tilespmem:v3+s2+$0x0], $0xffff;
	_ =	sdelay $0x3  }
0x438: {  	s31 =	sadd.s32 $0x16700, s11  }
0x439: {  	s26 =	sor.u32 s9, s31;
	[tilespmem:s20+$0xFE00] =	vst v1  }
0x43a: {  	v2 =	vld [tilespmem:s26+$0x0];
	_ =	sdelay $0x2  }
0x43b: {  	v0 =	vadd.s32 $0x7C00, v0;
	_ =	sdelay $0x1  }
0x43c: {  	v1 =	vsub.f32 v2, v1;
	_ =	sdelay $0x1  }
0x43d: {  	[tilespmem:s20+$0x1C000] =	vst v1  }
0x43e: {  	v1 =	vld.idx.msk [tilespmem:v0+s2+$0x0], $0xffff;
	_ =	sdelay $0x3  }
0x43f: {  	s25 =	sadd.s32 $0x16780, s11  }
0x440: {  	s9 =	sor.u32 s9, s25;
	v0 =	vld [tilespmem:s20+$0x8210];
	[tilespmem:s20+$0x10200] =	vst v1  }
0x441: {  	v2 =	vld [tilespmem:s9+$0x0];
	_ =	sdelay $0x4  }
0x442: {  	v1 =	vsub.f32 v2, v1;
	_ =	sdelay $0x1  }
0x443: {  	[tilespmem:s20+$0x1C200] =	vst v1  }
0x444: {  	v1 =	vld.idx.msk [tilespmem:v0+s2+$0x0], $0xffff;
	_ =	sdelay $0x2  }
0x445: {  	s26 =	simm.s32 $0x210  }
0x446: {  	s26 =	sand.u32 $0x70, s26  }
0x447: {  	s0 =	sor.u32 s26, s0;
	[tilespmem:s20+$0x8610] =	vst v1  }
0x448: {  	v2 =	vld [tilespmem:s0+$0x0];
	_ =	sdelay $0x2  }
0x449: {  	v3 =	vadd.s32 $0x400, v0;
	_ =	sdelay $0x1  }
0x44a: {  	v1 =	vsub.f32 v2, v1;
	_ =	sdelay $0x1  }
0x44b: {  	[tilespmem:s20+$0x18410] =	vst v1  }
0x44c: {  	v1 =	vld.idx.msk [tilespmem:v3+s2+$0x0], $0xffff;
	_ =	sdelay $0x4  }
0x44d: {  	[tilespmem:s20+$0x8A10] =	vst v1  }
0x44e: {  	v2 =	vld [tilespmem:s0+$0x80];
	_ =	sdelay $0x2  }
0x44f: {  	v3 =	vadd.s32 $0x800, v0;
	_ =	sdelay $0x1  }
0x450: {  	v1 =	vsub.f32 v2, v1;
	_ =	sdelay $0x1  }
0x451: {  	[tilespmem:s20+$0x18610] =	vst v1  }
0x452: {  	v1 =	vld.idx.msk [tilespmem:v3+s2+$0x0], $0xffff;
	_ =	sdelay $0x4  }
0x453: {  	[tilespmem:s20+$0x8E10] =	vst v1  }
0x454: {  	v2 =	vld [tilespmem:s0+$0x100];
	_ =	sdelay $0x2  }
0x455: {  	v3 =	vadd.s32 $0xC00, v0;
	_ =	sdelay $0x1  }
0x456: {  	v1 =	vsub.f32 v2, v1;
	_ =	sdelay $0x1  }
0x457: {  	[tilespmem:s20+$0x18810] =	vst v1  }
0x458: {  	v1 =	vld.idx.msk [tilespmem:v3+s2+$0x0], $0xffff;
	_ =	sdelay $0x4  }
0x459: {  	[tilespmem:s20+$0x9210] =	vst v1  }
0x45a: {  	v2 =	vld [tilespmem:s0+$0x180];
	_ =	sdelay $0x2  }
0x45b: {  	v3 =	vadd.s32 $0x1000, v0;
	_ =	sdelay $0x1  }
0x45c: {  	v1 =	vsub.f32 v2, v1;
	_ =	sdelay $0x1  }
0x45d: {  	[tilespmem:s20+$0x18A10] =	vst v1  }
0x45e: {  	v1 =	vld.idx.msk [tilespmem:v3+s2+$0x0], $0xffff;
	_ =	sdelay $0x4  }
0x45f: {  	[tilespmem:s20+$0x9610] =	vst v1  }
0x460: {  	v2 =	vld [tilespmem:s0+$0x200];
	_ =	sdelay $0x2  }
0x461: {  	v3 =	vadd.s32 $0x1400, v0;
	_ =	sdelay $0x1  }
0x462: {  	v1 =	vsub.f32 v2, v1;
	_ =	sdelay $0x1  }
0x463: {  	[tilespmem:s20+$0x18C10] =	vst v1  }
0x464: {  	v1 =	vld.idx.msk [tilespmem:v3+s2+$0x0], $0xffff;
	_ =	sdelay $0x4  }
0x465: {  	[tilespmem:s20+$0x9A10] =	vst v1  }
0x466: {  	v2 =	vld [tilespmem:s0+$0x280];
	_ =	sdelay $0x2  }
0x467: {  	v3 =	vadd.s32 $0x1800, v0;
	_ =	sdelay $0x1  }
0x468: {  	v1 =	vsub.f32 v2, v1;
	_ =	sdelay $0x1  }
0x469: {  	[tilespmem:s20+$0x18E10] =	vst v1  }
0x46a: {  	v1 =	vld.idx.msk [tilespmem:v3+s2+$0x0], $0xffff;
	_ =	sdelay $0x4  }
0x46b: {  	[tilespmem:s20+$0x9E10] =	vst v1  }
0x46c: {  	v2 =	vld [tilespmem:s0+$0x300];
	_ =	sdelay $0x2  }
0x46d: {  	v3 =	vadd.s32 $0x1C00, v0;
	_ =	sdelay $0x1  }
0x46e: {  	v1 =	vsub.f32 v2, v1;
	_ =	sdelay $0x1  }
0x46f: {  	[tilespmem:s20+$0x19010] =	vst v1  }
0x470: {  	v1 =	vld.idx.msk [tilespmem:v3+s2+$0x0], $0xffff;
	_ =	sdelay $0x4  }
0x471: {  	[tilespmem:s20+$0xA210] =	vst v1  }
0x472: {  	v2 =	vld [tilespmem:s0+$0x380];
	_ =	sdelay $0x2  }
0x473: {  	v3 =	vadd.s32 $0x2000, v0;
	_ =	sdelay $0x1  }
0x474: {  	v1 =	vsub.f32 v2, v1;
	_ =	sdelay $0x1  }
0x475: {  	[tilespmem:s20+$0x19210] =	vst v1  }
0x476: {  	v1 =	vld.idx.msk [tilespmem:v3+s2+$0x0], $0xffff;
	_ =	sdelay $0x4  }
0x477: {  	s1 =	sor.u32 s26, s1;
	[tilespmem:s20+$0xA610] =	vst v1  }
0x478: {  	v2 =	vld [tilespmem:s1+$0x0];
	_ =	sdelay $0x2  }
0x479: {  	v3 =	vadd.s32 $0x2400, v0;
	_ =	sdelay $0x1  }
0x47a: {  	v1 =	vsub.f32 v2, v1;
	_ =	sdelay $0x1  }
0x47b: {  	[tilespmem:s20+$0x19410] =	vst v1  }
0x47c: {  	v1 =	vld.idx.msk [tilespmem:v3+s2+$0x0], $0xffff;
	_ =	sdelay $0x4  }
0x47d: {  	s3 =	sor.u32 s26, s3;
	[tilespmem:s20+$0xAA10] =	vst v1  }
0x47e: {  	v2 =	vld [tilespmem:s3+$0x0];
	_ =	sdelay $0x2  }
0x47f: {  	v3 =	vadd.s32 $0x2800, v0;
	_ =	sdelay $0x1  }
0x480: {  	v1 =	vsub.f32 v2, v1;
	_ =	sdelay $0x1  }
0x481: {  	[tilespmem:s20+$0x19610] =	vst v1  }
0x482: {  	v1 =	vld.idx.msk [tilespmem:v3+s2+$0x0], $0xffff;
	_ =	sdelay $0x4  }
0x483: {  	s4 =	sor.u32 s26, s4;
	[tilespmem:s20+$0xAE10] =	vst v1  }
0x484: {  	v2 =	vld [tilespmem:s4+$0x0];
	_ =	sdelay $0x2  }
0x485: {  	v3 =	vadd.s32 $0x2C00, v0;
	_ =	sdelay $0x1  }
0x486: {  	v1 =	vsub.f32 v2, v1;
	_ =	sdelay $0x1  }
0x487: {  	[tilespmem:s20+$0x19810] =	vst v1  }
0x488: {  	v1 =	vld.idx.msk [tilespmem:v3+s2+$0x0], $0xffff;
	_ =	sdelay $0x4  }
0x489: {  	s5 =	sor.u32 s26, s5;
	[tilespmem:s20+$0xB210] =	vst v1  }
0x48a: {  	v2 =	vld [tilespmem:s5+$0x0];
	_ =	sdelay $0x2  }
0x48b: {  	v3 =	vadd.s32 $0x3000, v0;
	_ =	sdelay $0x1  }
0x48c: {  	v1 =	vsub.f32 v2, v1;
	_ =	sdelay $0x1  }
0x48d: {  	[tilespmem:s20+$0x19A10] =	vst v1  }
0x48e: {  	v1 =	vld.idx.msk [tilespmem:v3+s2+$0x0], $0xffff;
	_ =	sdelay $0x4  }
0x48f: {  	s6 =	sor.u32 s26, s6;
	[tilespmem:s20+$0xB610] =	vst v1  }
0x490: {  	v2 =	vld [tilespmem:s6+$0x0];
	_ =	sdelay $0x2  }
0x491: {  	v3 =	vadd.s32 $0x3400, v0;
	_ =	sdelay $0x1  }
0x492: {  	v1 =	vsub.f32 v2, v1;
	_ =	sdelay $0x1  }
0x493: {  	[tilespmem:s20+$0x19C10] =	vst v1  }
0x494: {  	v1 =	vld.idx.msk [tilespmem:v3+s2+$0x0], $0xffff;
	_ =	sdelay $0x4  }
0x495: {  	s7 =	sor.u32 s26, s7;
	[tilespmem:s20+$0xBA10] =	vst v1  }
0x496: {  	v2 =	vld [tilespmem:s7+$0x0];
	_ =	sdelay $0x2  }
0x497: {  	v3 =	vadd.s32 $0x3800, v0;
	_ =	sdelay $0x1  }
0x498: {  	v1 =	vsub.f32 v2, v1;
	_ =	sdelay $0x1  }
0x499: {  	[tilespmem:s20+$0x19E10] =	vst v1  }
0x49a: {  	v1 =	vld.idx.msk [tilespmem:v3+s2+$0x0], $0xffff;
	_ =	sdelay $0x4  }
0x49b: {  	s9 =	sor.u32 s26, s8;
	[tilespmem:s20+$0xBE10] =	vst v1  }
0x49c: {  	v2 =	vld [tilespmem:s9+$0x0];
	_ =	sdelay $0x2  }
0x49d: {  	v3 =	vadd.s32 $0x3C00, v0;
	_ =	sdelay $0x1  }
0x49e: {  	v1 =	vsub.f32 v2, v1;
	_ =	sdelay $0x1  }
0x49f: {  	[tilespmem:s20+$0x1A010] =	vst v1  }
0x4a0: {  	v1 =	vld.idx.msk [tilespmem:v3+s2+$0x0], $0xffff;
	_ =	sdelay $0x4  }
0x4a1: {  	s11 =	sor.u32 s26, s10;
	[tilespmem:s20+$0xC210] =	vst v1  }
0x4a2: {  	v2 =	vld [tilespmem:s11+$0x0];
	_ =	sdelay $0x2  }
0x4a3: {  	v3 =	vadd.s32 $0x4000, v0;
	_ =	sdelay $0x1  }
0x4a4: {  	v1 =	vsub.f32 v2, v1;
	_ =	sdelay $0x1  }
0x4a5: {  	[tilespmem:s20+$0x1A210] =	vst v1  }
0x4a6: {  	v1 =	vld.idx.msk [tilespmem:v3+s2+$0x0], $0xffff;
	_ =	sdelay $0x4  }
0x4a7: {  	s12 =	sor.u32 s26, s12;
	[tilespmem:s20+$0xC610] =	vst v1  }
0x4a8: {  	v2 =	vld [tilespmem:s12+$0x0];
	_ =	sdelay $0x2  }
0x4a9: {  	v3 =	vadd.s32 $0x4400, v0;
	_ =	sdelay $0x1  }
0x4aa: {  	v1 =	vsub.f32 v2, v1;
	_ =	sdelay $0x1  }
0x4ab: {  	[tilespmem:s20+$0x1A410] =	vst v1  }
0x4ac: {  	v1 =	vld.idx.msk [tilespmem:v3+s2+$0x0], $0xffff;
	_ =	sdelay $0x4  }
0x4ad: {  	s13 =	sor.u32 s26, s13;
	[tilespmem:s20+$0xCA10] =	vst v1  }
0x4ae: {  	v2 =	vld [tilespmem:s13+$0x0];
	_ =	sdelay $0x2  }
0x4af: {  	v3 =	vadd.s32 $0x4800, v0;
	_ =	sdelay $0x1  }
0x4b0: {  	v1 =	vsub.f32 v2, v1;
	_ =	sdelay $0x1  }
0x4b1: {  	[tilespmem:s20+$0x1A610] =	vst v1  }
0x4b2: {  	v1 =	vld.idx.msk [tilespmem:v3+s2+$0x0], $0xffff;
	_ =	sdelay $0x4  }
0x4b3: {  	s14 =	sor.u32 s26, s14;
	[tilespmem:s20+$0xCE10] =	vst v1  }
0x4b4: {  	v2 =	vld [tilespmem:s14+$0x0];
	_ =	sdelay $0x2  }
0x4b5: {  	v3 =	vadd.s32 $0x4C00, v0;
	_ =	sdelay $0x1  }
0x4b6: {  	v1 =	vsub.f32 v2, v1;
	_ =	sdelay $0x1  }
0x4b7: {  	[tilespmem:s20+$0x1A810] =	vst v1  }
0x4b8: {  	v1 =	vld.idx.msk [tilespmem:v3+s2+$0x0], $0xffff;
	_ =	sdelay $0x4  }
0x4b9: {  	s15 =	sor.u32 s26, s15;
	[tilespmem:s20+$0xD210] =	vst v1  }
0x4ba: {  	v2 =	vld [tilespmem:s15+$0x0];
	_ =	sdelay $0x2  }
0x4bb: {  	v3 =	vadd.s32 $0x5000, v0;
	_ =	sdelay $0x1  }
0x4bc: {  	v1 =	vsub.f32 v2, v1;
	_ =	sdelay $0x1  }
0x4bd: {  	[tilespmem:s20+$0x1AA10] =	vst v1  }
0x4be: {  	v1 =	vld.idx.msk [tilespmem:v3+s2+$0x0], $0xffff;
	_ =	sdelay $0x4  }
0x4bf: {  	s16 =	sor.u32 s26, s16;
	[tilespmem:s20+$0xD610] =	vst v1  }
0x4c0: {  	v2 =	vld [tilespmem:s16+$0x0];
	_ =	sdelay $0x2  }
0x4c1: {  	v3 =	vadd.s32 $0x5400, v0;
	_ =	sdelay $0x1  }
0x4c2: {  	v1 =	vsub.f32 v2, v1;
	_ =	sdelay $0x1  }
0x4c3: {  	[tilespmem:s20+$0x1AC10] =	vst v1  }
0x4c4: {  	v1 =	vld.idx.msk [tilespmem:v3+s2+$0x0], $0xffff;
	_ =	sdelay $0x4  }
0x4c5: {  	s17 =	sor.u32 s26, s17;
	[tilespmem:s20+$0xDA10] =	vst v1  }
0x4c6: {  	v2 =	vld [tilespmem:s17+$0x0];
	_ =	sdelay $0x2  }
0x4c7: {  	v3 =	vadd.s32 $0x5800, v0;
	_ =	sdelay $0x1  }
0x4c8: {  	v1 =	vsub.f32 v2, v1;
	_ =	sdelay $0x1  }
0x4c9: {  	[tilespmem:s20+$0x1AE10] =	vst v1  }
0x4ca: {  	v1 =	vld.idx.msk [tilespmem:v3+s2+$0x0], $0xffff;
	_ =	sdelay $0x4  }
0x4cb: {  	s18 =	sor.u32 s26, s18;
	[tilespmem:s20+$0xDE10] =	vst v1  }
0x4cc: {  	v2 =	vld [tilespmem:s18+$0x0];
	_ =	sdelay $0x2  }
0x4cd: {  	v3 =	vadd.s32 $0x5C00, v0;
	_ =	sdelay $0x1  }
0x4ce: {  	v1 =	vsub.f32 v2, v1;
	_ =	sdelay $0x1  }
0x4cf: {  	[tilespmem:s20+$0x1B010] =	vst v1  }
0x4d0: {  	v1 =	vld.idx.msk [tilespmem:v3+s2+$0x0], $0xffff;
	_ =	sdelay $0x4  }
0x4d1: {  	s19 =	sor.u32 s26, s19;
	[tilespmem:s20+$0xE210] =	vst v1  }
0x4d2: {  	v2 =	vld [tilespmem:s19+$0x0];
	_ =	sdelay $0x2  }
0x4d3: {  	v3 =	vadd.s32 $0x6000, v0;
	_ =	sdelay $0x1  }
0x4d4: {  	v1 =	vsub.f32 v2, v1;
	_ =	sdelay $0x1  }
0x4d5: {  	[tilespmem:s20+$0x1B210] =	vst v1  }
0x4d6: {  	v1 =	vld.idx.msk [tilespmem:v3+s2+$0x0], $0xffff;
	_ =	sdelay $0x4  }
0x4d7: {  	s21 =	sor.u32 s26, s21;
	[tilespmem:s20+$0xE610] =	vst v1  }
0x4d8: {  	v2 =	vld [tilespmem:s21+$0x0];
	_ =	sdelay $0x2  }
0x4d9: {  	v3 =	vadd.s32 $0x6400, v0;
	_ =	sdelay $0x1  }
0x4da: {  	v1 =	vsub.f32 v2, v1;
	_ =	sdelay $0x1  }
0x4db: {  	[tilespmem:s20+$0x1B410] =	vst v1  }
0x4dc: {  	v1 =	vld.idx.msk [tilespmem:v3+s2+$0x0], $0xffff;
	_ =	sdelay $0x4  }
0x4dd: {  	s23 =	sor.u32 s26, s23;
	[tilespmem:s20+$0xEA10] =	vst v1  }
0x4de: {  	v2 =	vld [tilespmem:s23+$0x0];
	_ =	sdelay $0x2  }
0x4df: {  	v3 =	vadd.s32 $0x6800, v0;
	_ =	sdelay $0x1  }
0x4e0: {  	v1 =	vsub.f32 v2, v1;
	_ =	sdelay $0x1  }
0x4e1: {  	[tilespmem:s20+$0x1B610] =	vst v1  }
0x4e2: {  	v1 =	vld.idx.msk [tilespmem:v3+s2+$0x0], $0xffff;
	_ =	sdelay $0x4  }
0x4e3: {  	s24 =	sor.u32 s26, s24;
	[tilespmem:s20+$0xEE10] =	vst v1  }
0x4e4: {  	v2 =	vld [tilespmem:s24+$0x0];
	_ =	sdelay $0x2  }
0x4e5: {  	v3 =	vadd.s32 $0x6C00, v0;
	_ =	sdelay $0x1  }
0x4e6: {  	v1 =	vsub.f32 v2, v1;
	_ =	sdelay $0x1  }
0x4e7: {  	[tilespmem:s20+$0x1B810] =	vst v1  }
0x4e8: {  	v1 =	vld.idx.msk [tilespmem:v3+s2+$0x0], $0xffff;
	_ =	sdelay $0x4  }
0x4e9: {  	s28 =	sor.u32 s26, s28;
	[tilespmem:s20+$0xF210] =	vst v1  }
0x4ea: {  	v2 =	vld [tilespmem:s28+$0x0];
	_ =	sdelay $0x2  }
0x4eb: {  	v3 =	vadd.s32 $0x7000, v0;
	_ =	sdelay $0x1  }
0x4ec: {  	v1 =	vsub.f32 v2, v1;
	_ =	sdelay $0x1  }
0x4ed: {  	[tilespmem:s20+$0x1BA10] =	vst v1  }
0x4ee: {  	v1 =	vld.idx.msk [tilespmem:v3+s2+$0x0], $0xffff;
	_ =	sdelay $0x4  }
0x4ef: {  	s29 =	sor.u32 s26, s29;
	[tilespmem:s20+$0xF610] =	vst v1  }
0x4f0: {  	v2 =	vld [tilespmem:s29+$0x0];
	_ =	sdelay $0x2  }
0x4f1: {  	v3 =	vadd.s32 $0x7400, v0;
	_ =	sdelay $0x1  }
0x4f2: {  	v1 =	vsub.f32 v2, v1;
	_ =	sdelay $0x1  }
0x4f3: {  	[tilespmem:s20+$0x1BC10] =	vst v1  }
0x4f4: {  	v1 =	vld.idx.msk [tilespmem:v3+s2+$0x0], $0xffff;
	_ =	sdelay $0x4  }
0x4f5: {  	s30 =	sor.u32 s26, s30;
	[tilespmem:s20+$0xFA10] =	vst v1  }
0x4f6: {  	v2 =	vld [tilespmem:s30+$0x0];
	_ =	sdelay $0x2  }
0x4f7: {  	v3 =	vadd.s32 $0x7800, v0;
	_ =	sdelay $0x1  }
0x4f8: {  	v1 =	vsub.f32 v2, v1;
	_ =	sdelay $0x1  }
0x4f9: {  	[tilespmem:s20+$0x1BE10] =	vst v1  }
0x4fa: {  	v1 =	vld.idx.msk [tilespmem:v3+s2+$0x0], $0xffff;
	_ =	sdelay $0x4  }
0x4fb: {  	s31 =	sor.u32 s26, s31;
	[tilespmem:s20+$0xFE10] =	vst v1  }
0x4fc: {  	v2 =	vld [tilespmem:s31+$0x0];
	_ =	sdelay $0x2  }
0x4fd: {  	v0 =	vadd.s32 $0x7C00, v0;
	_ =	sdelay $0x1  }
0x4fe: {  	v1 =	vsub.f32 v2, v1;
	_ =	sdelay $0x1  }
0x4ff: {  	[tilespmem:s20+$0x1C010] =	vst v1  }
0x500: {  	s23 =	simm.s32 $0x20;
	s24 =	simm.s32 $0x80;
	v1 =	vld.idx.msk [tilespmem:v0+s2+$0x0], $0xffff  }
.LBB2_6:
0x501: {  	_ =	sdelay $0x2  }
0x502: {  	s0 =	sshra.s32 s24, $0x2  }
0x503: {  	s1 =	sor.u32 s26, s25;
	v0 =	vld [tilespmem:s0+$0x8200];
	[tilespmem:s20+$0x10210] =	vst v1  }
0x504: {  	v2 =	vld [tilespmem:s1+$0x0];
	_ =	sdelay $0x4  }
0x505: {  	v1 =	vsub.f32 v2, v1;
	_ =	sdelay $0x1  }
0x506: {  	[tilespmem:s20+$0x1C210] =	vst v1  }
0x507: {  	v1 =	vld.idx.msk [tilespmem:v0+s2+$0x0], $0xffff  }
0x508: {  	s8 =	rddreg [dreg:$0x4]  }
0x509: {  	s20 =	smov.u32 s0;
	s0 =	sadd.s32 $0x100, s8  }
0x50a: {  	s22 =	sadd.s32 $0x20, s22;
	s25 =	sand.u32 $0x1C00, s0  }
0x50b: {  	s26 =	sand.u32 $0x60, s22;
	s28 =	sadd.s32 $0x10400, s25  }
0x50c: {  	s9 =	sor.u32 s26, s28;
	[tilespmem:s20+$0x8600] =	vst v1  }
0x50d: {  	v2 =	vld [tilespmem:s9+$0x0];
	_ =	sdelay $0x2  }
0x50e: {  	v3 =	vadd.s32 $0x400, v0;
	_ =	sdelay $0x1  }
0x50f: {  	v1 =	vsub.f32 v2, v1;
	_ =	sdelay $0x1  }
0x510: {  	[tilespmem:s20+$0x18400] =	vst v1  }
0x511: {  	v1 =	vld.idx.msk [tilespmem:v3+s2+$0x0], $0xffff;
	_ =	sdelay $0x4  }
0x512: {  	[tilespmem:s20+$0x8A00] =	vst v1  }
0x513: {  	v2 =	vld [tilespmem:s9+$0x80];
	_ =	sdelay $0x2  }
0x514: {  	v3 =	vadd.s32 $0x800, v0;
	_ =	sdelay $0x1  }
0x515: {  	v1 =	vsub.f32 v2, v1;
	_ =	sdelay $0x1  }
0x516: {  	[tilespmem:s20+$0x18600] =	vst v1  }
0x517: {  	v1 =	vld.idx.msk [tilespmem:v3+s2+$0x0], $0xffff;
	_ =	sdelay $0x4  }
0x518: {  	[tilespmem:s20+$0x8E00] =	vst v1  }
0x519: {  	v2 =	vld [tilespmem:s9+$0x100];
	_ =	sdelay $0x2  }
0x51a: {  	v3 =	vadd.s32 $0xC00, v0;
	_ =	sdelay $0x1  }
0x51b: {  	v1 =	vsub.f32 v2, v1;
	_ =	sdelay $0x1  }
0x51c: {  	[tilespmem:s20+$0x18800] =	vst v1  }
0x51d: {  	v1 =	vld.idx.msk [tilespmem:v3+s2+$0x0], $0xffff;
	_ =	sdelay $0x4  }
0x51e: {  	[tilespmem:s20+$0x9200] =	vst v1  }
0x51f: {  	v2 =	vld [tilespmem:s9+$0x180];
	_ =	sdelay $0x2  }
0x520: {  	v3 =	vadd.s32 $0x1000, v0;
	_ =	sdelay $0x1  }
0x521: {  	v1 =	vsub.f32 v2, v1;
	_ =	sdelay $0x1  }
0x522: {  	[tilespmem:s20+$0x18A00] =	vst v1  }
0x523: {  	v1 =	vld.idx.msk [tilespmem:v3+s2+$0x0], $0xffff;
	_ =	sdelay $0x4  }
0x524: {  	[tilespmem:s20+$0x9600] =	vst v1  }
0x525: {  	v2 =	vld [tilespmem:s9+$0x200];
	_ =	sdelay $0x2  }
0x526: {  	v3 =	vadd.s32 $0x1400, v0;
	_ =	sdelay $0x1  }
0x527: {  	v1 =	vsub.f32 v2, v1;
	_ =	sdelay $0x1  }
0x528: {  	[tilespmem:s20+$0x18C00] =	vst v1  }
0x529: {  	v1 =	vld.idx.msk [tilespmem:v3+s2+$0x0], $0xffff;
	_ =	sdelay $0x4  }
0x52a: {  	[tilespmem:s20+$0x9A00] =	vst v1  }
0x52b: {  	v2 =	vld [tilespmem:s9+$0x280];
	_ =	sdelay $0x2  }
0x52c: {  	v3 =	vadd.s32 $0x1800, v0;
	_ =	sdelay $0x1  }
0x52d: {  	v1 =	vsub.f32 v2, v1;
	_ =	sdelay $0x1  }
0x52e: {  	[tilespmem:s20+$0x18E00] =	vst v1  }
0x52f: {  	v1 =	vld.idx.msk [tilespmem:v3+s2+$0x0], $0xffff;
	_ =	sdelay $0x4  }
0x530: {  	[tilespmem:s20+$0x9E00] =	vst v1  }
0x531: {  	v2 =	vld [tilespmem:s9+$0x300];
	_ =	sdelay $0x2  }
0x532: {  	v3 =	vadd.s32 $0x1C00, v0;
	_ =	sdelay $0x1  }
0x533: {  	v1 =	vsub.f32 v2, v1;
	_ =	sdelay $0x1  }
0x534: {  	[tilespmem:s20+$0x19000] =	vst v1  }
0x535: {  	v1 =	vld.idx.msk [tilespmem:v3+s2+$0x0], $0xffff;
	_ =	sdelay $0x4  }
0x536: {  	[tilespmem:s20+$0xA200] =	vst v1  }
0x537: {  	v2 =	vld [tilespmem:s9+$0x380];
	_ =	sdelay $0x2  }
0x538: {  	v3 =	vadd.s32 $0x2000, v0;
	_ =	sdelay $0x1  }
0x539: {  	v1 =	vsub.f32 v2, v1;
	_ =	sdelay $0x1  }
0x53a: {  	[tilespmem:s20+$0x19200] =	vst v1  }
0x53b: {  	v1 =	vld.idx.msk [tilespmem:v3+s2+$0x0], $0xffff;
	_ =	sdelay $0x3  }
0x53c: {  	s10 =	sadd.s32 $0x12400, s25  }
0x53d: {  	[dreg:$0x4] =	wrdreg s0;
	s0 =	sor.u32 s26, s10;
	[tilespmem:s20+$0xA600] =	vst v1  }
0x53e: {  	v2 =	vld [tilespmem:s0+$0x0];
	_ =	sdelay $0x2  }
0x53f: {  	v3 =	vadd.s32 $0x2400, v0;
	_ =	sdelay $0x1  }
0x540: {  	v1 =	vsub.f32 v2, v1;
	_ =	sdelay $0x1  }
0x541: {  	[tilespmem:s20+$0x19400] =	vst v1  }
0x542: {  	v1 =	vld.idx.msk [tilespmem:v3+s2+$0x0], $0xffff;
	_ =	sdelay $0x3  }
0x543: {  	s30 =	sadd.s32 $0x12480, s25  }
0x544: {  	s11 =	sor.u32 s26, s30;
	[tilespmem:s20+$0xAA00] =	vst v1  }
0x545: {  	v2 =	vld [tilespmem:s11+$0x0];
	_ =	sdelay $0x2  }
0x546: {  	v3 =	vadd.s32 $0x2800, v0;
	_ =	sdelay $0x1  }
0x547: {  	v1 =	vsub.f32 v2, v1;
	_ =	sdelay $0x1  }
0x548: {  	[tilespmem:s20+$0x19600] =	vst v1  }
0x549: {  	v1 =	vld.idx.msk [tilespmem:v3+s2+$0x0], $0xffff;
	_ =	sdelay $0x3  }
0x54a: {  	s31 =	sadd.s32 $0x12500, s25  }
0x54b: {  	s12 =	sor.u32 s26, s31;
	[tilespmem:s20+$0xAE00] =	vst v1  }
0x54c: {  	v2 =	vld [tilespmem:s12+$0x0];
	_ =	sdelay $0x2  }
0x54d: {  	v3 =	vadd.s32 $0x2C00, v0;
	_ =	sdelay $0x1  }
0x54e: {  	v1 =	vsub.f32 v2, v1;
	_ =	sdelay $0x1  }
0x54f: {  	[tilespmem:s20+$0x19800] =	vst v1  }
0x550: {  	v1 =	vld.idx.msk [tilespmem:v3+s2+$0x0], $0xffff;
	_ =	sdelay $0x3  }
0x551: {  	s29 =	sadd.s32 $0x12580, s25  }
0x552: {  	s13 =	sor.u32 s26, s29;
	[tilespmem:s20+$0xB200] =	vst v1  }
0x553: {  	v2 =	vld [tilespmem:s13+$0x0];
	_ =	sdelay $0x2  }
0x554: {  	v3 =	vadd.s32 $0x3000, v0;
	_ =	sdelay $0x1  }
0x555: {  	v1 =	vsub.f32 v2, v1;
	_ =	sdelay $0x1  }
0x556: {  	[tilespmem:s20+$0x19A00] =	vst v1  }
0x557: {  	v1 =	vld.idx.msk [tilespmem:v3+s2+$0x0], $0xffff;
	_ =	sdelay $0x3  }
0x558: {  	s1 =	sadd.s32 $0x12600, s25  }
0x559: {  	s3 =	sor.u32 s26, s1;
	[tilespmem:s20+$0xB600] =	vst v1  }
0x55a: {  	v2 =	vld [tilespmem:s3+$0x0];
	_ =	sdelay $0x2  }
0x55b: {  	v3 =	vadd.s32 $0x3400, v0;
	_ =	sdelay $0x1  }
0x55c: {  	v1 =	vsub.f32 v2, v1;
	_ =	sdelay $0x1  }
0x55d: {  	[tilespmem:s20+$0x19C00] =	vst v1  }
0x55e: {  	v1 =	vld.idx.msk [tilespmem:v3+s2+$0x0], $0xffff;
	_ =	sdelay $0x3  }
0x55f: {  	s11 =	sadd.s32 $0x12680, s25  }
0x560: {  	s14 =	sor.u32 s26, s11;
	[tilespmem:s20+$0xBA00] =	vst v1  }
0x561: {  	v2 =	vld [tilespmem:s14+$0x0];
	_ =	sdelay $0x2  }
0x562: {  	v3 =	vadd.s32 $0x3800, v0;
	_ =	sdelay $0x1  }
0x563: {  	v1 =	vsub.f32 v2, v1;
	_ =	sdelay $0x1  }
0x564: {  	[tilespmem:s20+$0x19E00] =	vst v1  }
0x565: {  	v1 =	vld.idx.msk [tilespmem:v3+s2+$0x0], $0xffff;
	_ =	sdelay $0x3  }
0x566: {  	s12 =	sadd.s32 $0x12700, s25  }
0x567: {  	s15 =	sor.u32 s26, s12;
	[tilespmem:s20+$0xBE00] =	vst v1  }
0x568: {  	v2 =	vld [tilespmem:s15+$0x0];
	_ =	sdelay $0x2  }
0x569: {  	v3 =	vadd.s32 $0x3C00, v0;
	_ =	sdelay $0x1  }
0x56a: {  	v1 =	vsub.f32 v2, v1;
	_ =	sdelay $0x1  }
0x56b: {  	[tilespmem:s20+$0x1A000] =	vst v1  }
0x56c: {  	v1 =	vld.idx.msk [tilespmem:v3+s2+$0x0], $0xffff;
	_ =	sdelay $0x3  }
0x56d: {  	s13 =	sadd.s32 $0x12780, s25  }
0x56e: {  	s16 =	sor.u32 s26, s13;
	[tilespmem:s20+$0xC200] =	vst v1  }
0x56f: {  	v2 =	vld [tilespmem:s16+$0x0];
	_ =	sdelay $0x2  }
0x570: {  	v3 =	vadd.s32 $0x4000, v0;
	_ =	sdelay $0x1  }
0x571: {  	v1 =	vsub.f32 v2, v1;
	_ =	sdelay $0x1  }
0x572: {  	[tilespmem:s20+$0x1A200] =	vst v1  }
0x573: {  	v1 =	vld.idx.msk [tilespmem:v3+s2+$0x0], $0xffff;
	_ =	sdelay $0x3  }
0x574: {  	s14 =	sadd.s32 $0x14400, s25  }
0x575: {  	s17 =	sor.u32 s26, s14;
	[tilespmem:s20+$0xC600] =	vst v1  }
0x576: {  	v2 =	vld [tilespmem:s17+$0x0];
	_ =	sdelay $0x2  }
0x577: {  	v3 =	vadd.s32 $0x4400, v0;
	_ =	sdelay $0x1  }
0x578: {  	v1 =	vsub.f32 v2, v1;
	_ =	sdelay $0x1  }
0x579: {  	[tilespmem:s20+$0x1A400] =	vst v1  }
0x57a: {  	v1 =	vld.idx.msk [tilespmem:v3+s2+$0x0], $0xffff;
	_ =	sdelay $0x3  }
0x57b: {  	s16 =	sadd.s32 $0x14480, s25  }
0x57c: {  	s18 =	sor.u32 s26, s16;
	[tilespmem:s20+$0xCA00] =	vst v1  }
0x57d: {  	v2 =	vld [tilespmem:s18+$0x0];
	_ =	sdelay $0x2  }
0x57e: {  	v3 =	vadd.s32 $0x4800, v0;
	_ =	sdelay $0x1  }
0x57f: {  	v1 =	vsub.f32 v2, v1;
	_ =	sdelay $0x1  }
0x580: {  	[tilespmem:s20+$0x1A600] =	vst v1  }
0x581: {  	v1 =	vld.idx.msk [tilespmem:v3+s2+$0x0], $0xffff;
	_ =	sdelay $0x3  }
0x582: {  	s17 =	sadd.s32 $0x14500, s25  }
0x583: {  	s19 =	sor.u32 s26, s17;
	[tilespmem:s20+$0xCE00] =	vst v1  }
0x584: {  	v2 =	vld [tilespmem:s19+$0x0];
	_ =	sdelay $0x2  }
0x585: {  	v3 =	vadd.s32 $0x4C00, v0;
	_ =	sdelay $0x1  }
0x586: {  	v1 =	vsub.f32 v2, v1;
	_ =	sdelay $0x1  }
0x587: {  	[tilespmem:s20+$0x1A800] =	vst v1  }
0x588: {  	v1 =	vld.idx.msk [tilespmem:v3+s2+$0x0], $0xffff;
	_ =	sdelay $0x3  }
0x589: {  	s18 =	sadd.s32 $0x14580, s25  }
0x58a: {  	s21 =	sor.u32 s26, s18;
	[tilespmem:s20+$0xD200] =	vst v1  }
0x58b: {  	v2 =	vld [tilespmem:s21+$0x0];
	_ =	sdelay $0x2  }
0x58c: {  	v3 =	vadd.s32 $0x5000, v0;
	_ =	sdelay $0x1  }
0x58d: {  	v1 =	vsub.f32 v2, v1;
	_ =	sdelay $0x1  }
0x58e: {  	[tilespmem:s20+$0x1AA00] =	vst v1  }
0x58f: {  	v1 =	vld.idx.msk [tilespmem:v3+s2+$0x0], $0xffff;
	_ =	sdelay $0x3  }
0x590: {  	s3 =	sadd.s32 $0x14600, s25  }
0x591: {  	s4 =	sor.u32 s26, s3;
	[tilespmem:s20+$0xD600] =	vst v1  }
0x592: {  	v2 =	vld [tilespmem:s4+$0x0];
	_ =	sdelay $0x2  }
0x593: {  	v3 =	vadd.s32 $0x5400, v0;
	_ =	sdelay $0x1  }
0x594: {  	v1 =	vsub.f32 v2, v1;
	_ =	sdelay $0x1  }
0x595: {  	[tilespmem:s20+$0x1AC00] =	vst v1  }
0x596: {  	v1 =	vld.idx.msk [tilespmem:v3+s2+$0x0], $0xffff;
	_ =	sdelay $0x3  }
0x597: {  	s4 =	sadd.s32 $0x14680, s25  }
0x598: {  	s5 =	sor.u32 s26, s4;
	[tilespmem:s20+$0xDA00] =	vst v1  }
0x599: {  	v2 =	vld [tilespmem:s5+$0x0];
	_ =	sdelay $0x2  }
0x59a: {  	v3 =	vadd.s32 $0x5800, v0;
	_ =	sdelay $0x1  }
0x59b: {  	v1 =	vsub.f32 v2, v1;
	_ =	sdelay $0x1  }
0x59c: {  	[tilespmem:s20+$0x1AE00] =	vst v1  }
0x59d: {  	v1 =	vld.idx.msk [tilespmem:v3+s2+$0x0], $0xffff;
	_ =	sdelay $0x3  }
0x59e: {  	s5 =	sadd.s32 $0x14700, s25  }
0x59f: {  	s6 =	sor.u32 s26, s5;
	[tilespmem:s20+$0xDE00] =	vst v1  }
0x5a0: {  	v2 =	vld [tilespmem:s6+$0x0];
	_ =	sdelay $0x2  }
0x5a1: {  	v3 =	vadd.s32 $0x5C00, v0;
	_ =	sdelay $0x1  }
0x5a2: {  	v1 =	vsub.f32 v2, v1;
	_ =	sdelay $0x1  }
0x5a3: {  	[tilespmem:s20+$0x1B000] =	vst v1  }
0x5a4: {  	v1 =	vld.idx.msk [tilespmem:v3+s2+$0x0], $0xffff;
	_ =	sdelay $0x3  }
0x5a5: {  	s6 =	sadd.s32 $0x14780, s25  }
0x5a6: {  	s7 =	sor.u32 s26, s6;
	[tilespmem:s20+$0xE200] =	vst v1  }
0x5a7: {  	v2 =	vld [tilespmem:s7+$0x0];
	_ =	sdelay $0x2  }
0x5a8: {  	v3 =	vadd.s32 $0x6000, v0;
	_ =	sdelay $0x1  }
0x5a9: {  	v1 =	vsub.f32 v2, v1;
	_ =	sdelay $0x1  }
0x5aa: {  	[tilespmem:s20+$0x1B200] =	vst v1  }
0x5ab: {  	v1 =	vld.idx.msk [tilespmem:v3+s2+$0x0], $0xffff;
	_ =	sdelay $0x3  }
0x5ac: {  	s8 =	sadd.s32 $0x16400, s25  }
0x5ad: {  	s0 =	sor.u32 s26, s8;
	[tilespmem:s20+$0xE600] =	vst v1  }
0x5ae: {  	v2 =	vld [tilespmem:s0+$0x0];
	_ =	sdelay $0x2  }
0x5af: {  	v3 =	vadd.s32 $0x6400, v0;
	_ =	sdelay $0x1  }
0x5b0: {  	v1 =	vsub.f32 v2, v1;
	_ =	sdelay $0x1  }
0x5b1: {  	[tilespmem:s20+$0x1B400] =	vst v1  }
0x5b2: {  	v1 =	vld.idx.msk [tilespmem:v3+s2+$0x0], $0xffff;
	_ =	sdelay $0x3  }
0x5b3: {  	[dreg:$0x6] =	wrdreg s10;
	s10 =	sadd.s32 $0x16480, s25  }
0x5b4: {  	s9 =	sor.u32 s26, s10;
	[tilespmem:s20+$0xEA00] =	vst v1  }
0x5b5: {  	v2 =	vld [tilespmem:s9+$0x0];
	_ =	sdelay $0x2  }
0x5b6: {  	v3 =	vadd.s32 $0x6800, v0;
	_ =	sdelay $0x1  }
0x5b7: {  	v1 =	vsub.f32 v2, v1;
	_ =	sdelay $0x1  }
0x5b8: {  	[tilespmem:s20+$0x1B600] =	vst v1  }
0x5b9: {  	v1 =	vld.idx.msk [tilespmem:v3+s2+$0x0], $0xffff;
	_ =	sdelay $0x3  }
0x5ba: {  	s19 =	sadd.s32 $0x16500, s25  }
0x5bb: {  	s15 =	sor.u32 s26, s19;
	[tilespmem:s20+$0xEE00] =	vst v1  }
0x5bc: {  	v2 =	vld [tilespmem:s15+$0x0];
	_ =	sdelay $0x2  }
0x5bd: {  	v3 =	vadd.s32 $0x6C00, v0;
	_ =	sdelay $0x1  }
0x5be: {  	v1 =	vsub.f32 v2, v1;
	_ =	sdelay $0x1  }
0x5bf: {  	[tilespmem:s20+$0x1B800] =	vst v1  }
0x5c0: {  	v1 =	vld.idx.msk [tilespmem:v3+s2+$0x0], $0xffff;
	_ =	sdelay $0x3  }
0x5c1: {  	s15 =	sadd.s32 $0x16580, s25  }
0x5c2: {  	s21 =	sor.u32 s26, s15;
	[tilespmem:s20+$0xF200] =	vst v1  }
0x5c3: {  	v2 =	vld [tilespmem:s21+$0x0];
	_ =	sdelay $0x2  }
0x5c4: {  	v3 =	vadd.s32 $0x7000, v0;
	_ =	sdelay $0x1  }
0x5c5: {  	v1 =	vsub.f32 v2, v1;
	_ =	sdelay $0x1  }
0x5c6: {  	[tilespmem:s20+$0x1BA00] =	vst v1  }
0x5c7: {  	v1 =	vld.idx.msk [tilespmem:v3+s2+$0x0], $0xffff;
	_ =	sdelay $0x3  }
0x5c8: {  	s7 =	sadd.s32 $0x16600, s25  }
0x5c9: {  	s9 =	sor.u32 s26, s7;
	[tilespmem:s20+$0xF600] =	vst v1  }
0x5ca: {  	v2 =	vld [tilespmem:s9+$0x0];
	_ =	sdelay $0x2  }
0x5cb: {  	v3 =	vadd.s32 $0x7400, v0;
	_ =	sdelay $0x1  }
0x5cc: {  	v1 =	vsub.f32 v2, v1;
	_ =	sdelay $0x1  }
0x5cd: {  	[tilespmem:s20+$0x1BC00] =	vst v1  }
0x5ce: {  	v1 =	vld.idx.msk [tilespmem:v3+s2+$0x0], $0xffff;
	_ =	sdelay $0x3  }
0x5cf: {  	s9 =	sadd.s32 $0x16680, s25  }
0x5d0: {  	s21 =	sor.u32 s26, s9;
	[tilespmem:s20+$0xFA00] =	vst v1  }
0x5d1: {  	v2 =	vld [tilespmem:s21+$0x0];
	_ =	sdelay $0x2  }
0x5d2: {  	v3 =	vadd.s32 $0x7800, v0;
	_ =	sdelay $0x1  }
0x5d3: {  	v1 =	vsub.f32 v2, v1;
	_ =	sdelay $0x1  }
0x5d4: {  	[tilespmem:s20+$0x1BE00] =	vst v1  }
0x5d5: {  	v1 =	vld.idx.msk [tilespmem:v3+s2+$0x0], $0xffff;
	_ =	sdelay $0x3  }
0x5d6: {  	s21 =	sadd.s32 $0x16700, s25  }
0x5d7: {  	s0 =	sor.u32 s26, s21;
	[tilespmem:s20+$0xFE00] =	vst v1  }
0x5d8: {  	v2 =	vld [tilespmem:s0+$0x0];
	_ =	sdelay $0x2  }
0x5d9: {  	v0 =	vadd.s32 $0x7C00, v0;
	_ =	sdelay $0x1  }
0x5da: {  	v1 =	vsub.f32 v2, v1;
	_ =	sdelay $0x1  }
0x5db: {  	[tilespmem:s20+$0x1C000] =	vst v1  }
0x5dc: {  	v1 =	vld.idx.msk [tilespmem:v0+s2+$0x0], $0xffff;
	_ =	sdelay $0x3  }
0x5dd: {  	s25 =	sadd.s32 $0x16780, s25  }
0x5de: {  	s26 =	sor.u32 s26, s25;
	v0 =	vld [tilespmem:s20+$0x8210];
	[tilespmem:s20+$0x10200] =	vst v1  }
0x5df: {  	v2 =	vld [tilespmem:s26+$0x0];
	_ =	sdelay $0x4  }
0x5e0: {  	v1 =	vsub.f32 v2, v1;
	_ =	sdelay $0x1  }
0x5e1: {  	[tilespmem:s20+$0x1C200] =	vst v1  }
0x5e2: {  	v1 =	vld.idx.msk [tilespmem:v0+s2+$0x0], $0xffff;
	_ =	sdelay $0x2  }
0x5e3: {  	s26 =	sadd.s32 $0x10, s22  }
0x5e4: {  	s26 =	sand.u32 $0x70, s26  }
0x5e5: {  	s28 =	sor.u32 s26, s28;
	[tilespmem:s20+$0x8610] =	vst v1  }
0x5e6: {  	v2 =	vld [tilespmem:s28+$0x0];
	_ =	sdelay $0x2  }
0x5e7: {  	v3 =	vadd.s32 $0x400, v0;
	_ =	sdelay $0x1  }
0x5e8: {  	v1 =	vsub.f32 v2, v1;
	_ =	sdelay $0x1  }
0x5e9: {  	[tilespmem:s20+$0x18410] =	vst v1  }
0x5ea: {  	v1 =	vld.idx.msk [tilespmem:v3+s2+$0x0], $0xffff;
	_ =	sdelay $0x4  }
0x5eb: {  	[tilespmem:s20+$0x8A10] =	vst v1  }
0x5ec: {  	v2 =	vld [tilespmem:s28+$0x80];
	_ =	sdelay $0x2  }
0x5ed: {  	v3 =	vadd.s32 $0x800, v0;
	_ =	sdelay $0x1  }
0x5ee: {  	v1 =	vsub.f32 v2, v1;
	_ =	sdelay $0x1  }
0x5ef: {  	[tilespmem:s20+$0x18610] =	vst v1  }
0x5f0: {  	v1 =	vld.idx.msk [tilespmem:v3+s2+$0x0], $0xffff;
	_ =	sdelay $0x4  }
0x5f1: {  	[tilespmem:s20+$0x8E10] =	vst v1  }
0x5f2: {  	v2 =	vld [tilespmem:s28+$0x100];
	_ =	sdelay $0x2  }
0x5f3: {  	v3 =	vadd.s32 $0xC00, v0;
	_ =	sdelay $0x1  }
0x5f4: {  	v1 =	vsub.f32 v2, v1;
	_ =	sdelay $0x1  }
0x5f5: {  	[tilespmem:s20+$0x18810] =	vst v1  }
0x5f6: {  	v1 =	vld.idx.msk [tilespmem:v3+s2+$0x0], $0xffff;
	_ =	sdelay $0x4  }
0x5f7: {  	[tilespmem:s20+$0x9210] =	vst v1  }
0x5f8: {  	v2 =	vld [tilespmem:s28+$0x180];
	_ =	sdelay $0x2  }
0x5f9: {  	v3 =	vadd.s32 $0x1000, v0;
	_ =	sdelay $0x1  }
0x5fa: {  	v1 =	vsub.f32 v2, v1;
	_ =	sdelay $0x1  }
0x5fb: {  	[tilespmem:s20+$0x18A10] =	vst v1  }
0x5fc: {  	v1 =	vld.idx.msk [tilespmem:v3+s2+$0x0], $0xffff;
	_ =	sdelay $0x4  }
0x5fd: {  	[tilespmem:s20+$0x9610] =	vst v1  }
0x5fe: {  	v2 =	vld [tilespmem:s28+$0x200];
	_ =	sdelay $0x2  }
0x5ff: {  	v3 =	vadd.s32 $0x1400, v0;
	_ =	sdelay $0x1  }
0x600: {  	v1 =	vsub.f32 v2, v1;
	_ =	sdelay $0x1  }
0x601: {  	[tilespmem:s20+$0x18C10] =	vst v1  }
0x602: {  	v1 =	vld.idx.msk [tilespmem:v3+s2+$0x0], $0xffff;
	_ =	sdelay $0x4  }
0x603: {  	[tilespmem:s20+$0x9A10] =	vst v1  }
0x604: {  	v2 =	vld [tilespmem:s28+$0x280];
	_ =	sdelay $0x2  }
0x605: {  	v3 =	vadd.s32 $0x1800, v0;
	_ =	sdelay $0x1  }
0x606: {  	v1 =	vsub.f32 v2, v1;
	_ =	sdelay $0x1  }
0x607: {  	[tilespmem:s20+$0x18E10] =	vst v1  }
0x608: {  	v1 =	vld.idx.msk [tilespmem:v3+s2+$0x0], $0xffff;
	_ =	sdelay $0x4  }
0x609: {  	[tilespmem:s20+$0x9E10] =	vst v1  }
0x60a: {  	v2 =	vld [tilespmem:s28+$0x300];
	_ =	sdelay $0x2  }
0x60b: {  	v3 =	vadd.s32 $0x1C00, v0;
	_ =	sdelay $0x1  }
0x60c: {  	v1 =	vsub.f32 v2, v1;
	_ =	sdelay $0x1  }
0x60d: {  	[tilespmem:s20+$0x19010] =	vst v1  }
0x60e: {  	v1 =	vld.idx.msk [tilespmem:v3+s2+$0x0], $0xffff;
	_ =	sdelay $0x4  }
0x60f: {  	[tilespmem:s20+$0xA210] =	vst v1  }
0x610: {  	v2 =	vld [tilespmem:s28+$0x380];
	_ =	sdelay $0x2  }
0x611: {  	v3 =	vadd.s32 $0x2000, v0;
	_ =	sdelay $0x1  }
0x612: {  	v1 =	vsub.f32 v2, v1;
	_ =	sdelay $0x1  }
0x613: {  	[tilespmem:s20+$0x19210] =	vst v1  }
0x614: {  	v1 =	vld.idx.msk [tilespmem:v3+s2+$0x0], $0xffff;
	_ =	sdelay $0x3  }
0x615: {  	s28 =	rddreg [dreg:$0x6]  }
0x616: {  	s0 =	sor.u32 s26, s28;
	[tilespmem:s20+$0xA610] =	vst v1  }
0x617: {  	v2 =	vld [tilespmem:s0+$0x0];
	_ =	sdelay $0x2  }
0x618: {  	v3 =	vadd.s32 $0x2400, v0;
	_ =	sdelay $0x1  }
0x619: {  	v1 =	vsub.f32 v2, v1;
	_ =	sdelay $0x1  }
0x61a: {  	[tilespmem:s20+$0x19410] =	vst v1  }
0x61b: {  	v1 =	vld.idx.msk [tilespmem:v3+s2+$0x0], $0xffff;
	_ =	sdelay $0x4  }
0x61c: {  	s28 =	sor.u32 s26, s30;
	[tilespmem:s20+$0xAA10] =	vst v1  }
0x61d: {  	v2 =	vld [tilespmem:s28+$0x0];
	_ =	sdelay $0x2  }
0x61e: {  	v3 =	vadd.s32 $0x2800, v0;
	_ =	sdelay $0x1  }
0x61f: {  	v1 =	vsub.f32 v2, v1;
	_ =	sdelay $0x1  }
0x620: {  	[tilespmem:s20+$0x19610] =	vst v1  }
0x621: {  	v1 =	vld.idx.msk [tilespmem:v3+s2+$0x0], $0xffff;
	_ =	sdelay $0x4  }
0x622: {  	s30 =	sor.u32 s26, s31;
	[tilespmem:s20+$0xAE10] =	vst v1  }
0x623: {  	v2 =	vld [tilespmem:s30+$0x0];
	_ =	sdelay $0x2  }
0x624: {  	v3 =	vadd.s32 $0x2C00, v0;
	_ =	sdelay $0x1  }
0x625: {  	v1 =	vsub.f32 v2, v1;
	_ =	sdelay $0x1  }
0x626: {  	[tilespmem:s20+$0x19810] =	vst v1  }
0x627: {  	v1 =	vld.idx.msk [tilespmem:v3+s2+$0x0], $0xffff;
	_ =	sdelay $0x4  }
0x628: {  	s31 =	sor.u32 s26, s29;
	[tilespmem:s20+$0xB210] =	vst v1  }
0x629: {  	v2 =	vld [tilespmem:s31+$0x0];
	_ =	sdelay $0x2  }
0x62a: {  	v3 =	vadd.s32 $0x3000, v0;
	_ =	sdelay $0x1  }
0x62b: {  	v1 =	vsub.f32 v2, v1;
	_ =	sdelay $0x1  }
0x62c: {  	[tilespmem:s20+$0x19A10] =	vst v1  }
0x62d: {  	v1 =	vld.idx.msk [tilespmem:v3+s2+$0x0], $0xffff;
	_ =	sdelay $0x4  }
0x62e: {  	s1 =	sor.u32 s26, s1;
	[tilespmem:s20+$0xB610] =	vst v1  }
0x62f: {  	v2 =	vld [tilespmem:s1+$0x0];
	_ =	sdelay $0x2  }
0x630: {  	v3 =	vadd.s32 $0x3400, v0;
	_ =	sdelay $0x1  }
0x631: {  	v1 =	vsub.f32 v2, v1;
	_ =	sdelay $0x1  }
0x632: {  	[tilespmem:s20+$0x19C10] =	vst v1  }
0x633: {  	v1 =	vld.idx.msk [tilespmem:v3+s2+$0x0], $0xffff;
	_ =	sdelay $0x4  }
0x634: {  	s11 =	sor.u32 s26, s11;
	[tilespmem:s20+$0xBA10] =	vst v1  }
0x635: {  	v2 =	vld [tilespmem:s11+$0x0];
	_ =	sdelay $0x2  }
0x636: {  	v3 =	vadd.s32 $0x3800, v0;
	_ =	sdelay $0x1  }
0x637: {  	v1 =	vsub.f32 v2, v1;
	_ =	sdelay $0x1  }
0x638: {  	[tilespmem:s20+$0x19E10] =	vst v1  }
0x639: {  	v1 =	vld.idx.msk [tilespmem:v3+s2+$0x0], $0xffff;
	_ =	sdelay $0x4  }
0x63a: {  	s28 =	sor.u32 s26, s12;
	[tilespmem:s20+$0xBE10] =	vst v1  }
0x63b: {  	v2 =	vld [tilespmem:s28+$0x0];
	_ =	sdelay $0x2  }
0x63c: {  	v3 =	vadd.s32 $0x3C00, v0;
	_ =	sdelay $0x1  }
0x63d: {  	v1 =	vsub.f32 v2, v1;
	_ =	sdelay $0x1  }
0x63e: {  	[tilespmem:s20+$0x1A010] =	vst v1  }
0x63f: {  	v1 =	vld.idx.msk [tilespmem:v3+s2+$0x0], $0xffff;
	_ =	sdelay $0x4  }
0x640: {  	s29 =	sor.u32 s26, s13;
	[tilespmem:s20+$0xC210] =	vst v1  }
0x641: {  	v2 =	vld [tilespmem:s29+$0x0];
	_ =	sdelay $0x2  }
0x642: {  	v3 =	vadd.s32 $0x4000, v0;
	_ =	sdelay $0x1  }
0x643: {  	v1 =	vsub.f32 v2, v1;
	_ =	sdelay $0x1  }
0x644: {  	[tilespmem:s20+$0x1A210] =	vst v1  }
0x645: {  	v1 =	vld.idx.msk [tilespmem:v3+s2+$0x0], $0xffff;
	_ =	sdelay $0x4  }
0x646: {  	s30 =	sor.u32 s26, s14;
	[tilespmem:s20+$0xC610] =	vst v1  }
0x647: {  	v2 =	vld [tilespmem:s30+$0x0];
	_ =	sdelay $0x2  }
0x648: {  	v3 =	vadd.s32 $0x4400, v0;
	_ =	sdelay $0x1  }
0x649: {  	v1 =	vsub.f32 v2, v1;
	_ =	sdelay $0x1  }
0x64a: {  	[tilespmem:s20+$0x1A410] =	vst v1  }
0x64b: {  	v1 =	vld.idx.msk [tilespmem:v3+s2+$0x0], $0xffff;
	_ =	sdelay $0x4  }
0x64c: {  	s31 =	sor.u32 s26, s16;
	[tilespmem:s20+$0xCA10] =	vst v1  }
0x64d: {  	v2 =	vld [tilespmem:s31+$0x0];
	_ =	sdelay $0x2  }
0x64e: {  	v3 =	vadd.s32 $0x4800, v0;
	_ =	sdelay $0x1  }
0x64f: {  	v1 =	vsub.f32 v2, v1;
	_ =	sdelay $0x1  }
0x650: {  	[tilespmem:s20+$0x1A610] =	vst v1  }
0x651: {  	v1 =	vld.idx.msk [tilespmem:v3+s2+$0x0], $0xffff;
	_ =	sdelay $0x4  }
0x652: {  	s1 =	sor.u32 s26, s17;
	[tilespmem:s20+$0xCE10] =	vst v1  }
0x653: {  	v2 =	vld [tilespmem:s1+$0x0];
	_ =	sdelay $0x2  }
0x654: {  	v3 =	vadd.s32 $0x4C00, v0;
	_ =	sdelay $0x1  }
0x655: {  	v1 =	vsub.f32 v2, v1;
	_ =	sdelay $0x1  }
0x656: {  	[tilespmem:s20+$0x1A810] =	vst v1  }
0x657: {  	v1 =	vld.idx.msk [tilespmem:v3+s2+$0x0], $0xffff;
	_ =	sdelay $0x4  }
0x658: {  	s11 =	sor.u32 s26, s18;
	[tilespmem:s20+$0xD210] =	vst v1  }
0x659: {  	v2 =	vld [tilespmem:s11+$0x0];
	_ =	sdelay $0x2  }
0x65a: {  	v3 =	vadd.s32 $0x5000, v0;
	_ =	sdelay $0x1  }
0x65b: {  	v1 =	vsub.f32 v2, v1;
	_ =	sdelay $0x1  }
0x65c: {  	[tilespmem:s20+$0x1AA10] =	vst v1  }
0x65d: {  	v1 =	vld.idx.msk [tilespmem:v3+s2+$0x0], $0xffff;
	_ =	sdelay $0x4  }
0x65e: {  	s12 =	sor.u32 s26, s3;
	[tilespmem:s20+$0xD610] =	vst v1  }
0x65f: {  	v2 =	vld [tilespmem:s12+$0x0];
	_ =	sdelay $0x2  }
0x660: {  	v3 =	vadd.s32 $0x5400, v0;
	_ =	sdelay $0x1  }
0x661: {  	v1 =	vsub.f32 v2, v1;
	_ =	sdelay $0x1  }
0x662: {  	[tilespmem:s20+$0x1AC10] =	vst v1  }
0x663: {  	v1 =	vld.idx.msk [tilespmem:v3+s2+$0x0], $0xffff;
	_ =	sdelay $0x4  }
0x664: {  	s13 =	sor.u32 s26, s4;
	[tilespmem:s20+$0xDA10] =	vst v1  }
0x665: {  	v2 =	vld [tilespmem:s13+$0x0];
	_ =	sdelay $0x2  }
0x666: {  	v3 =	vadd.s32 $0x5800, v0;
	_ =	sdelay $0x1  }
0x667: {  	v1 =	vsub.f32 v2, v1;
	_ =	sdelay $0x1  }
0x668: {  	[tilespmem:s20+$0x1AE10] =	vst v1  }
0x669: {  	v1 =	vld.idx.msk [tilespmem:v3+s2+$0x0], $0xffff;
	_ =	sdelay $0x4  }
0x66a: {  	s14 =	sor.u32 s26, s5;
	[tilespmem:s20+$0xDE10] =	vst v1  }
0x66b: {  	v2 =	vld [tilespmem:s14+$0x0];
	_ =	sdelay $0x2  }
0x66c: {  	v3 =	vadd.s32 $0x5C00, v0;
	_ =	sdelay $0x1  }
0x66d: {  	v1 =	vsub.f32 v2, v1;
	_ =	sdelay $0x1  }
0x66e: {  	[tilespmem:s20+$0x1B010] =	vst v1  }
0x66f: {  	v1 =	vld.idx.msk [tilespmem:v3+s2+$0x0], $0xffff;
	_ =	sdelay $0x4  }
0x670: {  	s16 =	sor.u32 s26, s6;
	[tilespmem:s20+$0xE210] =	vst v1  }
0x671: {  	v2 =	vld [tilespmem:s16+$0x0];
	_ =	sdelay $0x2  }
0x672: {  	v3 =	vadd.s32 $0x6000, v0;
	_ =	sdelay $0x1  }
0x673: {  	v1 =	vsub.f32 v2, v1;
	_ =	sdelay $0x1  }
0x674: {  	[tilespmem:s20+$0x1B210] =	vst v1  }
0x675: {  	v1 =	vld.idx.msk [tilespmem:v3+s2+$0x0], $0xffff;
	_ =	sdelay $0x4  }
0x676: {  	s17 =	sor.u32 s26, s8;
	[tilespmem:s20+$0xE610] =	vst v1  }
0x677: {  	v2 =	vld [tilespmem:s17+$0x0];
	_ =	sdelay $0x2  }
0x678: {  	v3 =	vadd.s32 $0x6400, v0;
	_ =	sdelay $0x1  }
0x679: {  	v1 =	vsub.f32 v2, v1;
	_ =	sdelay $0x1  }
0x67a: {  	[tilespmem:s20+$0x1B410] =	vst v1  }
0x67b: {  	v1 =	vld.idx.msk [tilespmem:v3+s2+$0x0], $0xffff;
	_ =	sdelay $0x4  }
0x67c: {  	s18 =	sor.u32 s26, s10;
	[tilespmem:s20+$0xEA10] =	vst v1  }
0x67d: {  	v2 =	vld [tilespmem:s18+$0x0];
	_ =	sdelay $0x2  }
0x67e: {  	v3 =	vadd.s32 $0x6800, v0;
	_ =	sdelay $0x1  }
0x67f: {  	v1 =	vsub.f32 v2, v1;
	_ =	sdelay $0x1  }
0x680: {  	[tilespmem:s20+$0x1B610] =	vst v1  }
0x681: {  	v1 =	vld.idx.msk [tilespmem:v3+s2+$0x0], $0xffff;
	_ =	sdelay $0x4  }
0x682: {  	s19 =	sor.u32 s26, s19;
	[tilespmem:s20+$0xEE10] =	vst v1  }
0x683: {  	v2 =	vld [tilespmem:s19+$0x0];
	_ =	sdelay $0x2  }
0x684: {  	v3 =	vadd.s32 $0x6C00, v0;
	_ =	sdelay $0x1  }
0x685: {  	v1 =	vsub.f32 v2, v1;
	_ =	sdelay $0x1  }
0x686: {  	[tilespmem:s20+$0x1B810] =	vst v1  }
0x687: {  	v1 =	vld.idx.msk [tilespmem:v3+s2+$0x0], $0xffff;
	_ =	sdelay $0x4  }
0x688: {  	s28 =	sor.u32 s26, s15;
	[tilespmem:s20+$0xF210] =	vst v1  }
0x689: {  	v2 =	vld [tilespmem:s28+$0x0];
	_ =	sdelay $0x2  }
0x68a: {  	v3 =	vadd.s32 $0x7000, v0;
	_ =	sdelay $0x1  }
0x68b: {  	v1 =	vsub.f32 v2, v1;
	_ =	sdelay $0x1  }
0x68c: {  	[tilespmem:s20+$0x1BA10] =	vst v1  }
0x68d: {  	v1 =	vld.idx.msk [tilespmem:v3+s2+$0x0], $0xffff;
	_ =	sdelay $0x4  }
0x68e: {  	s29 =	sor.u32 s26, s7;
	[tilespmem:s20+$0xF610] =	vst v1  }
0x68f: {  	v2 =	vld [tilespmem:s29+$0x0];
	_ =	sdelay $0x2  }
0x690: {  	v3 =	vadd.s32 $0x7400, v0;
	_ =	sdelay $0x1  }
0x691: {  	v1 =	vsub.f32 v2, v1;
	_ =	sdelay $0x1  }
0x692: {  	[tilespmem:s20+$0x1BC10] =	vst v1  }
0x693: {  	v1 =	vld.idx.msk [tilespmem:v3+s2+$0x0], $0xffff;
	_ =	sdelay $0x4  }
0x694: {  	s30 =	sor.u32 s26, s9;
	[tilespmem:s20+$0xFA10] =	vst v1  }
0x695: {  	v2 =	vld [tilespmem:s30+$0x0];
	_ =	sdelay $0x2  }
0x696: {  	v3 =	vadd.s32 $0x7800, v0;
	_ =	sdelay $0x1  }
0x697: {  	v1 =	vsub.f32 v2, v1;
	_ =	sdelay $0x1  }
0x698: {  	[tilespmem:s20+$0x1BE10] =	vst v1  }
0x699: {  	v1 =	vld.idx.msk [tilespmem:v3+s2+$0x0], $0xffff;
	_ =	sdelay $0x4  }
0x69a: {  	s31 =	sor.u32 s26, s21;
	[tilespmem:s20+$0xFE10] =	vst v1  }
0x69b: {  	v2 =	vld [tilespmem:s31+$0x0];
	_ =	sdelay $0x1  }
0x69c: {  	s23 =	sadd.s32 $0x2, s23  }
0x69d: {  	p0 =	slt.u32 s23, $0x3E;
	v0 =	vadd.s32 $0x7C00, v0  }
.Ltmp2:
0x69e: {  	_ = 	snop;
	(pc) =	sbr.rel @p0 .LBB2_6-.Ltmp2, $3  }
0x69f: {  	v1 =	vsub.f32 v2, v1;
	_ =	sdelay $0x1  }
0x6a0: {  	[tilespmem:s20+$0x1C010] =	vst v1  }
0x6a1: {  	s24 =	sadd.s32 $0x80, s24;
	v1 =	vld.idx.msk [tilespmem:v0+s2+$0x0], $0xffff  }
0x6a2: {  	_ =	sdelay $0x3  }
0x6a3: {  	s0 =	sor.u32 s26, s25;
	[tilespmem:s20+$0x10210] =	vst v1  }
0x6a4: {  	v0 =	vld [tilespmem:s0+$0x0];
	_ =	sdelay $0x4  }
0x6a5: {  	v0 =	vsub.f32 v0, v1  }
0x6a6: {  	s31 =	rddreg [dreg:$0xd];
	s1 =	simm.s32 $0x200;
	s3 =	simm.s32 $0x400  }
0x6a7: {  	s4 =	simm.s32 $0x18400;
	s5 =	rddreg [dreg:$0xe];
	s0 =	simm.s32 $0x8600;
	[tilespmem:s20+$0x1C210] =	vst v0  }
0x6a8: {  	[hbm4b:s31+s1] =	stream.strided.scatter [tilespmem:s4], [sflag:$0x1], $0x4000, s3, s1, $0x38;
	[tilespmem:$0x1C400] =	vst v63  }
0x6a9: {  	s1 =	simm.s32 $0x80;
	s4 =	sadd.s32 $0x0, s5;
	s3 =	simm.s32 $0x8A00  }
.LBB2_8:
0x6aa: {  	[hbm4b:s4+s2] =	stream.linear.scatter [tilespmem:s0], [sflag:$0x1], $0x200, $0x38;
	[tilespmem:$0x1C400] =	vst v63  }
0x6ab: {  	s4 =	smov.u32 s1;
	s0 =	smov.u32 s3;
	p0 =	sne.s32 s1, $0xF80  }
.Ltmp3:
0x6ac: {  	s1 =	sadd.s32 $0x80, s1;
	(pc) =	sbr.rel @p0 .LBB2_8-.Ltmp3, $2  }
0x6ad: {  	_ =	sdelay $0x2  }
0x6ae: {  	s3 =	sadd.s32 $0x400, s3;
	s4 =	sadd.s32 s4, s5  }
0x6af: {  	[hbm4b:s4+s2] =	stream.linear.scatter [tilespmem:s0], [sflag:$0x1], $0x200, $0x38;
	[tilespmem:$0x1C400] =	vst v63  }
0x6b0: {  	s6 =	simm.s32 $0x1  }
0x6b1: {  	_ =	swait.ge [sflag:s6], $0x4000  }
0x6b2: {  	[sflag:s6] =	ssyncset.done $0x0  }
0x6b3: {  	[sflag:s6] =	ssyncadd.s32 $0xFFFFC000  }
0x6b4: {  	_ =	swait.ge [sflag:s6], $0x4000  }
0x6b5: {  	[sflag:s6] =	ssyncset.done $0x0  }
0x6b6: {  	[sflag:s6] =	ssyncadd.s32 $0xFFFFC000  }
0x6b7: {  	_ =	swait.ge [sflag:s6], $0x4000  }
0x6b8: {  	s1 =	rddreg [dreg:$0x10]  }
0x6b9: {  	s31 =	rddreg [dreg:$0xf];
	s1 =	sadd.s32 $0x1, s1  }
0x6ba: {  	p0 =	sne.s32 s1, s31  }
.Ltmp4:
0x6bb: {  	_ = 	snop;
	(pc) =	sbr.rel @p0 .LBB2_1-.Ltmp4, $3  }
0x6bc: {  	_ =	sdelay $0x1  }
0x6bd: {  	[sflag:s6] =	ssyncset.done $0x0  }
0x6be: {  	[sflag:s6] =	ssyncadd.s32 $0xFFFFC000  }
0x6bf: {  	_ =	sfence.sel $0x180000  }
0x6c0: {  	[bflag:$0x0] =	sbarrier.arrive $0xFFFF  }
0x6c1: {  	_ =	strace $0x90000047  }
0x6c2: {  	s0 =	stileid.u32;
	[bflag:$0x2] =	sbarrier.arrive $0xFFFF  }
0x6c3: {  	p0 =	sne.s32 s0, $0x0;
	s0 =	rddreg [dreg:$0x3]  }
0x6c4: {  	s0 =	sadd.s32 @!p0 $0x100000, s0  }
0x6c5: {  	[sflag:s0] =	ssyncadd.tile.s32 @!p0 $0x1;
	_ =	shalt  }
.Lfunc_end2:
_tile_overlayer_lowered:
.L_overlay_start_2:
0x6c6: {  	(tag) =	ssettag $0x2  }
0x6c7: {  	s0 =	rddreg [dreg:$0x0];
	s2 =	stileid.u32  }
0x6c8: {  	s1 =	rddreg [dreg:$0x1];
	p0 =	sne.s32 s2, $0x0  }
0x6c9: {  	s3 =	rddreg [dreg:$0x2];
	[bflag:$0x3] =	sbarrier.arrive $0xFFFF;
	s2 =	simm.s32 @!p0 $0x1C02  }
0x6ca: {  	[timem:s3], [sflag:s2] =	dma.local @!p0 [hbm:s0], s1  }
0x6cb: {  	s0 =	simm.s32 @!p0 $0x2  }
0x6cc: {  	_ =	swait.ge @!p0 [sflag:s0], s1  }
0x6cd: {  	s1 =	ssub.s32 @!p0 $0x0, s1;
	[sflag:s0] =	ssyncset.done @!p0 $0x0  }
0x6ce: {  	[sflag:s0] =	ssyncadd.s32 @!p0 s1  }
0x6cf: {  	[bflag:$0x3] =	sbarrier.arrive $0xFFFF  }
0x6d0: {  	_ =	shalt  }

</sc_bundles>
